<compile_context>
chip_gen: v7x
topology: tpu7x:2x2x1
jax: 0.10.2.dev20260603
libtpu: 0.0.44.dev20260713+nightly
codegen_flags: <defaults>
</compile_context>

<pallas_src>
import functools

import jax
import jax.numpy as jnp
from jax import lax
from jax.experimental import pallas as pl
from jax.experimental.pallas import tpu as pltpu
from jax.experimental.pallas import tpu_sc as plsc

N = 10000
E = 322560
G = 100
KP = 12
C = 4
D = 128
NEW = 4032
NC = 2
NS = 16
NW = NC * NS
NP = 10240
NF = NP * C
RT = NP // NW
EMAX = 12288
CHB = 5040
CHE = 128

_F = jnp.float32
_I = jnp.int32


def _mesh():
    return plsc.VectorSubcoreMesh(
        core_axis_name="c", subcore_axis_name="s",
        num_cores=NC, num_subcores=NS)


def _wid():
    return lax.axis_index("s") * NC + lax.axis_index("c")


def _zero_ref(ref, nwords):
    z = jnp.zeros((16,), _F)

    def body(i, _):
        ref[pl.ds(i * 16, 16)] = z
        return 0
    lax.fori_loop(0, nwords // 16, body, 0)



def _sc_bin_body(row_hbm, col_hbm, ewt_hbm, brow_hbm, bcol_hbm, bew_hbm,
                 deg_hbm, rbuf, cbuf, ewt, lrow, lcol, lew, dacc):
    wid = _wid()
    base_n = wid * RT
    iota = lax.iota(_I, 16)
    pltpu.sync_copy(ewt_hbm, ewt)
    _zero_ref(dacc, RT)
    _zero_ref(lew, EMAX)
    zi = jnp.zeros((16,), _I)

    def zl(i, _):
        lrow[pl.ds(i * 16, 16)] = zi
        lcol[pl.ds(i * 16, 16)] = zi
        return 0
    lax.fori_loop(0, EMAX // 16, zl, 0)

    def chunk(k, off):
        eb = k * CHB
        pltpu.sync_copy(row_hbm.at[pl.ds(eb, CHB)], rbuf)
        pltpu.sync_copy(col_hbm.at[pl.ds(eb, CHB)], cbuf)

        def grp(g, off):
            sl = pl.ds(g * 16, 16)
            r16 = rbuf[sl]
            c16 = cbuf[sl]
            e16 = eb + g * 16 + iota
            m16 = e16 % NEW
            ewv = plsc.load_gather(ewt, [m16])
            loc = c16 - base_n
            sel = jnp.logical_and(loc >= 0, loc < RT)
            locc = jnp.minimum(jnp.maximum(loc, 0), RT - 1)
            cnt = plsc.all_reduce_population_count(sel)[0]

            @pl.when(off <= EMAX - 16)
            def _():
                plsc.addupdate_scatter(dacc, [locc], ewv, mask=sel)
                plsc.store_compressed(lrow.at[pl.ds(off, 16)], r16, mask=sel)
                plsc.store_compressed(lcol.at[pl.ds(off, 16)], c16, mask=sel)
                plsc.store_compressed(lew.at[pl.ds(off, 16)], ewv, mask=sel)
            return off + cnt
        return lax.fori_loop(0, CHB // 16, grp, off)

    lax.fori_loop(0, E // CHB, chunk, jnp.int32(0))
    base_e = wid * EMAX
    pltpu.sync_copy(lrow, brow_hbm.at[pl.ds(base_e, EMAX)])
    pltpu.sync_copy(lcol, bcol_hbm.at[pl.ds(base_e, EMAX)])
    pltpu.sync_copy(lew, bew_hbm.at[pl.ds(base_e, EMAX)])
    pltpu.sync_copy(dacc, deg_hbm.at[pl.ds(base_n, RT)])


def _make_sc_bin():
    return pl.kernel(
        _sc_bin_body,
        out_type=(jax.ShapeDtypeStruct((NW * EMAX,), _I),
                  jax.ShapeDtypeStruct((NW * EMAX,), _I),
                  jax.ShapeDtypeStruct((NW * EMAX,), _F),
                  jax.ShapeDtypeStruct((NP,), _F)),
        mesh=_mesh(),
        compiler_params=pltpu.CompilerParams(needs_layout_passes=False),
        scratch_types=[
            pltpu.VMEM((CHB,), _I),
            pltpu.VMEM((CHB,), _I),
            pltpu.VMEM((NEW,), _F),
            pltpu.VMEM((EMAX,), _I),
            pltpu.VMEM((EMAX,), _I),
            pltpu.VMEM((EMAX,), _F),
            pltpu.VMEM((RT,), _F),
        ])



def _sc_normb_body(brow_hbm, bcol_hbm, bew_hbm, dinv_hbm, bnorm_hbm,
                   dv, rbuf, cbuf, wbuf, nbuf):
    wid = _wid()
    base_e = wid * EMAX
    pltpu.sync_copy(dinv_hbm, dv)
    pltpu.sync_copy(brow_hbm.at[pl.ds(base_e, EMAX)], rbuf)
    pltpu.sync_copy(bcol_hbm.at[pl.ds(base_e, EMAX)], cbuf)
    pltpu.sync_copy(bew_hbm.at[pl.ds(base_e, EMAX)], wbuf)

    def body(g, _):
        sl = pl.ds(g * 16, 16)
        a = plsc.load_gather(dv, [rbuf[sl]])
        b = plsc.load_gather(dv, [cbuf[sl]])
        nbuf[sl] = a * wbuf[sl] * b
        return 0
    lax.fori_loop(0, EMAX // 16, body, 0)
    pltpu.sync_copy(nbuf, bnorm_hbm.at[pl.ds(base_e, EMAX)])


def _make_sc_normb():
    return pl.kernel(
        _sc_normb_body,
        out_type=jax.ShapeDtypeStruct((NW * EMAX,), _F),
        mesh=_mesh(),
        compiler_params=pltpu.CompilerParams(needs_layout_passes=False),
        scratch_types=[
            pltpu.VMEM((NP,), _F),
            pltpu.VMEM((EMAX,), _I),
            pltpu.VMEM((EMAX,), _I),
            pltpu.VMEM((EMAX,), _F),
            pltpu.VMEM((EMAX,), _F),
        ])



def _sc_hop128_body(zh_hbm, brow_hbm, bnorm_hbm, bcol_hbm, out_hbm,
                    acc, gbuf, rbuf, cbuf, nbuf, sem):
    wid = _wid()
    base_n = wid * RT
    base_e = wid * EMAX
    pltpu.sync_copy(brow_hbm.at[pl.ds(base_e, EMAX)], rbuf)
    pltpu.sync_copy(bcol_hbm.at[pl.ds(base_e, EMAX)], cbuf)
    pltpu.sync_copy(bnorm_hbm.at[pl.ds(base_e, EMAX)], nbuf)

    def zrow(i, _):
        for c in range(D // 16):
            acc[i, pl.ds(c * 16, 16)] = jnp.zeros((16,), _F)
        return 0
    lax.fori_loop(0, RT, zrow, 0)

    NB = 2

    def chunk(k, _):
        cb = k * NB * CHE
        descs = []
        for q in range(NB):
            descs.append(pltpu.async_copy(
                zh_hbm.at[rbuf.at[pl.ds(cb + q * CHE, CHE)]],
                gbuf.at[pl.ds(q * CHE, CHE)], sem))
        for d in descs:
            d.wait()

        def edge(e, _):
            nrm = nbuf[pl.ds(cb + e, 16)][0]
            loc = cbuf[pl.ds(cb + e, 16)][0] - base_n
            loc = jnp.minimum(jnp.maximum(loc, 0), RT - 1)
            nv = jnp.full((16,), nrm, _F)
            for c in range(D // 16):
                s = pl.ds(c * 16, 16)
                acc[loc, s] = acc[loc, s] + gbuf[e, s] * nv
            return 0
        lax.fori_loop(0, NB * CHE, edge, 0)
        return 0
    lax.fori_loop(0, EMAX // (NB * CHE), chunk, 0)
    pltpu.sync_copy(acc, out_hbm.at[pl.ds(base_n, RT)])


def _make_sc_hop128():
    return pl.kernel(
        _sc_hop128_body,
        out_type=jax.ShapeDtypeStruct((NP, D), _F),
        mesh=_mesh(),
        compiler_params=pltpu.CompilerParams(needs_layout_passes=False),
        scratch_types=[
            pltpu.VMEM((RT, D), _F),
            pltpu.VMEM((2 * CHE, D), _F),
            pltpu.VMEM((EMAX,), _I),
            pltpu.VMEM((EMAX,), _I),
            pltpu.VMEM((EMAX,), _F),
            pltpu.SemaphoreType.DMA,
        ])


def _sc_hop4_body(zh_hbm, brow_hbm, bnorm_hbm, bcol_hbm, out_hbm,
                  zv, acc, rbuf, cbuf, nbuf):
    wid = _wid()
    base_n = wid * RT
    base_e = wid * EMAX
    pltpu.sync_copy(zh_hbm, zv)
    pltpu.sync_copy(brow_hbm.at[pl.ds(base_e, EMAX)], rbuf)
    pltpu.sync_copy(bcol_hbm.at[pl.ds(base_e, EMAX)], cbuf)
    pltpu.sync_copy(bnorm_hbm.at[pl.ds(base_e, EMAX)], nbuf)
    _zero_ref(acc, RT * C)

    def body(g, _):
        sl = pl.ds(g * 16, 16)
        r16 = rbuf[sl] * C
        n16 = nbuf[sl]
        loc = cbuf[sl] - base_n
        loc = jnp.minimum(jnp.maximum(loc, 0), RT - 1) * C
        for c in range(C):
            v = plsc.load_gather(zv, [r16 + c]) * n16
            plsc.addupdate_scatter(acc, [loc + c], v)
        return 0
    lax.fori_loop(0, EMAX // 16, body, 0)
    pltpu.sync_copy(acc, out_hbm.at[pl.ds(base_n * C, RT * C)])


def _make_sc_hop4():
    return pl.kernel(
        _sc_hop4_body,
        out_type=jax.ShapeDtypeStruct((NF,), _F),
        mesh=_mesh(),
        compiler_params=pltpu.CompilerParams(needs_layout_passes=False),
        scratch_types=[
            pltpu.VMEM((NF,), _F),
            pltpu.VMEM((RT * C,), _F),
            pltpu.VMEM((EMAX,), _I),
            pltpu.VMEM((EMAX,), _I),
            pltpu.VMEM((EMAX,), _F),
        ])



def _sc_pool_body(h2_hbm, starts_hbm, counts_hbm, pool_hbm, hv, stb, ctb,
                  prow):
    wid = _wid()
    pltpu.sync_copy(h2_hbm, hv)
    pltpu.sync_copy(starts_hbm, stb.at[pl.ds(0, G)])
    pltpu.sync_copy(counts_hbm, ctb.at[pl.ds(0, G)])
    iota = lax.iota(_I, 16)
    zf = jnp.zeros((16,), _F)
    one = jnp.ones((16,), _I)
    zi = jnp.zeros((16,), _I)
    wmask = iota < C

    for j in range((G + NW - 1) // NW):
        g = wid + NW * j

        @pl.when(g < G)
        def _():
            st = stb[pl.ds(g, 16)][0]
            n = ctb[pl.ds(g, 16)][0]
            prow[pl.ds(0, 16)] = zf
            prow[pl.ds(16, 16)] = zf
            prow[pl.ds(32, 16)] = zf
            nch = (n + 15) // 16

            def node_loop(i, _):
                node = st + i
                vals = hv[pl.ds(node * C, 16)]
                kvec = jnp.full((16,), vals[3], _F)
                ivec = jnp.full((16,), i, _I)

                def chunkf(m, cv):
                    pos = iota + m * 16
                    keys = plsc.load_gather(hv, [(st + pos) * C + 3])
                    beats = jnp.logical_or(
                        keys > kvec,
                        jnp.logical_and(keys == kvec, pos < ivec))
                    cond = jnp.logical_and(pos < n, beats)
                    return cv + jnp.where(cond, one, zi)

                cv = lax.fori_loop(0, nch, chunkf, zi)
                cnt = jnp.sum(cv)

                @pl.when(cnt < KP)
                def _():
                    plsc.store_scatter(prow, [cnt * C + iota], vals,
                                       mask=wmask)
                return 0

            lax.fori_loop(0, n, node_loop, 0)
            pltpu.sync_copy(prow, pool_hbm.at[g])


def _make_sc_pool():
    return pl.kernel(
        _sc_pool_body,
        out_type=jax.ShapeDtypeStruct((G, KP * C), _F),
        mesh=_mesh(),
        compiler_params=pltpu.CompilerParams(needs_layout_passes=False),
        scratch_types=[
            pltpu.VMEM((NF,), _F),
            pltpu.VMEM((G + 16,), _I),
            pltpu.VMEM((G + 16,), _I),
            pltpu.VMEM((KP * C,), _F),
        ])



def _tc_misc_body(deg_ref, batf_ref, dinv_ref, counts_ref, starts_ref):
    d = deg_ref[...]
    dinv_ref[...] = jnp.where(d > 0.0, 1.0 / jnp.sqrt(d), 0.0)
    bat = batf_ref[...]
    gid = lax.broadcasted_iota(_I, (G, NP), 0)
    eq = (bat == gid)
    cnts = jnp.sum(jnp.where(eq, 1.0, 0.0), axis=1, keepdims=True)
    ltm = (lax.broadcasted_iota(_I, (G, G), 0)
           > lax.broadcasted_iota(_I, (G, G), 1)).astype(_F)
    sts = jnp.dot(ltm, cnts, preferred_element_type=_F)
    counts_ref[...] = cnts.astype(_I)
    starts_ref[...] = sts.astype(_I)


def _tc_proj_body(x_ref, h1_ref, h2_ref, h3_ref, w0_ref, w1_ref, w2_ref,
                  w3_ref, b_ref, o_ref):
    out = jnp.dot(x_ref[...], w0_ref[...], preferred_element_type=_F)
    out = out + jnp.dot(h1_ref[...], w1_ref[...], preferred_element_type=_F)
    out = out + jnp.dot(h2_ref[...], w2_ref[...], preferred_element_type=_F)
    out = out + jnp.dot(h3_ref[...], w3_ref[...], preferred_element_type=_F)
    o_ref[...] = jnp.maximum(out + b_ref[...], 0.0)


def _tc_head_body(p_ref, w_ref, cb_ref, fw_ref, fb_ref, o_ref):
    c1 = jnp.maximum(
        jnp.dot(p_ref[...], w_ref[...], preferred_element_type=_F)
        + cb_ref[...], 0.0)
    o_ref[...] = jnp.dot(c1, fw_ref[...], preferred_element_type=_F) \
        + fb_ref[...]


@functools.lru_cache(maxsize=None)
def _calls():
    return dict(
        sc_bin=_make_sc_bin(),
        sc_normb=_make_sc_normb(),
        sc_hop128=_make_sc_hop128(),
        sc_hop4=_make_sc_hop4(),
        sc_pool=_make_sc_pool(),
        tc_misc=pl.pallas_call(
            _tc_misc_body,
            out_shape=(jax.ShapeDtypeStruct((1, NP), _F),
                       jax.ShapeDtypeStruct((G, 1), _I),
                       jax.ShapeDtypeStruct((G, 1), _I))),
        tc_proj1=pl.pallas_call(
            _tc_proj_body,
            out_shape=jax.ShapeDtypeStruct((NP, C), _F)),
        tc_proj2=pl.pallas_call(
            _tc_proj_body,
            out_shape=jax.ShapeDtypeStruct((NP, C), _F)),
        tc_head=pl.pallas_call(
            _tc_head_body,
            out_shape=jax.ShapeDtypeStruct((G, 2), _F)),
    )


def kernel(x, edge_index, batch, edge_weight, conv1_W, conv1_b, conv2_W,
           conv2_b, conv1d_W, conv1d_b, fc_W, fc_b):
    k = _calls()
    row = edge_index[0].astype(_I)
    col = edge_index[1].astype(_I)
    ewt = edge_weight.astype(_F).reshape(-1)
    xp = jnp.pad(x.astype(_F), ((0, NP - N), (0, 0)))
    batf = jnp.pad(batch.astype(_I), (0, NP - N),
                   constant_values=G).reshape(1, NP)

    brow, bcol, bew, deg = k["sc_bin"](row, col, ewt)
    dinv2, counts2, starts2 = k["tc_misc"](deg.reshape(1, NP), batf)
    dinv = dinv2.reshape(NP)
    counts = counts2.reshape(G)
    starts = starts2.reshape(G)
    bnorm = k["sc_normb"](brow, bcol, bew, dinv)

    h1 = k["sc_hop128"](xp, brow, bnorm, bcol)
    h2 = k["sc_hop128"](h1, brow, bnorm, bcol)
    h3 = k["sc_hop128"](h2, brow, bnorm, bcol)
    w1 = conv1_W.astype(_F)
    g1 = k["tc_proj1"](xp, h1, h2, h3, w1[0].T, w1[1].T, w1[2].T, w1[3].T,
                       conv1_b.astype(_F).reshape(1, C))

    g1f = g1.reshape(NF)
    u1 = k["sc_hop4"](g1f, brow, bnorm, bcol)
    u2 = k["sc_hop4"](u1, brow, bnorm, bcol)
    u3 = k["sc_hop4"](u2, brow, bnorm, bcol)
    w2 = conv2_W.astype(_F)
    h2o = k["tc_proj2"](g1, u1.reshape(NP, C), u2.reshape(NP, C),
                        u3.reshape(NP, C), w2[0].T, w2[1].T, w2[2].T,
                        w2[3].T, conv2_b.astype(_F).reshape(1, C))

    pool = k["sc_pool"](h2o.reshape(NF), starts, counts)

    wflat_t = conv1d_W.astype(_F).transpose(0, 2, 1).reshape(C, KP * C).T
    out = k["tc_head"](pool, wflat_t,
                       conv1d_b.astype(_F).reshape(1, C),
                       fc_W.astype(_F).T, fc_b.astype(_F).reshape(1, 2))
    return out

# --- scband reference (transcript-rebuilt; emitter-appended) ---
"""Pipeline reference for scband-tagsort-pool-91061896610070 (READ-ONLY COPY).

The authoritative reference and input builder live on the scoring server;
editing this copy changes nothing except your own understanding.
"""

import jax, jax.numpy as jnp
import numpy as np

N_NODES = 10000
N_EDGES = 322560
D_FEAT = 128
NUM_GRAPHS = 100
NUM_EW = 4032  # channels**2 - channels with channels=64
K_HOPS = 3    # TAGConv default K
K_POOL = 12   # self.k


def setup_inputs(seed: int = 0) -> dict:
    key = jax.random.key(seed)
    ks = jax.random.split(key, 8)
    x = jax.random.normal(ks[0], (N_NODES, D_FEAT), dtype=jnp.float32)
    edge_index = jax.random.randint(ks[1], (2, N_EDGES), 0, N_NODES)
    batch = jnp.sort(jax.random.randint(ks[2], (N_NODES,), 0, NUM_GRAPHS))
    # learned parameters
    edge_weight = jnp.ones((NUM_EW, 1), dtype=jnp.float32)  # edge_weight.data.fill_(1)
    conv1_W = jax.random.normal(ks[3], (K_HOPS + 1, 4, D_FEAT), dtype=jnp.float32) * (1.0 / np.sqrt(D_FEAT))
    conv1_b = jnp.zeros((4,), dtype=jnp.float32)
    conv2_W = jax.random.normal(ks[4], (K_HOPS + 1, 4, 4), dtype=jnp.float32) * 0.5
    conv2_b = jnp.zeros((4,), dtype=jnp.float32)
    conv1d_W = jax.random.normal(ks[5], (4, 4, K_POOL), dtype=jnp.float32) * (1.0 / np.sqrt(4 * K_POOL))
    conv1d_b = jnp.zeros((4,), dtype=jnp.float32)
    fc_W = jax.random.normal(ks[6], (2, 4), dtype=jnp.float32) * 0.5
    fc_b = jnp.zeros((2,), dtype=jnp.float32)
    return {"x": x, "edge_index": edge_index, "batch": batch,
            "edge_weight": edge_weight,
            "conv1_W": conv1_W, "conv1_b": conv1_b,
            "conv2_W": conv2_W, "conv2_b": conv2_b,
            "conv1d_W": conv1d_W, "conv1d_b": conv1d_b,
            "fc_W": fc_W, "fc_b": fc_b}


def _tag_conv(x, edge_index, ew, W, b):
    # TAGConv: out = sum_{k=0..K} (A_norm^k x) @ W_k^T + b, gcn_norm without self-loops
    N = x.shape[0]
    row, col = edge_index[0], edge_index[1]
    deg = jax.ops.segment_sum(ew, col, num_segments=N)
    dinv = jnp.where(deg > 0, 1.0 / jnp.sqrt(deg), 0.0)
    norm = dinv[row] * ew * dinv[col]
    out = x @ W[0].T
    h = x
    for k in range(1, W.shape[0]):
        h = jax.ops.segment_sum(h[row] * norm[:, None], col, num_segments=N)
        out = out + h @ W[k].T
    return out + b


def _global_sort_pool(x, batch, k, num_graphs):
    # PyG global_sort_pool: sort nodes of each graph by last feature channel (desc), keep top k
    N, C = x.shape
    fill = x.min() - 1.0
    ones = jnp.ones((N,), dtype=jnp.int32)
    counts = jax.ops.segment_sum(ones, batch, num_segments=num_graphs)
    cum = jnp.cumsum(counts)
    cum_ex = jnp.concatenate([jnp.zeros((1,), cum.dtype), cum[:-1]])
    pos = jnp.arange(N) - cum_ex[batch]
    dense = jnp.full((num_graphs, N, C), fill, dtype=x.dtype)
    dense = dense.at[batch, pos].set(x)
    order = jnp.argsort(-dense[:, :, -1], axis=1)
    dense = jnp.take_along_axis(dense, order[:, :, None], axis=1)
    topk = dense[:, :k, :]
    topk = jnp.where(topk == fill, 0.0, topk)
    return topk.reshape(num_graphs, k * C)


def reference(x, edge_index, batch, edge_weight, conv1_W, conv1_b, conv2_W, conv2_b, conv1d_W, conv1d_b, fc_W, fc_b):
    E = edge_index.shape[1]
    reps = E // edge_weight.shape[0]
    ew = jnp.tile(edge_weight, (reps, 1)).reshape(-1)  # the cat-in-a-loop tiling
    h = jax.nn.relu(_tag_conv(x, edge_index, ew, conv1_W, conv1_b))
    h = jax.nn.relu(_tag_conv(h, edge_index, ew, conv2_W, conv2_b))
    p = _global_sort_pool(h, batch, K_POOL, NUM_GRAPHS)        # [B, k*4]
    p = p.reshape(p.shape[0], K_POOL, -1).transpose(0, 2, 1)    # [B, 4, k]
    # Conv1d(4,4,kernel=k) over length k -> length-1 output == full contraction
    c = jax.nn.relu(jnp.einsum('bit,oit->bo', p, conv1d_W) + conv1d_b)
    out = c @ fc_W.T + fc_b
    return out

if __name__ == "__main__":
    import jax
    _d = setup_inputs()
    print(jax.jit(kernel)(*tuple(_d.values())))

</pallas_src>

<mosaic_0001>
#map = affine_map<(d0, d1) -> (0, 0)>
#map1 = affine_map<(d0, d1) -> (0)>
module attributes {stable_mosaic.version = 14 : i64} {
  func.func @_sc_hop128_body(%arg0: i32, %arg1: i32, %arg2: memref<10240x128xf32, #tpu.memory_space<hbm>>, %arg3: memref<393216xi32, #tpu.memory_space<hbm>>, %arg4: memref<393216xf32, #tpu.memory_space<hbm>>, %arg5: memref<393216xi32, #tpu.memory_space<hbm>>, %arg6: memref<10240x128xf32, #tpu.memory_space<hbm>>, %arg7: memref<320x128xf32, #tpu.memory_space<vmem>>, %arg8: memref<256x128xf32, #tpu.memory_space<vmem>>, %arg9: memref<12288xi32, #tpu.memory_space<vmem>>, %arg10: memref<12288xi32, #tpu.memory_space<vmem>>, %arg11: memref<12288xf32, #tpu.memory_space<vmem>>, %arg12: memref<!tpu.dma_semaphore, #tpu.memory_space<semaphore_mem>>) attributes {dimension_semantics = [#tpu.dimension_semantics<core_parallel>, #tpu.dimension_semantics<subcore_parallel>], iteration_bounds = array<i64: 2, 16>, scalar_prefetch = 0 : i64, scratch_operands = 6 : i64, tpu.core_type = #tpu.core_type<sc_vector_subcore>, window_params = [{transform_indices = #map}, {transform_indices = #map1}, {transform_indices = #map1}, {transform_indices = #map1}, {transform_indices = #map}]} {
    %mul3A = arith.constant 2 : i32
    %mul3A_0 = arith.muli %arg1, %mul3A : i32
    %add3A = arith.addi %mul3A_0, %arg0 : i32
    %mul3A_1 = arith.constant 320 : i32
    %mul3A_2 = arith.muli %add3A, %mul3A_1 : i32
    %mul3A_3 = arith.constant 12288 : i32
    %mul3A_4 = arith.muli %add3A, %mul3A_3 : i32
    "tpu.region"() ({
      %run_scoped3A = tpu.sem_alloc : memref<!tpu.dma_semaphore, #tpu.memory_space<semaphore_mem>>
      %dma_start3A = tpu.memref_slice %arg3[%mul3A_4] : memref<393216xi32, #tpu.memory_space<hbm>> -> memref<12288xi32, #tpu.memory_space<hbm>>
      %dma_start3A_18 = tpu.memref_slice %arg3[%mul3A_4] : memref<393216xi32, #tpu.memory_space<hbm>> -> memref<12288xi32, #tpu.memory_space<hbm>>
      tpu.enqueue_dma source(%dma_start3A_18 : memref<12288xi32, #tpu.memory_space<hbm>>) target(%arg9 : memref<12288xi32, #tpu.memory_space<vmem>>) target_semaphore(%run_scoped3A : memref<!tpu.dma_semaphore, #tpu.memory_space<semaphore_mem>>)
      %dma_wait3A = tpu.memref_slice %arg3[%mul3A_4] : memref<393216xi32, #tpu.memory_space<hbm>> -> memref<12288xi32, #tpu.memory_space<hbm>>
      %dma_wait3A_19 = tpu.memref_slice %arg3[%mul3A_4] : memref<393216xi32, #tpu.memory_space<hbm>> -> memref<12288xi32, #tpu.memory_space<hbm>>
      tpu.wait_dma2 semaphore(%run_scoped3A : memref<!tpu.dma_semaphore, #tpu.memory_space<semaphore_mem>>) src(%dma_wait3A_19 : memref<12288xi32, #tpu.memory_space<hbm>>) dst(%arg9 : memref<12288xi32, #tpu.memory_space<vmem>>)
      tpu.yield
    }) : () -> ()
    "tpu.region"() ({
      %run_scoped3A = tpu.sem_alloc : memref<!tpu.dma_semaphore, #tpu.memory_space<semaphore_mem>>
      %dma_start3A = tpu.memref_slice %arg5[%mul3A_4] : memref<393216xi32, #tpu.memory_space<hbm>> -> memref<12288xi32, #tpu.memory_space<hbm>>
      %dma_start3A_18 = tpu.memref_slice %arg5[%mul3A_4] : memref<393216xi32, #tpu.memory_space<hbm>> -> memref<12288xi32, #tpu.memory_space<hbm>>
      tpu.enqueue_dma source(%dma_start3A_18 : memref<12288xi32, #tpu.memory_space<hbm>>) target(%arg10 : memref<12288xi32, #tpu.memory_space<vmem>>) target_semaphore(%run_scoped3A : memref<!tpu.dma_semaphore, #tpu.memory_space<semaphore_mem>>)
      %dma_wait3A = tpu.memref_slice %arg5[%mul3A_4] : memref<393216xi32, #tpu.memory_space<hbm>> -> memref<12288xi32, #tpu.memory_space<hbm>>
      %dma_wait3A_19 = tpu.memref_slice %arg5[%mul3A_4] : memref<393216xi32, #tpu.memory_space<hbm>> -> memref<12288xi32, #tpu.memory_space<hbm>>
      tpu.wait_dma2 semaphore(%run_scoped3A : memref<!tpu.dma_semaphore, #tpu.memory_space<semaphore_mem>>) src(%dma_wait3A_19 : memref<12288xi32, #tpu.memory_space<hbm>>) dst(%arg10 : memref<12288xi32, #tpu.memory_space<vmem>>)
      tpu.yield
    }) : () -> ()
    "tpu.region"() ({
      %run_scoped3A = tpu.sem_alloc : memref<!tpu.dma_semaphore, #tpu.memory_space<semaphore_mem>>
      %dma_start3A = tpu.memref_slice %arg4[%mul3A_4] : memref<393216xf32, #tpu.memory_space<hbm>> -> memref<12288xf32, #tpu.memory_space<hbm>>
      %dma_start3A_18 = tpu.memref_slice %arg4[%mul3A_4] : memref<393216xf32, #tpu.memory_space<hbm>> -> memref<12288xf32, #tpu.memory_space<hbm>>
      tpu.enqueue_dma source(%dma_start3A_18 : memref<12288xf32, #tpu.memory_space<hbm>>) target(%arg11 : memref<12288xf32, #tpu.memory_space<vmem>>) target_semaphore(%run_scoped3A : memref<!tpu.dma_semaphore, #tpu.memory_space<semaphore_mem>>)
      %dma_wait3A = tpu.memref_slice %arg4[%mul3A_4] : memref<393216xf32, #tpu.memory_space<hbm>> -> memref<12288xf32, #tpu.memory_space<hbm>>
      %dma_wait3A_19 = tpu.memref_slice %arg4[%mul3A_4] : memref<393216xf32, #tpu.memory_space<hbm>> -> memref<12288xf32, #tpu.memory_space<hbm>>
      tpu.wait_dma2 semaphore(%run_scoped3A : memref<!tpu.dma_semaphore, #tpu.memory_space<semaphore_mem>>) src(%dma_wait3A_19 : memref<12288xf32, #tpu.memory_space<hbm>>) dst(%arg11 : memref<12288xf32, #tpu.memory_space<vmem>>)
      tpu.yield
    }) : () -> ()
    %scan3A = arith.constant 0 : i32
    %scan3A_5 = arith.constant 0 : i32
    %scan3A_6 = arith.constant 320 : i32
    %scan3A_7 = arith.addi %scan3A_5, %scan3A_6 : i32
    %scan3A_8 = arith.constant 1 : i32
    %scan3A_9 = scf.for %scan3A_18 = %scan3A_5 to %scan3A_7 step %scan3A_8 iter_args(%scan3A_19 = %scan3A) -> (i32)  : i32 {
      %broadcast_in_dim3A = arith.constant 0.000000e+00 : f32
      %broadcast_in_dim3A_20 = vector.broadcast %broadcast_in_dim3A : f32 to vector<16xf32>
      %swap3A = arith.index_cast %scan3A_18 : i32 to index
      %swap3A_21 = arith.constant 0 : index
      %swap3A_22 = tpu.vector_load %arg7[%swap3A, %swap3A_21] {strides = array<i32>} : memref<320x128xf32, #tpu.memory_space<vmem>>, vector<16xf32>,
      tpu.vector_store %arg7[%swap3A, %swap3A_21], %broadcast_in_dim3A_20 {strides = array<i32>} : memref<320x128xf32, #tpu.memory_space<vmem>>, vector<16xf32>,
      %broadcast_in_dim3A_23 = arith.constant 0.000000e+00 : f32
      %broadcast_in_dim3A_24 = vector.broadcast %broadcast_in_dim3A_23 : f32 to vector<16xf32>
      %swap3A_25 = arith.index_cast %scan3A_18 : i32 to index
      %swap3A_26 = arith.constant 16 : index
      %swap3A_27 = tpu.vector_load %arg7[%swap3A_25, %swap3A_26] {strides = array<i32>} : memref<320x128xf32, #tpu.memory_space<vmem>>, vector<16xf32>,
      tpu.vector_store %arg7[%swap3A_25, %swap3A_26], %broadcast_in_dim3A_24 {strides = array<i32>} : memref<320x128xf32, #tpu.memory_space<vmem>>, vector<16xf32>,
      %broadcast_in_dim3A_28 = arith.constant 0.000000e+00 : f32
      %broadcast_in_dim3A_29 = vector.broadcast %broadcast_in_dim3A_28 : f32 to vector<16xf32>
      %swap3A_30 = arith.index_cast %scan3A_18 : i32 to index
      %swap3A_31 = arith.constant 32 : index
      %swap3A_32 = tpu.vector_load %arg7[%swap3A_30, %swap3A_31] {strides = array<i32>} : memref<320x128xf32, #tpu.memory_space<vmem>>, vector<16xf32>,
      tpu.vector_store %arg7[%swap3A_30, %swap3A_31], %broadcast_in_dim3A_29 {strides = array<i32>} : memref<320x128xf32, #tpu.memory_space<vmem>>, vector<16xf32>,
      %broadcast_in_dim3A_33 = arith.constant 0.000000e+00 : f32
      %broadcast_in_dim3A_34 = vector.broadcast %broadcast_in_dim3A_33 : f32 to vector<16xf32>
      %swap3A_35 = arith.index_cast %scan3A_18 : i32 to index
      %swap3A_36 = arith.constant 48 : index
      %swap3A_37 = tpu.vector_load %arg7[%swap3A_35, %swap3A_36] {strides = array<i32>} : memref<320x128xf32, #tpu.memory_space<vmem>>, vector<16xf32>,
      tpu.vector_store %arg7[%swap3A_35, %swap3A_36], %broadcast_in_dim3A_34 {strides = array<i32>} : memref<320x128xf32, #tpu.memory_space<vmem>>, vector<16xf32>,
      %broadcast_in_dim3A_38 = arith.constant 0.000000e+00 : f32
      %broadcast_in_dim3A_39 = vector.broadcast %broadcast_in_dim3A_38 : f32 to vector<16xf32>
      %swap3A_40 = arith.index_cast %scan3A_18 : i32 to index
      %swap3A_41 = arith.constant 64 : index
      %swap3A_42 = tpu.vector_load %arg7[%swap3A_40, %swap3A_41] {strides = array<i32>} : memref<320x128xf32, #tpu.memory_space<vmem>>, vector<16xf32>,
      tpu.vector_store %arg7[%swap3A_40, %swap3A_41], %broadcast_in_dim3A_39 {strides = array<i32>} : memref<320x128xf32, #tpu.memory_space<vmem>>, vector<16xf32>,
      %broadcast_in_dim3A_43 = arith.constant 0.000000e+00 : f32
      %broadcast_in_dim3A_44 = vector.broadcast %broadcast_in_dim3A_43 : f32 to vector<16xf32>
      %swap3A_45 = arith.index_cast %scan3A_18 : i32 to index
      %swap3A_46 = arith.constant 80 : index
      %swap3A_47 = tpu.vector_load %arg7[%swap3A_45, %swap3A_46] {strides = array<i32>} : memref<320x128xf32, #tpu.memory_space<vmem>>, vector<16xf32>,
      tpu.vector_store %arg7[%swap3A_45, %swap3A_46], %broadcast_in_dim3A_44 {strides = array<i32>} : memref<320x128xf32, #tpu.memory_space<vmem>>, vector<16xf32>,
      %broadcast_in_dim3A_48 = arith.constant 0.000000e+00 : f32
      %broadcast_in_dim3A_49 = vector.broadcast %broadcast_in_dim3A_48 : f32 to vector<16xf32>
      %swap3A_50 = arith.index_cast %scan3A_18 : i32 to index
      %swap3A_51 = arith.constant 96 : index
      %swap3A_52 = tpu.vector_load %arg7[%swap3A_50, %swap3A_51] {strides = array<i32>} : memref<320x128xf32, #tpu.memory_space<vmem>>, vector<16xf32>,
      tpu.vector_store %arg7[%swap3A_50, %swap3A_51], %broadcast_in_dim3A_49 {strides = array<i32>} : memref<320x128xf32, #tpu.memory_space<vmem>>, vector<16xf32>,
      %broadcast_in_dim3A_53 = arith.constant 0.000000e+00 : f32
      %broadcast_in_dim3A_54 = vector.broadcast %broadcast_in_dim3A_53 : f32 to vector<16xf32>
      %swap3A_55 = arith.index_cast %scan3A_18 : i32 to index
      %swap3A_56 = arith.constant 112 : index
      %swap3A_57 = tpu.vector_load %arg7[%swap3A_55, %swap3A_56] {strides = array<i32>} : memref<320x128xf32, #tpu.memory_space<vmem>>, vector<16xf32>,
      tpu.vector_store %arg7[%swap3A_55, %swap3A_56], %broadcast_in_dim3A_54 {strides = array<i32>} : memref<320x128xf32, #tpu.memory_space<vmem>>, vector<16xf32>,
      %scan3A_58 = arith.constant 0 : i32
      scf.yield %scan3A_58 : i32
    }
    %scan3A_10 = arith.constant 320 : i32
    %scan3A_11 = arith.constant 0 : i32
    %scan3A_12 = arith.constant 0 : i32
    %scan3A_13 = arith.constant 48 : i32
    %scan3A_14 = arith.addi %scan3A_12, %scan3A_13 : i32
    %scan3A_15 = arith.constant 1 : i32
    %scan3A_16 = scf.for %scan3A_18 = %scan3A_12 to %scan3A_14 step %scan3A_15 iter_args(%scan3A_19 = %scan3A_11) -> (i32)  : i32 {
      %mul3A_20 = arith.constant 2 : i32
      %mul3A_21 = arith.muli %scan3A_18, %mul3A_20 : i32
      %mul3A_22 = arith.constant 128 : i32
      %mul3A_23 = arith.muli %mul3A_21, %mul3A_22 : i32
      %add3A_24 = arith.constant 0 : i32
      %add3A_25 = arith.addi %mul3A_23, %add3A_24 : i32
      %dma_start3A = arith.constant 0 : i32
      %dma_start3A_26 = arith.constant 0 : i32
      %dma_start3A_27 = tpu.memref_slice %arg8[%dma_start3A, %dma_start3A_26] : memref<256x128xf32, #tpu.memory_space<vmem>> -> memref<128x128xf32, #tpu.memory_space<vmem>>
      %dma_start3A_28 = tpu.memref_slice %arg9[%add3A_25] : memref<12288xi32, #tpu.memory_space<vmem>> -> memref<128xi32, #tpu.memory_space<vmem>>
      %dma_start3A_29 = arith.constant 0 : i32
      %dma_start3A_30 = arith.constant 0 : i32
      %dma_start3A_31 = tpu.memref_slice %arg2[%dma_start3A_29, %dma_start3A_30] : memref<10240x128xf32, #tpu.memory_space<hbm>> -> memref<10240x128xf32, #tpu.memory_space<hbm>>
      tpu.enqueue_indirect_dma source(%dma_start3A_31 : memref<10240x128xf32, #tpu.memory_space<hbm>>) target(%dma_start3A_27 : memref<128x128xf32, #tpu.memory_space<vmem>>) offsets(%dma_start3A_28 : memref<128xi32, #tpu.memory_space<vmem>>) semaphore(%arg12 : memref<!tpu.dma_semaphore, #tpu.memory_space<semaphore_mem>>)
      %add3A_32 = arith.constant 128 : i32
      %add3A_33 = arith.addi %mul3A_23, %add3A_32 : i32
      %dma_start3A_34 = arith.constant 128 : i32
      %dma_start3A_35 = arith.constant 0 : i32
      %dma_start3A_36 = tpu.memref_slice %arg8[%dma_start3A_34, %dma_start3A_35] : memref<256x128xf32, #tpu.memory_space<vmem>> -> memref<128x128xf32, #tpu.memory_space<vmem>>
      %dma_start3A_37 = tpu.memref_slice %arg9[%add3A_33] : memref<12288xi32, #tpu.memory_space<vmem>> -> memref<128xi32, #tpu.memory_space<vmem>>
      %dma_start3A_38 = arith.constant 0 : i32
      %dma_start3A_39 = arith.constant 0 : i32
      %dma_start3A_40 = tpu.memref_slice %arg2[%dma_start3A_38, %dma_start3A_39] : memref<10240x128xf32, #tpu.memory_space<hbm>> -> memref<10240x128xf32, #tpu.memory_space<hbm>>
      tpu.enqueue_indirect_dma source(%dma_start3A_40 : memref<10240x128xf32, #tpu.memory_space<hbm>>) target(%dma_start3A_36 : memref<128x128xf32, #tpu.memory_space<vmem>>) offsets(%dma_start3A_37 : memref<128xi32, #tpu.memory_space<vmem>>) semaphore(%arg12 : memref<!tpu.dma_semaphore, #tpu.memory_space<semaphore_mem>>)
      %dma_wait3A = arith.constant 0 : i32
      %dma_wait3A_41 = arith.constant 0 : i32
      %dma_wait3A_42 = tpu.memref_slice %arg8[%dma_wait3A, %dma_wait3A_41] : memref<256x128xf32, #tpu.memory_space<vmem>> -> memref<128x128xf32, #tpu.memory_space<vmem>>
      %dma_wait3A_43 = tpu.memref_slice %arg9[%add3A_25] : memref<12288xi32, #tpu.memory_space<vmem>> -> memref<128xi32, #tpu.memory_space<vmem>>
      %dma_wait3A_44 = arith.constant 0 : i32
      %dma_wait3A_45 = arith.constant 0 : i32
      %dma_wait3A_46 = tpu.memref_slice %arg2[%dma_wait3A_44, %dma_wait3A_45] : memref<10240x128xf32, #tpu.memory_space<hbm>> -> memref<10240x128xf32, #tpu.memory_space<hbm>>
      tpu.wait_indirect_dma semaphore(%arg12 : memref<!tpu.dma_semaphore, #tpu.memory_space<semaphore_mem>>) src(%dma_wait3A_46 : memref<10240x128xf32, #tpu.memory_space<hbm>>) dst(%dma_wait3A_42 : memref<128x128xf32, #tpu.memory_space<vmem>>)
      %dma_wait3A_47 = arith.constant 128 : i32
      %dma_wait3A_48 = arith.constant 0 : i32
      %dma_wait3A_49 = tpu.memref_slice %arg8[%dma_wait3A_47, %dma_wait3A_48] : memref<256x128xf32, #tpu.memory_space<vmem>> -> memref<128x128xf32, #tpu.memory_space<vmem>>
      %dma_wait3A_50 = tpu.memref_slice %arg9[%add3A_33] : memref<12288xi32, #tpu.memory_space<vmem>> -> memref<128xi32, #tpu.memory_space<vmem>>
      %dma_wait3A_51 = arith.constant 0 : i32
      %dma_wait3A_52 = arith.constant 0 : i32
      %dma_wait3A_53 = tpu.memref_slice %arg2[%dma_wait3A_51, %dma_wait3A_52] : memref<10240x128xf32, #tpu.memory_space<hbm>> -> memref<10240x128xf32, #tpu.memory_space<hbm>>
      tpu.wait_indirect_dma semaphore(%arg12 : memref<!tpu.dma_semaphore, #tpu.memory_space<semaphore_mem>>) src(%dma_wait3A_53 : memref<10240x128xf32, #tpu.memory_space<hbm>>) dst(%dma_wait3A_49 : memref<128x128xf32, #tpu.memory_space<vmem>>)
      %scan3A_54 = arith.constant 0 : i32
      %scan3A_55 = arith.constant 0 : i32
      %scan3A_56 = arith.constant 256 : i32
      %scan3A_57 = arith.addi %scan3A_55, %scan3A_56 : i32
      %scan3A_58 = arith.constant 1 : i32
      %scan3A_59 = scf.for %scan3A_62 = %scan3A_55 to %scan3A_57 step %scan3A_58 iter_args(%scan3A_63 = %scan3A_54) -> (i32)  : i32 {
        %add3A_64 = arith.addi %mul3A_23, %scan3A_62 : i32
        %get3A = arith.index_cast %add3A_64 : i32 to index
        %get3A_65 = tpu.vector_load %arg11[%get3A] {strides = array<i32>} : memref<12288xf32, #tpu.memory_space<vmem>>, vector<16xf32>,
        %slice3A = vector.extract_strided_slice %get3A_65 {offsets = [0], sizes = [1], strides = [1]} : vector<16xf32> to vector<1xf32>
        %squeeze3A = vector.extract %slice3A[0] : f32 from vector<1xf32>
        %add3A_66 = arith.addi %mul3A_23, %scan3A_62 : i32
        %get3A_67 = arith.index_cast %add3A_66 : i32 to index
        %get3A_68 = tpu.vector_load %arg10[%get3A_67] {strides = array<i32>} : memref<12288xi32, #tpu.memory_space<vmem>>, vector<16xi32>,
        %slice3A_69 = vector.extract_strided_slice %get3A_68 {offsets = [0], sizes = [1], strides = [1]} : vector<16xi32> to vector<1xi32>
        %squeeze3A_70 = vector.extract %slice3A_69[0] : i32 from vector<1xi32>
        %sub3A = arith.subi %squeeze3A_70, %mul3A_2 : i32
        %max3A = arith.constant 0 : i32
        %max3A_71 = arith.maxsi %sub3A, %max3A : i32
        %min3A = arith.constant 319 : i32
        %min3A_72 = arith.minsi %max3A_71, %min3A : i32
        %broadcast_in_dim3A = vector.broadcast %squeeze3A : f32 to vector<16xf32>
        %get3A_73 = arith.index_cast %min3A_72 : i32 to index
        %get3A_74 = arith.constant 0 : index
        %get3A_75 = tpu.vector_load %arg7[%get3A_73, %get3A_74] {strides = array<i32>} : memref<320x128xf32, #tpu.memory_space<vmem>>, vector<16xf32>,
        %get3A_76 = arith.index_cast %scan3A_62 : i32 to index
        %get3A_77 = arith.constant 0 : index
        %get3A_78 = tpu.vector_load %arg8[%get3A_76, %get3A_77] {strides = array<i32>} : memref<256x128xf32, #tpu.memory_space<vmem>>, vector<16xf32>,
        %mul3A_79 = arith.mulf %get3A_78, %broadcast_in_dim3A : vector<16xf32>
        %add3A_80 = arith.addf %get3A_75, %mul3A_79 : vector<16xf32>
        %swap3A = arith.index_cast %min3A_72 : i32 to index
        %swap3A_81 = arith.constant 0 : index
        %swap3A_82 = tpu.vector_load %arg7[%swap3A, %swap3A_81] {strides = array<i32>} : memref<320x128xf32, #tpu.memory_space<vmem>>, vector<16xf32>,
        tpu.vector_store %arg7[%swap3A, %swap3A_81], %add3A_80 {strides = array<i32>} : memref<320x128xf32, #tpu.memory_space<vmem>>, vector<16xf32>,
        %get3A_83 = arith.index_cast %min3A_72 : i32 to index
        %get3A_84 = arith.constant 16 : index
        %get3A_85 = tpu.vector_load %arg7[%get3A_83, %get3A_84] {strides = array<i32>} : memref<320x128xf32, #tpu.memory_space<vmem>>, vector<16xf32>,
        %get3A_86 = arith.index_cast %scan3A_62 : i32 to index
        %get3A_87 = arith.constant 16 : index
        %get3A_88 = tpu.vector_load %arg8[%get3A_86, %get3A_87] {strides = array<i32>} : memref<256x128xf32, #tpu.memory_space<vmem>>, vector<16xf32>,
        %mul3A_89 = arith.mulf %get3A_88, %broadcast_in_dim3A : vector<16xf32>
        %add3A_90 = arith.addf %get3A_85, %mul3A_89 : vector<16xf32>
        %swap3A_91 = arith.index_cast %min3A_72 : i32 to index
        %swap3A_92 = arith.constant 16 : index
        %swap3A_93 = tpu.vector_load %arg7[%swap3A_91, %swap3A_92] {strides = array<i32>} : memref<320x128xf32, #tpu.memory_space<vmem>>, vector<16xf32>,
        tpu.vector_store %arg7[%swap3A_91, %swap3A_92], %add3A_90 {strides = array<i32>} : memref<320x128xf32, #tpu.memory_space<vmem>>, vector<16xf32>,
        %get3A_94 = arith.index_cast %min3A_72 : i32 to index
        %get3A_95 = arith.constant 32 : index
        %get3A_96 = tpu.vector_load %arg7[%get3A_94, %get3A_95] {strides = array<i32>} : memref<320x128xf32, #tpu.memory_space<vmem>>, vector<16xf32>,
        %get3A_97 = arith.index_cast %scan3A_62 : i32 to index
        %get3A_98 = arith.constant 32 : index
        %get3A_99 = tpu.vector_load %arg8[%get3A_97, %get3A_98] {strides = array<i32>} : memref<256x128xf32, #tpu.memory_space<vmem>>, vector<16xf32>,
        %mul3A_100 = arith.mulf %get3A_99, %broadcast_in_dim3A : vector<16xf32>
        %add3A_101 = arith.addf %get3A_96, %mul3A_100 : vector<16xf32>
        %swap3A_102 = arith.index_cast %min3A_72 : i32 to index
        %swap3A_103 = arith.constant 32 : index
        %swap3A_104 = tpu.vector_load %arg7[%swap3A_102, %swap3A_103] {strides = array<i32>} : memref<320x128xf32, #tpu.memory_space<vmem>>, vector<16xf32>,
        tpu.vector_store %arg7[%swap3A_102, %swap3A_103], %add3A_101 {strides = array<i32>} : memref<320x128xf32, #tpu.memory_space<vmem>>, vector<16xf32>,
        %get3A_105 = arith.index_cast %min3A_72 : i32 to index
        %get3A_106 = arith.constant 48 : index
        %get3A_107 = tpu.vector_load %arg7[%get3A_105, %get3A_106] {strides = array<i32>} : memref<320x128xf32, #tpu.memory_space<vmem>>, vector<16xf32>,
        %get3A_108 = arith.index_cast %scan3A_62 : i32 to index
        %get3A_109 = arith.constant 48 : index
        %get3A_110 = tpu.vector_load %arg8[%get3A_108, %get3A_109] {strides = array<i32>} : memref<256x128xf32, #tpu.memory_space<vmem>>, vector<16xf32>,
        %mul3A_111 = arith.mulf %get3A_110, %broadcast_in_dim3A : vector<16xf32>
        %add3A_112 = arith.addf %get3A_107, %mul3A_111 : vector<16xf32>
        %swap3A_113 = arith.index_cast %min3A_72 : i32 to index
        %swap3A_114 = arith.constant 48 : index
        %swap3A_115 = tpu.vector_load %arg7[%swap3A_113, %swap3A_114] {strides = array<i32>} : memref<320x128xf32, #tpu.memory_space<vmem>>, vector<16xf32>,
        tpu.vector_store %arg7[%swap3A_113, %swap3A_114], %add3A_112 {strides = array<i32>} : memref<320x128xf32, #tpu.memory_space<vmem>>, vector<16xf32>,
        %get3A_116 = arith.index_cast %min3A_72 : i32 to index
        %get3A_117 = arith.constant 64 : index
        %get3A_118 = tpu.vector_load %arg7[%get3A_116, %get3A_117] {strides = array<i32>} : memref<320x128xf32, #tpu.memory_space<vmem>>, vector<16xf32>,
        %get3A_119 = arith.index_cast %scan3A_62 : i32 to index
        %get3A_120 = arith.constant 64 : index
        %get3A_121 = tpu.vector_load %arg8[%get3A_119, %get3A_120] {strides = array<i32>} : memref<256x128xf32, #tpu.memory_space<vmem>>, vector<16xf32>,
        %mul3A_122 = arith.mulf %get3A_121, %broadcast_in_dim3A : vector<16xf32>
        %add3A_123 = arith.addf %get3A_118, %mul3A_122 : vector<16xf32>
        %swap3A_124 = arith.index_cast %min3A_72 : i32 to index
        %swap3A_125 = arith.constant 64 : index
        %swap3A_126 = tpu.vector_load %arg7[%swap3A_124, %swap3A_125] {strides = array<i32>} : memref<320x128xf32, #tpu.memory_space<vmem>>, vector<16xf32>,
        tpu.vector_store %arg7[%swap3A_124, %swap3A_125], %add3A_123 {strides = array<i32>} : memref<320x128xf32, #tpu.memory_space<vmem>>, vector<16xf32>,
        %get3A_127 = arith.index_cast %min3A_72 : i32 to index
        %get3A_128 = arith.constant 80 : index
        %get3A_129 = tpu.vector_load %arg7[%get3A_127, %get3A_128] {strides = array<i32>} : memref<320x128xf32, #tpu.memory_space<vmem>>, vector<16xf32>,
        %get3A_130 = arith.index_cast %scan3A_62 : i32 to index
        %get3A_131 = arith.constant 80 : index
        %get3A_132 = tpu.vector_load %arg8[%get3A_130, %get3A_131] {strides = array<i32>} : memref<256x128xf32, #tpu.memory_space<vmem>>, vector<16xf32>,
        %mul3A_133 = arith.mulf %get3A_132, %broadcast_in_dim3A : vector<16xf32>
        %add3A_134 = arith.addf %get3A_129, %mul3A_133 : vector<16xf32>
        %swap3A_135 = arith.index_cast %min3A_72 : i32 to index
        %swap3A_136 = arith.constant 80 : index
        %swap3A_137 = tpu.vector_load %arg7[%swap3A_135, %swap3A_136] {strides = array<i32>} : memref<320x128xf32, #tpu.memory_space<vmem>>, vector<16xf32>,
        tpu.vector_store %arg7[%swap3A_135, %swap3A_136], %add3A_134 {strides = array<i32>} : memref<320x128xf32, #tpu.memory_space<vmem>>, vector<16xf32>,
        %get3A_138 = arith.index_cast %min3A_72 : i32 to index
        %get3A_139 = arith.constant 96 : index
        %get3A_140 = tpu.vector_load %arg7[%get3A_138, %get3A_139] {strides = array<i32>} : memref<320x128xf32, #tpu.memory_space<vmem>>, vector<16xf32>,
        %get3A_141 = arith.index_cast %scan3A_62 : i32 to index
        %get3A_142 = arith.constant 96 : index
        %get3A_143 = tpu.vector_load %arg8[%get3A_141, %get3A_142] {strides = array<i32>} : memref<256x128xf32, #tpu.memory_space<vmem>>, vector<16xf32>,
        %mul3A_144 = arith.mulf %get3A_143, %broadcast_in_dim3A : vector<16xf32>
        %add3A_145 = arith.addf %get3A_140, %mul3A_144 : vector<16xf32>
        %swap3A_146 = arith.index_cast %min3A_72 : i32 to index
        %swap3A_147 = arith.constant 96 : index
        %swap3A_148 = tpu.vector_load %arg7[%swap3A_146, %swap3A_147] {strides = array<i32>} : memref<320x128xf32, #tpu.memory_space<vmem>>, vector<16xf32>,
        tpu.vector_store %arg7[%swap3A_146, %swap3A_147], %add3A_145 {strides = array<i32>} : memref<320x128xf32, #tpu.memory_space<vmem>>, vector<16xf32>,
        %get3A_149 = arith.index_cast %min3A_72 : i32 to index
        %get3A_150 = arith.constant 112 : index
        %get3A_151 = tpu.vector_load %arg7[%get3A_149, %get3A_150] {strides = array<i32>} : memref<320x128xf32, #tpu.memory_space<vmem>>, vector<16xf32>,
        %get3A_152 = arith.index_cast %scan3A_62 : i32 to index
        %get3A_153 = arith.constant 112 : index
        %get3A_154 = tpu.vector_load %arg8[%get3A_152, %get3A_153] {strides = array<i32>} : memref<256x128xf32, #tpu.memory_space<vmem>>, vector<16xf32>,
        %mul3A_155 = arith.mulf %get3A_154, %broadcast_in_dim3A : vector<16xf32>
        %add3A_156 = arith.addf %get3A_151, %mul3A_155 : vector<16xf32>
        %swap3A_157 = arith.index_cast %min3A_72 : i32 to index
        %swap3A_158 = arith.constant 112 : index
        %swap3A_159 = tpu.vector_load %arg7[%swap3A_157, %swap3A_158] {strides = array<i32>} : memref<320x128xf32, #tpu.memory_space<vmem>>, vector<16xf32>,
        tpu.vector_store %arg7[%swap3A_157, %swap3A_158], %add3A_156 {strides = array<i32>} : memref<320x128xf32, #tpu.memory_space<vmem>>, vector<16xf32>,
        %scan3A_160 = arith.constant 0 : i32
        scf.yield %scan3A_160 : i32
      }
      %scan3A_60 = arith.constant 256 : i32
      %scan3A_61 = arith.constant 0 : i32
      scf.yield %scan3A_61 : i32
    }
    %scan3A_17 = arith.constant 48 : i32
    "tpu.region"() ({
      %run_scoped3A = tpu.sem_alloc : memref<!tpu.dma_semaphore, #tpu.memory_space<semaphore_mem>>
      %dma_start3A = arith.constant 0 : i32
      %dma_start3A_18 = tpu.memref_slice %arg6[%mul3A_2, %dma_start3A] : memref<10240x128xf32, #tpu.memory_space<hbm>> -> memref<320x128xf32, #tpu.memory_space<hbm>>
      %dma_start3A_19 = arith.constant 0 : i32
      %dma_start3A_20 = tpu.memref_slice %arg6[%mul3A_2, %dma_start3A_19] : memref<10240x128xf32, #tpu.memory_space<hbm>> -> memref<320x128xf32, #tpu.memory_space<hbm>>
      tpu.enqueue_dma source(%arg7 : memref<320x128xf32, #tpu.memory_space<vmem>>) target(%dma_start3A_20 : memref<320x128xf32, #tpu.memory_space<hbm>>) target_semaphore(%run_scoped3A : memref<!tpu.dma_semaphore, #tpu.memory_space<semaphore_mem>>)
      %dma_wait3A = arith.constant 0 : i32
      %dma_wait3A_21 = tpu.memref_slice %arg6[%mul3A_2, %dma_wait3A] : memref<10240x128xf32, #tpu.memory_space<hbm>> -> memref<320x128xf32, #tpu.memory_space<hbm>>
      %dma_wait3A_22 = arith.constant 0 : i32
      %dma_wait3A_23 = tpu.memref_slice %arg6[%mul3A_2, %dma_wait3A_22] : memref<10240x128xf32, #tpu.memory_space<hbm>> -> memref<320x128xf32, #tpu.memory_space<hbm>>
      tpu.wait_dma2 semaphore(%run_scoped3A : memref<!tpu.dma_semaphore, #tpu.memory_space<semaphore_mem>>) src(%arg7 : memref<320x128xf32, #tpu.memory_space<vmem>>) dst(%dma_wait3A_23 : memref<320x128xf32, #tpu.memory_space<hbm>>)
      tpu.yield
    }) : () -> ()
    return
  }
}

#map = affine_map<(d0, d1) -> (0)>
module attributes {stable_mosaic.version = 14 : i64} {
  func.func @_sc_bin_body(%arg0: i32, %arg1: i32, %arg2: memref<322560xi32, #tpu.memory_space<hbm>>, %arg3: memref<322560xi32, #tpu.memory_space<hbm>>, %arg4: memref<4032xf32, #tpu.memory_space<hbm>>, %arg5: memref<393216xi32, #tpu.memory_space<hbm>>, %arg6: memref<393216xi32, #tpu.memory_space<hbm>>, %arg7: memref<393216xf32, #tpu.memory_space<hbm>>, %arg8: memref<10240xf32, #tpu.memory_space<hbm>>, %arg9: memref<5040xi32, #tpu.memory_space<vmem>>, %arg10: memref<5040xi32, #tpu.memory_space<vmem>>, %arg11: memref<4032xf32, #tpu.memory_space<vmem>>, %arg12: memref<12288xi32, #tpu.memory_space<vmem>>, %arg13: memref<12288xi32, #tpu.memory_space<vmem>>, %arg14: memref<12288xf32, #tpu.memory_space<vmem>>, %arg15: memref<320xf32, #tpu.memory_space<vmem>>) attributes {dimension_semantics = [#tpu.dimension_semantics<core_parallel>, #tpu.dimension_semantics<subcore_parallel>], iteration_bounds = array<i64: 2, 16>, scalar_prefetch = 0 : i64, scratch_operands = 7 : i64, tpu.core_type = #tpu.core_type<sc_vector_subcore>, window_params = [{transform_indices = #map}, {transform_indices = #map}, {transform_indices = #map}, {transform_indices = #map}, {transform_indices = #map}, {transform_indices = #map}, {transform_indices = #map}]} {
    %mul3A = arith.constant 2 : i32
    %mul3A_0 = arith.muli %arg1, %mul3A : i32
    %add3A = arith.addi %mul3A_0, %arg0 : i32
    %mul3A_1 = arith.constant 320 : i32
    %mul3A_2 = arith.muli %add3A, %mul3A_1 : i32
    %iota3A = tpu.iota {dimensions = array<i32: 0>} : vector<16xi32>
    "tpu.region"() ({
      %run_scoped3A = tpu.sem_alloc : memref<!tpu.dma_semaphore, #tpu.memory_space<semaphore_mem>>
      tpu.enqueue_dma source(%arg4 : memref<4032xf32, #tpu.memory_space<hbm>>) target(%arg11 : memref<4032xf32, #tpu.memory_space<vmem>>) target_semaphore(%run_scoped3A : memref<!tpu.dma_semaphore, #tpu.memory_space<semaphore_mem>>)
      tpu.wait_dma2 semaphore(%run_scoped3A : memref<!tpu.dma_semaphore, #tpu.memory_space<semaphore_mem>>) src(%arg4 : memref<4032xf32, #tpu.memory_space<hbm>>) dst(%arg11 : memref<4032xf32, #tpu.memory_space<vmem>>)
      tpu.yield
    }) : () -> ()
    %broadcast_in_dim3A = arith.constant 0.000000e+00 : f32
    %broadcast_in_dim3A_3 = vector.broadcast %broadcast_in_dim3A : f32 to vector<16xf32>
    %scan3A = arith.constant 0 : i32
    %scan3A_4 = arith.constant 0 : i32
    %scan3A_5 = arith.constant 20 : i32
    %scan3A_6 = arith.addi %scan3A_4, %scan3A_5 : i32
    %scan3A_7 = arith.constant 1 : i32
    %scan3A_8 = scf.for %scan3A_37 = %scan3A_4 to %scan3A_6 step %scan3A_7 iter_args(%scan3A_38 = %scan3A) -> (i32)  : i32 {
      %mul3A_39 = arith.constant 16 : i32
      %mul3A_40 = arith.muli %scan3A_37, %mul3A_39 : i32
      %swap3A = arith.index_cast %mul3A_40 : i32 to index
      %swap3A_41 = tpu.vector_load %arg15[%swap3A] {strides = array<i32>} : memref<320xf32, #tpu.memory_space<vmem>>, vector<16xf32>,
      tpu.vector_store %arg15[%swap3A], %broadcast_in_dim3A_3 {strides = array<i32>} : memref<320xf32, #tpu.memory_space<vmem>>, vector<16xf32>,
      %scan3A_42 = arith.constant 0 : i32
      scf.yield %scan3A_42 : i32
    }
    %scan3A_9 = arith.constant 20 : i32
    %broadcast_in_dim3A_10 = arith.constant 0.000000e+00 : f32
    %broadcast_in_dim3A_11 = vector.broadcast %broadcast_in_dim3A_10 : f32 to vector<16xf32>
    %scan3A_12 = arith.constant 0 : i32
    %scan3A_13 = arith.constant 0 : i32
    %scan3A_14 = arith.constant 768 : i32
    %scan3A_15 = arith.addi %scan3A_13, %scan3A_14 : i32
    %scan3A_16 = arith.constant 1 : i32
    %scan3A_17 = scf.for %scan3A_37 = %scan3A_13 to %scan3A_15 step %scan3A_16 iter_args(%scan3A_38 = %scan3A_12) -> (i32)  : i32 {
      %mul3A_39 = arith.constant 16 : i32
      %mul3A_40 = arith.muli %scan3A_37, %mul3A_39 : i32
      %swap3A = arith.index_cast %mul3A_40 : i32 to index
      %swap3A_41 = tpu.vector_load %arg14[%swap3A] {strides = array<i32>} : memref<12288xf32, #tpu.memory_space<vmem>>, vector<16xf32>,
      tpu.vector_store %arg14[%swap3A], %broadcast_in_dim3A_11 {strides = array<i32>} : memref<12288xf32, #tpu.memory_space<vmem>>, vector<16xf32>,
      %scan3A_42 = arith.constant 0 : i32
      scf.yield %scan3A_42 : i32
    }
    %scan3A_18 = arith.constant 768 : i32
    %broadcast_in_dim3A_19 = arith.constant 0 : i32
    %broadcast_in_dim3A_20 = vector.broadcast %broadcast_in_dim3A_19 : i32 to vector<16xi32>
    %scan3A_21 = arith.constant 0 : i32
    %scan3A_22 = arith.constant 0 : i32
    %scan3A_23 = arith.constant 768 : i32
    %scan3A_24 = arith.addi %scan3A_22, %scan3A_23 : i32
    %scan3A_25 = arith.constant 1 : i32
    %scan3A_26 = scf.for %scan3A_37 = %scan3A_22 to %scan3A_24 step %scan3A_25 iter_args(%scan3A_38 = %scan3A_21) -> (i32)  : i32 {
      %mul3A_39 = arith.constant 16 : i32
      %mul3A_40 = arith.muli %scan3A_37, %mul3A_39 : i32
      %swap3A = arith.index_cast %mul3A_40 : i32 to index
      %swap3A_41 = tpu.vector_load %arg12[%swap3A] {strides = array<i32>} : memref<12288xi32, #tpu.memory_space<vmem>>, vector<16xi32>,
      tpu.vector_store %arg12[%swap3A], %broadcast_in_dim3A_20 {strides = array<i32>} : memref<12288xi32, #tpu.memory_space<vmem>>, vector<16xi32>,
      %mul3A_42 = arith.constant 16 : i32
      %mul3A_43 = arith.muli %scan3A_37, %mul3A_42 : i32
      %swap3A_44 = arith.index_cast %mul3A_43 : i32 to index
      %swap3A_45 = tpu.vector_load %arg13[%swap3A_44] {strides = array<i32>} : memref<12288xi32, #tpu.memory_space<vmem>>, vector<16xi32>,
      tpu.vector_store %arg13[%swap3A_44], %broadcast_in_dim3A_20 {strides = array<i32>} : memref<12288xi32, #tpu.memory_space<vmem>>, vector<16xi32>,
      %scan3A_46 = arith.constant 0 : i32
      scf.yield %scan3A_46 : i32
    }
    %scan3A_27 = arith.constant 768 : i32
    %scan3A_28 = arith.constant 0 : i32
    %scan3A_29 = arith.constant 0 : i32
    %scan3A_30 = arith.constant 64 : i32
    %scan3A_31 = arith.addi %scan3A_29, %scan3A_30 : i32
    %scan3A_32 = arith.constant 1 : i32
    %scan3A_33 = scf.for %scan3A_37 = %scan3A_29 to %scan3A_31 step %scan3A_32 iter_args(%scan3A_38 = %scan3A_28) -> (i32)  : i32 {
      %mul3A_39 = arith.constant 5040 : i32
      %mul3A_40 = arith.muli %scan3A_37, %mul3A_39 : i32
      "tpu.region"() ({
        %run_scoped3A = tpu.sem_alloc : memref<!tpu.dma_semaphore, #tpu.memory_space<semaphore_mem>>
        %dma_start3A = tpu.memref_slice %arg2[%mul3A_40] : memref<322560xi32, #tpu.memory_space<hbm>> -> memref<5040xi32, #tpu.memory_space<hbm>>
        %dma_start3A_47 = tpu.memref_slice %arg2[%mul3A_40] : memref<322560xi32, #tpu.memory_space<hbm>> -> memref<5040xi32, #tpu.memory_space<hbm>>
        tpu.enqueue_dma source(%dma_start3A_47 : memref<5040xi32, #tpu.memory_space<hbm>>) target(%arg9 : memref<5040xi32, #tpu.memory_space<vmem>>) target_semaphore(%run_scoped3A : memref<!tpu.dma_semaphore, #tpu.memory_space<semaphore_mem>>)
        %dma_wait3A = tpu.memref_slice %arg2[%mul3A_40] : memref<322560xi32, #tpu.memory_space<hbm>> -> memref<5040xi32, #tpu.memory_space<hbm>>
        %dma_wait3A_48 = tpu.memref_slice %arg2[%mul3A_40] : memref<322560xi32, #tpu.memory_space<hbm>> -> memref<5040xi32, #tpu.memory_space<hbm>>
        tpu.wait_dma2 semaphore(%run_scoped3A : memref<!tpu.dma_semaphore, #tpu.memory_space<semaphore_mem>>) src(%dma_wait3A_48 : memref<5040xi32, #tpu.memory_space<hbm>>) dst(%arg9 : memref<5040xi32, #tpu.memory_space<vmem>>)
        tpu.yield
      }) : () -> ()
      "tpu.region"() ({
        %run_scoped3A = tpu.sem_alloc : memref<!tpu.dma_semaphore, #tpu.memory_space<semaphore_mem>>
        %dma_start3A = tpu.memref_slice %arg3[%mul3A_40] : memref<322560xi32, #tpu.memory_space<hbm>> -> memref<5040xi32, #tpu.memory_space<hbm>>
        %dma_start3A_47 = tpu.memref_slice %arg3[%mul3A_40] : memref<322560xi32, #tpu.memory_space<hbm>> -> memref<5040xi32, #tpu.memory_space<hbm>>
        tpu.enqueue_dma source(%dma_start3A_47 : memref<5040xi32, #tpu.memory_space<hbm>>) target(%arg10 : memref<5040xi32, #tpu.memory_space<vmem>>) target_semaphore(%run_scoped3A : memref<!tpu.dma_semaphore, #tpu.memory_space<semaphore_mem>>)
        %dma_wait3A = tpu.memref_slice %arg3[%mul3A_40] : memref<322560xi32, #tpu.memory_space<hbm>> -> memref<5040xi32, #tpu.memory_space<hbm>>
        %dma_wait3A_48 = tpu.memref_slice %arg3[%mul3A_40] : memref<322560xi32, #tpu.memory_space<hbm>> -> memref<5040xi32, #tpu.memory_space<hbm>>
        tpu.wait_dma2 semaphore(%run_scoped3A : memref<!tpu.dma_semaphore, #tpu.memory_space<semaphore_mem>>) src(%dma_wait3A_48 : memref<5040xi32, #tpu.memory_space<hbm>>) dst(%arg10 : memref<5040xi32, #tpu.memory_space<vmem>>)
        tpu.yield
      }) : () -> ()
      %scan3A_41 = arith.constant 0 : i32
      %scan3A_42 = arith.constant 315 : i32
      %scan3A_43 = arith.addi %scan3A_41, %scan3A_42 : i32
      %scan3A_44 = arith.constant 1 : i32
      %scan3A_45 = scf.for %scan3A_47 = %scan3A_41 to %scan3A_43 step %scan3A_44 iter_args(%scan3A_48 = %scan3A_38) -> (i32)  : i32 {
        %mul3A_49 = arith.constant 16 : i32
        %mul3A_50 = arith.muli %scan3A_47, %mul3A_49 : i32
        %get3A = arith.index_cast %mul3A_50 : i32 to index
        %get3A_51 = tpu.vector_load %arg9[%get3A] {strides = array<i32>} : memref<5040xi32, #tpu.memory_space<vmem>>, vector<16xi32>,
        %get3A_52 = arith.index_cast %mul3A_50 : i32 to index
        %get3A_53 = tpu.vector_load %arg10[%get3A_52] {strides = array<i32>} : memref<5040xi32, #tpu.memory_space<vmem>>, vector<16xi32>,
        %mul3A_54 = arith.constant 16 : i32
        %mul3A_55 = arith.muli %scan3A_47, %mul3A_54 : i32
        %add3A_56 = arith.addi %mul3A_40, %mul3A_55 : i32
        %add3A_57 = vector.broadcast %add3A_56 : i32 to vector<16xi32>
        %add3A_58 = arith.addi %add3A_57, %iota3A : vector<16xi32>
        %jit3A = arith.constant 4032 : i32
        %eq3A = arith.constant 0 : i32
        %eq3A_59 = arith.cmpi eq, %jit3A, %eq3A : i32
        %jit3A_60 = arith.constant 1 : i32
        %select_n3A = arith.select %eq3A_59, %jit3A_60, %jit3A : i32
        %rem3A = vector.broadcast %select_n3A : i32 to vector<16xi32>
        %rem3A_61 = arith.remsi %add3A_58, %rem3A : vector<16xi32>
        %ne3A = arith.constant 0 : i32
        %ne3A_62 = vector.broadcast %ne3A : i32 to vector<16xi32>
        %ne3A_63 = arith.cmpi ne, %rem3A_61, %ne3A_62 : vector<16xi32>
        %lt3A = arith.constant 0 : i32
        %lt3A_64 = vector.broadcast %lt3A : i32 to vector<16xi32>
        %lt3A_65 = arith.cmpi slt, %rem3A_61, %lt3A_64 : vector<16xi32>
        %lt3A_66 = arith.constant 0 : i32
        %lt3A_67 = arith.cmpi slt, %select_n3A, %lt3A_66 : i32
        %ne3A_68 = vector.broadcast %lt3A_67 : i1 to vector<16xi1>
        %ne3A_69 = vector.broadcast %ne3A_68 : vector<16xi1> to vector<16xi1>
        %ne3A_70 = arith.xori %lt3A_65, %ne3A_69 : vector<16xi1>
        %and3A = arith.andi %ne3A_70, %ne3A_63 : vector<16xi1>
        %add3A_71 = vector.broadcast %select_n3A : i32 to vector<16xi32>
        %add3A_72 = arith.addi %rem3A_61, %add3A_71 : vector<16xi32>
        %select_n3A_73 = arith.select %and3A, %add3A_72, %rem3A_61 : vector<16xi1>, vector<16xi32>
        %gather3A = tpu.vector_load_idx %arg11[%select_n3A_73] : memref<4032xf32, #tpu.memory_space<vmem>>[vector<16xi32>], vector<16xf32>,
        %sub3A = vector.broadcast %mul3A_2 : i32 to vector<16xi32>
        %sub3A_74 = arith.subi %get3A_53, %sub3A : vector<16xi32>
        %ge3A = arith.constant 0 : i32
        %ge3A_75 = vector.broadcast %ge3A : i32 to vector<16xi32>
        %ge3A_76 = arith.cmpi sge, %sub3A_74, %ge3A_75 : vector<16xi32>
        %lt3A_77 = arith.constant 320 : i32
        %lt3A_78 = vector.broadcast %lt3A_77 : i32 to vector<16xi32>
        %lt3A_79 = arith.cmpi slt, %sub3A_74, %lt3A_78 : vector<16xi32>
        %and3A_80 = arith.andi %ge3A_76, %lt3A_79 : vector<16xi1>
        %max3A = arith.constant 0 : i32
        %max3A_81 = vector.broadcast %max3A : i32 to vector<16xi32>
        %max3A_82 = arith.maxsi %sub3A_74, %max3A_81 : vector<16xi32>
        %min3A = arith.constant 319 : i32
        %min3A_83 = vector.broadcast %min3A : i32 to vector<16xi32>
        %min3A_84 = arith.minsi %max3A_82, %min3A_83 : vector<16xi32>
        %all_reduce_population_count3A = tpu.all_reduce %and3A_80 {dim = 0 : i64, kind = #tpu.reduction_kind<sum>} : vector<16xi1> -> vector<16xi32>
        %slice3A = vector.extract_strided_slice %all_reduce_population_count3A {offsets = [0], sizes = [1], strides = [1]} : vector<16xi32> to vector<1xi32>
        %squeeze3A = vector.extract %slice3A[0] : i32 from vector<1xi32>
        %le3A = arith.constant 12272 : i32
        %le3A_85 = arith.cmpi sle, %scan3A_48, %le3A : i32
        %convert_element_type3A = arith.extui %le3A_85 : i1 to i32
        %cond3A = arith.constant 0 : i32
        %cond3A_86 = arith.cmpi ne, %convert_element_type3A, %cond3A : i32
        scf.if %cond3A_86 {
          tpu.vector_store_idx %arg15[%min3A_84], %gather3A masked %and3A_80 {add = true} : memref<320xf32, #tpu.memory_space<vmem>>[vector<16xi32>], vector<16xf32>, vector<16xi1>
          %swap3A = arith.index_cast %scan3A_48 : i32 to index
          %swap3A_88 = tpu.vector_load %arg12[%swap3A] masked %and3A_80 {strides = array<i32>} : memref<12288xi32, #tpu.memory_space<vmem>>, vector<16xi32>, vector<16xi1>
          tpu.vector_store %arg12[%swap3A], %get3A_51 masked %and3A_80 {strides = array<i32>} : memref<12288xi32, #tpu.memory_space<vmem>>, vector<16xi32>, vector<16xi1>
          %swap3A_89 = arith.index_cast %scan3A_48 : i32 to index
          %swap3A_90 = tpu.vector_load %arg13[%swap3A_89] masked %and3A_80 {strides = array<i32>} : memref<12288xi32, #tpu.memory_space<vmem>>, vector<16xi32>, vector<16xi1>
          tpu.vector_store %arg13[%swap3A_89], %get3A_53 masked %and3A_80 {strides = array<i32>} : memref<12288xi32, #tpu.memory_space<vmem>>, vector<16xi32>, vector<16xi1>
          %swap3A_91 = arith.index_cast %scan3A_48 : i32 to index
          %swap3A_92 = tpu.vector_load %arg14[%swap3A_91] masked %and3A_80 {strides = array<i32>} : memref<12288xf32, #tpu.memory_space<vmem>>, vector<16xf32>, vector<16xi1>
          tpu.vector_store %arg14[%swap3A_91], %gather3A masked %and3A_80 {strides = array<i32>} : memref<12288xf32, #tpu.memory_space<vmem>>, vector<16xf32>, vector<16xi1>
        } else {
        }
        %add3A_87 = arith.addi %scan3A_48, %squeeze3A : i32
        scf.yield %add3A_87 : i32
      }
      %scan3A_46 = arith.constant 315 : i32
      scf.yield %scan3A_45 : i32
    }
    %scan3A_34 = arith.constant 64 : i32
    %mul3A_35 = arith.constant 12288 : i32
    %mul3A_36 = arith.muli %add3A, %mul3A_35 : i32
    "tpu.region"() ({
      %run_scoped3A = tpu.sem_alloc : memref<!tpu.dma_semaphore, #tpu.memory_space<semaphore_mem>>
      %dma_start3A = tpu.memref_slice %arg5[%mul3A_36] : memref<393216xi32, #tpu.memory_space<hbm>> -> memref<12288xi32, #tpu.memory_space<hbm>>
      %dma_start3A_37 = tpu.memref_slice %arg5[%mul3A_36] : memref<393216xi32, #tpu.memory_space<hbm>> -> memref<12288xi32, #tpu.memory_space<hbm>>
      tpu.enqueue_dma source(%arg12 : memref<12288xi32, #tpu.memory_space<vmem>>) target(%dma_start3A_37 : memref<12288xi32, #tpu.memory_space<hbm>>) target_semaphore(%run_scoped3A : memref<!tpu.dma_semaphore, #tpu.memory_space<semaphore_mem>>)
      %dma_wait3A = tpu.memref_slice %arg5[%mul3A_36] : memref<393216xi32, #tpu.memory_space<hbm>> -> memref<12288xi32, #tpu.memory_space<hbm>>
      %dma_wait3A_38 = tpu.memref_slice %arg5[%mul3A_36] : memref<393216xi32, #tpu.memory_space<hbm>> -> memref<12288xi32, #tpu.memory_space<hbm>>
      tpu.wait_dma2 semaphore(%run_scoped3A : memref<!tpu.dma_semaphore, #tpu.memory_space<semaphore_mem>>) src(%arg12 : memref<12288xi32, #tpu.memory_space<vmem>>) dst(%dma_wait3A_38 : memref<12288xi32, #tpu.memory_space<hbm>>)
      tpu.yield
    }) : () -> ()
    "tpu.region"() ({
      %run_scoped3A = tpu.sem_alloc : memref<!tpu.dma_semaphore, #tpu.memory_space<semaphore_mem>>
      %dma_start3A = tpu.memref_slice %arg6[%mul3A_36] : memref<393216xi32, #tpu.memory_space<hbm>> -> memref<12288xi32, #tpu.memory_space<hbm>>
      %dma_start3A_37 = tpu.memref_slice %arg6[%mul3A_36] : memref<393216xi32, #tpu.memory_space<hbm>> -> memref<12288xi32, #tpu.memory_space<hbm>>
      tpu.enqueue_dma source(%arg13 : memref<12288xi32, #tpu.memory_space<vmem>>) target(%dma_start3A_37 : memref<12288xi32, #tpu.memory_space<hbm>>) target_semaphore(%run_scoped3A : memref<!tpu.dma_semaphore, #tpu.memory_space<semaphore_mem>>)
      %dma_wait3A = tpu.memref_slice %arg6[%mul3A_36] : memref<393216xi32, #tpu.memory_space<hbm>> -> memref<12288xi32, #tpu.memory_space<hbm>>
      %dma_wait3A_38 = tpu.memref_slice %arg6[%mul3A_36] : memref<393216xi32, #tpu.memory_space<hbm>> -> memref<12288xi32, #tpu.memory_space<hbm>>
      tpu.wait_dma2 semaphore(%run_scoped3A : memref<!tpu.dma_semaphore, #tpu.memory_space<semaphore_mem>>) src(%arg13 : memref<12288xi32, #tpu.memory_space<vmem>>) dst(%dma_wait3A_38 : memref<12288xi32, #tpu.memory_space<hbm>>)
      tpu.yield
    }) : () -> ()
    "tpu.region"() ({
      %run_scoped3A = tpu.sem_alloc : memref<!tpu.dma_semaphore, #tpu.memory_space<semaphore_mem>>
      %dma_start3A = tpu.memref_slice %arg7[%mul3A_36] : memref<393216xf32, #tpu.memory_space<hbm>> -> memref<12288xf32, #tpu.memory_space<hbm>>
      %dma_start3A_37 = tpu.memref_slice %arg7[%mul3A_36] : memref<393216xf32, #tpu.memory_space<hbm>> -> memref<12288xf32, #tpu.memory_space<hbm>>
      tpu.enqueue_dma source(%arg14 : memref<12288xf32, #tpu.memory_space<vmem>>) target(%dma_start3A_37 : memref<12288xf32, #tpu.memory_space<hbm>>) target_semaphore(%run_scoped3A : memref<!tpu.dma_semaphore, #tpu.memory_space<semaphore_mem>>)
      %dma_wait3A = tpu.memref_slice %arg7[%mul3A_36] : memref<393216xf32, #tpu.memory_space<hbm>> -> memref<12288xf32, #tpu.memory_space<hbm>>
      %dma_wait3A_38 = tpu.memref_slice %arg7[%mul3A_36] : memref<393216xf32, #tpu.memory_space<hbm>> -> memref<12288xf32, #tpu.memory_space<hbm>>
      tpu.wait_dma2 semaphore(%run_scoped3A : memref<!tpu.dma_semaphore, #tpu.memory_space<semaphore_mem>>) src(%arg14 : memref<12288xf32, #tpu.memory_space<vmem>>) dst(%dma_wait3A_38 : memref<12288xf32, #tpu.memory_space<hbm>>)
      tpu.yield
    }) : () -> ()
    "tpu.region"() ({
      %run_scoped3A = tpu.sem_alloc : memref<!tpu.dma_semaphore, #tpu.memory_space<semaphore_mem>>
      %dma_start3A = tpu.memref_slice %arg8[%mul3A_2] : memref<10240xf32, #tpu.memory_space<hbm>> -> memref<320xf32, #tpu.memory_space<hbm>>
      %dma_start3A_37 = tpu.memref_slice %arg8[%mul3A_2] : memref<10240xf32, #tpu.memory_space<hbm>> -> memref<320xf32, #tpu.memory_space<hbm>>
      tpu.enqueue_dma source(%arg15 : memref<320xf32, #tpu.memory_space<vmem>>) target(%dma_start3A_37 : memref<320xf32, #tpu.memory_space<hbm>>) target_semaphore(%run_scoped3A : memref<!tpu.dma_semaphore, #tpu.memory_space<semaphore_mem>>)
      %dma_wait3A = tpu.memref_slice %arg8[%mul3A_2] : memref<10240xf32, #tpu.memory_space<hbm>> -> memref<320xf32, #tpu.memory_space<hbm>>
      %dma_wait3A_38 = tpu.memref_slice %arg8[%mul3A_2] : memref<10240xf32, #tpu.memory_space<hbm>> -> memref<320xf32, #tpu.memory_space<hbm>>
      tpu.wait_dma2 semaphore(%run_scoped3A : memref<!tpu.dma_semaphore, #tpu.memory_space<semaphore_mem>>) src(%arg15 : memref<320xf32, #tpu.memory_space<vmem>>) dst(%dma_wait3A_38 : memref<320xf32, #tpu.memory_space<hbm>>)
      tpu.yield
    }) : () -> ()
    return
  }
}

#map = affine_map<(d0, d1) -> (0)>
module attributes {stable_mosaic.version = 14 : i64} {
  func.func @_sc_normb_body(%arg0: i32, %arg1: i32, %arg2: memref<393216xi32, #tpu.memory_space<hbm>>, %arg3: memref<393216xi32, #tpu.memory_space<hbm>>, %arg4: memref<393216xf32, #tpu.memory_space<hbm>>, %arg5: memref<10240xf32, #tpu.memory_space<hbm>>, %arg6: memref<393216xf32, #tpu.memory_space<hbm>>, %arg7: memref<10240xf32, #tpu.memory_space<vmem>>, %arg8: memref<12288xi32, #tpu.memory_space<vmem>>, %arg9: memref<12288xi32, #tpu.memory_space<vmem>>, %arg10: memref<12288xf32, #tpu.memory_space<vmem>>, %arg11: memref<12288xf32, #tpu.memory_space<vmem>>) attributes {dimension_semantics = [#tpu.dimension_semantics<core_parallel>, #tpu.dimension_semantics<subcore_parallel>], iteration_bounds = array<i64: 2, 16>, scalar_prefetch = 0 : i64, scratch_operands = 5 : i64, tpu.core_type = #tpu.core_type<sc_vector_subcore>, window_params = [{transform_indices = #map}, {transform_indices = #map}, {transform_indices = #map}, {transform_indices = #map}, {transform_indices = #map}]} {
    %mul3A = arith.constant 2 : i32
    %mul3A_0 = arith.muli %arg1, %mul3A : i32
    %add3A = arith.addi %mul3A_0, %arg0 : i32
    %mul3A_1 = arith.constant 12288 : i32
    %mul3A_2 = arith.muli %add3A, %mul3A_1 : i32
    "tpu.region"() ({
      %run_scoped3A = tpu.sem_alloc : memref<!tpu.dma_semaphore, #tpu.memory_space<semaphore_mem>>
      tpu.enqueue_dma source(%arg5 : memref<10240xf32, #tpu.memory_space<hbm>>) target(%arg7 : memref<10240xf32, #tpu.memory_space<vmem>>) target_semaphore(%run_scoped3A : memref<!tpu.dma_semaphore, #tpu.memory_space<semaphore_mem>>)
      tpu.wait_dma2 semaphore(%run_scoped3A : memref<!tpu.dma_semaphore, #tpu.memory_space<semaphore_mem>>) src(%arg5 : memref<10240xf32, #tpu.memory_space<hbm>>) dst(%arg7 : memref<10240xf32, #tpu.memory_space<vmem>>)
      tpu.yield
    }) : () -> ()
    "tpu.region"() ({
      %run_scoped3A = tpu.sem_alloc : memref<!tpu.dma_semaphore, #tpu.memory_space<semaphore_mem>>
      %dma_start3A = tpu.memref_slice %arg2[%mul3A_2] : memref<393216xi32, #tpu.memory_space<hbm>> -> memref<12288xi32, #tpu.memory_space<hbm>>
      %dma_start3A_9 = tpu.memref_slice %arg2[%mul3A_2] : memref<393216xi32, #tpu.memory_space<hbm>> -> memref<12288xi32, #tpu.memory_space<hbm>>
      tpu.enqueue_dma source(%dma_start3A_9 : memref<12288xi32, #tpu.memory_space<hbm>>) target(%arg8 : memref<12288xi32, #tpu.memory_space<vmem>>) target_semaphore(%run_scoped3A : memref<!tpu.dma_semaphore, #tpu.memory_space<semaphore_mem>>)
      %dma_wait3A = tpu.memref_slice %arg2[%mul3A_2] : memref<393216xi32, #tpu.memory_space<hbm>> -> memref<12288xi32, #tpu.memory_space<hbm>>
      %dma_wait3A_10 = tpu.memref_slice %arg2[%mul3A_2] : memref<393216xi32, #tpu.memory_space<hbm>> -> memref<12288xi32, #tpu.memory_space<hbm>>
      tpu.wait_dma2 semaphore(%run_scoped3A : memref<!tpu.dma_semaphore, #tpu.memory_space<semaphore_mem>>) src(%dma_wait3A_10 : memref<12288xi32, #tpu.memory_space<hbm>>) dst(%arg8 : memref<12288xi32, #tpu.memory_space<vmem>>)
      tpu.yield
    }) : () -> ()
    "tpu.region"() ({
      %run_scoped3A = tpu.sem_alloc : memref<!tpu.dma_semaphore, #tpu.memory_space<semaphore_mem>>
      %dma_start3A = tpu.memref_slice %arg3[%mul3A_2] : memref<393216xi32, #tpu.memory_space<hbm>> -> memref<12288xi32, #tpu.memory_space<hbm>>
      %dma_start3A_9 = tpu.memref_slice %arg3[%mul3A_2] : memref<393216xi32, #tpu.memory_space<hbm>> -> memref<12288xi32, #tpu.memory_space<hbm>>
      tpu.enqueue_dma source(%dma_start3A_9 : memref<12288xi32, #tpu.memory_space<hbm>>) target(%arg9 : memref<12288xi32, #tpu.memory_space<vmem>>) target_semaphore(%run_scoped3A : memref<!tpu.dma_semaphore, #tpu.memory_space<semaphore_mem>>)
      %dma_wait3A = tpu.memref_slice %arg3[%mul3A_2] : memref<393216xi32, #tpu.memory_space<hbm>> -> memref<12288xi32, #tpu.memory_space<hbm>>
      %dma_wait3A_10 = tpu.memref_slice %arg3[%mul3A_2] : memref<393216xi32, #tpu.memory_space<hbm>> -> memref<12288xi32, #tpu.memory_space<hbm>>
      tpu.wait_dma2 semaphore(%run_scoped3A : memref<!tpu.dma_semaphore, #tpu.memory_space<semaphore_mem>>) src(%dma_wait3A_10 : memref<12288xi32, #tpu.memory_space<hbm>>) dst(%arg9 : memref<12288xi32, #tpu.memory_space<vmem>>)
      tpu.yield
    }) : () -> ()
    "tpu.region"() ({
      %run_scoped3A = tpu.sem_alloc : memref<!tpu.dma_semaphore, #tpu.memory_space<semaphore_mem>>
      %dma_start3A = tpu.memref_slice %arg4[%mul3A_2] : memref<393216xf32, #tpu.memory_space<hbm>> -> memref<12288xf32, #tpu.memory_space<hbm>>
      %dma_start3A_9 = tpu.memref_slice %arg4[%mul3A_2] : memref<393216xf32, #tpu.memory_space<hbm>> -> memref<12288xf32, #tpu.memory_space<hbm>>
      tpu.enqueue_dma source(%dma_start3A_9 : memref<12288xf32, #tpu.memory_space<hbm>>) target(%arg10 : memref<12288xf32, #tpu.memory_space<vmem>>) target_semaphore(%run_scoped3A : memref<!tpu.dma_semaphore, #tpu.memory_space<semaphore_mem>>)
      %dma_wait3A = tpu.memref_slice %arg4[%mul3A_2] : memref<393216xf32, #tpu.memory_space<hbm>> -> memref<12288xf32, #tpu.memory_space<hbm>>
      %dma_wait3A_10 = tpu.memref_slice %arg4[%mul3A_2] : memref<393216xf32, #tpu.memory_space<hbm>> -> memref<12288xf32, #tpu.memory_space<hbm>>
      tpu.wait_dma2 semaphore(%run_scoped3A : memref<!tpu.dma_semaphore, #tpu.memory_space<semaphore_mem>>) src(%dma_wait3A_10 : memref<12288xf32, #tpu.memory_space<hbm>>) dst(%arg10 : memref<12288xf32, #tpu.memory_space<vmem>>)
      tpu.yield
    }) : () -> ()
    %scan3A = arith.constant 0 : i32
    %scan3A_3 = arith.constant 0 : i32
    %scan3A_4 = arith.constant 768 : i32
    %scan3A_5 = arith.addi %scan3A_3, %scan3A_4 : i32
    %scan3A_6 = arith.constant 1 : i32
    %scan3A_7 = scf.for %scan3A_9 = %scan3A_3 to %scan3A_5 step %scan3A_6 iter_args(%scan3A_10 = %scan3A) -> (i32)  : i32 {
      %mul3A_11 = arith.constant 16 : i32
      %mul3A_12 = arith.muli %scan3A_9, %mul3A_11 : i32
      %get3A = arith.index_cast %mul3A_12 : i32 to index
      %get3A_13 = tpu.vector_load %arg8[%get3A] {strides = array<i32>} : memref<12288xi32, #tpu.memory_space<vmem>>, vector<16xi32>,
      %gather3A = tpu.vector_load_idx %arg7[%get3A_13] : memref<10240xf32, #tpu.memory_space<vmem>>[vector<16xi32>], vector<16xf32>,
      %get3A_14 = arith.index_cast %mul3A_12 : i32 to index
      %get3A_15 = tpu.vector_load %arg9[%get3A_14] {strides = array<i32>} : memref<12288xi32, #tpu.memory_space<vmem>>, vector<16xi32>,
      %gather3A_16 = tpu.vector_load_idx %arg7[%get3A_15] : memref<10240xf32, #tpu.memory_space<vmem>>[vector<16xi32>], vector<16xf32>,
      %get3A_17 = arith.index_cast %mul3A_12 : i32 to index
      %get3A_18 = tpu.vector_load %arg10[%get3A_17] {strides = array<i32>} : memref<12288xf32, #tpu.memory_space<vmem>>, vector<16xf32>,
      %mul3A_19 = arith.mulf %gather3A, %get3A_18 : vector<16xf32>
      %mul3A_20 = arith.mulf %mul3A_19, %gather3A_16 : vector<16xf32>
      %swap3A = arith.index_cast %mul3A_12 : i32 to index
      %swap3A_21 = tpu.vector_load %arg11[%swap3A] {strides = array<i32>} : memref<12288xf32, #tpu.memory_space<vmem>>, vector<16xf32>,
      tpu.vector_store %arg11[%swap3A], %mul3A_20 {strides = array<i32>} : memref<12288xf32, #tpu.memory_space<vmem>>, vector<16xf32>,
      %scan3A_22 = arith.constant 0 : i32
      scf.yield %scan3A_22 : i32
    }
    %scan3A_8 = arith.constant 768 : i32
    "tpu.region"() ({
      %run_scoped3A = tpu.sem_alloc : memref<!tpu.dma_semaphore, #tpu.memory_space<semaphore_mem>>
      %dma_start3A = tpu.memref_slice %arg6[%mul3A_2] : memref<393216xf32, #tpu.memory_space<hbm>> -> memref<12288xf32, #tpu.memory_space<hbm>>
      %dma_start3A_9 = tpu.memref_slice %arg6[%mul3A_2] : memref<393216xf32, #tpu.memory_space<hbm>> -> memref<12288xf32, #tpu.memory_space<hbm>>
      tpu.enqueue_dma source(%arg11 : memref<12288xf32, #tpu.memory_space<vmem>>) target(%dma_start3A_9 : memref<12288xf32, #tpu.memory_space<hbm>>) target_semaphore(%run_scoped3A : memref<!tpu.dma_semaphore, #tpu.memory_space<semaphore_mem>>)
      %dma_wait3A = tpu.memref_slice %arg6[%mul3A_2] : memref<393216xf32, #tpu.memory_space<hbm>> -> memref<12288xf32, #tpu.memory_space<hbm>>
      %dma_wait3A_10 = tpu.memref_slice %arg6[%mul3A_2] : memref<393216xf32, #tpu.memory_space<hbm>> -> memref<12288xf32, #tpu.memory_space<hbm>>
      tpu.wait_dma2 semaphore(%run_scoped3A : memref<!tpu.dma_semaphore, #tpu.memory_space<semaphore_mem>>) src(%arg11 : memref<12288xf32, #tpu.memory_space<vmem>>) dst(%dma_wait3A_10 : memref<12288xf32, #tpu.memory_space<hbm>>)
      tpu.yield
    }) : () -> ()
    return
  }
}

#map = affine_map<(d0, d1) -> (0, 0)>
#map1 = affine_map<(d0, d1) -> (0)>
module attributes {stable_mosaic.version = 14 : i64} {
  func.func @_sc_hop128_body(%arg0: i32, %arg1: i32, %arg2: memref<10240x128xf32, #tpu.memory_space<hbm>>, %arg3: memref<393216xi32, #tpu.memory_space<hbm>>, %arg4: memref<393216xf32, #tpu.memory_space<hbm>>, %arg5: memref<393216xi32, #tpu.memory_space<hbm>>, %arg6: memref<10240x128xf32, #tpu.memory_space<hbm>>, %arg7: memref<320x128xf32, #tpu.memory_space<vmem>>, %arg8: memref<256x128xf32, #tpu.memory_space<vmem>>, %arg9: memref<12288xi32, #tpu.memory_space<vmem>>, %arg10: memref<12288xi32, #tpu.memory_space<vmem>>, %arg11: memref<12288xf32, #tpu.memory_space<vmem>>, %arg12: memref<!tpu.dma_semaphore, #tpu.memory_space<semaphore_mem>>) attributes {dimension_semantics = [#tpu.dimension_semantics<core_parallel>, #tpu.dimension_semantics<subcore_parallel>], iteration_bounds = array<i64: 2, 16>, scalar_prefetch = 0 : i64, scratch_operands = 6 : i64, tpu.core_type = #tpu.core_type<sc_vector_subcore>, window_params = [{transform_indices = #map}, {transform_indices = #map1}, {transform_indices = #map1}, {transform_indices = #map1}, {transform_indices = #map}]} {
    %mul3A = arith.constant 2 : i32
    %mul3A_0 = arith.muli %arg1, %mul3A : i32
    %add3A = arith.addi %mul3A_0, %arg0 : i32
    %mul3A_1 = arith.constant 320 : i32
    %mul3A_2 = arith.muli %add3A, %mul3A_1 : i32
    %mul3A_3 = arith.constant 12288 : i32
    %mul3A_4 = arith.muli %add3A, %mul3A_3 : i32
    "tpu.region"() ({
      %run_scoped3A = tpu.sem_alloc : memref<!tpu.dma_semaphore, #tpu.memory_space<semaphore_mem>>
      %dma_start3A = tpu.memref_slice %arg3[%mul3A_4] : memref<393216xi32, #tpu.memory_space<hbm>> -> memref<12288xi32, #tpu.memory_space<hbm>>
      %dma_start3A_18 = tpu.memref_slice %arg3[%mul3A_4] : memref<393216xi32, #tpu.memory_space<hbm>> -> memref<12288xi32, #tpu.memory_space<hbm>>
      tpu.enqueue_dma source(%dma_start3A_18 : memref<12288xi32, #tpu.memory_space<hbm>>) target(%arg9 : memref<12288xi32, #tpu.memory_space<vmem>>) target_semaphore(%run_scoped3A : memref<!tpu.dma_semaphore, #tpu.memory_space<semaphore_mem>>)
      %dma_wait3A = tpu.memref_slice %arg3[%mul3A_4] : memref<393216xi32, #tpu.memory_space<hbm>> -> memref<12288xi32, #tpu.memory_space<hbm>>
      %dma_wait3A_19 = tpu.memref_slice %arg3[%mul3A_4] : memref<393216xi32, #tpu.memory_space<hbm>> -> memref<12288xi32, #tpu.memory_space<hbm>>
      tpu.wait_dma2 semaphore(%run_scoped3A : memref<!tpu.dma_semaphore, #tpu.memory_space<semaphore_mem>>) src(%dma_wait3A_19 : memref<12288xi32, #tpu.memory_space<hbm>>) dst(%arg9 : memref<12288xi32, #tpu.memory_space<vmem>>)
      tpu.yield
    }) : () -> ()
    "tpu.region"() ({
      %run_scoped3A = tpu.sem_alloc : memref<!tpu.dma_semaphore, #tpu.memory_space<semaphore_mem>>
      %dma_start3A = tpu.memref_slice %arg5[%mul3A_4] : memref<393216xi32, #tpu.memory_space<hbm>> -> memref<12288xi32, #tpu.memory_space<hbm>>
      %dma_start3A_18 = tpu.memref_slice %arg5[%mul3A_4] : memref<393216xi32, #tpu.memory_space<hbm>> -> memref<12288xi32, #tpu.memory_space<hbm>>
      tpu.enqueue_dma source(%dma_start3A_18 : memref<12288xi32, #tpu.memory_space<hbm>>) target(%arg10 : memref<12288xi32, #tpu.memory_space<vmem>>) target_semaphore(%run_scoped3A : memref<!tpu.dma_semaphore, #tpu.memory_space<semaphore_mem>>)
      %dma_wait3A = tpu.memref_slice %arg5[%mul3A_4] : memref<393216xi32, #tpu.memory_space<hbm>> -> memref<12288xi32, #tpu.memory_space<hbm>>
      %dma_wait3A_19 = tpu.memref_slice %arg5[%mul3A_4] : memref<393216xi32, #tpu.memory_space<hbm>> -> memref<12288xi32, #tpu.memory_space<hbm>>
      tpu.wait_dma2 semaphore(%run_scoped3A : memref<!tpu.dma_semaphore, #tpu.memory_space<semaphore_mem>>) src(%dma_wait3A_19 : memref<12288xi32, #tpu.memory_space<hbm>>) dst(%arg10 : memref<12288xi32, #tpu.memory_space<vmem>>)
      tpu.yield
    }) : () -> ()
    "tpu.region"() ({
      %run_scoped3A = tpu.sem_alloc : memref<!tpu.dma_semaphore, #tpu.memory_space<semaphore_mem>>
      %dma_start3A = tpu.memref_slice %arg4[%mul3A_4] : memref<393216xf32, #tpu.memory_space<hbm>> -> memref<12288xf32, #tpu.memory_space<hbm>>
      %dma_start3A_18 = tpu.memref_slice %arg4[%mul3A_4] : memref<393216xf32, #tpu.memory_space<hbm>> -> memref<12288xf32, #tpu.memory_space<hbm>>
      tpu.enqueue_dma source(%dma_start3A_18 : memref<12288xf32, #tpu.memory_space<hbm>>) target(%arg11 : memref<12288xf32, #tpu.memory_space<vmem>>) target_semaphore(%run_scoped3A : memref<!tpu.dma_semaphore, #tpu.memory_space<semaphore_mem>>)
      %dma_wait3A = tpu.memref_slice %arg4[%mul3A_4] : memref<393216xf32, #tpu.memory_space<hbm>> -> memref<12288xf32, #tpu.memory_space<hbm>>
      %dma_wait3A_19 = tpu.memref_slice %arg4[%mul3A_4] : memref<393216xf32, #tpu.memory_space<hbm>> -> memref<12288xf32, #tpu.memory_space<hbm>>
      tpu.wait_dma2 semaphore(%run_scoped3A : memref<!tpu.dma_semaphore, #tpu.memory_space<semaphore_mem>>) src(%dma_wait3A_19 : memref<12288xf32, #tpu.memory_space<hbm>>) dst(%arg11 : memref<12288xf32, #tpu.memory_space<vmem>>)
      tpu.yield
    }) : () -> ()
    %scan3A = arith.constant 0 : i32
    %scan3A_5 = arith.constant 0 : i32
    %scan3A_6 = arith.constant 320 : i32
    %scan3A_7 = arith.addi %scan3A_5, %scan3A_6 : i32
    %scan3A_8 = arith.constant 1 : i32
    %scan3A_9 = scf.for %scan3A_18 = %scan3A_5 to %scan3A_7 step %scan3A_8 iter_args(%scan3A_19 = %scan3A) -> (i32)  : i32 {
      %broadcast_in_dim3A = arith.constant 0.000000e+00 : f32
      %broadcast_in_dim3A_20 = vector.broadcast %broadcast_in_dim3A : f32 to vector<16xf32>
      %swap3A = arith.index_cast %scan3A_18 : i32 to index
      %swap3A_21 = arith.constant 0 : index
      %swap3A_22 = tpu.vector_load %arg7[%swap3A, %swap3A_21] {strides = array<i32>} : memref<320x128xf32, #tpu.memory_space<vmem>>, vector<16xf32>,
      tpu.vector_store %arg7[%swap3A, %swap3A_21], %broadcast_in_dim3A_20 {strides = array<i32>} : memref<320x128xf32, #tpu.memory_space<vmem>>, vector<16xf32>,
      %broadcast_in_dim3A_23 = arith.constant 0.000000e+00 : f32
      %broadcast_in_dim3A_24 = vector.broadcast %broadcast_in_dim3A_23 : f32 to vector<16xf32>
      %swap3A_25 = arith.index_cast %scan3A_18 : i32 to index
      %swap3A_26 = arith.constant 16 : index
      %swap3A_27 = tpu.vector_load %arg7[%swap3A_25, %swap3A_26] {strides = array<i32>} : memref<320x128xf32, #tpu.memory_space<vmem>>, vector<16xf32>,
      tpu.vector_store %arg7[%swap3A_25, %swap3A_26], %broadcast_in_dim3A_24 {strides = array<i32>} : memref<320x128xf32, #tpu.memory_space<vmem>>, vector<16xf32>,
      %broadcast_in_dim3A_28 = arith.constant 0.000000e+00 : f32
      %broadcast_in_dim3A_29 = vector.broadcast %broadcast_in_dim3A_28 : f32 to vector<16xf32>
      %swap3A_30 = arith.index_cast %scan3A_18 : i32 to index
      %swap3A_31 = arith.constant 32 : index
      %swap3A_32 = tpu.vector_load %arg7[%swap3A_30, %swap3A_31] {strides = array<i32>} : memref<320x128xf32, #tpu.memory_space<vmem>>, vector<16xf32>,
      tpu.vector_store %arg7[%swap3A_30, %swap3A_31], %broadcast_in_dim3A_29 {strides = array<i32>} : memref<320x128xf32, #tpu.memory_space<vmem>>, vector<16xf32>,
      %broadcast_in_dim3A_33 = arith.constant 0.000000e+00 : f32
      %broadcast_in_dim3A_34 = vector.broadcast %broadcast_in_dim3A_33 : f32 to vector<16xf32>
      %swap3A_35 = arith.index_cast %scan3A_18 : i32 to index
      %swap3A_36 = arith.constant 48 : index
      %swap3A_37 = tpu.vector_load %arg7[%swap3A_35, %swap3A_36] {strides = array<i32>} : memref<320x128xf32, #tpu.memory_space<vmem>>, vector<16xf32>,
      tpu.vector_store %arg7[%swap3A_35, %swap3A_36], %broadcast_in_dim3A_34 {strides = array<i32>} : memref<320x128xf32, #tpu.memory_space<vmem>>, vector<16xf32>,
      %broadcast_in_dim3A_38 = arith.constant 0.000000e+00 : f32
      %broadcast_in_dim3A_39 = vector.broadcast %broadcast_in_dim3A_38 : f32 to vector<16xf32>
      %swap3A_40 = arith.index_cast %scan3A_18 : i32 to index
      %swap3A_41 = arith.constant 64 : index
      %swap3A_42 = tpu.vector_load %arg7[%swap3A_40, %swap3A_41] {strides = array<i32>} : memref<320x128xf32, #tpu.memory_space<vmem>>, vector<16xf32>,
      tpu.vector_store %arg7[%swap3A_40, %swap3A_41], %broadcast_in_dim3A_39 {strides = array<i32>} : memref<320x128xf32, #tpu.memory_space<vmem>>, vector<16xf32>,
      %broadcast_in_dim3A_43 = arith.constant 0.000000e+00 : f32
      %broadcast_in_dim3A_44 = vector.broadcast %broadcast_in_dim3A_43 : f32 to vector<16xf32>
      %swap3A_45 = arith.index_cast %scan3A_18 : i32 to index
      %swap3A_46 = arith.constant 80 : index
      %swap3A_47 = tpu.vector_load %arg7[%swap3A_45, %swap3A_46] {strides = array<i32>} : memref<320x128xf32, #tpu.memory_space<vmem>>, vector<16xf32>,
      tpu.vector_store %arg7[%swap3A_45, %swap3A_46], %broadcast_in_dim3A_44 {strides = array<i32>} : memref<320x128xf32, #tpu.memory_space<vmem>>, vector<16xf32>,
      %broadcast_in_dim3A_48 = arith.constant 0.000000e+00 : f32
      %broadcast_in_dim3A_49 = vector.broadcast %broadcast_in_dim3A_48 : f32 to vector<16xf32>
      %swap3A_50 = arith.index_cast %scan3A_18 : i32 to index
      %swap3A_51 = arith.constant 96 : index
      %swap3A_52 = tpu.vector_load %arg7[%swap3A_50, %swap3A_51] {strides = array<i32>} : memref<320x128xf32, #tpu.memory_space<vmem>>, vector<16xf32>,
      tpu.vector_store %arg7[%swap3A_50, %swap3A_51], %broadcast_in_dim3A_49 {strides = array<i32>} : memref<320x128xf32, #tpu.memory_space<vmem>>, vector<16xf32>,
      %broadcast_in_dim3A_53 = arith.constant 0.000000e+00 : f32
      %broadcast_in_dim3A_54 = vector.broadcast %broadcast_in_dim3A_53 : f32 to vector<16xf32>
      %swap3A_55 = arith.index_cast %scan3A_18 : i32 to index
      %swap3A_56 = arith.constant 112 : index
      %swap3A_57 = tpu.vector_load %arg7[%swap3A_55, %swap3A_56] {strides = array<i32>} : memref<320x128xf32, #tpu.memory_space<vmem>>, vector<16xf32>,
      tpu.vector_store %arg7[%swap3A_55, %swap3A_56], %broadcast_in_dim3A_54 {strides = array<i32>} : memref<320x128xf32, #tpu.memory_space<vmem>>, vector<16xf32>,
      %scan3A_58 = arith.constant 0 : i32
      scf.yield %scan3A_58 : i32
    }
    %scan3A_10 = arith.constant 320 : i32
    %scan3A_11 = arith.constant 0 : i32
    %scan3A_12 = arith.constant 0 : i32
    %scan3A_13 = arith.constant 48 : i32
    %scan3A_14 = arith.addi %scan3A_12, %scan3A_13 : i32
    %scan3A_15 = arith.constant 1 : i32
    %scan3A_16 = scf.for %scan3A_18 = %scan3A_12 to %scan3A_14 step %scan3A_15 iter_args(%scan3A_19 = %scan3A_11) -> (i32)  : i32 {
      %mul3A_20 = arith.constant 2 : i32
      %mul3A_21 = arith.muli %scan3A_18, %mul3A_20 : i32
      %mul3A_22 = arith.constant 128 : i32
      %mul3A_23 = arith.muli %mul3A_21, %mul3A_22 : i32
      %add3A_24 = arith.constant 0 : i32
      %add3A_25 = arith.addi %mul3A_23, %add3A_24 : i32
      %dma_start3A = arith.constant 0 : i32
      %dma_start3A_26 = arith.constant 0 : i32
      %dma_start3A_27 = tpu.memref_slice %arg8[%dma_start3A, %dma_start3A_26] : memref<256x128xf32, #tpu.memory_space<vmem>> -> memref<128x128xf32, #tpu.memory_space<vmem>>
      %dma_start3A_28 = tpu.memref_slice %arg9[%add3A_25] : memref<12288xi32, #tpu.memory_space<vmem>> -> memref<128xi32, #tpu.memory_space<vmem>>
      %dma_start3A_29 = arith.constant 0 : i32
      %dma_start3A_30 = arith.constant 0 : i32
      %dma_start3A_31 = tpu.memref_slice %arg2[%dma_start3A_29, %dma_start3A_30] : memref<10240x128xf32, #tpu.memory_space<hbm>> -> memref<10240x128xf32, #tpu.memory_space<hbm>>
      tpu.enqueue_indirect_dma source(%dma_start3A_31 : memref<10240x128xf32, #tpu.memory_space<hbm>>) target(%dma_start3A_27 : memref<128x128xf32, #tpu.memory_space<vmem>>) offsets(%dma_start3A_28 : memref<128xi32, #tpu.memory_space<vmem>>) semaphore(%arg12 : memref<!tpu.dma_semaphore, #tpu.memory_space<semaphore_mem>>)
      %add3A_32 = arith.constant 128 : i32
      %add3A_33 = arith.addi %mul3A_23, %add3A_32 : i32
      %dma_start3A_34 = arith.constant 128 : i32
      %dma_start3A_35 = arith.constant 0 : i32
      %dma_start3A_36 = tpu.memref_slice %arg8[%dma_start3A_34, %dma_start3A_35] : memref<256x128xf32, #tpu.memory_space<vmem>> -> memref<128x128xf32, #tpu.memory_space<vmem>>
      %dma_start3A_37 = tpu.memref_slice %arg9[%add3A_33] : memref<12288xi32, #tpu.memory_space<vmem>> -> memref<128xi32, #tpu.memory_space<vmem>>
      %dma_start3A_38 = arith.constant 0 : i32
      %dma_start3A_39 = arith.constant 0 : i32
      %dma_start3A_40 = tpu.memref_slice %arg2[%dma_start3A_38, %dma_start3A_39] : memref<10240x128xf32, #tpu.memory_space<hbm>> -> memref<10240x128xf32, #tpu.memory_space<hbm>>
      tpu.enqueue_indirect_dma source(%dma_start3A_40 : memref<10240x128xf32, #tpu.memory_space<hbm>>) target(%dma_start3A_36 : memref<128x128xf32, #tpu.memory_space<vmem>>) offsets(%dma_start3A_37 : memref<128xi32, #tpu.memory_space<vmem>>) semaphore(%arg12 : memref<!tpu.dma_semaphore, #tpu.memory_space<semaphore_mem>>)
      %dma_wait3A = arith.constant 0 : i32
      %dma_wait3A_41 = arith.constant 0 : i32
      %dma_wait3A_42 = tpu.memref_slice %arg8[%dma_wait3A, %dma_wait3A_41] : memref<256x128xf32, #tpu.memory_space<vmem>> -> memref<128x128xf32, #tpu.memory_space<vmem>>
      %dma_wait3A_43 = tpu.memref_slice %arg9[%add3A_25] : memref<12288xi32, #tpu.memory_space<vmem>> -> memref<128xi32, #tpu.memory_space<vmem>>
      %dma_wait3A_44 = arith.constant 0 : i32
      %dma_wait3A_45 = arith.constant 0 : i32
      %dma_wait3A_46 = tpu.memref_slice %arg2[%dma_wait3A_44, %dma_wait3A_45] : memref<10240x128xf32, #tpu.memory_space<hbm>> -> memref<10240x128xf32, #tpu.memory_space<hbm>>
      tpu.wait_indirect_dma semaphore(%arg12 : memref<!tpu.dma_semaphore, #tpu.memory_space<semaphore_mem>>) src(%dma_wait3A_46 : memref<10240x128xf32, #tpu.memory_space<hbm>>) dst(%dma_wait3A_42 : memref<128x128xf32, #tpu.memory_space<vmem>>)
      %dma_wait3A_47 = arith.constant 128 : i32
      %dma_wait3A_48 = arith.constant 0 : i32
      %dma_wait3A_49 = tpu.memref_slice %arg8[%dma_wait3A_47, %dma_wait3A_48] : memref<256x128xf32, #tpu.memory_space<vmem>> -> memref<128x128xf32, #tpu.memory_space<vmem>>
      %dma_wait3A_50 = tpu.memref_slice %arg9[%add3A_33] : memref<12288xi32, #tpu.memory_space<vmem>> -> memref<128xi32, #tpu.memory_space<vmem>>
      %dma_wait3A_51 = arith.constant 0 : i32
      %dma_wait3A_52 = arith.constant 0 : i32
      %dma_wait3A_53 = tpu.memref_slice %arg2[%dma_wait3A_51, %dma_wait3A_52] : memref<10240x128xf32, #tpu.memory_space<hbm>> -> memref<10240x128xf32, #tpu.memory_space<hbm>>
      tpu.wait_indirect_dma semaphore(%arg12 : memref<!tpu.dma_semaphore, #tpu.memory_space<semaphore_mem>>) src(%dma_wait3A_53 : memref<10240x128xf32, #tpu.memory_space<hbm>>) dst(%dma_wait3A_49 : memref<128x128xf32, #tpu.memory_space<vmem>>)
      %scan3A_54 = arith.constant 0 : i32
      %scan3A_55 = arith.constant 0 : i32
      %scan3A_56 = arith.constant 256 : i32
      %scan3A_57 = arith.addi %scan3A_55, %scan3A_56 : i32
      %scan3A_58 = arith.constant 1 : i32
      %scan3A_59 = scf.for %scan3A_62 = %scan3A_55 to %scan3A_57 step %scan3A_58 iter_args(%scan3A_63 = %scan3A_54) -> (i32)  : i32 {
        %add3A_64 = arith.addi %mul3A_23, %scan3A_62 : i32
        %get3A = arith.index_cast %add3A_64 : i32 to index
        %get3A_65 = tpu.vector_load %arg11[%get3A] {strides = array<i32>} : memref<12288xf32, #tpu.memory_space<vmem>>, vector<16xf32>,
        %slice3A = vector.extract_strided_slice %get3A_65 {offsets = [0], sizes = [1], strides = [1]} : vector<16xf32> to vector<1xf32>
        %squeeze3A = vector.extract %slice3A[0] : f32 from vector<1xf32>
        %add3A_66 = arith.addi %mul3A_23, %scan3A_62 : i32
        %get3A_67 = arith.index_cast %add3A_66 : i32 to index
        %get3A_68 = tpu.vector_load %arg10[%get3A_67] {strides = array<i32>} : memref<12288xi32, #tpu.memory_space<vmem>>, vector<16xi32>,
        %slice3A_69 = vector.extract_strided_slice %get3A_68 {offsets = [0], sizes = [1], strides = [1]} : vector<16xi32> to vector<1xi32>
        %squeeze3A_70 = vector.extract %slice3A_69[0] : i32 from vector<1xi32>
        %sub3A = arith.subi %squeeze3A_70, %mul3A_2 : i32
        %max3A = arith.constant 0 : i32
        %max3A_71 = arith.maxsi %sub3A, %max3A : i32
        %min3A = arith.constant 319 : i32
        %min3A_72 = arith.minsi %max3A_71, %min3A : i32
        %broadcast_in_dim3A = vector.broadcast %squeeze3A : f32 to vector<16xf32>
        %get3A_73 = arith.index_cast %min3A_72 : i32 to index
        %get3A_74 = arith.constant 0 : index
        %get3A_75 = tpu.vector_load %arg7[%get3A_73, %get3A_74] {strides = array<i32>} : memref<320x128xf32, #tpu.memory_space<vmem>>, vector<16xf32>,
        %get3A_76 = arith.index_cast %scan3A_62 : i32 to index
        %get3A_77 = arith.constant 0 : index
        %get3A_78 = tpu.vector_load %arg8[%get3A_76, %get3A_77] {strides = array<i32>} : memref<256x128xf32, #tpu.memory_space<vmem>>, vector<16xf32>,
        %mul3A_79 = arith.mulf %get3A_78, %broadcast_in_dim3A : vector<16xf32>
        %add3A_80 = arith.addf %get3A_75, %mul3A_79 : vector<16xf32>
        %swap3A = arith.index_cast %min3A_72 : i32 to index
        %swap3A_81 = arith.constant 0 : index
        %swap3A_82 = tpu.vector_load %arg7[%swap3A, %swap3A_81] {strides = array<i32>} : memref<320x128xf32, #tpu.memory_space<vmem>>, vector<16xf32>,
        tpu.vector_store %arg7[%swap3A, %swap3A_81], %add3A_80 {strides = array<i32>} : memref<320x128xf32, #tpu.memory_space<vmem>>, vector<16xf32>,
        %get3A_83 = arith.index_cast %min3A_72 : i32 to index
        %get3A_84 = arith.constant 16 : index
        %get3A_85 = tpu.vector_load %arg7[%get3A_83, %get3A_84] {strides = array<i32>} : memref<320x128xf32, #tpu.memory_space<vmem>>, vector<16xf32>,
        %get3A_86 = arith.index_cast %scan3A_62 : i32 to index
        %get3A_87 = arith.constant 16 : index
        %get3A_88 = tpu.vector_load %arg8[%get3A_86, %get3A_87] {strides = array<i32>} : memref<256x128xf32, #tpu.memory_space<vmem>>, vector<16xf32>,
        %mul3A_89 = arith.mulf %get3A_88, %broadcast_in_dim3A : vector<16xf32>
        %add3A_90 = arith.addf %get3A_85, %mul3A_89 : vector<16xf32>
        %swap3A_91 = arith.index_cast %min3A_72 : i32 to index
        %swap3A_92 = arith.constant 16 : index
        %swap3A_93 = tpu.vector_load %arg7[%swap3A_91, %swap3A_92] {strides = array<i32>} : memref<320x128xf32, #tpu.memory_space<vmem>>, vector<16xf32>,
        tpu.vector_store %arg7[%swap3A_91, %swap3A_92], %add3A_90 {strides = array<i32>} : memref<320x128xf32, #tpu.memory_space<vmem>>, vector<16xf32>,
        %get3A_94 = arith.index_cast %min3A_72 : i32 to index
        %get3A_95 = arith.constant 32 : index
        %get3A_96 = tpu.vector_load %arg7[%get3A_94, %get3A_95] {strides = array<i32>} : memref<320x128xf32, #tpu.memory_space<vmem>>, vector<16xf32>,
        %get3A_97 = arith.index_cast %scan3A_62 : i32 to index
        %get3A_98 = arith.constant 32 : index
        %get3A_99 = tpu.vector_load %arg8[%get3A_97, %get3A_98] {strides = array<i32>} : memref<256x128xf32, #tpu.memory_space<vmem>>, vector<16xf32>,
        %mul3A_100 = arith.mulf %get3A_99, %broadcast_in_dim3A : vector<16xf32>
        %add3A_101 = arith.addf %get3A_96, %mul3A_100 : vector<16xf32>
        %swap3A_102 = arith.index_cast %min3A_72 : i32 to index
        %swap3A_103 = arith.constant 32 : index
        %swap3A_104 = tpu.vector_load %arg7[%swap3A_102, %swap3A_103] {strides = array<i32>} : memref<320x128xf32, #tpu.memory_space<vmem>>, vector<16xf32>,
        tpu.vector_store %arg7[%swap3A_102, %swap3A_103], %add3A_101 {strides = array<i32>} : memref<320x128xf32, #tpu.memory_space<vmem>>, vector<16xf32>,
        %get3A_105 = arith.index_cast %min3A_72 : i32 to index
        %get3A_106 = arith.constant 48 : index
        %get3A_107 = tpu.vector_load %arg7[%get3A_105, %get3A_106] {strides = array<i32>} : memref<320x128xf32, #tpu.memory_space<vmem>>, vector<16xf32>,
        %get3A_108 = arith.index_cast %scan3A_62 : i32 to index
        %get3A_109 = arith.constant 48 : index
        %get3A_110 = tpu.vector_load %arg8[%get3A_108, %get3A_109] {strides = array<i32>} : memref<256x128xf32, #tpu.memory_space<vmem>>, vector<16xf32>,
        %mul3A_111 = arith.mulf %get3A_110, %broadcast_in_dim3A : vector<16xf32>
        %add3A_112 = arith.addf %get3A_107, %mul3A_111 : vector<16xf32>
        %swap3A_113 = arith.index_cast %min3A_72 : i32 to index
        %swap3A_114 = arith.constant 48 : index
        %swap3A_115 = tpu.vector_load %arg7[%swap3A_113, %swap3A_114] {strides = array<i32>} : memref<320x128xf32, #tpu.memory_space<vmem>>, vector<16xf32>,
        tpu.vector_store %arg7[%swap3A_113, %swap3A_114], %add3A_112 {strides = array<i32>} : memref<320x128xf32, #tpu.memory_space<vmem>>, vector<16xf32>,
        %get3A_116 = arith.index_cast %min3A_72 : i32 to index
        %get3A_117 = arith.constant 64 : index
        %get3A_118 = tpu.vector_load %arg7[%get3A_116, %get3A_117] {strides = array<i32>} : memref<320x128xf32, #tpu.memory_space<vmem>>, vector<16xf32>,
        %get3A_119 = arith.index_cast %scan3A_62 : i32 to index
        %get3A_120 = arith.constant 64 : index
        %get3A_121 = tpu.vector_load %arg8[%get3A_119, %get3A_120] {strides = array<i32>} : memref<256x128xf32, #tpu.memory_space<vmem>>, vector<16xf32>,
        %mul3A_122 = arith.mulf %get3A_121, %broadcast_in_dim3A : vector<16xf32>
        %add3A_123 = arith.addf %get3A_118, %mul3A_122 : vector<16xf32>
        %swap3A_124 = arith.index_cast %min3A_72 : i32 to index
        %swap3A_125 = arith.constant 64 : index
        %swap3A_126 = tpu.vector_load %arg7[%swap3A_124, %swap3A_125] {strides = array<i32>} : memref<320x128xf32, #tpu.memory_space<vmem>>, vector<16xf32>,
        tpu.vector_store %arg7[%swap3A_124, %swap3A_125], %add3A_123 {strides = array<i32>} : memref<320x128xf32, #tpu.memory_space<vmem>>, vector<16xf32>,
        %get3A_127 = arith.index_cast %min3A_72 : i32 to index
        %get3A_128 = arith.constant 80 : index
        %get3A_129 = tpu.vector_load %arg7[%get3A_127, %get3A_128] {strides = array<i32>} : memref<320x128xf32, #tpu.memory_space<vmem>>, vector<16xf32>,
        %get3A_130 = arith.index_cast %scan3A_62 : i32 to index
        %get3A_131 = arith.constant 80 : index
        %get3A_132 = tpu.vector_load %arg8[%get3A_130, %get3A_131] {strides = array<i32>} : memref<256x128xf32, #tpu.memory_space<vmem>>, vector<16xf32>,
        %mul3A_133 = arith.mulf %get3A_132, %broadcast_in_dim3A : vector<16xf32>
        %add3A_134 = arith.addf %get3A_129, %mul3A_133 : vector<16xf32>
        %swap3A_135 = arith.index_cast %min3A_72 : i32 to index
        %swap3A_136 = arith.constant 80 : index
        %swap3A_137 = tpu.vector_load %arg7[%swap3A_135, %swap3A_136] {strides = array<i32>} : memref<320x128xf32, #tpu.memory_space<vmem>>, vector<16xf32>,
        tpu.vector_store %arg7[%swap3A_135, %swap3A_136], %add3A_134 {strides = array<i32>} : memref<320x128xf32, #tpu.memory_space<vmem>>, vector<16xf32>,
        %get3A_138 = arith.index_cast %min3A_72 : i32 to index
        %get3A_139 = arith.constant 96 : index
        %get3A_140 = tpu.vector_load %arg7[%get3A_138, %get3A_139] {strides = array<i32>} : memref<320x128xf32, #tpu.memory_space<vmem>>, vector<16xf32>,
        %get3A_141 = arith.index_cast %scan3A_62 : i32 to index
        %get3A_142 = arith.constant 96 : index
        %get3A_143 = tpu.vector_load %arg8[%get3A_141, %get3A_142] {strides = array<i32>} : memref<256x128xf32, #tpu.memory_space<vmem>>, vector<16xf32>,
        %mul3A_144 = arith.mulf %get3A_143, %broadcast_in_dim3A : vector<16xf32>
        %add3A_145 = arith.addf %get3A_140, %mul3A_144 : vector<16xf32>
        %swap3A_146 = arith.index_cast %min3A_72 : i32 to index
        %swap3A_147 = arith.constant 96 : index
        %swap3A_148 = tpu.vector_load %arg7[%swap3A_146, %swap3A_147] {strides = array<i32>} : memref<320x128xf32, #tpu.memory_space<vmem>>, vector<16xf32>,
        tpu.vector_store %arg7[%swap3A_146, %swap3A_147], %add3A_145 {strides = array<i32>} : memref<320x128xf32, #tpu.memory_space<vmem>>, vector<16xf32>,
        %get3A_149 = arith.index_cast %min3A_72 : i32 to index
        %get3A_150 = arith.constant 112 : index
        %get3A_151 = tpu.vector_load %arg7[%get3A_149, %get3A_150] {strides = array<i32>} : memref<320x128xf32, #tpu.memory_space<vmem>>, vector<16xf32>,
        %get3A_152 = arith.index_cast %scan3A_62 : i32 to index
        %get3A_153 = arith.constant 112 : index
        %get3A_154 = tpu.vector_load %arg8[%get3A_152, %get3A_153] {strides = array<i32>} : memref<256x128xf32, #tpu.memory_space<vmem>>, vector<16xf32>,
        %mul3A_155 = arith.mulf %get3A_154, %broadcast_in_dim3A : vector<16xf32>
        %add3A_156 = arith.addf %get3A_151, %mul3A_155 : vector<16xf32>
        %swap3A_157 = arith.index_cast %min3A_72 : i32 to index
        %swap3A_158 = arith.constant 112 : index
        %swap3A_159 = tpu.vector_load %arg7[%swap3A_157, %swap3A_158] {strides = array<i32>} : memref<320x128xf32, #tpu.memory_space<vmem>>, vector<16xf32>,
        tpu.vector_store %arg7[%swap3A_157, %swap3A_158], %add3A_156 {strides = array<i32>} : memref<320x128xf32, #tpu.memory_space<vmem>>, vector<16xf32>,
        %scan3A_160 = arith.constant 0 : i32
        scf.yield %scan3A_160 : i32
      }
      %scan3A_60 = arith.constant 256 : i32
      %scan3A_61 = arith.constant 0 : i32
      scf.yield %scan3A_61 : i32
    }
    %scan3A_17 = arith.constant 48 : i32
    "tpu.region"() ({
      %run_scoped3A = tpu.sem_alloc : memref<!tpu.dma_semaphore, #tpu.memory_space<semaphore_mem>>
      %dma_start3A = arith.constant 0 : i32
      %dma_start3A_18 = tpu.memref_slice %arg6[%mul3A_2, %dma_start3A] : memref<10240x128xf32, #tpu.memory_space<hbm>> -> memref<320x128xf32, #tpu.memory_space<hbm>>
      %dma_start3A_19 = arith.constant 0 : i32
      %dma_start3A_20 = tpu.memref_slice %arg6[%mul3A_2, %dma_start3A_19] : memref<10240x128xf32, #tpu.memory_space<hbm>> -> memref<320x128xf32, #tpu.memory_space<hbm>>
      tpu.enqueue_dma source(%arg7 : memref<320x128xf32, #tpu.memory_space<vmem>>) target(%dma_start3A_20 : memref<320x128xf32, #tpu.memory_space<hbm>>) target_semaphore(%run_scoped3A : memref<!tpu.dma_semaphore, #tpu.memory_space<semaphore_mem>>)
      %dma_wait3A = arith.constant 0 : i32
      %dma_wait3A_21 = tpu.memref_slice %arg6[%mul3A_2, %dma_wait3A] : memref<10240x128xf32, #tpu.memory_space<hbm>> -> memref<320x128xf32, #tpu.memory_space<hbm>>
      %dma_wait3A_22 = arith.constant 0 : i32
      %dma_wait3A_23 = tpu.memref_slice %arg6[%mul3A_2, %dma_wait3A_22] : memref<10240x128xf32, #tpu.memory_space<hbm>> -> memref<320x128xf32, #tpu.memory_space<hbm>>
      tpu.wait_dma2 semaphore(%run_scoped3A : memref<!tpu.dma_semaphore, #tpu.memory_space<semaphore_mem>>) src(%arg7 : memref<320x128xf32, #tpu.memory_space<vmem>>) dst(%dma_wait3A_23 : memref<320x128xf32, #tpu.memory_space<hbm>>)
      tpu.yield
    }) : () -> ()
    return
  }
}

#map = affine_map<(d0, d1) -> (0, 0)>
#map1 = affine_map<(d0, d1) -> (0)>
module attributes {stable_mosaic.version = 14 : i64} {
  func.func @_sc_hop128_body(%arg0: i32, %arg1: i32, %arg2: memref<10240x128xf32, #tpu.memory_space<hbm>>, %arg3: memref<393216xi32, #tpu.memory_space<hbm>>, %arg4: memref<393216xf32, #tpu.memory_space<hbm>>, %arg5: memref<393216xi32, #tpu.memory_space<hbm>>, %arg6: memref<10240x128xf32, #tpu.memory_space<hbm>>, %arg7: memref<320x128xf32, #tpu.memory_space<vmem>>, %arg8: memref<256x128xf32, #tpu.memory_space<vmem>>, %arg9: memref<12288xi32, #tpu.memory_space<vmem>>, %arg10: memref<12288xi32, #tpu.memory_space<vmem>>, %arg11: memref<12288xf32, #tpu.memory_space<vmem>>, %arg12: memref<!tpu.dma_semaphore, #tpu.memory_space<semaphore_mem>>) attributes {dimension_semantics = [#tpu.dimension_semantics<core_parallel>, #tpu.dimension_semantics<subcore_parallel>], iteration_bounds = array<i64: 2, 16>, scalar_prefetch = 0 : i64, scratch_operands = 6 : i64, tpu.core_type = #tpu.core_type<sc_vector_subcore>, window_params = [{transform_indices = #map}, {transform_indices = #map1}, {transform_indices = #map1}, {transform_indices = #map1}, {transform_indices = #map}]} {
    %mul3A = arith.constant 2 : i32
    %mul3A_0 = arith.muli %arg1, %mul3A : i32
    %add3A = arith.addi %mul3A_0, %arg0 : i32
    %mul3A_1 = arith.constant 320 : i32
    %mul3A_2 = arith.muli %add3A, %mul3A_1 : i32
    %mul3A_3 = arith.constant 12288 : i32
    %mul3A_4 = arith.muli %add3A, %mul3A_3 : i32
    "tpu.region"() ({
      %run_scoped3A = tpu.sem_alloc : memref<!tpu.dma_semaphore, #tpu.memory_space<semaphore_mem>>
      %dma_start3A = tpu.memref_slice %arg3[%mul3A_4] : memref<393216xi32, #tpu.memory_space<hbm>> -> memref<12288xi32, #tpu.memory_space<hbm>>
      %dma_start3A_18 = tpu.memref_slice %arg3[%mul3A_4] : memref<393216xi32, #tpu.memory_space<hbm>> -> memref<12288xi32, #tpu.memory_space<hbm>>
      tpu.enqueue_dma source(%dma_start3A_18 : memref<12288xi32, #tpu.memory_space<hbm>>) target(%arg9 : memref<12288xi32, #tpu.memory_space<vmem>>) target_semaphore(%run_scoped3A : memref<!tpu.dma_semaphore, #tpu.memory_space<semaphore_mem>>)
      %dma_wait3A = tpu.memref_slice %arg3[%mul3A_4] : memref<393216xi32, #tpu.memory_space<hbm>> -> memref<12288xi32, #tpu.memory_space<hbm>>
      %dma_wait3A_19 = tpu.memref_slice %arg3[%mul3A_4] : memref<393216xi32, #tpu.memory_space<hbm>> -> memref<12288xi32, #tpu.memory_space<hbm>>
      tpu.wait_dma2 semaphore(%run_scoped3A : memref<!tpu.dma_semaphore, #tpu.memory_space<semaphore_mem>>) src(%dma_wait3A_19 : memref<12288xi32, #tpu.memory_space<hbm>>) dst(%arg9 : memref<12288xi32, #tpu.memory_space<vmem>>)
      tpu.yield
    }) : () -> ()
    "tpu.region"() ({
      %run_scoped3A = tpu.sem_alloc : memref<!tpu.dma_semaphore, #tpu.memory_space<semaphore_mem>>
      %dma_start3A = tpu.memref_slice %arg5[%mul3A_4] : memref<393216xi32, #tpu.memory_space<hbm>> -> memref<12288xi32, #tpu.memory_space<hbm>>
      %dma_start3A_18 = tpu.memref_slice %arg5[%mul3A_4] : memref<393216xi32, #tpu.memory_space<hbm>> -> memref<12288xi32, #tpu.memory_space<hbm>>
      tpu.enqueue_dma source(%dma_start3A_18 : memref<12288xi32, #tpu.memory_space<hbm>>) target(%arg10 : memref<12288xi32, #tpu.memory_space<vmem>>) target_semaphore(%run_scoped3A : memref<!tpu.dma_semaphore, #tpu.memory_space<semaphore_mem>>)
      %dma_wait3A = tpu.memref_slice %arg5[%mul3A_4] : memref<393216xi32, #tpu.memory_space<hbm>> -> memref<12288xi32, #tpu.memory_space<hbm>>
      %dma_wait3A_19 = tpu.memref_slice %arg5[%mul3A_4] : memref<393216xi32, #tpu.memory_space<hbm>> -> memref<12288xi32, #tpu.memory_space<hbm>>
      tpu.wait_dma2 semaphore(%run_scoped3A : memref<!tpu.dma_semaphore, #tpu.memory_space<semaphore_mem>>) src(%dma_wait3A_19 : memref<12288xi32, #tpu.memory_space<hbm>>) dst(%arg10 : memref<12288xi32, #tpu.memory_space<vmem>>)
      tpu.yield
    }) : () -> ()
    "tpu.region"() ({
      %run_scoped3A = tpu.sem_alloc : memref<!tpu.dma_semaphore, #tpu.memory_space<semaphore_mem>>
      %dma_start3A = tpu.memref_slice %arg4[%mul3A_4] : memref<393216xf32, #tpu.memory_space<hbm>> -> memref<12288xf32, #tpu.memory_space<hbm>>
      %dma_start3A_18 = tpu.memref_slice %arg4[%mul3A_4] : memref<393216xf32, #tpu.memory_space<hbm>> -> memref<12288xf32, #tpu.memory_space<hbm>>
      tpu.enqueue_dma source(%dma_start3A_18 : memref<12288xf32, #tpu.memory_space<hbm>>) target(%arg11 : memref<12288xf32, #tpu.memory_space<vmem>>) target_semaphore(%run_scoped3A : memref<!tpu.dma_semaphore, #tpu.memory_space<semaphore_mem>>)
      %dma_wait3A = tpu.memref_slice %arg4[%mul3A_4] : memref<393216xf32, #tpu.memory_space<hbm>> -> memref<12288xf32, #tpu.memory_space<hbm>>
      %dma_wait3A_19 = tpu.memref_slice %arg4[%mul3A_4] : memref<393216xf32, #tpu.memory_space<hbm>> -> memref<12288xf32, #tpu.memory_space<hbm>>
      tpu.wait_dma2 semaphore(%run_scoped3A : memref<!tpu.dma_semaphore, #tpu.memory_space<semaphore_mem>>) src(%dma_wait3A_19 : memref<12288xf32, #tpu.memory_space<hbm>>) dst(%arg11 : memref<12288xf32, #tpu.memory_space<vmem>>)
      tpu.yield
    }) : () -> ()
    %scan3A = arith.constant 0 : i32
    %scan3A_5 = arith.constant 0 : i32
    %scan3A_6 = arith.constant 320 : i32
    %scan3A_7 = arith.addi %scan3A_5, %scan3A_6 : i32
    %scan3A_8 = arith.constant 1 : i32
    %scan3A_9 = scf.for %scan3A_18 = %scan3A_5 to %scan3A_7 step %scan3A_8 iter_args(%scan3A_19 = %scan3A) -> (i32)  : i32 {
      %broadcast_in_dim3A = arith.constant 0.000000e+00 : f32
      %broadcast_in_dim3A_20 = vector.broadcast %broadcast_in_dim3A : f32 to vector<16xf32>
      %swap3A = arith.index_cast %scan3A_18 : i32 to index
      %swap3A_21 = arith.constant 0 : index
      %swap3A_22 = tpu.vector_load %arg7[%swap3A, %swap3A_21] {strides = array<i32>} : memref<320x128xf32, #tpu.memory_space<vmem>>, vector<16xf32>,
      tpu.vector_store %arg7[%swap3A, %swap3A_21], %broadcast_in_dim3A_20 {strides = array<i32>} : memref<320x128xf32, #tpu.memory_space<vmem>>, vector<16xf32>,
      %broadcast_in_dim3A_23 = arith.constant 0.000000e+00 : f32
      %broadcast_in_dim3A_24 = vector.broadcast %broadcast_in_dim3A_23 : f32 to vector<16xf32>
      %swap3A_25 = arith.index_cast %scan3A_18 : i32 to index
      %swap3A_26 = arith.constant 16 : index
      %swap3A_27 = tpu.vector_load %arg7[%swap3A_25, %swap3A_26] {strides = array<i32>} : memref<320x128xf32, #tpu.memory_space<vmem>>, vector<16xf32>,
      tpu.vector_store %arg7[%swap3A_25, %swap3A_26], %broadcast_in_dim3A_24 {strides = array<i32>} : memref<320x128xf32, #tpu.memory_space<vmem>>, vector<16xf32>,
      %broadcast_in_dim3A_28 = arith.constant 0.000000e+00 : f32
      %broadcast_in_dim3A_29 = vector.broadcast %broadcast_in_dim3A_28 : f32 to vector<16xf32>
      %swap3A_30 = arith.index_cast %scan3A_18 : i32 to index
      %swap3A_31 = arith.constant 32 : index
      %swap3A_32 = tpu.vector_load %arg7[%swap3A_30, %swap3A_31] {strides = array<i32>} : memref<320x128xf32, #tpu.memory_space<vmem>>, vector<16xf32>,
      tpu.vector_store %arg7[%swap3A_30, %swap3A_31], %broadcast_in_dim3A_29 {strides = array<i32>} : memref<320x128xf32, #tpu.memory_space<vmem>>, vector<16xf32>,
      %broadcast_in_dim3A_33 = arith.constant 0.000000e+00 : f32
      %broadcast_in_dim3A_34 = vector.broadcast %broadcast_in_dim3A_33 : f32 to vector<16xf32>
      %swap3A_35 = arith.index_cast %scan3A_18 : i32 to index
      %swap3A_36 = arith.constant 48 : index
      %swap3A_37 = tpu.vector_load %arg7[%swap3A_35, %swap3A_36] {strides = array<i32>} : memref<320x128xf32, #tpu.memory_space<vmem>>, vector<16xf32>,
      tpu.vector_store %arg7[%swap3A_35, %swap3A_36], %broadcast_in_dim3A_34 {strides = array<i32>} : memref<320x128xf32, #tpu.memory_space<vmem>>, vector<16xf32>,
      %broadcast_in_dim3A_38 = arith.constant 0.000000e+00 : f32
      %broadcast_in_dim3A_39 = vector.broadcast %broadcast_in_dim3A_38 : f32 to vector<16xf32>
      %swap3A_40 = arith.index_cast %scan3A_18 : i32 to index
      %swap3A_41 = arith.constant 64 : index
      %swap3A_42 = tpu.vector_load %arg7[%swap3A_40, %swap3A_41] {strides = array<i32>} : memref<320x128xf32, #tpu.memory_space<vmem>>, vector<16xf32>,
      tpu.vector_store %arg7[%swap3A_40, %swap3A_41], %broadcast_in_dim3A_39 {strides = array<i32>} : memref<320x128xf32, #tpu.memory_space<vmem>>, vector<16xf32>,
      %broadcast_in_dim3A_43 = arith.constant 0.000000e+00 : f32
      %broadcast_in_dim3A_44 = vector.broadcast %broadcast_in_dim3A_43 : f32 to vector<16xf32>
      %swap3A_45 = arith.index_cast %scan3A_18 : i32 to index
      %swap3A_46 = arith.constant 80 : index
      %swap3A_47 = tpu.vector_load %arg7[%swap3A_45, %swap3A_46] {strides = array<i32>} : memref<320x128xf32, #tpu.memory_space<vmem>>, vector<16xf32>,
      tpu.vector_store %arg7[%swap3A_45, %swap3A_46], %broadcast_in_dim3A_44 {strides = array<i32>} : memref<320x128xf32, #tpu.memory_space<vmem>>, vector<16xf32>,
      %broadcast_in_dim3A_48 = arith.constant 0.000000e+00 : f32
      %broadcast_in_dim3A_49 = vector.broadcast %broadcast_in_dim3A_48 : f32 to vector<16xf32>
      %swap3A_50 = arith.index_cast %scan3A_18 : i32 to index
      %swap3A_51 = arith.constant 96 : index
      %swap3A_52 = tpu.vector_load %arg7[%swap3A_50, %swap3A_51] {strides = array<i32>} : memref<320x128xf32, #tpu.memory_space<vmem>>, vector<16xf32>,
      tpu.vector_store %arg7[%swap3A_50, %swap3A_51], %broadcast_in_dim3A_49 {strides = array<i32>} : memref<320x128xf32, #tpu.memory_space<vmem>>, vector<16xf32>,
      %broadcast_in_dim3A_53 = arith.constant 0.000000e+00 : f32
      %broadcast_in_dim3A_54 = vector.broadcast %broadcast_in_dim3A_53 : f32 to vector<16xf32>
      %swap3A_55 = arith.index_cast %scan3A_18 : i32 to index
      %swap3A_56 = arith.constant 112 : index
      %swap3A_57 = tpu.vector_load %arg7[%swap3A_55, %swap3A_56] {strides = array<i32>} : memref<320x128xf32, #tpu.memory_space<vmem>>, vector<16xf32>,
      tpu.vector_store %arg7[%swap3A_55, %swap3A_56], %broadcast_in_dim3A_54 {strides = array<i32>} : memref<320x128xf32, #tpu.memory_space<vmem>>, vector<16xf32>,
      %scan3A_58 = arith.constant 0 : i32
      scf.yield %scan3A_58 : i32
    }
    %scan3A_10 = arith.constant 320 : i32
    %scan3A_11 = arith.constant 0 : i32
    %scan3A_12 = arith.constant 0 : i32
    %scan3A_13 = arith.constant 48 : i32
    %scan3A_14 = arith.addi %scan3A_12, %scan3A_13 : i32
    %scan3A_15 = arith.constant 1 : i32
    %scan3A_16 = scf.for %scan3A_18 = %scan3A_12 to %scan3A_14 step %scan3A_15 iter_args(%scan3A_19 = %scan3A_11) -> (i32)  : i32 {
      %mul3A_20 = arith.constant 2 : i32
      %mul3A_21 = arith.muli %scan3A_18, %mul3A_20 : i32
      %mul3A_22 = arith.constant 128 : i32
      %mul3A_23 = arith.muli %mul3A_21, %mul3A_22 : i32
      %add3A_24 = arith.constant 0 : i32
      %add3A_25 = arith.addi %mul3A_23, %add3A_24 : i32
      %dma_start3A = arith.constant 0 : i32
      %dma_start3A_26 = arith.constant 0 : i32
      %dma_start3A_27 = tpu.memref_slice %arg8[%dma_start3A, %dma_start3A_26] : memref<256x128xf32, #tpu.memory_space<vmem>> -> memref<128x128xf32, #tpu.memory_space<vmem>>
      %dma_start3A_28 = tpu.memref_slice %arg9[%add3A_25] : memref<12288xi32, #tpu.memory_space<vmem>> -> memref<128xi32, #tpu.memory_space<vmem>>
      %dma_start3A_29 = arith.constant 0 : i32
      %dma_start3A_30 = arith.constant 0 : i32
      %dma_start3A_31 = tpu.memref_slice %arg2[%dma_start3A_29, %dma_start3A_30] : memref<10240x128xf32, #tpu.memory_space<hbm>> -> memref<10240x128xf32, #tpu.memory_space<hbm>>
      tpu.enqueue_indirect_dma source(%dma_start3A_31 : memref<10240x128xf32, #tpu.memory_space<hbm>>) target(%dma_start3A_27 : memref<128x128xf32, #tpu.memory_space<vmem>>) offsets(%dma_start3A_28 : memref<128xi32, #tpu.memory_space<vmem>>) semaphore(%arg12 : memref<!tpu.dma_semaphore, #tpu.memory_space<semaphore_mem>>)
      %add3A_32 = arith.constant 128 : i32
      %add3A_33 = arith.addi %mul3A_23, %add3A_32 : i32
      %dma_start3A_34 = arith.constant 128 : i32
      %dma_start3A_35 = arith.constant 0 : i32
      %dma_start3A_36 = tpu.memref_slice %arg8[%dma_start3A_34, %dma_start3A_35] : memref<256x128xf32, #tpu.memory_space<vmem>> -> memref<128x128xf32, #tpu.memory_space<vmem>>
      %dma_start3A_37 = tpu.memref_slice %arg9[%add3A_33] : memref<12288xi32, #tpu.memory_space<vmem>> -> memref<128xi32, #tpu.memory_space<vmem>>
      %dma_start3A_38 = arith.constant 0 : i32
      %dma_start3A_39 = arith.constant 0 : i32
      %dma_start3A_40 = tpu.memref_slice %arg2[%dma_start3A_38, %dma_start3A_39] : memref<10240x128xf32, #tpu.memory_space<hbm>> -> memref<10240x128xf32, #tpu.memory_space<hbm>>
      tpu.enqueue_indirect_dma source(%dma_start3A_40 : memref<10240x128xf32, #tpu.memory_space<hbm>>) target(%dma_start3A_36 : memref<128x128xf32, #tpu.memory_space<vmem>>) offsets(%dma_start3A_37 : memref<128xi32, #tpu.memory_space<vmem>>) semaphore(%arg12 : memref<!tpu.dma_semaphore, #tpu.memory_space<semaphore_mem>>)
      %dma_wait3A = arith.constant 0 : i32
      %dma_wait3A_41 = arith.constant 0 : i32
      %dma_wait3A_42 = tpu.memref_slice %arg8[%dma_wait3A, %dma_wait3A_41] : memref<256x128xf32, #tpu.memory_space<vmem>> -> memref<128x128xf32, #tpu.memory_space<vmem>>
      %dma_wait3A_43 = tpu.memref_slice %arg9[%add3A_25] : memref<12288xi32, #tpu.memory_space<vmem>> -> memref<128xi32, #tpu.memory_space<vmem>>
      %dma_wait3A_44 = arith.constant 0 : i32
      %dma_wait3A_45 = arith.constant 0 : i32
      %dma_wait3A_46 = tpu.memref_slice %arg2[%dma_wait3A_44, %dma_wait3A_45] : memref<10240x128xf32, #tpu.memory_space<hbm>> -> memref<10240x128xf32, #tpu.memory_space<hbm>>
      tpu.wait_indirect_dma semaphore(%arg12 : memref<!tpu.dma_semaphore, #tpu.memory_space<semaphore_mem>>) src(%dma_wait3A_46 : memref<10240x128xf32, #tpu.memory_space<hbm>>) dst(%dma_wait3A_42 : memref<128x128xf32, #tpu.memory_space<vmem>>)
      %dma_wait3A_47 = arith.constant 128 : i32
      %dma_wait3A_48 = arith.constant 0 : i32
      %dma_wait3A_49 = tpu.memref_slice %arg8[%dma_wait3A_47, %dma_wait3A_48] : memref<256x128xf32, #tpu.memory_space<vmem>> -> memref<128x128xf32, #tpu.memory_space<vmem>>
      %dma_wait3A_50 = tpu.memref_slice %arg9[%add3A_33] : memref<12288xi32, #tpu.memory_space<vmem>> -> memref<128xi32, #tpu.memory_space<vmem>>
      %dma_wait3A_51 = arith.constant 0 : i32
      %dma_wait3A_52 = arith.constant 0 : i32
      %dma_wait3A_53 = tpu.memref_slice %arg2[%dma_wait3A_51, %dma_wait3A_52] : memref<10240x128xf32, #tpu.memory_space<hbm>> -> memref<10240x128xf32, #tpu.memory_space<hbm>>
      tpu.wait_indirect_dma semaphore(%arg12 : memref<!tpu.dma_semaphore, #tpu.memory_space<semaphore_mem>>) src(%dma_wait3A_53 : memref<10240x128xf32, #tpu.memory_space<hbm>>) dst(%dma_wait3A_49 : memref<128x128xf32, #tpu.memory_space<vmem>>)
      %scan3A_54 = arith.constant 0 : i32
      %scan3A_55 = arith.constant 0 : i32
      %scan3A_56 = arith.constant 256 : i32
      %scan3A_57 = arith.addi %scan3A_55, %scan3A_56 : i32
      %scan3A_58 = arith.constant 1 : i32
      %scan3A_59 = scf.for %scan3A_62 = %scan3A_55 to %scan3A_57 step %scan3A_58 iter_args(%scan3A_63 = %scan3A_54) -> (i32)  : i32 {
        %add3A_64 = arith.addi %mul3A_23, %scan3A_62 : i32
        %get3A = arith.index_cast %add3A_64 : i32 to index
        %get3A_65 = tpu.vector_load %arg11[%get3A] {strides = array<i32>} : memref<12288xf32, #tpu.memory_space<vmem>>, vector<16xf32>,
        %slice3A = vector.extract_strided_slice %get3A_65 {offsets = [0], sizes = [1], strides = [1]} : vector<16xf32> to vector<1xf32>
        %squeeze3A = vector.extract %slice3A[0] : f32 from vector<1xf32>
        %add3A_66 = arith.addi %mul3A_23, %scan3A_62 : i32
        %get3A_67 = arith.index_cast %add3A_66 : i32 to index
        %get3A_68 = tpu.vector_load %arg10[%get3A_67] {strides = array<i32>} : memref<12288xi32, #tpu.memory_space<vmem>>, vector<16xi32>,
        %slice3A_69 = vector.extract_strided_slice %get3A_68 {offsets = [0], sizes = [1], strides = [1]} : vector<16xi32> to vector<1xi32>
        %squeeze3A_70 = vector.extract %slice3A_69[0] : i32 from vector<1xi32>
        %sub3A = arith.subi %squeeze3A_70, %mul3A_2 : i32
        %max3A = arith.constant 0 : i32
        %max3A_71 = arith.maxsi %sub3A, %max3A : i32
        %min3A = arith.constant 319 : i32
        %min3A_72 = arith.minsi %max3A_71, %min3A : i32
        %broadcast_in_dim3A = vector.broadcast %squeeze3A : f32 to vector<16xf32>
        %get3A_73 = arith.index_cast %min3A_72 : i32 to index
        %get3A_74 = arith.constant 0 : index
        %get3A_75 = tpu.vector_load %arg7[%get3A_73, %get3A_74] {strides = array<i32>} : memref<320x128xf32, #tpu.memory_space<vmem>>, vector<16xf32>,
        %get3A_76 = arith.index_cast %scan3A_62 : i32 to index
        %get3A_77 = arith.constant 0 : index
        %get3A_78 = tpu.vector_load %arg8[%get3A_76, %get3A_77] {strides = array<i32>} : memref<256x128xf32, #tpu.memory_space<vmem>>, vector<16xf32>,
        %mul3A_79 = arith.mulf %get3A_78, %broadcast_in_dim3A : vector<16xf32>
        %add3A_80 = arith.addf %get3A_75, %mul3A_79 : vector<16xf32>
        %swap3A = arith.index_cast %min3A_72 : i32 to index
        %swap3A_81 = arith.constant 0 : index
        %swap3A_82 = tpu.vector_load %arg7[%swap3A, %swap3A_81] {strides = array<i32>} : memref<320x128xf32, #tpu.memory_space<vmem>>, vector<16xf32>,
        tpu.vector_store %arg7[%swap3A, %swap3A_81], %add3A_80 {strides = array<i32>} : memref<320x128xf32, #tpu.memory_space<vmem>>, vector<16xf32>,
        %get3A_83 = arith.index_cast %min3A_72 : i32 to index
        %get3A_84 = arith.constant 16 : index
        %get3A_85 = tpu.vector_load %arg7[%get3A_83, %get3A_84] {strides = array<i32>} : memref<320x128xf32, #tpu.memory_space<vmem>>, vector<16xf32>,
        %get3A_86 = arith.index_cast %scan3A_62 : i32 to index
        %get3A_87 = arith.constant 16 : index
        %get3A_88 = tpu.vector_load %arg8[%get3A_86, %get3A_87] {strides = array<i32>} : memref<256x128xf32, #tpu.memory_space<vmem>>, vector<16xf32>,
        %mul3A_89 = arith.mulf %get3A_88, %broadcast_in_dim3A : vector<16xf32>
        %add3A_90 = arith.addf %get3A_85, %mul3A_89 : vector<16xf32>
        %swap3A_91 = arith.index_cast %min3A_72 : i32 to index
        %swap3A_92 = arith.constant 16 : index
        %swap3A_93 = tpu.vector_load %arg7[%swap3A_91, %swap3A_92] {strides = array<i32>} : memref<320x128xf32, #tpu.memory_space<vmem>>, vector<16xf32>,
        tpu.vector_store %arg7[%swap3A_91, %swap3A_92], %add3A_90 {strides = array<i32>} : memref<320x128xf32, #tpu.memory_space<vmem>>, vector<16xf32>,
        %get3A_94 = arith.index_cast %min3A_72 : i32 to index
        %get3A_95 = arith.constant 32 : index
        %get3A_96 = tpu.vector_load %arg7[%get3A_94, %get3A_95] {strides = array<i32>} : memref<320x128xf32, #tpu.memory_space<vmem>>, vector<16xf32>,
        %get3A_97 = arith.index_cast %scan3A_62 : i32 to index
        %get3A_98 = arith.constant 32 : index
        %get3A_99 = tpu.vector_load %arg8[%get3A_97, %get3A_98] {strides = array<i32>} : memref<256x128xf32, #tpu.memory_space<vmem>>, vector<16xf32>,
        %mul3A_100 = arith.mulf %get3A_99, %broadcast_in_dim3A : vector<16xf32>
        %add3A_101 = arith.addf %get3A_96, %mul3A_100 : vector<16xf32>
        %swap3A_102 = arith.index_cast %min3A_72 : i32 to index
        %swap3A_103 = arith.constant 32 : index
        %swap3A_104 = tpu.vector_load %arg7[%swap3A_102, %swap3A_103] {strides = array<i32>} : memref<320x128xf32, #tpu.memory_space<vmem>>, vector<16xf32>,
        tpu.vector_store %arg7[%swap3A_102, %swap3A_103], %add3A_101 {strides = array<i32>} : memref<320x128xf32, #tpu.memory_space<vmem>>, vector<16xf32>,
        %get3A_105 = arith.index_cast %min3A_72 : i32 to index
        %get3A_106 = arith.constant 48 : index
        %get3A_107 = tpu.vector_load %arg7[%get3A_105, %get3A_106] {strides = array<i32>} : memref<320x128xf32, #tpu.memory_space<vmem>>, vector<16xf32>,
        %get3A_108 = arith.index_cast %scan3A_62 : i32 to index
        %get3A_109 = arith.constant 48 : index
        %get3A_110 = tpu.vector_load %arg8[%get3A_108, %get3A_109] {strides = array<i32>} : memref<256x128xf32, #tpu.memory_space<vmem>>, vector<16xf32>,
        %mul3A_111 = arith.mulf %get3A_110, %broadcast_in_dim3A : vector<16xf32>
        %add3A_112 = arith.addf %get3A_107, %mul3A_111 : vector<16xf32>
        %swap3A_113 = arith.index_cast %min3A_72 : i32 to index
        %swap3A_114 = arith.constant 48 : index
        %swap3A_115 = tpu.vector_load %arg7[%swap3A_113, %swap3A_114] {strides = array<i32>} : memref<320x128xf32, #tpu.memory_space<vmem>>, vector<16xf32>,
        tpu.vector_store %arg7[%swap3A_113, %swap3A_114], %add3A_112 {strides = array<i32>} : memref<320x128xf32, #tpu.memory_space<vmem>>, vector<16xf32>,
        %get3A_116 = arith.index_cast %min3A_72 : i32 to index
        %get3A_117 = arith.constant 64 : index
        %get3A_118 = tpu.vector_load %arg7[%get3A_116, %get3A_117] {strides = array<i32>} : memref<320x128xf32, #tpu.memory_space<vmem>>, vector<16xf32>,
        %get3A_119 = arith.index_cast %scan3A_62 : i32 to index
        %get3A_120 = arith.constant 64 : index
        %get3A_121 = tpu.vector_load %arg8[%get3A_119, %get3A_120] {strides = array<i32>} : memref<256x128xf32, #tpu.memory_space<vmem>>, vector<16xf32>,
        %mul3A_122 = arith.mulf %get3A_121, %broadcast_in_dim3A : vector<16xf32>
        %add3A_123 = arith.addf %get3A_118, %mul3A_122 : vector<16xf32>
        %swap3A_124 = arith.index_cast %min3A_72 : i32 to index
        %swap3A_125 = arith.constant 64 : index
        %swap3A_126 = tpu.vector_load %arg7[%swap3A_124, %swap3A_125] {strides = array<i32>} : memref<320x128xf32, #tpu.memory_space<vmem>>, vector<16xf32>,
        tpu.vector_store %arg7[%swap3A_124, %swap3A_125], %add3A_123 {strides = array<i32>} : memref<320x128xf32, #tpu.memory_space<vmem>>, vector<16xf32>,
        %get3A_127 = arith.index_cast %min3A_72 : i32 to index
        %get3A_128 = arith.constant 80 : index
        %get3A_129 = tpu.vector_load %arg7[%get3A_127, %get3A_128] {strides = array<i32>} : memref<320x128xf32, #tpu.memory_space<vmem>>, vector<16xf32>,
        %get3A_130 = arith.index_cast %scan3A_62 : i32 to index
        %get3A_131 = arith.constant 80 : index
        %get3A_132 = tpu.vector_load %arg8[%get3A_130, %get3A_131] {strides = array<i32>} : memref<256x128xf32, #tpu.memory_space<vmem>>, vector<16xf32>,
        %mul3A_133 = arith.mulf %get3A_132, %broadcast_in_dim3A : vector<16xf32>
        %add3A_134 = arith.addf %get3A_129, %mul3A_133 : vector<16xf32>
        %swap3A_135 = arith.index_cast %min3A_72 : i32 to index
        %swap3A_136 = arith.constant 80 : index
        %swap3A_137 = tpu.vector_load %arg7[%swap3A_135, %swap3A_136] {strides = array<i32>} : memref<320x128xf32, #tpu.memory_space<vmem>>, vector<16xf32>,
        tpu.vector_store %arg7[%swap3A_135, %swap3A_136], %add3A_134 {strides = array<i32>} : memref<320x128xf32, #tpu.memory_space<vmem>>, vector<16xf32>,
        %get3A_138 = arith.index_cast %min3A_72 : i32 to index
        %get3A_139 = arith.constant 96 : index
        %get3A_140 = tpu.vector_load %arg7[%get3A_138, %get3A_139] {strides = array<i32>} : memref<320x128xf32, #tpu.memory_space<vmem>>, vector<16xf32>,
        %get3A_141 = arith.index_cast %scan3A_62 : i32 to index
        %get3A_142 = arith.constant 96 : index
        %get3A_143 = tpu.vector_load %arg8[%get3A_141, %get3A_142] {strides = array<i32>} : memref<256x128xf32, #tpu.memory_space<vmem>>, vector<16xf32>,
        %mul3A_144 = arith.mulf %get3A_143, %broadcast_in_dim3A : vector<16xf32>
        %add3A_145 = arith.addf %get3A_140, %mul3A_144 : vector<16xf32>
        %swap3A_146 = arith.index_cast %min3A_72 : i32 to index
        %swap3A_147 = arith.constant 96 : index
        %swap3A_148 = tpu.vector_load %arg7[%swap3A_146, %swap3A_147] {strides = array<i32>} : memref<320x128xf32, #tpu.memory_space<vmem>>, vector<16xf32>,
        tpu.vector_store %arg7[%swap3A_146, %swap3A_147], %add3A_145 {strides = array<i32>} : memref<320x128xf32, #tpu.memory_space<vmem>>, vector<16xf32>,
        %get3A_149 = arith.index_cast %min3A_72 : i32 to index
        %get3A_150 = arith.constant 112 : index
        %get3A_151 = tpu.vector_load %arg7[%get3A_149, %get3A_150] {strides = array<i32>} : memref<320x128xf32, #tpu.memory_space<vmem>>, vector<16xf32>,
        %get3A_152 = arith.index_cast %scan3A_62 : i32 to index
        %get3A_153 = arith.constant 112 : index
        %get3A_154 = tpu.vector_load %arg8[%get3A_152, %get3A_153] {strides = array<i32>} : memref<256x128xf32, #tpu.memory_space<vmem>>, vector<16xf32>,
        %mul3A_155 = arith.mulf %get3A_154, %broadcast_in_dim3A : vector<16xf32>
        %add3A_156 = arith.addf %get3A_151, %mul3A_155 : vector<16xf32>
        %swap3A_157 = arith.index_cast %min3A_72 : i32 to index
        %swap3A_158 = arith.constant 112 : index
        %swap3A_159 = tpu.vector_load %arg7[%swap3A_157, %swap3A_158] {strides = array<i32>} : memref<320x128xf32, #tpu.memory_space<vmem>>, vector<16xf32>,
        tpu.vector_store %arg7[%swap3A_157, %swap3A_158], %add3A_156 {strides = array<i32>} : memref<320x128xf32, #tpu.memory_space<vmem>>, vector<16xf32>,
        %scan3A_160 = arith.constant 0 : i32
        scf.yield %scan3A_160 : i32
      }
      %scan3A_60 = arith.constant 256 : i32
      %scan3A_61 = arith.constant 0 : i32
      scf.yield %scan3A_61 : i32
    }
    %scan3A_17 = arith.constant 48 : i32
    "tpu.region"() ({
      %run_scoped3A = tpu.sem_alloc : memref<!tpu.dma_semaphore, #tpu.memory_space<semaphore_mem>>
      %dma_start3A = arith.constant 0 : i32
      %dma_start3A_18 = tpu.memref_slice %arg6[%mul3A_2, %dma_start3A] : memref<10240x128xf32, #tpu.memory_space<hbm>> -> memref<320x128xf32, #tpu.memory_space<hbm>>
      %dma_start3A_19 = arith.constant 0 : i32
      %dma_start3A_20 = tpu.memref_slice %arg6[%mul3A_2, %dma_start3A_19] : memref<10240x128xf32, #tpu.memory_space<hbm>> -> memref<320x128xf32, #tpu.memory_space<hbm>>
      tpu.enqueue_dma source(%arg7 : memref<320x128xf32, #tpu.memory_space<vmem>>) target(%dma_start3A_20 : memref<320x128xf32, #tpu.memory_space<hbm>>) target_semaphore(%run_scoped3A : memref<!tpu.dma_semaphore, #tpu.memory_space<semaphore_mem>>)
      %dma_wait3A = arith.constant 0 : i32
      %dma_wait3A_21 = tpu.memref_slice %arg6[%mul3A_2, %dma_wait3A] : memref<10240x128xf32, #tpu.memory_space<hbm>> -> memref<320x128xf32, #tpu.memory_space<hbm>>
      %dma_wait3A_22 = arith.constant 0 : i32
      %dma_wait3A_23 = tpu.memref_slice %arg6[%mul3A_2, %dma_wait3A_22] : memref<10240x128xf32, #tpu.memory_space<hbm>> -> memref<320x128xf32, #tpu.memory_space<hbm>>
      tpu.wait_dma2 semaphore(%run_scoped3A : memref<!tpu.dma_semaphore, #tpu.memory_space<semaphore_mem>>) src(%arg7 : memref<320x128xf32, #tpu.memory_space<vmem>>) dst(%dma_wait3A_23 : memref<320x128xf32, #tpu.memory_space<hbm>>)
      tpu.yield
    }) : () -> ()
    return
  }
}

#map = affine_map<(d0, d1) -> (0)>
module attributes {stable_mosaic.version = 14 : i64} {
  func.func @_sc_hop4_body(%arg0: i32, %arg1: i32, %arg2: memref<40960xf32, #tpu.memory_space<hbm>>, %arg3: memref<393216xi32, #tpu.memory_space<hbm>>, %arg4: memref<393216xf32, #tpu.memory_space<hbm>>, %arg5: memref<393216xi32, #tpu.memory_space<hbm>>, %arg6: memref<40960xf32, #tpu.memory_space<hbm>>, %arg7: memref<40960xf32, #tpu.memory_space<vmem>>, %arg8: memref<1280xf32, #tpu.memory_space<vmem>>, %arg9: memref<12288xi32, #tpu.memory_space<vmem>>, %arg10: memref<12288xi32, #tpu.memory_space<vmem>>, %arg11: memref<12288xf32, #tpu.memory_space<vmem>>) attributes {dimension_semantics = [#tpu.dimension_semantics<core_parallel>, #tpu.dimension_semantics<subcore_parallel>], iteration_bounds = array<i64: 2, 16>, scalar_prefetch = 0 : i64, scratch_operands = 5 : i64, tpu.core_type = #tpu.core_type<sc_vector_subcore>, window_params = [{transform_indices = #map}, {transform_indices = #map}, {transform_indices = #map}, {transform_indices = #map}, {transform_indices = #map}]} {
    %mul3A = arith.constant 2 : i32
    %mul3A_0 = arith.muli %arg1, %mul3A : i32
    %add3A = arith.addi %mul3A_0, %arg0 : i32
    %mul3A_1 = arith.constant 320 : i32
    %mul3A_2 = arith.muli %add3A, %mul3A_1 : i32
    %mul3A_3 = arith.constant 12288 : i32
    %mul3A_4 = arith.muli %add3A, %mul3A_3 : i32
    "tpu.region"() ({
      %run_scoped3A = tpu.sem_alloc : memref<!tpu.dma_semaphore, #tpu.memory_space<semaphore_mem>>
      tpu.enqueue_dma source(%arg2 : memref<40960xf32, #tpu.memory_space<hbm>>) target(%arg7 : memref<40960xf32, #tpu.memory_space<vmem>>) target_semaphore(%run_scoped3A : memref<!tpu.dma_semaphore, #tpu.memory_space<semaphore_mem>>)
      tpu.wait_dma2 semaphore(%run_scoped3A : memref<!tpu.dma_semaphore, #tpu.memory_space<semaphore_mem>>) src(%arg2 : memref<40960xf32, #tpu.memory_space<hbm>>) dst(%arg7 : memref<40960xf32, #tpu.memory_space<vmem>>)
      tpu.yield
    }) : () -> ()
    "tpu.region"() ({
      %run_scoped3A = tpu.sem_alloc : memref<!tpu.dma_semaphore, #tpu.memory_space<semaphore_mem>>
      %dma_start3A = tpu.memref_slice %arg3[%mul3A_4] : memref<393216xi32, #tpu.memory_space<hbm>> -> memref<12288xi32, #tpu.memory_space<hbm>>
      %dma_start3A_21 = tpu.memref_slice %arg3[%mul3A_4] : memref<393216xi32, #tpu.memory_space<hbm>> -> memref<12288xi32, #tpu.memory_space<hbm>>
      tpu.enqueue_dma source(%dma_start3A_21 : memref<12288xi32, #tpu.memory_space<hbm>>) target(%arg9 : memref<12288xi32, #tpu.memory_space<vmem>>) target_semaphore(%run_scoped3A : memref<!tpu.dma_semaphore, #tpu.memory_space<semaphore_mem>>)
      %dma_wait3A = tpu.memref_slice %arg3[%mul3A_4] : memref<393216xi32, #tpu.memory_space<hbm>> -> memref<12288xi32, #tpu.memory_space<hbm>>
      %dma_wait3A_22 = tpu.memref_slice %arg3[%mul3A_4] : memref<393216xi32, #tpu.memory_space<hbm>> -> memref<12288xi32, #tpu.memory_space<hbm>>
      tpu.wait_dma2 semaphore(%run_scoped3A : memref<!tpu.dma_semaphore, #tpu.memory_space<semaphore_mem>>) src(%dma_wait3A_22 : memref<12288xi32, #tpu.memory_space<hbm>>) dst(%arg9 : memref<12288xi32, #tpu.memory_space<vmem>>)
      tpu.yield
    }) : () -> ()
    "tpu.region"() ({
      %run_scoped3A = tpu.sem_alloc : memref<!tpu.dma_semaphore, #tpu.memory_space<semaphore_mem>>
      %dma_start3A = tpu.memref_slice %arg5[%mul3A_4] : memref<393216xi32, #tpu.memory_space<hbm>> -> memref<12288xi32, #tpu.memory_space<hbm>>
      %dma_start3A_21 = tpu.memref_slice %arg5[%mul3A_4] : memref<393216xi32, #tpu.memory_space<hbm>> -> memref<12288xi32, #tpu.memory_space<hbm>>
      tpu.enqueue_dma source(%dma_start3A_21 : memref<12288xi32, #tpu.memory_space<hbm>>) target(%arg10 : memref<12288xi32, #tpu.memory_space<vmem>>) target_semaphore(%run_scoped3A : memref<!tpu.dma_semaphore, #tpu.memory_space<semaphore_mem>>)
      %dma_wait3A = tpu.memref_slice %arg5[%mul3A_4] : memref<393216xi32, #tpu.memory_space<hbm>> -> memref<12288xi32, #tpu.memory_space<hbm>>
      %dma_wait3A_22 = tpu.memref_slice %arg5[%mul3A_4] : memref<393216xi32, #tpu.memory_space<hbm>> -> memref<12288xi32, #tpu.memory_space<hbm>>
      tpu.wait_dma2 semaphore(%run_scoped3A : memref<!tpu.dma_semaphore, #tpu.memory_space<semaphore_mem>>) src(%dma_wait3A_22 : memref<12288xi32, #tpu.memory_space<hbm>>) dst(%arg10 : memref<12288xi32, #tpu.memory_space<vmem>>)
      tpu.yield
    }) : () -> ()
    "tpu.region"() ({
      %run_scoped3A = tpu.sem_alloc : memref<!tpu.dma_semaphore, #tpu.memory_space<semaphore_mem>>
      %dma_start3A = tpu.memref_slice %arg4[%mul3A_4] : memref<393216xf32, #tpu.memory_space<hbm>> -> memref<12288xf32, #tpu.memory_space<hbm>>
      %dma_start3A_21 = tpu.memref_slice %arg4[%mul3A_4] : memref<393216xf32, #tpu.memory_space<hbm>> -> memref<12288xf32, #tpu.memory_space<hbm>>
      tpu.enqueue_dma source(%dma_start3A_21 : memref<12288xf32, #tpu.memory_space<hbm>>) target(%arg11 : memref<12288xf32, #tpu.memory_space<vmem>>) target_semaphore(%run_scoped3A : memref<!tpu.dma_semaphore, #tpu.memory_space<semaphore_mem>>)
      %dma_wait3A = tpu.memref_slice %arg4[%mul3A_4] : memref<393216xf32, #tpu.memory_space<hbm>> -> memref<12288xf32, #tpu.memory_space<hbm>>
      %dma_wait3A_22 = tpu.memref_slice %arg4[%mul3A_4] : memref<393216xf32, #tpu.memory_space<hbm>> -> memref<12288xf32, #tpu.memory_space<hbm>>
      tpu.wait_dma2 semaphore(%run_scoped3A : memref<!tpu.dma_semaphore, #tpu.memory_space<semaphore_mem>>) src(%dma_wait3A_22 : memref<12288xf32, #tpu.memory_space<hbm>>) dst(%arg11 : memref<12288xf32, #tpu.memory_space<vmem>>)
      tpu.yield
    }) : () -> ()
    %broadcast_in_dim3A = arith.constant 0.000000e+00 : f32
    %broadcast_in_dim3A_5 = vector.broadcast %broadcast_in_dim3A : f32 to vector<16xf32>
    %scan3A = arith.constant 0 : i32
    %scan3A_6 = arith.constant 0 : i32
    %scan3A_7 = arith.constant 80 : i32
    %scan3A_8 = arith.addi %scan3A_6, %scan3A_7 : i32
    %scan3A_9 = arith.constant 1 : i32
    %scan3A_10 = scf.for %scan3A_21 = %scan3A_6 to %scan3A_8 step %scan3A_9 iter_args(%scan3A_22 = %scan3A) -> (i32)  : i32 {
      %mul3A_23 = arith.constant 16 : i32
      %mul3A_24 = arith.muli %scan3A_21, %mul3A_23 : i32
      %swap3A = arith.index_cast %mul3A_24 : i32 to index
      %swap3A_25 = tpu.vector_load %arg8[%swap3A] {strides = array<i32>} : memref<1280xf32, #tpu.memory_space<vmem>>, vector<16xf32>,
      tpu.vector_store %arg8[%swap3A], %broadcast_in_dim3A_5 {strides = array<i32>} : memref<1280xf32, #tpu.memory_space<vmem>>, vector<16xf32>,
      %scan3A_26 = arith.constant 0 : i32
      scf.yield %scan3A_26 : i32
    }
    %scan3A_11 = arith.constant 80 : i32
    %scan3A_12 = arith.constant 0 : i32
    %scan3A_13 = arith.constant 0 : i32
    %scan3A_14 = arith.constant 768 : i32
    %scan3A_15 = arith.addi %scan3A_13, %scan3A_14 : i32
    %scan3A_16 = arith.constant 1 : i32
    %scan3A_17 = scf.for %scan3A_21 = %scan3A_13 to %scan3A_15 step %scan3A_16 iter_args(%scan3A_22 = %scan3A_12) -> (i32)  : i32 {
      %mul3A_23 = arith.constant 16 : i32
      %mul3A_24 = arith.muli %scan3A_21, %mul3A_23 : i32
      %get3A = arith.index_cast %mul3A_24 : i32 to index
      %get3A_25 = tpu.vector_load %arg9[%get3A] {strides = array<i32>} : memref<12288xi32, #tpu.memory_space<vmem>>, vector<16xi32>,
      %mul3A_26 = arith.constant 4 : i32
      %mul3A_27 = vector.broadcast %mul3A_26 : i32 to vector<16xi32>
      %mul3A_28 = arith.muli %get3A_25, %mul3A_27 : vector<16xi32>
      %get3A_29 = arith.index_cast %mul3A_24 : i32 to index
      %get3A_30 = tpu.vector_load %arg11[%get3A_29] {strides = array<i32>} : memref<12288xf32, #tpu.memory_space<vmem>>, vector<16xf32>,
      %get3A_31 = arith.index_cast %mul3A_24 : i32 to index
      %get3A_32 = tpu.vector_load %arg10[%get3A_31] {strides = array<i32>} : memref<12288xi32, #tpu.memory_space<vmem>>, vector<16xi32>,
      %sub3A = vector.broadcast %mul3A_2 : i32 to vector<16xi32>
      %sub3A_33 = arith.subi %get3A_32, %sub3A : vector<16xi32>
      %max3A = arith.constant 0 : i32
      %max3A_34 = vector.broadcast %max3A : i32 to vector<16xi32>
      %max3A_35 = arith.maxsi %sub3A_33, %max3A_34 : vector<16xi32>
      %min3A = arith.constant 319 : i32
      %min3A_36 = vector.broadcast %min3A : i32 to vector<16xi32>
      %min3A_37 = arith.minsi %max3A_35, %min3A_36 : vector<16xi32>
      %mul3A_38 = arith.constant 4 : i32
      %mul3A_39 = vector.broadcast %mul3A_38 : i32 to vector<16xi32>
      %mul3A_40 = arith.muli %min3A_37, %mul3A_39 : vector<16xi32>
      %add3A_41 = arith.constant 0 : i32
      %add3A_42 = vector.broadcast %add3A_41 : i32 to vector<16xi32>
      %add3A_43 = arith.addi %mul3A_28, %add3A_42 : vector<16xi32>
      %gather3A = tpu.vector_load_idx %arg7[%add3A_43] : memref<40960xf32, #tpu.memory_space<vmem>>[vector<16xi32>], vector<16xf32>,
      %mul3A_44 = arith.mulf %gather3A, %get3A_30 : vector<16xf32>
      %add3A_45 = arith.constant 0 : i32
      %add3A_46 = vector.broadcast %add3A_45 : i32 to vector<16xi32>
      %add3A_47 = arith.addi %mul3A_40, %add3A_46 : vector<16xi32>
      tpu.vector_store_idx %arg8[%add3A_47], %mul3A_44 {add = true} : memref<1280xf32, #tpu.memory_space<vmem>>[vector<16xi32>], vector<16xf32>,
      %add3A_48 = arith.constant 1 : i32
      %add3A_49 = vector.broadcast %add3A_48 : i32 to vector<16xi32>
      %add3A_50 = arith.addi %mul3A_28, %add3A_49 : vector<16xi32>
      %gather3A_51 = tpu.vector_load_idx %arg7[%add3A_50] : memref<40960xf32, #tpu.memory_space<vmem>>[vector<16xi32>], vector<16xf32>,
      %mul3A_52 = arith.mulf %gather3A_51, %get3A_30 : vector<16xf32>
      %add3A_53 = arith.constant 1 : i32
      %add3A_54 = vector.broadcast %add3A_53 : i32 to vector<16xi32>
      %add3A_55 = arith.addi %mul3A_40, %add3A_54 : vector<16xi32>
      tpu.vector_store_idx %arg8[%add3A_55], %mul3A_52 {add = true} : memref<1280xf32, #tpu.memory_space<vmem>>[vector<16xi32>], vector<16xf32>,
      %add3A_56 = arith.constant 2 : i32
      %add3A_57 = vector.broadcast %add3A_56 : i32 to vector<16xi32>
      %add3A_58 = arith.addi %mul3A_28, %add3A_57 : vector<16xi32>
      %gather3A_59 = tpu.vector_load_idx %arg7[%add3A_58] : memref<40960xf32, #tpu.memory_space<vmem>>[vector<16xi32>], vector<16xf32>,
      %mul3A_60 = arith.mulf %gather3A_59, %get3A_30 : vector<16xf32>
      %add3A_61 = arith.constant 2 : i32
      %add3A_62 = vector.broadcast %add3A_61 : i32 to vector<16xi32>
      %add3A_63 = arith.addi %mul3A_40, %add3A_62 : vector<16xi32>
      tpu.vector_store_idx %arg8[%add3A_63], %mul3A_60 {add = true} : memref<1280xf32, #tpu.memory_space<vmem>>[vector<16xi32>], vector<16xf32>,
      %add3A_64 = arith.constant 3 : i32
      %add3A_65 = vector.broadcast %add3A_64 : i32 to vector<16xi32>
      %add3A_66 = arith.addi %mul3A_28, %add3A_65 : vector<16xi32>
      %gather3A_67 = tpu.vector_load_idx %arg7[%add3A_66] : memref<40960xf32, #tpu.memory_space<vmem>>[vector<16xi32>], vector<16xf32>,
      %mul3A_68 = arith.mulf %gather3A_67, %get3A_30 : vector<16xf32>
      %add3A_69 = arith.constant 3 : i32
      %add3A_70 = vector.broadcast %add3A_69 : i32 to vector<16xi32>
      %add3A_71 = arith.addi %mul3A_40, %add3A_70 : vector<16xi32>
      tpu.vector_store_idx %arg8[%add3A_71], %mul3A_68 {add = true} : memref<1280xf32, #tpu.memory_space<vmem>>[vector<16xi32>], vector<16xf32>,
      %scan3A_72 = arith.constant 0 : i32
      scf.yield %scan3A_72 : i32
    }
    %scan3A_18 = arith.constant 768 : i32
    %mul3A_19 = arith.constant 4 : i32
    %mul3A_20 = arith.muli %mul3A_2, %mul3A_19 : i32
    "tpu.region"() ({
      %run_scoped3A = tpu.sem_alloc : memref<!tpu.dma_semaphore, #tpu.memory_space<semaphore_mem>>
      %dma_start3A = tpu.memref_slice %arg6[%mul3A_20] : memref<40960xf32, #tpu.memory_space<hbm>> -> memref<1280xf32, #tpu.memory_space<hbm>>
      %dma_start3A_21 = tpu.memref_slice %arg6[%mul3A_20] : memref<40960xf32, #tpu.memory_space<hbm>> -> memref<1280xf32, #tpu.memory_space<hbm>>
      tpu.enqueue_dma source(%arg8 : memref<1280xf32, #tpu.memory_space<vmem>>) target(%dma_start3A_21 : memref<1280xf32, #tpu.memory_space<hbm>>) target_semaphore(%run_scoped3A : memref<!tpu.dma_semaphore, #tpu.memory_space<semaphore_mem>>)
      %dma_wait3A = tpu.memref_slice %arg6[%mul3A_20] : memref<40960xf32, #tpu.memory_space<hbm>> -> memref<1280xf32, #tpu.memory_space<hbm>>
      %dma_wait3A_22 = tpu.memref_slice %arg6[%mul3A_20] : memref<40960xf32, #tpu.memory_space<hbm>> -> memref<1280xf32, #tpu.memory_space<hbm>>
      tpu.wait_dma2 semaphore(%run_scoped3A : memref<!tpu.dma_semaphore, #tpu.memory_space<semaphore_mem>>) src(%arg8 : memref<1280xf32, #tpu.memory_space<vmem>>) dst(%dma_wait3A_22 : memref<1280xf32, #tpu.memory_space<hbm>>)
      tpu.yield
    }) : () -> ()
    return
  }
}

#map = affine_map<(d0, d1) -> (0)>
module attributes {stable_mosaic.version = 14 : i64} {
  func.func @_sc_hop4_body(%arg0: i32, %arg1: i32, %arg2: memref<40960xf32, #tpu.memory_space<hbm>>, %arg3: memref<393216xi32, #tpu.memory_space<hbm>>, %arg4: memref<393216xf32, #tpu.memory_space<hbm>>, %arg5: memref<393216xi32, #tpu.memory_space<hbm>>, %arg6: memref<40960xf32, #tpu.memory_space<hbm>>, %arg7: memref<40960xf32, #tpu.memory_space<vmem>>, %arg8: memref<1280xf32, #tpu.memory_space<vmem>>, %arg9: memref<12288xi32, #tpu.memory_space<vmem>>, %arg10: memref<12288xi32, #tpu.memory_space<vmem>>, %arg11: memref<12288xf32, #tpu.memory_space<vmem>>) attributes {dimension_semantics = [#tpu.dimension_semantics<core_parallel>, #tpu.dimension_semantics<subcore_parallel>], iteration_bounds = array<i64: 2, 16>, scalar_prefetch = 0 : i64, scratch_operands = 5 : i64, tpu.core_type = #tpu.core_type<sc_vector_subcore>, window_params = [{transform_indices = #map}, {transform_indices = #map}, {transform_indices = #map}, {transform_indices = #map}, {transform_indices = #map}]} {
    %mul3A = arith.constant 2 : i32
    %mul3A_0 = arith.muli %arg1, %mul3A : i32
    %add3A = arith.addi %mul3A_0, %arg0 : i32
    %mul3A_1 = arith.constant 320 : i32
    %mul3A_2 = arith.muli %add3A, %mul3A_1 : i32
    %mul3A_3 = arith.constant 12288 : i32
    %mul3A_4 = arith.muli %add3A, %mul3A_3 : i32
    "tpu.region"() ({
      %run_scoped3A = tpu.sem_alloc : memref<!tpu.dma_semaphore, #tpu.memory_space<semaphore_mem>>
      tpu.enqueue_dma source(%arg2 : memref<40960xf32, #tpu.memory_space<hbm>>) target(%arg7 : memref<40960xf32, #tpu.memory_space<vmem>>) target_semaphore(%run_scoped3A : memref<!tpu.dma_semaphore, #tpu.memory_space<semaphore_mem>>)
      tpu.wait_dma2 semaphore(%run_scoped3A : memref<!tpu.dma_semaphore, #tpu.memory_space<semaphore_mem>>) src(%arg2 : memref<40960xf32, #tpu.memory_space<hbm>>) dst(%arg7 : memref<40960xf32, #tpu.memory_space<vmem>>)
      tpu.yield
    }) : () -> ()
    "tpu.region"() ({
      %run_scoped3A = tpu.sem_alloc : memref<!tpu.dma_semaphore, #tpu.memory_space<semaphore_mem>>
      %dma_start3A = tpu.memref_slice %arg3[%mul3A_4] : memref<393216xi32, #tpu.memory_space<hbm>> -> memref<12288xi32, #tpu.memory_space<hbm>>
      %dma_start3A_21 = tpu.memref_slice %arg3[%mul3A_4] : memref<393216xi32, #tpu.memory_space<hbm>> -> memref<12288xi32, #tpu.memory_space<hbm>>
      tpu.enqueue_dma source(%dma_start3A_21 : memref<12288xi32, #tpu.memory_space<hbm>>) target(%arg9 : memref<12288xi32, #tpu.memory_space<vmem>>) target_semaphore(%run_scoped3A : memref<!tpu.dma_semaphore, #tpu.memory_space<semaphore_mem>>)
      %dma_wait3A = tpu.memref_slice %arg3[%mul3A_4] : memref<393216xi32, #tpu.memory_space<hbm>> -> memref<12288xi32, #tpu.memory_space<hbm>>
      %dma_wait3A_22 = tpu.memref_slice %arg3[%mul3A_4] : memref<393216xi32, #tpu.memory_space<hbm>> -> memref<12288xi32, #tpu.memory_space<hbm>>
      tpu.wait_dma2 semaphore(%run_scoped3A : memref<!tpu.dma_semaphore, #tpu.memory_space<semaphore_mem>>) src(%dma_wait3A_22 : memref<12288xi32, #tpu.memory_space<hbm>>) dst(%arg9 : memref<12288xi32, #tpu.memory_space<vmem>>)
      tpu.yield
    }) : () -> ()
    "tpu.region"() ({
      %run_scoped3A = tpu.sem_alloc : memref<!tpu.dma_semaphore, #tpu.memory_space<semaphore_mem>>
      %dma_start3A = tpu.memref_slice %arg5[%mul3A_4] : memref<393216xi32, #tpu.memory_space<hbm>> -> memref<12288xi32, #tpu.memory_space<hbm>>
      %dma_start3A_21 = tpu.memref_slice %arg5[%mul3A_4] : memref<393216xi32, #tpu.memory_space<hbm>> -> memref<12288xi32, #tpu.memory_space<hbm>>
      tpu.enqueue_dma source(%dma_start3A_21 : memref<12288xi32, #tpu.memory_space<hbm>>) target(%arg10 : memref<12288xi32, #tpu.memory_space<vmem>>) target_semaphore(%run_scoped3A : memref<!tpu.dma_semaphore, #tpu.memory_space<semaphore_mem>>)
      %dma_wait3A = tpu.memref_slice %arg5[%mul3A_4] : memref<393216xi32, #tpu.memory_space<hbm>> -> memref<12288xi32, #tpu.memory_space<hbm>>
      %dma_wait3A_22 = tpu.memref_slice %arg5[%mul3A_4] : memref<393216xi32, #tpu.memory_space<hbm>> -> memref<12288xi32, #tpu.memory_space<hbm>>
      tpu.wait_dma2 semaphore(%run_scoped3A : memref<!tpu.dma_semaphore, #tpu.memory_space<semaphore_mem>>) src(%dma_wait3A_22 : memref<12288xi32, #tpu.memory_space<hbm>>) dst(%arg10 : memref<12288xi32, #tpu.memory_space<vmem>>)
      tpu.yield
    }) : () -> ()
    "tpu.region"() ({
      %run_scoped3A = tpu.sem_alloc : memref<!tpu.dma_semaphore, #tpu.memory_space<semaphore_mem>>
      %dma_start3A = tpu.memref_slice %arg4[%mul3A_4] : memref<393216xf32, #tpu.memory_space<hbm>> -> memref<12288xf32, #tpu.memory_space<hbm>>
      %dma_start3A_21 = tpu.memref_slice %arg4[%mul3A_4] : memref<393216xf32, #tpu.memory_space<hbm>> -> memref<12288xf32, #tpu.memory_space<hbm>>
      tpu.enqueue_dma source(%dma_start3A_21 : memref<12288xf32, #tpu.memory_space<hbm>>) target(%arg11 : memref<12288xf32, #tpu.memory_space<vmem>>) target_semaphore(%run_scoped3A : memref<!tpu.dma_semaphore, #tpu.memory_space<semaphore_mem>>)
      %dma_wait3A = tpu.memref_slice %arg4[%mul3A_4] : memref<393216xf32, #tpu.memory_space<hbm>> -> memref<12288xf32, #tpu.memory_space<hbm>>
      %dma_wait3A_22 = tpu.memref_slice %arg4[%mul3A_4] : memref<393216xf32, #tpu.memory_space<hbm>> -> memref<12288xf32, #tpu.memory_space<hbm>>
      tpu.wait_dma2 semaphore(%run_scoped3A : memref<!tpu.dma_semaphore, #tpu.memory_space<semaphore_mem>>) src(%dma_wait3A_22 : memref<12288xf32, #tpu.memory_space<hbm>>) dst(%arg11 : memref<12288xf32, #tpu.memory_space<vmem>>)
      tpu.yield
    }) : () -> ()
    %broadcast_in_dim3A = arith.constant 0.000000e+00 : f32
    %broadcast_in_dim3A_5 = vector.broadcast %broadcast_in_dim3A : f32 to vector<16xf32>
    %scan3A = arith.constant 0 : i32
    %scan3A_6 = arith.constant 0 : i32
    %scan3A_7 = arith.constant 80 : i32
    %scan3A_8 = arith.addi %scan3A_6, %scan3A_7 : i32
    %scan3A_9 = arith.constant 1 : i32
    %scan3A_10 = scf.for %scan3A_21 = %scan3A_6 to %scan3A_8 step %scan3A_9 iter_args(%scan3A_22 = %scan3A) -> (i32)  : i32 {
      %mul3A_23 = arith.constant 16 : i32
      %mul3A_24 = arith.muli %scan3A_21, %mul3A_23 : i32
      %swap3A = arith.index_cast %mul3A_24 : i32 to index
      %swap3A_25 = tpu.vector_load %arg8[%swap3A] {strides = array<i32>} : memref<1280xf32, #tpu.memory_space<vmem>>, vector<16xf32>,
      tpu.vector_store %arg8[%swap3A], %broadcast_in_dim3A_5 {strides = array<i32>} : memref<1280xf32, #tpu.memory_space<vmem>>, vector<16xf32>,
      %scan3A_26 = arith.constant 0 : i32
      scf.yield %scan3A_26 : i32
    }
    %scan3A_11 = arith.constant 80 : i32
    %scan3A_12 = arith.constant 0 : i32
    %scan3A_13 = arith.constant 0 : i32
    %scan3A_14 = arith.constant 768 : i32
    %scan3A_15 = arith.addi %scan3A_13, %scan3A_14 : i32
    %scan3A_16 = arith.constant 1 : i32
    %scan3A_17 = scf.for %scan3A_21 = %scan3A_13 to %scan3A_15 step %scan3A_16 iter_args(%scan3A_22 = %scan3A_12) -> (i32)  : i32 {
      %mul3A_23 = arith.constant 16 : i32
      %mul3A_24 = arith.muli %scan3A_21, %mul3A_23 : i32
      %get3A = arith.index_cast %mul3A_24 : i32 to index
      %get3A_25 = tpu.vector_load %arg9[%get3A] {strides = array<i32>} : memref<12288xi32, #tpu.memory_space<vmem>>, vector<16xi32>,
      %mul3A_26 = arith.constant 4 : i32
      %mul3A_27 = vector.broadcast %mul3A_26 : i32 to vector<16xi32>
      %mul3A_28 = arith.muli %get3A_25, %mul3A_27 : vector<16xi32>
      %get3A_29 = arith.index_cast %mul3A_24 : i32 to index
      %get3A_30 = tpu.vector_load %arg11[%get3A_29] {strides = array<i32>} : memref<12288xf32, #tpu.memory_space<vmem>>, vector<16xf32>,
      %get3A_31 = arith.index_cast %mul3A_24 : i32 to index
      %get3A_32 = tpu.vector_load %arg10[%get3A_31] {strides = array<i32>} : memref<12288xi32, #tpu.memory_space<vmem>>, vector<16xi32>,
      %sub3A = vector.broadcast %mul3A_2 : i32 to vector<16xi32>
      %sub3A_33 = arith.subi %get3A_32, %sub3A : vector<16xi32>
      %max3A = arith.constant 0 : i32
      %max3A_34 = vector.broadcast %max3A : i32 to vector<16xi32>
      %max3A_35 = arith.maxsi %sub3A_33, %max3A_34 : vector<16xi32>
      %min3A = arith.constant 319 : i32
      %min3A_36 = vector.broadcast %min3A : i32 to vector<16xi32>
      %min3A_37 = arith.minsi %max3A_35, %min3A_36 : vector<16xi32>
      %mul3A_38 = arith.constant 4 : i32
      %mul3A_39 = vector.broadcast %mul3A_38 : i32 to vector<16xi32>
      %mul3A_40 = arith.muli %min3A_37, %mul3A_39 : vector<16xi32>
      %add3A_41 = arith.constant 0 : i32
      %add3A_42 = vector.broadcast %add3A_41 : i32 to vector<16xi32>
      %add3A_43 = arith.addi %mul3A_28, %add3A_42 : vector<16xi32>
      %gather3A = tpu.vector_load_idx %arg7[%add3A_43] : memref<40960xf32, #tpu.memory_space<vmem>>[vector<16xi32>], vector<16xf32>,
      %mul3A_44 = arith.mulf %gather3A, %get3A_30 : vector<16xf32>
      %add3A_45 = arith.constant 0 : i32
      %add3A_46 = vector.broadcast %add3A_45 : i32 to vector<16xi32>
      %add3A_47 = arith.addi %mul3A_40, %add3A_46 : vector<16xi32>
      tpu.vector_store_idx %arg8[%add3A_47], %mul3A_44 {add = true} : memref<1280xf32, #tpu.memory_space<vmem>>[vector<16xi32>], vector<16xf32>,
      %add3A_48 = arith.constant 1 : i32
      %add3A_49 = vector.broadcast %add3A_48 : i32 to vector<16xi32>
      %add3A_50 = arith.addi %mul3A_28, %add3A_49 : vector<16xi32>
      %gather3A_51 = tpu.vector_load_idx %arg7[%add3A_50] : memref<40960xf32, #tpu.memory_space<vmem>>[vector<16xi32>], vector<16xf32>,
      %mul3A_52 = arith.mulf %gather3A_51, %get3A_30 : vector<16xf32>
      %add3A_53 = arith.constant 1 : i32
      %add3A_54 = vector.broadcast %add3A_53 : i32 to vector<16xi32>
      %add3A_55 = arith.addi %mul3A_40, %add3A_54 : vector<16xi32>
      tpu.vector_store_idx %arg8[%add3A_55], %mul3A_52 {add = true} : memref<1280xf32, #tpu.memory_space<vmem>>[vector<16xi32>], vector<16xf32>,
      %add3A_56 = arith.constant 2 : i32
      %add3A_57 = vector.broadcast %add3A_56 : i32 to vector<16xi32>
      %add3A_58 = arith.addi %mul3A_28, %add3A_57 : vector<16xi32>
      %gather3A_59 = tpu.vector_load_idx %arg7[%add3A_58] : memref<40960xf32, #tpu.memory_space<vmem>>[vector<16xi32>], vector<16xf32>,
      %mul3A_60 = arith.mulf %gather3A_59, %get3A_30 : vector<16xf32>
      %add3A_61 = arith.constant 2 : i32
      %add3A_62 = vector.broadcast %add3A_61 : i32 to vector<16xi32>
      %add3A_63 = arith.addi %mul3A_40, %add3A_62 : vector<16xi32>
      tpu.vector_store_idx %arg8[%add3A_63], %mul3A_60 {add = true} : memref<1280xf32, #tpu.memory_space<vmem>>[vector<16xi32>], vector<16xf32>,
      %add3A_64 = arith.constant 3 : i32
      %add3A_65 = vector.broadcast %add3A_64 : i32 to vector<16xi32>
      %add3A_66 = arith.addi %mul3A_28, %add3A_65 : vector<16xi32>
      %gather3A_67 = tpu.vector_load_idx %arg7[%add3A_66] : memref<40960xf32, #tpu.memory_space<vmem>>[vector<16xi32>], vector<16xf32>,
      %mul3A_68 = arith.mulf %gather3A_67, %get3A_30 : vector<16xf32>
      %add3A_69 = arith.constant 3 : i32
      %add3A_70 = vector.broadcast %add3A_69 : i32 to vector<16xi32>
      %add3A_71 = arith.addi %mul3A_40, %add3A_70 : vector<16xi32>
      tpu.vector_store_idx %arg8[%add3A_71], %mul3A_68 {add = true} : memref<1280xf32, #tpu.memory_space<vmem>>[vector<16xi32>], vector<16xf32>,
      %scan3A_72 = arith.constant 0 : i32
      scf.yield %scan3A_72 : i32
    }
    %scan3A_18 = arith.constant 768 : i32
    %mul3A_19 = arith.constant 4 : i32
    %mul3A_20 = arith.muli %mul3A_2, %mul3A_19 : i32
    "tpu.region"() ({
      %run_scoped3A = tpu.sem_alloc : memref<!tpu.dma_semaphore, #tpu.memory_space<semaphore_mem>>
      %dma_start3A = tpu.memref_slice %arg6[%mul3A_20] : memref<40960xf32, #tpu.memory_space<hbm>> -> memref<1280xf32, #tpu.memory_space<hbm>>
      %dma_start3A_21 = tpu.memref_slice %arg6[%mul3A_20] : memref<40960xf32, #tpu.memory_space<hbm>> -> memref<1280xf32, #tpu.memory_space<hbm>>
      tpu.enqueue_dma source(%arg8 : memref<1280xf32, #tpu.memory_space<vmem>>) target(%dma_start3A_21 : memref<1280xf32, #tpu.memory_space<hbm>>) target_semaphore(%run_scoped3A : memref<!tpu.dma_semaphore, #tpu.memory_space<semaphore_mem>>)
      %dma_wait3A = tpu.memref_slice %arg6[%mul3A_20] : memref<40960xf32, #tpu.memory_space<hbm>> -> memref<1280xf32, #tpu.memory_space<hbm>>
      %dma_wait3A_22 = tpu.memref_slice %arg6[%mul3A_20] : memref<40960xf32, #tpu.memory_space<hbm>> -> memref<1280xf32, #tpu.memory_space<hbm>>
      tpu.wait_dma2 semaphore(%run_scoped3A : memref<!tpu.dma_semaphore, #tpu.memory_space<semaphore_mem>>) src(%arg8 : memref<1280xf32, #tpu.memory_space<vmem>>) dst(%dma_wait3A_22 : memref<1280xf32, #tpu.memory_space<hbm>>)
      tpu.yield
    }) : () -> ()
    return
  }
}

#map = affine_map<(d0, d1) -> (0)>
module attributes {stable_mosaic.version = 14 : i64} {
  func.func @_sc_hop4_body(%arg0: i32, %arg1: i32, %arg2: memref<40960xf32, #tpu.memory_space<hbm>>, %arg3: memref<393216xi32, #tpu.memory_space<hbm>>, %arg4: memref<393216xf32, #tpu.memory_space<hbm>>, %arg5: memref<393216xi32, #tpu.memory_space<hbm>>, %arg6: memref<40960xf32, #tpu.memory_space<hbm>>, %arg7: memref<40960xf32, #tpu.memory_space<vmem>>, %arg8: memref<1280xf32, #tpu.memory_space<vmem>>, %arg9: memref<12288xi32, #tpu.memory_space<vmem>>, %arg10: memref<12288xi32, #tpu.memory_space<vmem>>, %arg11: memref<12288xf32, #tpu.memory_space<vmem>>) attributes {dimension_semantics = [#tpu.dimension_semantics<core_parallel>, #tpu.dimension_semantics<subcore_parallel>], iteration_bounds = array<i64: 2, 16>, scalar_prefetch = 0 : i64, scratch_operands = 5 : i64, tpu.core_type = #tpu.core_type<sc_vector_subcore>, window_params = [{transform_indices = #map}, {transform_indices = #map}, {transform_indices = #map}, {transform_indices = #map}, {transform_indices = #map}]} {
    %mul3A = arith.constant 2 : i32
    %mul3A_0 = arith.muli %arg1, %mul3A : i32
    %add3A = arith.addi %mul3A_0, %arg0 : i32
    %mul3A_1 = arith.constant 320 : i32
    %mul3A_2 = arith.muli %add3A, %mul3A_1 : i32
    %mul3A_3 = arith.constant 12288 : i32
    %mul3A_4 = arith.muli %add3A, %mul3A_3 : i32
    "tpu.region"() ({
      %run_scoped3A = tpu.sem_alloc : memref<!tpu.dma_semaphore, #tpu.memory_space<semaphore_mem>>
      tpu.enqueue_dma source(%arg2 : memref<40960xf32, #tpu.memory_space<hbm>>) target(%arg7 : memref<40960xf32, #tpu.memory_space<vmem>>) target_semaphore(%run_scoped3A : memref<!tpu.dma_semaphore, #tpu.memory_space<semaphore_mem>>)
      tpu.wait_dma2 semaphore(%run_scoped3A : memref<!tpu.dma_semaphore, #tpu.memory_space<semaphore_mem>>) src(%arg2 : memref<40960xf32, #tpu.memory_space<hbm>>) dst(%arg7 : memref<40960xf32, #tpu.memory_space<vmem>>)
      tpu.yield
    }) : () -> ()
    "tpu.region"() ({
      %run_scoped3A = tpu.sem_alloc : memref<!tpu.dma_semaphore, #tpu.memory_space<semaphore_mem>>
      %dma_start3A = tpu.memref_slice %arg3[%mul3A_4] : memref<393216xi32, #tpu.memory_space<hbm>> -> memref<12288xi32, #tpu.memory_space<hbm>>
      %dma_start3A_21 = tpu.memref_slice %arg3[%mul3A_4] : memref<393216xi32, #tpu.memory_space<hbm>> -> memref<12288xi32, #tpu.memory_space<hbm>>
      tpu.enqueue_dma source(%dma_start3A_21 : memref<12288xi32, #tpu.memory_space<hbm>>) target(%arg9 : memref<12288xi32, #tpu.memory_space<vmem>>) target_semaphore(%run_scoped3A : memref<!tpu.dma_semaphore, #tpu.memory_space<semaphore_mem>>)
      %dma_wait3A = tpu.memref_slice %arg3[%mul3A_4] : memref<393216xi32, #tpu.memory_space<hbm>> -> memref<12288xi32, #tpu.memory_space<hbm>>
      %dma_wait3A_22 = tpu.memref_slice %arg3[%mul3A_4] : memref<393216xi32, #tpu.memory_space<hbm>> -> memref<12288xi32, #tpu.memory_space<hbm>>
      tpu.wait_dma2 semaphore(%run_scoped3A : memref<!tpu.dma_semaphore, #tpu.memory_space<semaphore_mem>>) src(%dma_wait3A_22 : memref<12288xi32, #tpu.memory_space<hbm>>) dst(%arg9 : memref<12288xi32, #tpu.memory_space<vmem>>)
      tpu.yield
    }) : () -> ()
    "tpu.region"() ({
      %run_scoped3A = tpu.sem_alloc : memref<!tpu.dma_semaphore, #tpu.memory_space<semaphore_mem>>
      %dma_start3A = tpu.memref_slice %arg5[%mul3A_4] : memref<393216xi32, #tpu.memory_space<hbm>> -> memref<12288xi32, #tpu.memory_space<hbm>>
      %dma_start3A_21 = tpu.memref_slice %arg5[%mul3A_4] : memref<393216xi32, #tpu.memory_space<hbm>> -> memref<12288xi32, #tpu.memory_space<hbm>>
      tpu.enqueue_dma source(%dma_start3A_21 : memref<12288xi32, #tpu.memory_space<hbm>>) target(%arg10 : memref<12288xi32, #tpu.memory_space<vmem>>) target_semaphore(%run_scoped3A : memref<!tpu.dma_semaphore, #tpu.memory_space<semaphore_mem>>)
      %dma_wait3A = tpu.memref_slice %arg5[%mul3A_4] : memref<393216xi32, #tpu.memory_space<hbm>> -> memref<12288xi32, #tpu.memory_space<hbm>>
      %dma_wait3A_22 = tpu.memref_slice %arg5[%mul3A_4] : memref<393216xi32, #tpu.memory_space<hbm>> -> memref<12288xi32, #tpu.memory_space<hbm>>
      tpu.wait_dma2 semaphore(%run_scoped3A : memref<!tpu.dma_semaphore, #tpu.memory_space<semaphore_mem>>) src(%dma_wait3A_22 : memref<12288xi32, #tpu.memory_space<hbm>>) dst(%arg10 : memref<12288xi32, #tpu.memory_space<vmem>>)
      tpu.yield
    }) : () -> ()
    "tpu.region"() ({
      %run_scoped3A = tpu.sem_alloc : memref<!tpu.dma_semaphore, #tpu.memory_space<semaphore_mem>>
      %dma_start3A = tpu.memref_slice %arg4[%mul3A_4] : memref<393216xf32, #tpu.memory_space<hbm>> -> memref<12288xf32, #tpu.memory_space<hbm>>
      %dma_start3A_21 = tpu.memref_slice %arg4[%mul3A_4] : memref<393216xf32, #tpu.memory_space<hbm>> -> memref<12288xf32, #tpu.memory_space<hbm>>
      tpu.enqueue_dma source(%dma_start3A_21 : memref<12288xf32, #tpu.memory_space<hbm>>) target(%arg11 : memref<12288xf32, #tpu.memory_space<vmem>>) target_semaphore(%run_scoped3A : memref<!tpu.dma_semaphore, #tpu.memory_space<semaphore_mem>>)
      %dma_wait3A = tpu.memref_slice %arg4[%mul3A_4] : memref<393216xf32, #tpu.memory_space<hbm>> -> memref<12288xf32, #tpu.memory_space<hbm>>
      %dma_wait3A_22 = tpu.memref_slice %arg4[%mul3A_4] : memref<393216xf32, #tpu.memory_space<hbm>> -> memref<12288xf32, #tpu.memory_space<hbm>>
      tpu.wait_dma2 semaphore(%run_scoped3A : memref<!tpu.dma_semaphore, #tpu.memory_space<semaphore_mem>>) src(%dma_wait3A_22 : memref<12288xf32, #tpu.memory_space<hbm>>) dst(%arg11 : memref<12288xf32, #tpu.memory_space<vmem>>)
      tpu.yield
    }) : () -> ()
    %broadcast_in_dim3A = arith.constant 0.000000e+00 : f32
    %broadcast_in_dim3A_5 = vector.broadcast %broadcast_in_dim3A : f32 to vector<16xf32>
    %scan3A = arith.constant 0 : i32
    %scan3A_6 = arith.constant 0 : i32
    %scan3A_7 = arith.constant 80 : i32
    %scan3A_8 = arith.addi %scan3A_6, %scan3A_7 : i32
    %scan3A_9 = arith.constant 1 : i32
    %scan3A_10 = scf.for %scan3A_21 = %scan3A_6 to %scan3A_8 step %scan3A_9 iter_args(%scan3A_22 = %scan3A) -> (i32)  : i32 {
      %mul3A_23 = arith.constant 16 : i32
      %mul3A_24 = arith.muli %scan3A_21, %mul3A_23 : i32
      %swap3A = arith.index_cast %mul3A_24 : i32 to index
      %swap3A_25 = tpu.vector_load %arg8[%swap3A] {strides = array<i32>} : memref<1280xf32, #tpu.memory_space<vmem>>, vector<16xf32>,
      tpu.vector_store %arg8[%swap3A], %broadcast_in_dim3A_5 {strides = array<i32>} : memref<1280xf32, #tpu.memory_space<vmem>>, vector<16xf32>,
      %scan3A_26 = arith.constant 0 : i32
      scf.yield %scan3A_26 : i32
    }
    %scan3A_11 = arith.constant 80 : i32
    %scan3A_12 = arith.constant 0 : i32
    %scan3A_13 = arith.constant 0 : i32
    %scan3A_14 = arith.constant 768 : i32
    %scan3A_15 = arith.addi %scan3A_13, %scan3A_14 : i32
    %scan3A_16 = arith.constant 1 : i32
    %scan3A_17 = scf.for %scan3A_21 = %scan3A_13 to %scan3A_15 step %scan3A_16 iter_args(%scan3A_22 = %scan3A_12) -> (i32)  : i32 {
      %mul3A_23 = arith.constant 16 : i32
      %mul3A_24 = arith.muli %scan3A_21, %mul3A_23 : i32
      %get3A = arith.index_cast %mul3A_24 : i32 to index
      %get3A_25 = tpu.vector_load %arg9[%get3A] {strides = array<i32>} : memref<12288xi32, #tpu.memory_space<vmem>>, vector<16xi32>,
      %mul3A_26 = arith.constant 4 : i32
      %mul3A_27 = vector.broadcast %mul3A_26 : i32 to vector<16xi32>
      %mul3A_28 = arith.muli %get3A_25, %mul3A_27 : vector<16xi32>
      %get3A_29 = arith.index_cast %mul3A_24 : i32 to index
      %get3A_30 = tpu.vector_load %arg11[%get3A_29] {strides = array<i32>} : memref<12288xf32, #tpu.memory_space<vmem>>, vector<16xf32>,
      %get3A_31 = arith.index_cast %mul3A_24 : i32 to index
      %get3A_32 = tpu.vector_load %arg10[%get3A_31] {strides = array<i32>} : memref<12288xi32, #tpu.memory_space<vmem>>, vector<16xi32>,
      %sub3A = vector.broadcast %mul3A_2 : i32 to vector<16xi32>
      %sub3A_33 = arith.subi %get3A_32, %sub3A : vector<16xi32>
      %max3A = arith.constant 0 : i32
      %max3A_34 = vector.broadcast %max3A : i32 to vector<16xi32>
      %max3A_35 = arith.maxsi %sub3A_33, %max3A_34 : vector<16xi32>
      %min3A = arith.constant 319 : i32
      %min3A_36 = vector.broadcast %min3A : i32 to vector<16xi32>
      %min3A_37 = arith.minsi %max3A_35, %min3A_36 : vector<16xi32>
      %mul3A_38 = arith.constant 4 : i32
      %mul3A_39 = vector.broadcast %mul3A_38 : i32 to vector<16xi32>
      %mul3A_40 = arith.muli %min3A_37, %mul3A_39 : vector<16xi32>
      %add3A_41 = arith.constant 0 : i32
      %add3A_42 = vector.broadcast %add3A_41 : i32 to vector<16xi32>
      %add3A_43 = arith.addi %mul3A_28, %add3A_42 : vector<16xi32>
      %gather3A = tpu.vector_load_idx %arg7[%add3A_43] : memref<40960xf32, #tpu.memory_space<vmem>>[vector<16xi32>], vector<16xf32>,
      %mul3A_44 = arith.mulf %gather3A, %get3A_30 : vector<16xf32>
      %add3A_45 = arith.constant 0 : i32
      %add3A_46 = vector.broadcast %add3A_45 : i32 to vector<16xi32>
      %add3A_47 = arith.addi %mul3A_40, %add3A_46 : vector<16xi32>
      tpu.vector_store_idx %arg8[%add3A_47], %mul3A_44 {add = true} : memref<1280xf32, #tpu.memory_space<vmem>>[vector<16xi32>], vector<16xf32>,
      %add3A_48 = arith.constant 1 : i32
      %add3A_49 = vector.broadcast %add3A_48 : i32 to vector<16xi32>
      %add3A_50 = arith.addi %mul3A_28, %add3A_49 : vector<16xi32>
      %gather3A_51 = tpu.vector_load_idx %arg7[%add3A_50] : memref<40960xf32, #tpu.memory_space<vmem>>[vector<16xi32>], vector<16xf32>,
      %mul3A_52 = arith.mulf %gather3A_51, %get3A_30 : vector<16xf32>
      %add3A_53 = arith.constant 1 : i32
      %add3A_54 = vector.broadcast %add3A_53 : i32 to vector<16xi32>
      %add3A_55 = arith.addi %mul3A_40, %add3A_54 : vector<16xi32>
      tpu.vector_store_idx %arg8[%add3A_55], %mul3A_52 {add = true} : memref<1280xf32, #tpu.memory_space<vmem>>[vector<16xi32>], vector<16xf32>,
      %add3A_56 = arith.constant 2 : i32
      %add3A_57 = vector.broadcast %add3A_56 : i32 to vector<16xi32>
      %add3A_58 = arith.addi %mul3A_28, %add3A_57 : vector<16xi32>
      %gather3A_59 = tpu.vector_load_idx %arg7[%add3A_58] : memref<40960xf32, #tpu.memory_space<vmem>>[vector<16xi32>], vector<16xf32>,
      %mul3A_60 = arith.mulf %gather3A_59, %get3A_30 : vector<16xf32>
      %add3A_61 = arith.constant 2 : i32
      %add3A_62 = vector.broadcast %add3A_61 : i32 to vector<16xi32>
      %add3A_63 = arith.addi %mul3A_40, %add3A_62 : vector<16xi32>
      tpu.vector_store_idx %arg8[%add3A_63], %mul3A_60 {add = true} : memref<1280xf32, #tpu.memory_space<vmem>>[vector<16xi32>], vector<16xf32>,
      %add3A_64 = arith.constant 3 : i32
      %add3A_65 = vector.broadcast %add3A_64 : i32 to vector<16xi32>
      %add3A_66 = arith.addi %mul3A_28, %add3A_65 : vector<16xi32>
      %gather3A_67 = tpu.vector_load_idx %arg7[%add3A_66] : memref<40960xf32, #tpu.memory_space<vmem>>[vector<16xi32>], vector<16xf32>,
      %mul3A_68 = arith.mulf %gather3A_67, %get3A_30 : vector<16xf32>
      %add3A_69 = arith.constant 3 : i32
      %add3A_70 = vector.broadcast %add3A_69 : i32 to vector<16xi32>
      %add3A_71 = arith.addi %mul3A_40, %add3A_70 : vector<16xi32>
      tpu.vector_store_idx %arg8[%add3A_71], %mul3A_68 {add = true} : memref<1280xf32, #tpu.memory_space<vmem>>[vector<16xi32>], vector<16xf32>,
      %scan3A_72 = arith.constant 0 : i32
      scf.yield %scan3A_72 : i32
    }
    %scan3A_18 = arith.constant 768 : i32
    %mul3A_19 = arith.constant 4 : i32
    %mul3A_20 = arith.muli %mul3A_2, %mul3A_19 : i32
    "tpu.region"() ({
      %run_scoped3A = tpu.sem_alloc : memref<!tpu.dma_semaphore, #tpu.memory_space<semaphore_mem>>
      %dma_start3A = tpu.memref_slice %arg6[%mul3A_20] : memref<40960xf32, #tpu.memory_space<hbm>> -> memref<1280xf32, #tpu.memory_space<hbm>>
      %dma_start3A_21 = tpu.memref_slice %arg6[%mul3A_20] : memref<40960xf32, #tpu.memory_space<hbm>> -> memref<1280xf32, #tpu.memory_space<hbm>>
      tpu.enqueue_dma source(%arg8 : memref<1280xf32, #tpu.memory_space<vmem>>) target(%dma_start3A_21 : memref<1280xf32, #tpu.memory_space<hbm>>) target_semaphore(%run_scoped3A : memref<!tpu.dma_semaphore, #tpu.memory_space<semaphore_mem>>)
      %dma_wait3A = tpu.memref_slice %arg6[%mul3A_20] : memref<40960xf32, #tpu.memory_space<hbm>> -> memref<1280xf32, #tpu.memory_space<hbm>>
      %dma_wait3A_22 = tpu.memref_slice %arg6[%mul3A_20] : memref<40960xf32, #tpu.memory_space<hbm>> -> memref<1280xf32, #tpu.memory_space<hbm>>
      tpu.wait_dma2 semaphore(%run_scoped3A : memref<!tpu.dma_semaphore, #tpu.memory_space<semaphore_mem>>) src(%arg8 : memref<1280xf32, #tpu.memory_space<vmem>>) dst(%dma_wait3A_22 : memref<1280xf32, #tpu.memory_space<hbm>>)
      tpu.yield
    }) : () -> ()
    return
  }
}

#map = affine_map<(d0, d1) -> (0)>
#map1 = affine_map<(d0, d1) -> (0, 0)>
module attributes {stable_mosaic.version = 14 : i64} {
  func.func @_sc_pool_body(%arg0: i32, %arg1: i32, %arg2: memref<40960xf32, #tpu.memory_space<hbm>>, %arg3: memref<100xi32, #tpu.memory_space<hbm>>, %arg4: memref<100xi32, #tpu.memory_space<hbm>>, %arg5: memref<100x48xf32, #tpu.memory_space<hbm>>, %arg6: memref<40960xf32, #tpu.memory_space<vmem>>, %arg7: memref<116xi32, #tpu.memory_space<vmem>>, %arg8: memref<116xi32, #tpu.memory_space<vmem>>, %arg9: memref<48xf32, #tpu.memory_space<vmem>>) attributes {dimension_semantics = [#tpu.dimension_semantics<core_parallel>, #tpu.dimension_semantics<subcore_parallel>], iteration_bounds = array<i64: 2, 16>, scalar_prefetch = 0 : i64, scratch_operands = 4 : i64, tpu.core_type = #tpu.core_type<sc_vector_subcore>, window_params = [{transform_indices = #map}, {transform_indices = #map}, {transform_indices = #map}, {transform_indices = #map1}]} {
    %mul3A = arith.constant 2 : i32
    %mul3A_0 = arith.muli %arg1, %mul3A : i32
    %add3A = arith.addi %mul3A_0, %arg0 : i32
    "tpu.region"() ({
      %run_scoped3A = tpu.sem_alloc : memref<!tpu.dma_semaphore, #tpu.memory_space<semaphore_mem>>
      tpu.enqueue_dma source(%arg2 : memref<40960xf32, #tpu.memory_space<hbm>>) target(%arg6 : memref<40960xf32, #tpu.memory_space<vmem>>) target_semaphore(%run_scoped3A : memref<!tpu.dma_semaphore, #tpu.memory_space<semaphore_mem>>)
      tpu.wait_dma2 semaphore(%run_scoped3A : memref<!tpu.dma_semaphore, #tpu.memory_space<semaphore_mem>>) src(%arg2 : memref<40960xf32, #tpu.memory_space<hbm>>) dst(%arg6 : memref<40960xf32, #tpu.memory_space<vmem>>)
      tpu.yield
    }) : () -> ()
    "tpu.region"() ({
      %run_scoped3A = tpu.sem_alloc : memref<!tpu.dma_semaphore, #tpu.memory_space<semaphore_mem>>
      %dma_start3A = arith.constant 0 : i32
      %dma_start3A_34 = tpu.memref_slice %arg7[%dma_start3A] : memref<116xi32, #tpu.memory_space<vmem>> -> memref<100xi32, #tpu.memory_space<vmem>>
      %dma_start3A_35 = arith.constant 0 : i32
      %dma_start3A_36 = tpu.memref_slice %arg7[%dma_start3A_35] : memref<116xi32, #tpu.memory_space<vmem>> -> memref<100xi32, #tpu.memory_space<vmem>>
      tpu.enqueue_dma source(%arg3 : memref<100xi32, #tpu.memory_space<hbm>>) target(%dma_start3A_36 : memref<100xi32, #tpu.memory_space<vmem>>) target_semaphore(%run_scoped3A : memref<!tpu.dma_semaphore, #tpu.memory_space<semaphore_mem>>)
      %dma_wait3A = arith.constant 0 : i32
      %dma_wait3A_37 = tpu.memref_slice %arg7[%dma_wait3A] : memref<116xi32, #tpu.memory_space<vmem>> -> memref<100xi32, #tpu.memory_space<vmem>>
      %dma_wait3A_38 = arith.constant 0 : i32
      %dma_wait3A_39 = tpu.memref_slice %arg7[%dma_wait3A_38] : memref<116xi32, #tpu.memory_space<vmem>> -> memref<100xi32, #tpu.memory_space<vmem>>
      tpu.wait_dma2 semaphore(%run_scoped3A : memref<!tpu.dma_semaphore, #tpu.memory_space<semaphore_mem>>) src(%arg3 : memref<100xi32, #tpu.memory_space<hbm>>) dst(%dma_wait3A_39 : memref<100xi32, #tpu.memory_space<vmem>>)
      tpu.yield
    }) : () -> ()
    "tpu.region"() ({
      %run_scoped3A = tpu.sem_alloc : memref<!tpu.dma_semaphore, #tpu.memory_space<semaphore_mem>>
      %dma_start3A = arith.constant 0 : i32
      %dma_start3A_34 = tpu.memref_slice %arg8[%dma_start3A] : memref<116xi32, #tpu.memory_space<vmem>> -> memref<100xi32, #tpu.memory_space<vmem>>
      %dma_start3A_35 = arith.constant 0 : i32
      %dma_start3A_36 = tpu.memref_slice %arg8[%dma_start3A_35] : memref<116xi32, #tpu.memory_space<vmem>> -> memref<100xi32, #tpu.memory_space<vmem>>
      tpu.enqueue_dma source(%arg4 : memref<100xi32, #tpu.memory_space<hbm>>) target(%dma_start3A_36 : memref<100xi32, #tpu.memory_space<vmem>>) target_semaphore(%run_scoped3A : memref<!tpu.dma_semaphore, #tpu.memory_space<semaphore_mem>>)
      %dma_wait3A = arith.constant 0 : i32
      %dma_wait3A_37 = tpu.memref_slice %arg8[%dma_wait3A] : memref<116xi32, #tpu.memory_space<vmem>> -> memref<100xi32, #tpu.memory_space<vmem>>
      %dma_wait3A_38 = arith.constant 0 : i32
      %dma_wait3A_39 = tpu.memref_slice %arg8[%dma_wait3A_38] : memref<116xi32, #tpu.memory_space<vmem>> -> memref<100xi32, #tpu.memory_space<vmem>>
      tpu.wait_dma2 semaphore(%run_scoped3A : memref<!tpu.dma_semaphore, #tpu.memory_space<semaphore_mem>>) src(%arg4 : memref<100xi32, #tpu.memory_space<hbm>>) dst(%dma_wait3A_39 : memref<100xi32, #tpu.memory_space<vmem>>)
      tpu.yield
    }) : () -> ()
    %iota3A = tpu.iota {dimensions = array<i32: 0>} : vector<16xi32>
    %broadcast_in_dim3A = arith.constant 0.000000e+00 : f32
    %broadcast_in_dim3A_1 = vector.broadcast %broadcast_in_dim3A : f32 to vector<16xf32>
    %broadcast_in_dim3A_2 = arith.constant 1 : i32
    %broadcast_in_dim3A_3 = vector.broadcast %broadcast_in_dim3A_2 : i32 to vector<16xi32>
    %broadcast_in_dim3A_4 = arith.constant 0 : i32
    %broadcast_in_dim3A_5 = vector.broadcast %broadcast_in_dim3A_4 : i32 to vector<16xi32>
    %lt3A = arith.constant 4 : i32
    %lt3A_6 = vector.broadcast %lt3A : i32 to vector<16xi32>
    %lt3A_7 = arith.cmpi slt, %iota3A, %lt3A_6 : vector<16xi32>
    %add3A_8 = arith.constant 0 : i32
    %add3A_9 = arith.addi %add3A, %add3A_8 : i32
    %lt3A_10 = arith.constant 100 : i32
    %lt3A_11 = arith.cmpi slt, %add3A_9, %lt3A_10 : i32
    %convert_element_type3A = arith.extui %lt3A_11 : i1 to i32
    %cond3A = arith.constant 0 : i32
    %cond3A_12 = arith.cmpi ne, %convert_element_type3A, %cond3A : i32
    scf.if %cond3A_12 {
      %get3A = arith.index_cast %add3A_9 : i32 to index
      %get3A_34 = tpu.vector_load %arg7[%get3A] {strides = array<i32>} : memref<116xi32, #tpu.memory_space<vmem>>, vector<16xi32>,
      %slice3A = vector.extract_strided_slice %get3A_34 {offsets = [0], sizes = [1], strides = [1]} : vector<16xi32> to vector<1xi32>
      %squeeze3A = vector.extract %slice3A[0] : i32 from vector<1xi32>
      %get3A_35 = arith.index_cast %add3A_9 : i32 to index
      %get3A_36 = tpu.vector_load %arg8[%get3A_35] {strides = array<i32>} : memref<116xi32, #tpu.memory_space<vmem>>, vector<16xi32>,
      %slice3A_37 = vector.extract_strided_slice %get3A_36 {offsets = [0], sizes = [1], strides = [1]} : vector<16xi32> to vector<1xi32>
      %squeeze3A_38 = vector.extract %slice3A_37[0] : i32 from vector<1xi32>
      %swap3A = arith.constant 0 : index
      %swap3A_39 = tpu.vector_load %arg9[%swap3A] {strides = array<i32>} : memref<48xf32, #tpu.memory_space<vmem>>, vector<16xf32>,
      tpu.vector_store %arg9[%swap3A], %broadcast_in_dim3A_1 {strides = array<i32>} : memref<48xf32, #tpu.memory_space<vmem>>, vector<16xf32>,
      %swap3A_40 = arith.constant 16 : index
      %swap3A_41 = tpu.vector_load %arg9[%swap3A_40] {strides = array<i32>} : memref<48xf32, #tpu.memory_space<vmem>>, vector<16xf32>,
      tpu.vector_store %arg9[%swap3A_40], %broadcast_in_dim3A_1 {strides = array<i32>} : memref<48xf32, #tpu.memory_space<vmem>>, vector<16xf32>,
      %swap3A_42 = arith.constant 32 : index
      %swap3A_43 = tpu.vector_load %arg9[%swap3A_42] {strides = array<i32>} : memref<48xf32, #tpu.memory_space<vmem>>, vector<16xf32>,
      tpu.vector_store %arg9[%swap3A_42], %broadcast_in_dim3A_1 {strides = array<i32>} : memref<48xf32, #tpu.memory_space<vmem>>, vector<16xf32>,
      %add3A_44 = arith.constant 15 : i32
      %add3A_45 = arith.addi %squeeze3A_38, %add3A_44 : i32
      %jit3A = arith.constant 16 : i32
      %div3A = arith.divsi %add3A_45, %jit3A : i32
      %sign3A = arith.constant 0 : i32
      %sign3A_46 = arith.cmpi sgt, %add3A_45, %sign3A : i32
      %sign3A_47 = arith.extui %sign3A_46 : i1 to i32
      %sign3A_48 = arith.constant 0 : i32
      %sign3A_49 = arith.cmpi slt, %add3A_45, %sign3A_48 : i32
      %sign3A_50 = arith.extui %sign3A_49 : i1 to i32
      %sign3A_51 = arith.subi %sign3A_47, %sign3A_50 : i32
      %sign3A_52 = arith.constant 0 : i32
      %sign3A_53 = arith.cmpi sgt, %jit3A, %sign3A_52 : i32
      %sign3A_54 = arith.extui %sign3A_53 : i1 to i32
      %sign3A_55 = arith.constant 0 : i32
      %sign3A_56 = arith.cmpi slt, %jit3A, %sign3A_55 : i32
      %sign3A_57 = arith.extui %sign3A_56 : i1 to i32
      %sign3A_58 = arith.subi %sign3A_54, %sign3A_57 : i32
      %ne3A = arith.cmpi ne, %sign3A_51, %sign3A_58 : i32
      %rem3A = arith.remsi %add3A_45, %jit3A : i32
      %ne3A_59 = arith.constant 0 : i32
      %ne3A_60 = arith.cmpi ne, %rem3A, %ne3A_59 : i32
      %and3A = arith.andi %ne3A, %ne3A_60 : i1
      %sub3A = arith.constant 1 : i32
      %sub3A_61 = arith.subi %div3A, %sub3A : i32
      %select_n3A = arith.select %and3A, %sub3A_61, %div3A : i32
      %while3A = arith.constant 0 : i32
      %while3A_62 = arith.constant 0 : i32
      %while3A_63 = arith.subi %squeeze3A_38, %while3A : i32
      %while3A_64 = arith.addi %while3A, %while3A_63 : i32
      %while3A_65 = arith.constant 1 : i32
      %while3A_66 = arith.divsi %while3A_63, %while3A_65 : i32
      %while3A_67 = arith.muli %while3A_66, %while3A_65 : i32
      %while3A_68 = arith.addi %while3A, %while3A_67 : i32
      %while3A_69 = arith.constant 1 : i32
      %while3A_70 = scf.for %while3A_73 = %while3A to %while3A_68 step %while3A_69 iter_args(%while3A_74 = %while3A_62) -> (i32)  : i32 {
        %add3A_75 = arith.addi %squeeze3A, %while3A_73 : i32
        %mul3A_76 = arith.constant 4 : i32
        %mul3A_77 = arith.muli %add3A_75, %mul3A_76 : i32
        %get3A_78 = arith.index_cast %mul3A_77 : i32 to index
        %get3A_79 = tpu.vector_load %arg6[%get3A_78] {strides = array<i32>} : memref<40960xf32, #tpu.memory_space<vmem>>, vector<16xf32>,
        %slice3A_80 = vector.extract_strided_slice %get3A_79 {offsets = [3], sizes = [1], strides = [1]} : vector<16xf32> to vector<1xf32>
        %squeeze3A_81 = vector.extract %slice3A_80[0] : f32 from vector<1xf32>
        %broadcast_in_dim3A_82 = vector.broadcast %squeeze3A_81 : f32 to vector<16xf32>
        %broadcast_in_dim3A_83 = vector.broadcast %while3A_73 : i32 to vector<16xi32>
        %while3A_84 = arith.constant 0 : i32
        %while3A_85 = arith.subi %select_n3A, %while3A_84 : i32
        %while3A_86 = arith.addi %while3A_84, %while3A_85 : i32
        %while3A_87 = arith.constant 1 : i32
        %while3A_88 = arith.divsi %while3A_85, %while3A_87 : i32
        %while3A_89 = arith.muli %while3A_88, %while3A_87 : i32
        %while3A_90 = arith.addi %while3A_84, %while3A_89 : i32
        %while3A_91 = arith.constant 1 : i32
        %while3A_92 = scf.for %while3A_104 = %while3A_84 to %while3A_90 step %while3A_91 iter_args(%while3A_105 = %broadcast_in_dim3A_5) -> (vector<16xi32>)  : i32 {
          %mul3A_106 = arith.constant 16 : i32
          %mul3A_107 = arith.muli %while3A_104, %mul3A_106 : i32
          %add3A_108 = vector.broadcast %mul3A_107 : i32 to vector<16xi32>
          %add3A_109 = arith.addi %iota3A, %add3A_108 : vector<16xi32>
          %add3A_110 = vector.broadcast %squeeze3A : i32 to vector<16xi32>
          %add3A_111 = arith.addi %add3A_110, %add3A_109 : vector<16xi32>
          %mul3A_112 = arith.constant 4 : i32
          %mul3A_113 = vector.broadcast %mul3A_112 : i32 to vector<16xi32>
          %mul3A_114 = arith.muli %add3A_111, %mul3A_113 : vector<16xi32>
          %add3A_115 = arith.constant 3 : i32
          %add3A_116 = vector.broadcast %add3A_115 : i32 to vector<16xi32>
          %add3A_117 = arith.addi %mul3A_114, %add3A_116 : vector<16xi32>
          %gather3A = tpu.vector_load_idx %arg6[%add3A_117] : memref<40960xf32, #tpu.memory_space<vmem>>[vector<16xi32>], vector<16xf32>,
          %gt3A = arith.cmpf ogt, %gather3A, %broadcast_in_dim3A_82 : vector<16xf32>
          %eq3A = arith.cmpf oeq, %gather3A, %broadcast_in_dim3A_82 : vector<16xf32>
          %lt3A_118 = arith.cmpi slt, %add3A_109, %broadcast_in_dim3A_83 : vector<16xi32>
          %and3A_119 = arith.andi %eq3A, %lt3A_118 : vector<16xi1>
          %or3A = arith.ori %gt3A, %and3A_119 : vector<16xi1>
          %lt3A_120 = vector.broadcast %squeeze3A_38 : i32 to vector<16xi32>
          %lt3A_121 = arith.cmpi slt, %add3A_109, %lt3A_120 : vector<16xi32>
          %and3A_122 = arith.andi %lt3A_121, %or3A : vector<16xi1>
          %select_n3A_123 = arith.select %and3A_122, %broadcast_in_dim3A_3, %broadcast_in_dim3A_5 : vector<16xi1>, vector<16xi32>
          %add3A_124 = arith.addi %while3A_105, %select_n3A_123 : vector<16xi32>
          scf.yield %add3A_124 : vector<16xi32>
        }
        %while3A_93 = arith.constant 1 : i32
        %while3A_94 = scf.for %while3A_104 = %while3A_90 to %while3A_86 step %while3A_93 iter_args(%while3A_105 = %while3A_92) -> (vector<16xi32>)  : i32 {
          %mul3A_106 = arith.constant 16 : i32
          %mul3A_107 = arith.muli %while3A_104, %mul3A_106 : i32
          %add3A_108 = vector.broadcast %mul3A_107 : i32 to vector<16xi32>
          %add3A_109 = arith.addi %iota3A, %add3A_108 : vector<16xi32>
          %add3A_110 = vector.broadcast %squeeze3A : i32 to vector<16xi32>
          %add3A_111 = arith.addi %add3A_110, %add3A_109 : vector<16xi32>
          %mul3A_112 = arith.constant 4 : i32
          %mul3A_113 = vector.broadcast %mul3A_112 : i32 to vector<16xi32>
          %mul3A_114 = arith.muli %add3A_111, %mul3A_113 : vector<16xi32>
          %add3A_115 = arith.constant 3 : i32
          %add3A_116 = vector.broadcast %add3A_115 : i32 to vector<16xi32>
          %add3A_117 = arith.addi %mul3A_114, %add3A_116 : vector<16xi32>
          %gather3A = tpu.vector_load_idx %arg6[%add3A_117] : memref<40960xf32, #tpu.memory_space<vmem>>[vector<16xi32>], vector<16xf32>,
          %gt3A = arith.cmpf ogt, %gather3A, %broadcast_in_dim3A_82 : vector<16xf32>
          %eq3A = arith.cmpf oeq, %gather3A, %broadcast_in_dim3A_82 : vector<16xf32>
          %lt3A_118 = arith.cmpi slt, %add3A_109, %broadcast_in_dim3A_83 : vector<16xi32>
          %and3A_119 = arith.andi %eq3A, %lt3A_118 : vector<16xi1>
          %or3A = arith.ori %gt3A, %and3A_119 : vector<16xi1>
          %lt3A_120 = vector.broadcast %squeeze3A_38 : i32 to vector<16xi32>
          %lt3A_121 = arith.cmpi slt, %add3A_109, %lt3A_120 : vector<16xi32>
          %and3A_122 = arith.andi %lt3A_121, %or3A : vector<16xi1>
          %select_n3A_123 = arith.select %and3A_122, %broadcast_in_dim3A_3, %broadcast_in_dim3A_5 : vector<16xi1>, vector<16xi32>
          %add3A_124 = arith.addi %while3A_105, %select_n3A_123 : vector<16xi32>
          scf.yield %add3A_124 : vector<16xi32>
        }
        %reduce_sum3A = arith.constant true
        %reduce_sum3A_95 = vector.broadcast %reduce_sum3A : i1 to vector<16xi1>
        %reduce_sum3A_96 = tpu.scan <sum>, %while3A_94 masked %reduce_sum3A_95 : vector<16xi32>, vector<16xi1> -> vector<16xi32>
        %reduce_sum3A_97 = vector.extract %reduce_sum3A_96[15] : i32 from vector<16xi32>
        %lt3A_98 = arith.constant 12 : i32
        %lt3A_99 = arith.cmpi slt, %reduce_sum3A_97, %lt3A_98 : i32
        %convert_element_type3A_100 = arith.extui %lt3A_99 : i1 to i32
        %cond3A_101 = arith.constant 0 : i32
        %cond3A_102 = arith.cmpi ne, %convert_element_type3A_100, %cond3A_101 : i32
        scf.if %cond3A_102 {
          %mul3A_104 = arith.constant 4 : i32
          %mul3A_105 = arith.muli %reduce_sum3A_97, %mul3A_104 : i32
          %add3A_106 = vector.broadcast %mul3A_105 : i32 to vector<16xi32>
          %add3A_107 = arith.addi %add3A_106, %iota3A : vector<16xi32>
          tpu.vector_store_idx %arg9[%add3A_107], %get3A_79 masked %lt3A_7 : memref<48xf32, #tpu.memory_space<vmem>>[vector<16xi32>], vector<16xf32>, vector<16xi1>
        } else {
        }
        %while3A_103 = arith.constant 0 : i32
        scf.yield %while3A_103 : i32
      }
      %while3A_71 = arith.constant 1 : i32
      %while3A_72 = scf.for %while3A_73 = %while3A_68 to %while3A_64 step %while3A_71 iter_args(%while3A_74 = %while3A_70) -> (i32)  : i32 {
        %add3A_75 = arith.addi %squeeze3A, %while3A_73 : i32
        %mul3A_76 = arith.constant 4 : i32
        %mul3A_77 = arith.muli %add3A_75, %mul3A_76 : i32
        %get3A_78 = arith.index_cast %mul3A_77 : i32 to index
        %get3A_79 = tpu.vector_load %arg6[%get3A_78] {strides = array<i32>} : memref<40960xf32, #tpu.memory_space<vmem>>, vector<16xf32>,
        %slice3A_80 = vector.extract_strided_slice %get3A_79 {offsets = [3], sizes = [1], strides = [1]} : vector<16xf32> to vector<1xf32>
        %squeeze3A_81 = vector.extract %slice3A_80[0] : f32 from vector<1xf32>
        %broadcast_in_dim3A_82 = vector.broadcast %squeeze3A_81 : f32 to vector<16xf32>
        %broadcast_in_dim3A_83 = vector.broadcast %while3A_73 : i32 to vector<16xi32>
        %while3A_84 = arith.constant 0 : i32
        %while3A_85 = arith.subi %select_n3A, %while3A_84 : i32
        %while3A_86 = arith.addi %while3A_84, %while3A_85 : i32
        %while3A_87 = arith.constant 1 : i32
        %while3A_88 = arith.divsi %while3A_85, %while3A_87 : i32
        %while3A_89 = arith.muli %while3A_88, %while3A_87 : i32
        %while3A_90 = arith.addi %while3A_84, %while3A_89 : i32
        %while3A_91 = arith.constant 1 : i32
        %while3A_92 = scf.for %while3A_104 = %while3A_84 to %while3A_90 step %while3A_91 iter_args(%while3A_105 = %broadcast_in_dim3A_5) -> (vector<16xi32>)  : i32 {
          %mul3A_106 = arith.constant 16 : i32
          %mul3A_107 = arith.muli %while3A_104, %mul3A_106 : i32
          %add3A_108 = vector.broadcast %mul3A_107 : i32 to vector<16xi32>
          %add3A_109 = arith.addi %iota3A, %add3A_108 : vector<16xi32>
          %add3A_110 = vector.broadcast %squeeze3A : i32 to vector<16xi32>
          %add3A_111 = arith.addi %add3A_110, %add3A_109 : vector<16xi32>
          %mul3A_112 = arith.constant 4 : i32
          %mul3A_113 = vector.broadcast %mul3A_112 : i32 to vector<16xi32>
          %mul3A_114 = arith.muli %add3A_111, %mul3A_113 : vector<16xi32>
          %add3A_115 = arith.constant 3 : i32
          %add3A_116 = vector.broadcast %add3A_115 : i32 to vector<16xi32>
          %add3A_117 = arith.addi %mul3A_114, %add3A_116 : vector<16xi32>
          %gather3A = tpu.vector_load_idx %arg6[%add3A_117] : memref<40960xf32, #tpu.memory_space<vmem>>[vector<16xi32>], vector<16xf32>,
          %gt3A = arith.cmpf ogt, %gather3A, %broadcast_in_dim3A_82 : vector<16xf32>
          %eq3A = arith.cmpf oeq, %gather3A, %broadcast_in_dim3A_82 : vector<16xf32>
          %lt3A_118 = arith.cmpi slt, %add3A_109, %broadcast_in_dim3A_83 : vector<16xi32>
          %and3A_119 = arith.andi %eq3A, %lt3A_118 : vector<16xi1>
          %or3A = arith.ori %gt3A, %and3A_119 : vector<16xi1>
          %lt3A_120 = vector.broadcast %squeeze3A_38 : i32 to vector<16xi32>
          %lt3A_121 = arith.cmpi slt, %add3A_109, %lt3A_120 : vector<16xi32>
          %and3A_122 = arith.andi %lt3A_121, %or3A : vector<16xi1>
          %select_n3A_123 = arith.select %and3A_122, %broadcast_in_dim3A_3, %broadcast_in_dim3A_5 : vector<16xi1>, vector<16xi32>
          %add3A_124 = arith.addi %while3A_105, %select_n3A_123 : vector<16xi32>
          scf.yield %add3A_124 : vector<16xi32>
        }
        %while3A_93 = arith.constant 1 : i32
        %while3A_94 = scf.for %while3A_104 = %while3A_90 to %while3A_86 step %while3A_93 iter_args(%while3A_105 = %while3A_92) -> (vector<16xi32>)  : i32 {
          %mul3A_106 = arith.constant 16 : i32
          %mul3A_107 = arith.muli %while3A_104, %mul3A_106 : i32
          %add3A_108 = vector.broadcast %mul3A_107 : i32 to vector<16xi32>
          %add3A_109 = arith.addi %iota3A, %add3A_108 : vector<16xi32>
          %add3A_110 = vector.broadcast %squeeze3A : i32 to vector<16xi32>
          %add3A_111 = arith.addi %add3A_110, %add3A_109 : vector<16xi32>
          %mul3A_112 = arith.constant 4 : i32
          %mul3A_113 = vector.broadcast %mul3A_112 : i32 to vector<16xi32>
          %mul3A_114 = arith.muli %add3A_111, %mul3A_113 : vector<16xi32>
          %add3A_115 = arith.constant 3 : i32
          %add3A_116 = vector.broadcast %add3A_115 : i32 to vector<16xi32>
          %add3A_117 = arith.addi %mul3A_114, %add3A_116 : vector<16xi32>
          %gather3A = tpu.vector_load_idx %arg6[%add3A_117] : memref<40960xf32, #tpu.memory_space<vmem>>[vector<16xi32>], vector<16xf32>,
          %gt3A = arith.cmpf ogt, %gather3A, %broadcast_in_dim3A_82 : vector<16xf32>
          %eq3A = arith.cmpf oeq, %gather3A, %broadcast_in_dim3A_82 : vector<16xf32>
          %lt3A_118 = arith.cmpi slt, %add3A_109, %broadcast_in_dim3A_83 : vector<16xi32>
          %and3A_119 = arith.andi %eq3A, %lt3A_118 : vector<16xi1>
          %or3A = arith.ori %gt3A, %and3A_119 : vector<16xi1>
          %lt3A_120 = vector.broadcast %squeeze3A_38 : i32 to vector<16xi32>
          %lt3A_121 = arith.cmpi slt, %add3A_109, %lt3A_120 : vector<16xi32>
          %and3A_122 = arith.andi %lt3A_121, %or3A : vector<16xi1>
          %select_n3A_123 = arith.select %and3A_122, %broadcast_in_dim3A_3, %broadcast_in_dim3A_5 : vector<16xi1>, vector<16xi32>
          %add3A_124 = arith.addi %while3A_105, %select_n3A_123 : vector<16xi32>
          scf.yield %add3A_124 : vector<16xi32>
        }
        %reduce_sum3A = arith.constant true
        %reduce_sum3A_95 = vector.broadcast %reduce_sum3A : i1 to vector<16xi1>
        %reduce_sum3A_96 = tpu.scan <sum>, %while3A_94 masked %reduce_sum3A_95 : vector<16xi32>, vector<16xi1> -> vector<16xi32>
        %reduce_sum3A_97 = vector.extract %reduce_sum3A_96[15] : i32 from vector<16xi32>
        %lt3A_98 = arith.constant 12 : i32
        %lt3A_99 = arith.cmpi slt, %reduce_sum3A_97, %lt3A_98 : i32
        %convert_element_type3A_100 = arith.extui %lt3A_99 : i1 to i32
        %cond3A_101 = arith.constant 0 : i32
        %cond3A_102 = arith.cmpi ne, %convert_element_type3A_100, %cond3A_101 : i32
        scf.if %cond3A_102 {
          %mul3A_104 = arith.constant 4 : i32
          %mul3A_105 = arith.muli %reduce_sum3A_97, %mul3A_104 : i32
          %add3A_106 = vector.broadcast %mul3A_105 : i32 to vector<16xi32>
          %add3A_107 = arith.addi %add3A_106, %iota3A : vector<16xi32>
          tpu.vector_store_idx %arg9[%add3A_107], %get3A_79 masked %lt3A_7 : memref<48xf32, #tpu.memory_space<vmem>>[vector<16xi32>], vector<16xf32>, vector<16xi1>
        } else {
        }
        %while3A_103 = arith.constant 0 : i32
        scf.yield %while3A_103 : i32
      }
      "tpu.region"() ({
        %run_scoped3A = tpu.sem_alloc : memref<!tpu.dma_semaphore, #tpu.memory_space<semaphore_mem>>
        %dma_start3A = arith.constant 0 : i32
        %dma_start3A_73 = tpu.memref_slice %arg5[%add3A_9, %dma_start3A] : memref<100x48xf32, #tpu.memory_space<hbm>> -> memref<1x48xf32, #tpu.memory_space<hbm>>
        %dma_start3A_74 = tpu.memref_squeeze %dma_start3A_73 : memref<1x48xf32, #tpu.memory_space<hbm>> -> memref<48xf32, #tpu.memory_space<hbm>>
        %dma_start3A_75 = arith.constant 0 : i32
        %dma_start3A_76 = tpu.memref_slice %arg5[%add3A_9, %dma_start3A_75] : memref<100x48xf32, #tpu.memory_space<hbm>> -> memref<1x48xf32, #tpu.memory_space<hbm>>
        %dma_start3A_77 = tpu.memref_squeeze %dma_start3A_76 : memref<1x48xf32, #tpu.memory_space<hbm>> -> memref<48xf32, #tpu.memory_space<hbm>>
        tpu.enqueue_dma source(%arg9 : memref<48xf32, #tpu.memory_space<vmem>>) target(%dma_start3A_77 : memref<48xf32, #tpu.memory_space<hbm>>) target_semaphore(%run_scoped3A : memref<!tpu.dma_semaphore, #tpu.memory_space<semaphore_mem>>)
        %dma_wait3A = arith.constant 0 : i32
        %dma_wait3A_78 = tpu.memref_slice %arg5[%add3A_9, %dma_wait3A] : memref<100x48xf32, #tpu.memory_space<hbm>> -> memref<1x48xf32, #tpu.memory_space<hbm>>
        %dma_wait3A_79 = tpu.memref_squeeze %dma_wait3A_78 : memref<1x48xf32, #tpu.memory_space<hbm>> -> memref<48xf32, #tpu.memory_space<hbm>>
        %dma_wait3A_80 = arith.constant 0 : i32
        %dma_wait3A_81 = tpu.memref_slice %arg5[%add3A_9, %dma_wait3A_80] : memref<100x48xf32, #tpu.memory_space<hbm>> -> memref<1x48xf32, #tpu.memory_space<hbm>>
        %dma_wait3A_82 = tpu.memref_squeeze %dma_wait3A_81 : memref<1x48xf32, #tpu.memory_space<hbm>> -> memref<48xf32, #tpu.memory_space<hbm>>
        tpu.wait_dma2 semaphore(%run_scoped3A : memref<!tpu.dma_semaphore, #tpu.memory_space<semaphore_mem>>) src(%arg9 : memref<48xf32, #tpu.memory_space<vmem>>) dst(%dma_wait3A_82 : memref<48xf32, #tpu.memory_space<hbm>>)
        tpu.yield
      }) : () -> ()
    } else {
    }
    %add3A_13 = arith.constant 32 : i32
    %add3A_14 = arith.addi %add3A, %add3A_13 : i32
    %lt3A_15 = arith.constant 100 : i32
    %lt3A_16 = arith.cmpi slt, %add3A_14, %lt3A_15 : i32
    %convert_element_type3A_17 = arith.extui %lt3A_16 : i1 to i32
    %cond3A_18 = arith.constant 0 : i32
    %cond3A_19 = arith.cmpi ne, %convert_element_type3A_17, %cond3A_18 : i32
    scf.if %cond3A_19 {
      %get3A = arith.index_cast %add3A_14 : i32 to index
      %get3A_34 = tpu.vector_load %arg7[%get3A] {strides = array<i32>} : memref<116xi32, #tpu.memory_space<vmem>>, vector<16xi32>,
      %slice3A = vector.extract_strided_slice %get3A_34 {offsets = [0], sizes = [1], strides = [1]} : vector<16xi32> to vector<1xi32>
      %squeeze3A = vector.extract %slice3A[0] : i32 from vector<1xi32>
      %get3A_35 = arith.index_cast %add3A_14 : i32 to index
      %get3A_36 = tpu.vector_load %arg8[%get3A_35] {strides = array<i32>} : memref<116xi32, #tpu.memory_space<vmem>>, vector<16xi32>,
      %slice3A_37 = vector.extract_strided_slice %get3A_36 {offsets = [0], sizes = [1], strides = [1]} : vector<16xi32> to vector<1xi32>
      %squeeze3A_38 = vector.extract %slice3A_37[0] : i32 from vector<1xi32>
      %swap3A = arith.constant 0 : index
      %swap3A_39 = tpu.vector_load %arg9[%swap3A] {strides = array<i32>} : memref<48xf32, #tpu.memory_space<vmem>>, vector<16xf32>,
      tpu.vector_store %arg9[%swap3A], %broadcast_in_dim3A_1 {strides = array<i32>} : memref<48xf32, #tpu.memory_space<vmem>>, vector<16xf32>,
      %swap3A_40 = arith.constant 16 : index
      %swap3A_41 = tpu.vector_load %arg9[%swap3A_40] {strides = array<i32>} : memref<48xf32, #tpu.memory_space<vmem>>, vector<16xf32>,
      tpu.vector_store %arg9[%swap3A_40], %broadcast_in_dim3A_1 {strides = array<i32>} : memref<48xf32, #tpu.memory_space<vmem>>, vector<16xf32>,
      %swap3A_42 = arith.constant 32 : index
      %swap3A_43 = tpu.vector_load %arg9[%swap3A_42] {strides = array<i32>} : memref<48xf32, #tpu.memory_space<vmem>>, vector<16xf32>,
      tpu.vector_store %arg9[%swap3A_42], %broadcast_in_dim3A_1 {strides = array<i32>} : memref<48xf32, #tpu.memory_space<vmem>>, vector<16xf32>,
      %add3A_44 = arith.constant 15 : i32
      %add3A_45 = arith.addi %squeeze3A_38, %add3A_44 : i32
      %jit3A = arith.constant 16 : i32
      %div3A = arith.divsi %add3A_45, %jit3A : i32
      %sign3A = arith.constant 0 : i32
      %sign3A_46 = arith.cmpi sgt, %add3A_45, %sign3A : i32
      %sign3A_47 = arith.extui %sign3A_46 : i1 to i32
      %sign3A_48 = arith.constant 0 : i32
      %sign3A_49 = arith.cmpi slt, %add3A_45, %sign3A_48 : i32
      %sign3A_50 = arith.extui %sign3A_49 : i1 to i32
      %sign3A_51 = arith.subi %sign3A_47, %sign3A_50 : i32
      %sign3A_52 = arith.constant 0 : i32
      %sign3A_53 = arith.cmpi sgt, %jit3A, %sign3A_52 : i32
      %sign3A_54 = arith.extui %sign3A_53 : i1 to i32
      %sign3A_55 = arith.constant 0 : i32
      %sign3A_56 = arith.cmpi slt, %jit3A, %sign3A_55 : i32
      %sign3A_57 = arith.extui %sign3A_56 : i1 to i32
      %sign3A_58 = arith.subi %sign3A_54, %sign3A_57 : i32
      %ne3A = arith.cmpi ne, %sign3A_51, %sign3A_58 : i32
      %rem3A = arith.remsi %add3A_45, %jit3A : i32
      %ne3A_59 = arith.constant 0 : i32
      %ne3A_60 = arith.cmpi ne, %rem3A, %ne3A_59 : i32
      %and3A = arith.andi %ne3A, %ne3A_60 : i1
      %sub3A = arith.constant 1 : i32
      %sub3A_61 = arith.subi %div3A, %sub3A : i32
      %select_n3A = arith.select %and3A, %sub3A_61, %div3A : i32
      %while3A = arith.constant 0 : i32
      %while3A_62 = arith.constant 0 : i32
      %while3A_63 = arith.subi %squeeze3A_38, %while3A : i32
      %while3A_64 = arith.addi %while3A, %while3A_63 : i32
      %while3A_65 = arith.constant 1 : i32
      %while3A_66 = arith.divsi %while3A_63, %while3A_65 : i32
      %while3A_67 = arith.muli %while3A_66, %while3A_65 : i32
      %while3A_68 = arith.addi %while3A, %while3A_67 : i32
      %while3A_69 = arith.constant 1 : i32
      %while3A_70 = scf.for %while3A_73 = %while3A to %while3A_68 step %while3A_69 iter_args(%while3A_74 = %while3A_62) -> (i32)  : i32 {
        %add3A_75 = arith.addi %squeeze3A, %while3A_73 : i32
        %mul3A_76 = arith.constant 4 : i32
        %mul3A_77 = arith.muli %add3A_75, %mul3A_76 : i32
        %get3A_78 = arith.index_cast %mul3A_77 : i32 to index
        %get3A_79 = tpu.vector_load %arg6[%get3A_78] {strides = array<i32>} : memref<40960xf32, #tpu.memory_space<vmem>>, vector<16xf32>,
        %slice3A_80 = vector.extract_strided_slice %get3A_79 {offsets = [3], sizes = [1], strides = [1]} : vector<16xf32> to vector<1xf32>
        %squeeze3A_81 = vector.extract %slice3A_80[0] : f32 from vector<1xf32>
        %broadcast_in_dim3A_82 = vector.broadcast %squeeze3A_81 : f32 to vector<16xf32>
        %broadcast_in_dim3A_83 = vector.broadcast %while3A_73 : i32 to vector<16xi32>
        %while3A_84 = arith.constant 0 : i32
        %while3A_85 = arith.subi %select_n3A, %while3A_84 : i32
        %while3A_86 = arith.addi %while3A_84, %while3A_85 : i32
        %while3A_87 = arith.constant 1 : i32
        %while3A_88 = arith.divsi %while3A_85, %while3A_87 : i32
        %while3A_89 = arith.muli %while3A_88, %while3A_87 : i32
        %while3A_90 = arith.addi %while3A_84, %while3A_89 : i32
        %while3A_91 = arith.constant 1 : i32
        %while3A_92 = scf.for %while3A_104 = %while3A_84 to %while3A_90 step %while3A_91 iter_args(%while3A_105 = %broadcast_in_dim3A_5) -> (vector<16xi32>)  : i32 {
          %mul3A_106 = arith.constant 16 : i32
          %mul3A_107 = arith.muli %while3A_104, %mul3A_106 : i32
          %add3A_108 = vector.broadcast %mul3A_107 : i32 to vector<16xi32>
          %add3A_109 = arith.addi %iota3A, %add3A_108 : vector<16xi32>
          %add3A_110 = vector.broadcast %squeeze3A : i32 to vector<16xi32>
          %add3A_111 = arith.addi %add3A_110, %add3A_109 : vector<16xi32>
          %mul3A_112 = arith.constant 4 : i32
          %mul3A_113 = vector.broadcast %mul3A_112 : i32 to vector<16xi32>
          %mul3A_114 = arith.muli %add3A_111, %mul3A_113 : vector<16xi32>
          %add3A_115 = arith.constant 3 : i32
          %add3A_116 = vector.broadcast %add3A_115 : i32 to vector<16xi32>
          %add3A_117 = arith.addi %mul3A_114, %add3A_116 : vector<16xi32>
          %gather3A = tpu.vector_load_idx %arg6[%add3A_117] : memref<40960xf32, #tpu.memory_space<vmem>>[vector<16xi32>], vector<16xf32>,
          %gt3A = arith.cmpf ogt, %gather3A, %broadcast_in_dim3A_82 : vector<16xf32>
          %eq3A = arith.cmpf oeq, %gather3A, %broadcast_in_dim3A_82 : vector<16xf32>
          %lt3A_118 = arith.cmpi slt, %add3A_109, %broadcast_in_dim3A_83 : vector<16xi32>
          %and3A_119 = arith.andi %eq3A, %lt3A_118 : vector<16xi1>
          %or3A = arith.ori %gt3A, %and3A_119 : vector<16xi1>
          %lt3A_120 = vector.broadcast %squeeze3A_38 : i32 to vector<16xi32>
          %lt3A_121 = arith.cmpi slt, %add3A_109, %lt3A_120 : vector<16xi32>
          %and3A_122 = arith.andi %lt3A_121, %or3A : vector<16xi1>
          %select_n3A_123 = arith.select %and3A_122, %broadcast_in_dim3A_3, %broadcast_in_dim3A_5 : vector<16xi1>, vector<16xi32>
          %add3A_124 = arith.addi %while3A_105, %select_n3A_123 : vector<16xi32>
          scf.yield %add3A_124 : vector<16xi32>
        }
        %while3A_93 = arith.constant 1 : i32
        %while3A_94 = scf.for %while3A_104 = %while3A_90 to %while3A_86 step %while3A_93 iter_args(%while3A_105 = %while3A_92) -> (vector<16xi32>)  : i32 {
          %mul3A_106 = arith.constant 16 : i32
          %mul3A_107 = arith.muli %while3A_104, %mul3A_106 : i32
          %add3A_108 = vector.broadcast %mul3A_107 : i32 to vector<16xi32>
          %add3A_109 = arith.addi %iota3A, %add3A_108 : vector<16xi32>
          %add3A_110 = vector.broadcast %squeeze3A : i32 to vector<16xi32>
          %add3A_111 = arith.addi %add3A_110, %add3A_109 : vector<16xi32>
          %mul3A_112 = arith.constant 4 : i32
          %mul3A_113 = vector.broadcast %mul3A_112 : i32 to vector<16xi32>
          %mul3A_114 = arith.muli %add3A_111, %mul3A_113 : vector<16xi32>
          %add3A_115 = arith.constant 3 : i32
          %add3A_116 = vector.broadcast %add3A_115 : i32 to vector<16xi32>
          %add3A_117 = arith.addi %mul3A_114, %add3A_116 : vector<16xi32>
          %gather3A = tpu.vector_load_idx %arg6[%add3A_117] : memref<40960xf32, #tpu.memory_space<vmem>>[vector<16xi32>], vector<16xf32>,
          %gt3A = arith.cmpf ogt, %gather3A, %broadcast_in_dim3A_82 : vector<16xf32>
          %eq3A = arith.cmpf oeq, %gather3A, %broadcast_in_dim3A_82 : vector<16xf32>
          %lt3A_118 = arith.cmpi slt, %add3A_109, %broadcast_in_dim3A_83 : vector<16xi32>
          %and3A_119 = arith.andi %eq3A, %lt3A_118 : vector<16xi1>
          %or3A = arith.ori %gt3A, %and3A_119 : vector<16xi1>
          %lt3A_120 = vector.broadcast %squeeze3A_38 : i32 to vector<16xi32>
          %lt3A_121 = arith.cmpi slt, %add3A_109, %lt3A_120 : vector<16xi32>
          %and3A_122 = arith.andi %lt3A_121, %or3A : vector<16xi1>
          %select_n3A_123 = arith.select %and3A_122, %broadcast_in_dim3A_3, %broadcast_in_dim3A_5 : vector<16xi1>, vector<16xi32>
          %add3A_124 = arith.addi %while3A_105, %select_n3A_123 : vector<16xi32>
          scf.yield %add3A_124 : vector<16xi32>
        }
        %reduce_sum3A = arith.constant true
        %reduce_sum3A_95 = vector.broadcast %reduce_sum3A : i1 to vector<16xi1>
        %reduce_sum3A_96 = tpu.scan <sum>, %while3A_94 masked %reduce_sum3A_95 : vector<16xi32>, vector<16xi1> -> vector<16xi32>
        %reduce_sum3A_97 = vector.extract %reduce_sum3A_96[15] : i32 from vector<16xi32>
        %lt3A_98 = arith.constant 12 : i32
        %lt3A_99 = arith.cmpi slt, %reduce_sum3A_97, %lt3A_98 : i32
        %convert_element_type3A_100 = arith.extui %lt3A_99 : i1 to i32
        %cond3A_101 = arith.constant 0 : i32
        %cond3A_102 = arith.cmpi ne, %convert_element_type3A_100, %cond3A_101 : i32
        scf.if %cond3A_102 {
          %mul3A_104 = arith.constant 4 : i32
          %mul3A_105 = arith.muli %reduce_sum3A_97, %mul3A_104 : i32
          %add3A_106 = vector.broadcast %mul3A_105 : i32 to vector<16xi32>
          %add3A_107 = arith.addi %add3A_106, %iota3A : vector<16xi32>
          tpu.vector_store_idx %arg9[%add3A_107], %get3A_79 masked %lt3A_7 : memref<48xf32, #tpu.memory_space<vmem>>[vector<16xi32>], vector<16xf32>, vector<16xi1>
        } else {
        }
        %while3A_103 = arith.constant 0 : i32
        scf.yield %while3A_103 : i32
      }
      %while3A_71 = arith.constant 1 : i32
      %while3A_72 = scf.for %while3A_73 = %while3A_68 to %while3A_64 step %while3A_71 iter_args(%while3A_74 = %while3A_70) -> (i32)  : i32 {
        %add3A_75 = arith.addi %squeeze3A, %while3A_73 : i32
        %mul3A_76 = arith.constant 4 : i32
        %mul3A_77 = arith.muli %add3A_75, %mul3A_76 : i32
        %get3A_78 = arith.index_cast %mul3A_77 : i32 to index
        %get3A_79 = tpu.vector_load %arg6[%get3A_78] {strides = array<i32>} : memref<40960xf32, #tpu.memory_space<vmem>>, vector<16xf32>,
        %slice3A_80 = vector.extract_strided_slice %get3A_79 {offsets = [3], sizes = [1], strides = [1]} : vector<16xf32> to vector<1xf32>
        %squeeze3A_81 = vector.extract %slice3A_80[0] : f32 from vector<1xf32>
        %broadcast_in_dim3A_82 = vector.broadcast %squeeze3A_81 : f32 to vector<16xf32>
        %broadcast_in_dim3A_83 = vector.broadcast %while3A_73 : i32 to vector<16xi32>
        %while3A_84 = arith.constant 0 : i32
        %while3A_85 = arith.subi %select_n3A, %while3A_84 : i32
        %while3A_86 = arith.addi %while3A_84, %while3A_85 : i32
        %while3A_87 = arith.constant 1 : i32
        %while3A_88 = arith.divsi %while3A_85, %while3A_87 : i32
        %while3A_89 = arith.muli %while3A_88, %while3A_87 : i32
        %while3A_90 = arith.addi %while3A_84, %while3A_89 : i32
        %while3A_91 = arith.constant 1 : i32
        %while3A_92 = scf.for %while3A_104 = %while3A_84 to %while3A_90 step %while3A_91 iter_args(%while3A_105 = %broadcast_in_dim3A_5) -> (vector<16xi32>)  : i32 {
          %mul3A_106 = arith.constant 16 : i32
          %mul3A_107 = arith.muli %while3A_104, %mul3A_106 : i32
          %add3A_108 = vector.broadcast %mul3A_107 : i32 to vector<16xi32>
          %add3A_109 = arith.addi %iota3A, %add3A_108 : vector<16xi32>
          %add3A_110 = vector.broadcast %squeeze3A : i32 to vector<16xi32>
          %add3A_111 = arith.addi %add3A_110, %add3A_109 : vector<16xi32>
          %mul3A_112 = arith.constant 4 : i32
          %mul3A_113 = vector.broadcast %mul3A_112 : i32 to vector<16xi32>
          %mul3A_114 = arith.muli %add3A_111, %mul3A_113 : vector<16xi32>
          %add3A_115 = arith.constant 3 : i32
          %add3A_116 = vector.broadcast %add3A_115 : i32 to vector<16xi32>
          %add3A_117 = arith.addi %mul3A_114, %add3A_116 : vector<16xi32>
          %gather3A = tpu.vector_load_idx %arg6[%add3A_117] : memref<40960xf32, #tpu.memory_space<vmem>>[vector<16xi32>], vector<16xf32>,
          %gt3A = arith.cmpf ogt, %gather3A, %broadcast_in_dim3A_82 : vector<16xf32>
          %eq3A = arith.cmpf oeq, %gather3A, %broadcast_in_dim3A_82 : vector<16xf32>
          %lt3A_118 = arith.cmpi slt, %add3A_109, %broadcast_in_dim3A_83 : vector<16xi32>
          %and3A_119 = arith.andi %eq3A, %lt3A_118 : vector<16xi1>
          %or3A = arith.ori %gt3A, %and3A_119 : vector<16xi1>
          %lt3A_120 = vector.broadcast %squeeze3A_38 : i32 to vector<16xi32>
          %lt3A_121 = arith.cmpi slt, %add3A_109, %lt3A_120 : vector<16xi32>
          %and3A_122 = arith.andi %lt3A_121, %or3A : vector<16xi1>
          %select_n3A_123 = arith.select %and3A_122, %broadcast_in_dim3A_3, %broadcast_in_dim3A_5 : vector<16xi1>, vector<16xi32>
          %add3A_124 = arith.addi %while3A_105, %select_n3A_123 : vector<16xi32>
          scf.yield %add3A_124 : vector<16xi32>
        }
        %while3A_93 = arith.constant 1 : i32
        %while3A_94 = scf.for %while3A_104 = %while3A_90 to %while3A_86 step %while3A_93 iter_args(%while3A_105 = %while3A_92) -> (vector<16xi32>)  : i32 {
          %mul3A_106 = arith.constant 16 : i32
          %mul3A_107 = arith.muli %while3A_104, %mul3A_106 : i32
          %add3A_108 = vector.broadcast %mul3A_107 : i32 to vector<16xi32>
          %add3A_109 = arith.addi %iota3A, %add3A_108 : vector<16xi32>
          %add3A_110 = vector.broadcast %squeeze3A : i32 to vector<16xi32>
          %add3A_111 = arith.addi %add3A_110, %add3A_109 : vector<16xi32>
          %mul3A_112 = arith.constant 4 : i32
          %mul3A_113 = vector.broadcast %mul3A_112 : i32 to vector<16xi32>
          %mul3A_114 = arith.muli %add3A_111, %mul3A_113 : vector<16xi32>
          %add3A_115 = arith.constant 3 : i32
          %add3A_116 = vector.broadcast %add3A_115 : i32 to vector<16xi32>
          %add3A_117 = arith.addi %mul3A_114, %add3A_116 : vector<16xi32>
          %gather3A = tpu.vector_load_idx %arg6[%add3A_117] : memref<40960xf32, #tpu.memory_space<vmem>>[vector<16xi32>], vector<16xf32>,
          %gt3A = arith.cmpf ogt, %gather3A, %broadcast_in_dim3A_82 : vector<16xf32>
          %eq3A = arith.cmpf oeq, %gather3A, %broadcast_in_dim3A_82 : vector<16xf32>
          %lt3A_118 = arith.cmpi slt, %add3A_109, %broadcast_in_dim3A_83 : vector<16xi32>
          %and3A_119 = arith.andi %eq3A, %lt3A_118 : vector<16xi1>
          %or3A = arith.ori %gt3A, %and3A_119 : vector<16xi1>
          %lt3A_120 = vector.broadcast %squeeze3A_38 : i32 to vector<16xi32>
          %lt3A_121 = arith.cmpi slt, %add3A_109, %lt3A_120 : vector<16xi32>
          %and3A_122 = arith.andi %lt3A_121, %or3A : vector<16xi1>
          %select_n3A_123 = arith.select %and3A_122, %broadcast_in_dim3A_3, %broadcast_in_dim3A_5 : vector<16xi1>, vector<16xi32>
          %add3A_124 = arith.addi %while3A_105, %select_n3A_123 : vector<16xi32>
          scf.yield %add3A_124 : vector<16xi32>
        }
        %reduce_sum3A = arith.constant true
        %reduce_sum3A_95 = vector.broadcast %reduce_sum3A : i1 to vector<16xi1>
        %reduce_sum3A_96 = tpu.scan <sum>, %while3A_94 masked %reduce_sum3A_95 : vector<16xi32>, vector<16xi1> -> vector<16xi32>
        %reduce_sum3A_97 = vector.extract %reduce_sum3A_96[15] : i32 from vector<16xi32>
        %lt3A_98 = arith.constant 12 : i32
        %lt3A_99 = arith.cmpi slt, %reduce_sum3A_97, %lt3A_98 : i32
        %convert_element_type3A_100 = arith.extui %lt3A_99 : i1 to i32
        %cond3A_101 = arith.constant 0 : i32
        %cond3A_102 = arith.cmpi ne, %convert_element_type3A_100, %cond3A_101 : i32
        scf.if %cond3A_102 {
          %mul3A_104 = arith.constant 4 : i32
          %mul3A_105 = arith.muli %reduce_sum3A_97, %mul3A_104 : i32
          %add3A_106 = vector.broadcast %mul3A_105 : i32 to vector<16xi32>
          %add3A_107 = arith.addi %add3A_106, %iota3A : vector<16xi32>
          tpu.vector_store_idx %arg9[%add3A_107], %get3A_79 masked %lt3A_7 : memref<48xf32, #tpu.memory_space<vmem>>[vector<16xi32>], vector<16xf32>, vector<16xi1>
        } else {
        }
        %while3A_103 = arith.constant 0 : i32
        scf.yield %while3A_103 : i32
      }
      "tpu.region"() ({
        %run_scoped3A = tpu.sem_alloc : memref<!tpu.dma_semaphore, #tpu.memory_space<semaphore_mem>>
        %dma_start3A = arith.constant 0 : i32
        %dma_start3A_73 = tpu.memref_slice %arg5[%add3A_14, %dma_start3A] : memref<100x48xf32, #tpu.memory_space<hbm>> -> memref<1x48xf32, #tpu.memory_space<hbm>>
        %dma_start3A_74 = tpu.memref_squeeze %dma_start3A_73 : memref<1x48xf32, #tpu.memory_space<hbm>> -> memref<48xf32, #tpu.memory_space<hbm>>
        %dma_start3A_75 = arith.constant 0 : i32
        %dma_start3A_76 = tpu.memref_slice %arg5[%add3A_14, %dma_start3A_75] : memref<100x48xf32, #tpu.memory_space<hbm>> -> memref<1x48xf32, #tpu.memory_space<hbm>>
        %dma_start3A_77 = tpu.memref_squeeze %dma_start3A_76 : memref<1x48xf32, #tpu.memory_space<hbm>> -> memref<48xf32, #tpu.memory_space<hbm>>
        tpu.enqueue_dma source(%arg9 : memref<48xf32, #tpu.memory_space<vmem>>) target(%dma_start3A_77 : memref<48xf32, #tpu.memory_space<hbm>>) target_semaphore(%run_scoped3A : memref<!tpu.dma_semaphore, #tpu.memory_space<semaphore_mem>>)
        %dma_wait3A = arith.constant 0 : i32
        %dma_wait3A_78 = tpu.memref_slice %arg5[%add3A_14, %dma_wait3A] : memref<100x48xf32, #tpu.memory_space<hbm>> -> memref<1x48xf32, #tpu.memory_space<hbm>>
        %dma_wait3A_79 = tpu.memref_squeeze %dma_wait3A_78 : memref<1x48xf32, #tpu.memory_space<hbm>> -> memref<48xf32, #tpu.memory_space<hbm>>
        %dma_wait3A_80 = arith.constant 0 : i32
        %dma_wait3A_81 = tpu.memref_slice %arg5[%add3A_14, %dma_wait3A_80] : memref<100x48xf32, #tpu.memory_space<hbm>> -> memref<1x48xf32, #tpu.memory_space<hbm>>
        %dma_wait3A_82 = tpu.memref_squeeze %dma_wait3A_81 : memref<1x48xf32, #tpu.memory_space<hbm>> -> memref<48xf32, #tpu.memory_space<hbm>>
        tpu.wait_dma2 semaphore(%run_scoped3A : memref<!tpu.dma_semaphore, #tpu.memory_space<semaphore_mem>>) src(%arg9 : memref<48xf32, #tpu.memory_space<vmem>>) dst(%dma_wait3A_82 : memref<48xf32, #tpu.memory_space<hbm>>)
        tpu.yield
      }) : () -> ()
    } else {
    }
    %add3A_20 = arith.constant 64 : i32
    %add3A_21 = arith.addi %add3A, %add3A_20 : i32
    %lt3A_22 = arith.constant 100 : i32
    %lt3A_23 = arith.cmpi slt, %add3A_21, %lt3A_22 : i32
    %convert_element_type3A_24 = arith.extui %lt3A_23 : i1 to i32
    %cond3A_25 = arith.constant 0 : i32
    %cond3A_26 = arith.cmpi ne, %convert_element_type3A_24, %cond3A_25 : i32
    scf.if %cond3A_26 {
      %get3A = arith.index_cast %add3A_21 : i32 to index
      %get3A_34 = tpu.vector_load %arg7[%get3A] {strides = array<i32>} : memref<116xi32, #tpu.memory_space<vmem>>, vector<16xi32>,
      %slice3A = vector.extract_strided_slice %get3A_34 {offsets = [0], sizes = [1], strides = [1]} : vector<16xi32> to vector<1xi32>
      %squeeze3A = vector.extract %slice3A[0] : i32 from vector<1xi32>
      %get3A_35 = arith.index_cast %add3A_21 : i32 to index
      %get3A_36 = tpu.vector_load %arg8[%get3A_35] {strides = array<i32>} : memref<116xi32, #tpu.memory_space<vmem>>, vector<16xi32>,
      %slice3A_37 = vector.extract_strided_slice %get3A_36 {offsets = [0], sizes = [1], strides = [1]} : vector<16xi32> to vector<1xi32>
      %squeeze3A_38 = vector.extract %slice3A_37[0] : i32 from vector<1xi32>
      %swap3A = arith.constant 0 : index
      %swap3A_39 = tpu.vector_load %arg9[%swap3A] {strides = array<i32>} : memref<48xf32, #tpu.memory_space<vmem>>, vector<16xf32>,
      tpu.vector_store %arg9[%swap3A], %broadcast_in_dim3A_1 {strides = array<i32>} : memref<48xf32, #tpu.memory_space<vmem>>, vector<16xf32>,
      %swap3A_40 = arith.constant 16 : index
      %swap3A_41 = tpu.vector_load %arg9[%swap3A_40] {strides = array<i32>} : memref<48xf32, #tpu.memory_space<vmem>>, vector<16xf32>,
      tpu.vector_store %arg9[%swap3A_40], %broadcast_in_dim3A_1 {strides = array<i32>} : memref<48xf32, #tpu.memory_space<vmem>>, vector<16xf32>,
      %swap3A_42 = arith.constant 32 : index
      %swap3A_43 = tpu.vector_load %arg9[%swap3A_42] {strides = array<i32>} : memref<48xf32, #tpu.memory_space<vmem>>, vector<16xf32>,
      tpu.vector_store %arg9[%swap3A_42], %broadcast_in_dim3A_1 {strides = array<i32>} : memref<48xf32, #tpu.memory_space<vmem>>, vector<16xf32>,
      %add3A_44 = arith.constant 15 : i32
      %add3A_45 = arith.addi %squeeze3A_38, %add3A_44 : i32
      %jit3A = arith.constant 16 : i32
      %div3A = arith.divsi %add3A_45, %jit3A : i32
      %sign3A = arith.constant 0 : i32
      %sign3A_46 = arith.cmpi sgt, %add3A_45, %sign3A : i32
      %sign3A_47 = arith.extui %sign3A_46 : i1 to i32
      %sign3A_48 = arith.constant 0 : i32
      %sign3A_49 = arith.cmpi slt, %add3A_45, %sign3A_48 : i32
      %sign3A_50 = arith.extui %sign3A_49 : i1 to i32
      %sign3A_51 = arith.subi %sign3A_47, %sign3A_50 : i32
      %sign3A_52 = arith.constant 0 : i32
      %sign3A_53 = arith.cmpi sgt, %jit3A, %sign3A_52 : i32
      %sign3A_54 = arith.extui %sign3A_53 : i1 to i32
      %sign3A_55 = arith.constant 0 : i32
      %sign3A_56 = arith.cmpi slt, %jit3A, %sign3A_55 : i32
      %sign3A_57 = arith.extui %sign3A_56 : i1 to i32
      %sign3A_58 = arith.subi %sign3A_54, %sign3A_57 : i32
      %ne3A = arith.cmpi ne, %sign3A_51, %sign3A_58 : i32
      %rem3A = arith.remsi %add3A_45, %jit3A : i32
      %ne3A_59 = arith.constant 0 : i32
      %ne3A_60 = arith.cmpi ne, %rem3A, %ne3A_59 : i32
      %and3A = arith.andi %ne3A, %ne3A_60 : i1
      %sub3A = arith.constant 1 : i32
      %sub3A_61 = arith.subi %div3A, %sub3A : i32
      %select_n3A = arith.select %and3A, %sub3A_61, %div3A : i32
      %while3A = arith.constant 0 : i32
      %while3A_62 = arith.constant 0 : i32
      %while3A_63 = arith.subi %squeeze3A_38, %while3A : i32
      %while3A_64 = arith.addi %while3A, %while3A_63 : i32
      %while3A_65 = arith.constant 1 : i32
      %while3A_66 = arith.divsi %while3A_63, %while3A_65 : i32
      %while3A_67 = arith.muli %while3A_66, %while3A_65 : i32
      %while3A_68 = arith.addi %while3A, %while3A_67 : i32
      %while3A_69 = arith.constant 1 : i32
      %while3A_70 = scf.for %while3A_73 = %while3A to %while3A_68 step %while3A_69 iter_args(%while3A_74 = %while3A_62) -> (i32)  : i32 {
        %add3A_75 = arith.addi %squeeze3A, %while3A_73 : i32
        %mul3A_76 = arith.constant 4 : i32
        %mul3A_77 = arith.muli %add3A_75, %mul3A_76 : i32
        %get3A_78 = arith.index_cast %mul3A_77 : i32 to index
        %get3A_79 = tpu.vector_load %arg6[%get3A_78] {strides = array<i32>} : memref<40960xf32, #tpu.memory_space<vmem>>, vector<16xf32>,
        %slice3A_80 = vector.extract_strided_slice %get3A_79 {offsets = [3], sizes = [1], strides = [1]} : vector<16xf32> to vector<1xf32>
        %squeeze3A_81 = vector.extract %slice3A_80[0] : f32 from vector<1xf32>
        %broadcast_in_dim3A_82 = vector.broadcast %squeeze3A_81 : f32 to vector<16xf32>
        %broadcast_in_dim3A_83 = vector.broadcast %while3A_73 : i32 to vector<16xi32>
        %while3A_84 = arith.constant 0 : i32
        %while3A_85 = arith.subi %select_n3A, %while3A_84 : i32
        %while3A_86 = arith.addi %while3A_84, %while3A_85 : i32
        %while3A_87 = arith.constant 1 : i32
        %while3A_88 = arith.divsi %while3A_85, %while3A_87 : i32
        %while3A_89 = arith.muli %while3A_88, %while3A_87 : i32
        %while3A_90 = arith.addi %while3A_84, %while3A_89 : i32
        %while3A_91 = arith.constant 1 : i32
        %while3A_92 = scf.for %while3A_104 = %while3A_84 to %while3A_90 step %while3A_91 iter_args(%while3A_105 = %broadcast_in_dim3A_5) -> (vector<16xi32>)  : i32 {
          %mul3A_106 = arith.constant 16 : i32
          %mul3A_107 = arith.muli %while3A_104, %mul3A_106 : i32
          %add3A_108 = vector.broadcast %mul3A_107 : i32 to vector<16xi32>
          %add3A_109 = arith.addi %iota3A, %add3A_108 : vector<16xi32>
          %add3A_110 = vector.broadcast %squeeze3A : i32 to vector<16xi32>
          %add3A_111 = arith.addi %add3A_110, %add3A_109 : vector<16xi32>
          %mul3A_112 = arith.constant 4 : i32
          %mul3A_113 = vector.broadcast %mul3A_112 : i32 to vector<16xi32>
          %mul3A_114 = arith.muli %add3A_111, %mul3A_113 : vector<16xi32>
          %add3A_115 = arith.constant 3 : i32
          %add3A_116 = vector.broadcast %add3A_115 : i32 to vector<16xi32>
          %add3A_117 = arith.addi %mul3A_114, %add3A_116 : vector<16xi32>
          %gather3A = tpu.vector_load_idx %arg6[%add3A_117] : memref<40960xf32, #tpu.memory_space<vmem>>[vector<16xi32>], vector<16xf32>,
          %gt3A = arith.cmpf ogt, %gather3A, %broadcast_in_dim3A_82 : vector<16xf32>
          %eq3A = arith.cmpf oeq, %gather3A, %broadcast_in_dim3A_82 : vector<16xf32>
          %lt3A_118 = arith.cmpi slt, %add3A_109, %broadcast_in_dim3A_83 : vector<16xi32>
          %and3A_119 = arith.andi %eq3A, %lt3A_118 : vector<16xi1>
          %or3A = arith.ori %gt3A, %and3A_119 : vector<16xi1>
          %lt3A_120 = vector.broadcast %squeeze3A_38 : i32 to vector<16xi32>
          %lt3A_121 = arith.cmpi slt, %add3A_109, %lt3A_120 : vector<16xi32>
          %and3A_122 = arith.andi %lt3A_121, %or3A : vector<16xi1>
          %select_n3A_123 = arith.select %and3A_122, %broadcast_in_dim3A_3, %broadcast_in_dim3A_5 : vector<16xi1>, vector<16xi32>
          %add3A_124 = arith.addi %while3A_105, %select_n3A_123 : vector<16xi32>
          scf.yield %add3A_124 : vector<16xi32>
        }
        %while3A_93 = arith.constant 1 : i32
        %while3A_94 = scf.for %while3A_104 = %while3A_90 to %while3A_86 step %while3A_93 iter_args(%while3A_105 = %while3A_92) -> (vector<16xi32>)  : i32 {
          %mul3A_106 = arith.constant 16 : i32
          %mul3A_107 = arith.muli %while3A_104, %mul3A_106 : i32
          %add3A_108 = vector.broadcast %mul3A_107 : i32 to vector<16xi32>
          %add3A_109 = arith.addi %iota3A, %add3A_108 : vector<16xi32>
          %add3A_110 = vector.broadcast %squeeze3A : i32 to vector<16xi32>
          %add3A_111 = arith.addi %add3A_110, %add3A_109 : vector<16xi32>
          %mul3A_112 = arith.constant 4 : i32
          %mul3A_113 = vector.broadcast %mul3A_112 : i32 to vector<16xi32>
          %mul3A_114 = arith.muli %add3A_111, %mul3A_113 : vector<16xi32>
          %add3A_115 = arith.constant 3 : i32
          %add3A_116 = vector.broadcast %add3A_115 : i32 to vector<16xi32>
          %add3A_117 = arith.addi %mul3A_114, %add3A_116 : vector<16xi32>
          %gather3A = tpu.vector_load_idx %arg6[%add3A_117] : memref<40960xf32, #tpu.memory_space<vmem>>[vector<16xi32>], vector<16xf32>,
          %gt3A = arith.cmpf ogt, %gather3A, %broadcast_in_dim3A_82 : vector<16xf32>
          %eq3A = arith.cmpf oeq, %gather3A, %broadcast_in_dim3A_82 : vector<16xf32>
          %lt3A_118 = arith.cmpi slt, %add3A_109, %broadcast_in_dim3A_83 : vector<16xi32>
          %and3A_119 = arith.andi %eq3A, %lt3A_118 : vector<16xi1>
          %or3A = arith.ori %gt3A, %and3A_119 : vector<16xi1>
          %lt3A_120 = vector.broadcast %squeeze3A_38 : i32 to vector<16xi32>
          %lt3A_121 = arith.cmpi slt, %add3A_109, %lt3A_120 : vector<16xi32>
          %and3A_122 = arith.andi %lt3A_121, %or3A : vector<16xi1>
          %select_n3A_123 = arith.select %and3A_122, %broadcast_in_dim3A_3, %broadcast_in_dim3A_5 : vector<16xi1>, vector<16xi32>
          %add3A_124 = arith.addi %while3A_105, %select_n3A_123 : vector<16xi32>
          scf.yield %add3A_124 : vector<16xi32>
        }
        %reduce_sum3A = arith.constant true
        %reduce_sum3A_95 = vector.broadcast %reduce_sum3A : i1 to vector<16xi1>
        %reduce_sum3A_96 = tpu.scan <sum>, %while3A_94 masked %reduce_sum3A_95 : vector<16xi32>, vector<16xi1> -> vector<16xi32>
        %reduce_sum3A_97 = vector.extract %reduce_sum3A_96[15] : i32 from vector<16xi32>
        %lt3A_98 = arith.constant 12 : i32
        %lt3A_99 = arith.cmpi slt, %reduce_sum3A_97, %lt3A_98 : i32
        %convert_element_type3A_100 = arith.extui %lt3A_99 : i1 to i32
        %cond3A_101 = arith.constant 0 : i32
        %cond3A_102 = arith.cmpi ne, %convert_element_type3A_100, %cond3A_101 : i32
        scf.if %cond3A_102 {
          %mul3A_104 = arith.constant 4 : i32
          %mul3A_105 = arith.muli %reduce_sum3A_97, %mul3A_104 : i32
          %add3A_106 = vector.broadcast %mul3A_105 : i32 to vector<16xi32>
          %add3A_107 = arith.addi %add3A_106, %iota3A : vector<16xi32>
          tpu.vector_store_idx %arg9[%add3A_107], %get3A_79 masked %lt3A_7 : memref<48xf32, #tpu.memory_space<vmem>>[vector<16xi32>], vector<16xf32>, vector<16xi1>
        } else {
        }
        %while3A_103 = arith.constant 0 : i32
        scf.yield %while3A_103 : i32
      }
      %while3A_71 = arith.constant 1 : i32
      %while3A_72 = scf.for %while3A_73 = %while3A_68 to %while3A_64 step %while3A_71 iter_args(%while3A_74 = %while3A_70) -> (i32)  : i32 {
        %add3A_75 = arith.addi %squeeze3A, %while3A_73 : i32
        %mul3A_76 = arith.constant 4 : i32
        %mul3A_77 = arith.muli %add3A_75, %mul3A_76 : i32
        %get3A_78 = arith.index_cast %mul3A_77 : i32 to index
        %get3A_79 = tpu.vector_load %arg6[%get3A_78] {strides = array<i32>} : memref<40960xf32, #tpu.memory_space<vmem>>, vector<16xf32>,
        %slice3A_80 = vector.extract_strided_slice %get3A_79 {offsets = [3], sizes = [1], strides = [1]} : vector<16xf32> to vector<1xf32>
        %squeeze3A_81 = vector.extract %slice3A_80[0] : f32 from vector<1xf32>
        %broadcast_in_dim3A_82 = vector.broadcast %squeeze3A_81 : f32 to vector<16xf32>
        %broadcast_in_dim3A_83 = vector.broadcast %while3A_73 : i32 to vector<16xi32>
        %while3A_84 = arith.constant 0 : i32
        %while3A_85 = arith.subi %select_n3A, %while3A_84 : i32
        %while3A_86 = arith.addi %while3A_84, %while3A_85 : i32
        %while3A_87 = arith.constant 1 : i32
        %while3A_88 = arith.divsi %while3A_85, %while3A_87 : i32
        %while3A_89 = arith.muli %while3A_88, %while3A_87 : i32
        %while3A_90 = arith.addi %while3A_84, %while3A_89 : i32
        %while3A_91 = arith.constant 1 : i32
        %while3A_92 = scf.for %while3A_104 = %while3A_84 to %while3A_90 step %while3A_91 iter_args(%while3A_105 = %broadcast_in_dim3A_5) -> (vector<16xi32>)  : i32 {
          %mul3A_106 = arith.constant 16 : i32
          %mul3A_107 = arith.muli %while3A_104, %mul3A_106 : i32
          %add3A_108 = vector.broadcast %mul3A_107 : i32 to vector<16xi32>
          %add3A_109 = arith.addi %iota3A, %add3A_108 : vector<16xi32>
          %add3A_110 = vector.broadcast %squeeze3A : i32 to vector<16xi32>
          %add3A_111 = arith.addi %add3A_110, %add3A_109 : vector<16xi32>
          %mul3A_112 = arith.constant 4 : i32
          %mul3A_113 = vector.broadcast %mul3A_112 : i32 to vector<16xi32>
          %mul3A_114 = arith.muli %add3A_111, %mul3A_113 : vector<16xi32>
          %add3A_115 = arith.constant 3 : i32
          %add3A_116 = vector.broadcast %add3A_115 : i32 to vector<16xi32>
          %add3A_117 = arith.addi %mul3A_114, %add3A_116 : vector<16xi32>
          %gather3A = tpu.vector_load_idx %arg6[%add3A_117] : memref<40960xf32, #tpu.memory_space<vmem>>[vector<16xi32>], vector<16xf32>,
          %gt3A = arith.cmpf ogt, %gather3A, %broadcast_in_dim3A_82 : vector<16xf32>
          %eq3A = arith.cmpf oeq, %gather3A, %broadcast_in_dim3A_82 : vector<16xf32>
          %lt3A_118 = arith.cmpi slt, %add3A_109, %broadcast_in_dim3A_83 : vector<16xi32>
          %and3A_119 = arith.andi %eq3A, %lt3A_118 : vector<16xi1>
          %or3A = arith.ori %gt3A, %and3A_119 : vector<16xi1>
          %lt3A_120 = vector.broadcast %squeeze3A_38 : i32 to vector<16xi32>
          %lt3A_121 = arith.cmpi slt, %add3A_109, %lt3A_120 : vector<16xi32>
          %and3A_122 = arith.andi %lt3A_121, %or3A : vector<16xi1>
          %select_n3A_123 = arith.select %and3A_122, %broadcast_in_dim3A_3, %broadcast_in_dim3A_5 : vector<16xi1>, vector<16xi32>
          %add3A_124 = arith.addi %while3A_105, %select_n3A_123 : vector<16xi32>
          scf.yield %add3A_124 : vector<16xi32>
        }
        %while3A_93 = arith.constant 1 : i32
        %while3A_94 = scf.for %while3A_104 = %while3A_90 to %while3A_86 step %while3A_93 iter_args(%while3A_105 = %while3A_92) -> (vector<16xi32>)  : i32 {
          %mul3A_106 = arith.constant 16 : i32
          %mul3A_107 = arith.muli %while3A_104, %mul3A_106 : i32
          %add3A_108 = vector.broadcast %mul3A_107 : i32 to vector<16xi32>
          %add3A_109 = arith.addi %iota3A, %add3A_108 : vector<16xi32>
          %add3A_110 = vector.broadcast %squeeze3A : i32 to vector<16xi32>
          %add3A_111 = arith.addi %add3A_110, %add3A_109 : vector<16xi32>
          %mul3A_112 = arith.constant 4 : i32
          %mul3A_113 = vector.broadcast %mul3A_112 : i32 to vector<16xi32>
          %mul3A_114 = arith.muli %add3A_111, %mul3A_113 : vector<16xi32>
          %add3A_115 = arith.constant 3 : i32
          %add3A_116 = vector.broadcast %add3A_115 : i32 to vector<16xi32>
          %add3A_117 = arith.addi %mul3A_114, %add3A_116 : vector<16xi32>
          %gather3A = tpu.vector_load_idx %arg6[%add3A_117] : memref<40960xf32, #tpu.memory_space<vmem>>[vector<16xi32>], vector<16xf32>,
          %gt3A = arith.cmpf ogt, %gather3A, %broadcast_in_dim3A_82 : vector<16xf32>
          %eq3A = arith.cmpf oeq, %gather3A, %broadcast_in_dim3A_82 : vector<16xf32>
          %lt3A_118 = arith.cmpi slt, %add3A_109, %broadcast_in_dim3A_83 : vector<16xi32>
          %and3A_119 = arith.andi %eq3A, %lt3A_118 : vector<16xi1>
          %or3A = arith.ori %gt3A, %and3A_119 : vector<16xi1>
          %lt3A_120 = vector.broadcast %squeeze3A_38 : i32 to vector<16xi32>
          %lt3A_121 = arith.cmpi slt, %add3A_109, %lt3A_120 : vector<16xi32>
          %and3A_122 = arith.andi %lt3A_121, %or3A : vector<16xi1>
          %select_n3A_123 = arith.select %and3A_122, %broadcast_in_dim3A_3, %broadcast_in_dim3A_5 : vector<16xi1>, vector<16xi32>
          %add3A_124 = arith.addi %while3A_105, %select_n3A_123 : vector<16xi32>
          scf.yield %add3A_124 : vector<16xi32>
        }
        %reduce_sum3A = arith.constant true
        %reduce_sum3A_95 = vector.broadcast %reduce_sum3A : i1 to vector<16xi1>
        %reduce_sum3A_96 = tpu.scan <sum>, %while3A_94 masked %reduce_sum3A_95 : vector<16xi32>, vector<16xi1> -> vector<16xi32>
        %reduce_sum3A_97 = vector.extract %reduce_sum3A_96[15] : i32 from vector<16xi32>
        %lt3A_98 = arith.constant 12 : i32
        %lt3A_99 = arith.cmpi slt, %reduce_sum3A_97, %lt3A_98 : i32
        %convert_element_type3A_100 = arith.extui %lt3A_99 : i1 to i32
        %cond3A_101 = arith.constant 0 : i32
        %cond3A_102 = arith.cmpi ne, %convert_element_type3A_100, %cond3A_101 : i32
        scf.if %cond3A_102 {
          %mul3A_104 = arith.constant 4 : i32
          %mul3A_105 = arith.muli %reduce_sum3A_97, %mul3A_104 : i32
          %add3A_106 = vector.broadcast %mul3A_105 : i32 to vector<16xi32>
          %add3A_107 = arith.addi %add3A_106, %iota3A : vector<16xi32>
          tpu.vector_store_idx %arg9[%add3A_107], %get3A_79 masked %lt3A_7 : memref<48xf32, #tpu.memory_space<vmem>>[vector<16xi32>], vector<16xf32>, vector<16xi1>
        } else {
        }
        %while3A_103 = arith.constant 0 : i32
        scf.yield %while3A_103 : i32
      }
      "tpu.region"() ({
        %run_scoped3A = tpu.sem_alloc : memref<!tpu.dma_semaphore, #tpu.memory_space<semaphore_mem>>
        %dma_start3A = arith.constant 0 : i32
        %dma_start3A_73 = tpu.memref_slice %arg5[%add3A_21, %dma_start3A] : memref<100x48xf32, #tpu.memory_space<hbm>> -> memref<1x48xf32, #tpu.memory_space<hbm>>
        %dma_start3A_74 = tpu.memref_squeeze %dma_start3A_73 : memref<1x48xf32, #tpu.memory_space<hbm>> -> memref<48xf32, #tpu.memory_space<hbm>>
        %dma_start3A_75 = arith.constant 0 : i32
        %dma_start3A_76 = tpu.memref_slice %arg5[%add3A_21, %dma_start3A_75] : memref<100x48xf32, #tpu.memory_space<hbm>> -> memref<1x48xf32, #tpu.memory_space<hbm>>
        %dma_start3A_77 = tpu.memref_squeeze %dma_start3A_76 : memref<1x48xf32, #tpu.memory_space<hbm>> -> memref<48xf32, #tpu.memory_space<hbm>>
        tpu.enqueue_dma source(%arg9 : memref<48xf32, #tpu.memory_space<vmem>>) target(%dma_start3A_77 : memref<48xf32, #tpu.memory_space<hbm>>) target_semaphore(%run_scoped3A : memref<!tpu.dma_semaphore, #tpu.memory_space<semaphore_mem>>)
        %dma_wait3A = arith.constant 0 : i32
        %dma_wait3A_78 = tpu.memref_slice %arg5[%add3A_21, %dma_wait3A] : memref<100x48xf32, #tpu.memory_space<hbm>> -> memref<1x48xf32, #tpu.memory_space<hbm>>
        %dma_wait3A_79 = tpu.memref_squeeze %dma_wait3A_78 : memref<1x48xf32, #tpu.memory_space<hbm>> -> memref<48xf32, #tpu.memory_space<hbm>>
        %dma_wait3A_80 = arith.constant 0 : i32
        %dma_wait3A_81 = tpu.memref_slice %arg5[%add3A_21, %dma_wait3A_80] : memref<100x48xf32, #tpu.memory_space<hbm>> -> memref<1x48xf32, #tpu.memory_space<hbm>>
        %dma_wait3A_82 = tpu.memref_squeeze %dma_wait3A_81 : memref<1x48xf32, #tpu.memory_space<hbm>> -> memref<48xf32, #tpu.memory_space<hbm>>
        tpu.wait_dma2 semaphore(%run_scoped3A : memref<!tpu.dma_semaphore, #tpu.memory_space<semaphore_mem>>) src(%arg9 : memref<48xf32, #tpu.memory_space<vmem>>) dst(%dma_wait3A_82 : memref<48xf32, #tpu.memory_space<hbm>>)
        tpu.yield
      }) : () -> ()
    } else {
    }
    %add3A_27 = arith.constant 96 : i32
    %add3A_28 = arith.addi %add3A, %add3A_27 : i32
    %lt3A_29 = arith.constant 100 : i32
    %lt3A_30 = arith.cmpi slt, %add3A_28, %lt3A_29 : i32
    %convert_element_type3A_31 = arith.extui %lt3A_30 : i1 to i32
    %cond3A_32 = arith.constant 0 : i32
    %cond3A_33 = arith.cmpi ne, %convert_element_type3A_31, %cond3A_32 : i32
    scf.if %cond3A_33 {
      %get3A = arith.index_cast %add3A_28 : i32 to index
      %get3A_34 = tpu.vector_load %arg7[%get3A] {strides = array<i32>} : memref<116xi32, #tpu.memory_space<vmem>>, vector<16xi32>,
      %slice3A = vector.extract_strided_slice %get3A_34 {offsets = [0], sizes = [1], strides = [1]} : vector<16xi32> to vector<1xi32>
      %squeeze3A = vector.extract %slice3A[0] : i32 from vector<1xi32>
      %get3A_35 = arith.index_cast %add3A_28 : i32 to index
      %get3A_36 = tpu.vector_load %arg8[%get3A_35] {strides = array<i32>} : memref<116xi32, #tpu.memory_space<vmem>>, vector<16xi32>,
      %slice3A_37 = vector.extract_strided_slice %get3A_36 {offsets = [0], sizes = [1], strides = [1]} : vector<16xi32> to vector<1xi32>
      %squeeze3A_38 = vector.extract %slice3A_37[0] : i32 from vector<1xi32>
      %swap3A = arith.constant 0 : index
      %swap3A_39 = tpu.vector_load %arg9[%swap3A] {strides = array<i32>} : memref<48xf32, #tpu.memory_space<vmem>>, vector<16xf32>,
      tpu.vector_store %arg9[%swap3A], %broadcast_in_dim3A_1 {strides = array<i32>} : memref<48xf32, #tpu.memory_space<vmem>>, vector<16xf32>,
      %swap3A_40 = arith.constant 16 : index
      %swap3A_41 = tpu.vector_load %arg9[%swap3A_40] {strides = array<i32>} : memref<48xf32, #tpu.memory_space<vmem>>, vector<16xf32>,
      tpu.vector_store %arg9[%swap3A_40], %broadcast_in_dim3A_1 {strides = array<i32>} : memref<48xf32, #tpu.memory_space<vmem>>, vector<16xf32>,
      %swap3A_42 = arith.constant 32 : index
      %swap3A_43 = tpu.vector_load %arg9[%swap3A_42] {strides = array<i32>} : memref<48xf32, #tpu.memory_space<vmem>>, vector<16xf32>,
      tpu.vector_store %arg9[%swap3A_42], %broadcast_in_dim3A_1 {strides = array<i32>} : memref<48xf32, #tpu.memory_space<vmem>>, vector<16xf32>,
      %add3A_44 = arith.constant 15 : i32
      %add3A_45 = arith.addi %squeeze3A_38, %add3A_44 : i32
      %jit3A = arith.constant 16 : i32
      %div3A = arith.divsi %add3A_45, %jit3A : i32
      %sign3A = arith.constant 0 : i32
      %sign3A_46 = arith.cmpi sgt, %add3A_45, %sign3A : i32
      %sign3A_47 = arith.extui %sign3A_46 : i1 to i32
      %sign3A_48 = arith.constant 0 : i32
      %sign3A_49 = arith.cmpi slt, %add3A_45, %sign3A_48 : i32
      %sign3A_50 = arith.extui %sign3A_49 : i1 to i32
      %sign3A_51 = arith.subi %sign3A_47, %sign3A_50 : i32
      %sign3A_52 = arith.constant 0 : i32
      %sign3A_53 = arith.cmpi sgt, %jit3A, %sign3A_52 : i32
      %sign3A_54 = arith.extui %sign3A_53 : i1 to i32
      %sign3A_55 = arith.constant 0 : i32
      %sign3A_56 = arith.cmpi slt, %jit3A, %sign3A_55 : i32
      %sign3A_57 = arith.extui %sign3A_56 : i1 to i32
      %sign3A_58 = arith.subi %sign3A_54, %sign3A_57 : i32
      %ne3A = arith.cmpi ne, %sign3A_51, %sign3A_58 : i32
      %rem3A = arith.remsi %add3A_45, %jit3A : i32
      %ne3A_59 = arith.constant 0 : i32
      %ne3A_60 = arith.cmpi ne, %rem3A, %ne3A_59 : i32
      %and3A = arith.andi %ne3A, %ne3A_60 : i1
      %sub3A = arith.constant 1 : i32
      %sub3A_61 = arith.subi %div3A, %sub3A : i32
      %select_n3A = arith.select %and3A, %sub3A_61, %div3A : i32
      %while3A = arith.constant 0 : i32
      %while3A_62 = arith.constant 0 : i32
      %while3A_63 = arith.subi %squeeze3A_38, %while3A : i32
      %while3A_64 = arith.addi %while3A, %while3A_63 : i32
      %while3A_65 = arith.constant 1 : i32
      %while3A_66 = arith.divsi %while3A_63, %while3A_65 : i32
      %while3A_67 = arith.muli %while3A_66, %while3A_65 : i32
      %while3A_68 = arith.addi %while3A, %while3A_67 : i32
      %while3A_69 = arith.constant 1 : i32
      %while3A_70 = scf.for %while3A_73 = %while3A to %while3A_68 step %while3A_69 iter_args(%while3A_74 = %while3A_62) -> (i32)  : i32 {
        %add3A_75 = arith.addi %squeeze3A, %while3A_73 : i32
        %mul3A_76 = arith.constant 4 : i32
        %mul3A_77 = arith.muli %add3A_75, %mul3A_76 : i32
        %get3A_78 = arith.index_cast %mul3A_77 : i32 to index
        %get3A_79 = tpu.vector_load %arg6[%get3A_78] {strides = array<i32>} : memref<40960xf32, #tpu.memory_space<vmem>>, vector<16xf32>,
        %slice3A_80 = vector.extract_strided_slice %get3A_79 {offsets = [3], sizes = [1], strides = [1]} : vector<16xf32> to vector<1xf32>
        %squeeze3A_81 = vector.extract %slice3A_80[0] : f32 from vector<1xf32>
        %broadcast_in_dim3A_82 = vector.broadcast %squeeze3A_81 : f32 to vector<16xf32>
        %broadcast_in_dim3A_83 = vector.broadcast %while3A_73 : i32 to vector<16xi32>
        %while3A_84 = arith.constant 0 : i32
        %while3A_85 = arith.subi %select_n3A, %while3A_84 : i32
        %while3A_86 = arith.addi %while3A_84, %while3A_85 : i32
        %while3A_87 = arith.constant 1 : i32
        %while3A_88 = arith.divsi %while3A_85, %while3A_87 : i32
        %while3A_89 = arith.muli %while3A_88, %while3A_87 : i32
        %while3A_90 = arith.addi %while3A_84, %while3A_89 : i32
        %while3A_91 = arith.constant 1 : i32
        %while3A_92 = scf.for %while3A_104 = %while3A_84 to %while3A_90 step %while3A_91 iter_args(%while3A_105 = %broadcast_in_dim3A_5) -> (vector<16xi32>)  : i32 {
          %mul3A_106 = arith.constant 16 : i32
          %mul3A_107 = arith.muli %while3A_104, %mul3A_106 : i32
          %add3A_108 = vector.broadcast %mul3A_107 : i32 to vector<16xi32>
          %add3A_109 = arith.addi %iota3A, %add3A_108 : vector<16xi32>
          %add3A_110 = vector.broadcast %squeeze3A : i32 to vector<16xi32>
          %add3A_111 = arith.addi %add3A_110, %add3A_109 : vector<16xi32>
          %mul3A_112 = arith.constant 4 : i32
          %mul3A_113 = vector.broadcast %mul3A_112 : i32 to vector<16xi32>
          %mul3A_114 = arith.muli %add3A_111, %mul3A_113 : vector<16xi32>
          %add3A_115 = arith.constant 3 : i32
          %add3A_116 = vector.broadcast %add3A_115 : i32 to vector<16xi32>
          %add3A_117 = arith.addi %mul3A_114, %add3A_116 : vector<16xi32>
          %gather3A = tpu.vector_load_idx %arg6[%add3A_117] : memref<40960xf32, #tpu.memory_space<vmem>>[vector<16xi32>], vector<16xf32>,
          %gt3A = arith.cmpf ogt, %gather3A, %broadcast_in_dim3A_82 : vector<16xf32>
          %eq3A = arith.cmpf oeq, %gather3A, %broadcast_in_dim3A_82 : vector<16xf32>
          %lt3A_118 = arith.cmpi slt, %add3A_109, %broadcast_in_dim3A_83 : vector<16xi32>
          %and3A_119 = arith.andi %eq3A, %lt3A_118 : vector<16xi1>
          %or3A = arith.ori %gt3A, %and3A_119 : vector<16xi1>
          %lt3A_120 = vector.broadcast %squeeze3A_38 : i32 to vector<16xi32>
          %lt3A_121 = arith.cmpi slt, %add3A_109, %lt3A_120 : vector<16xi32>
          %and3A_122 = arith.andi %lt3A_121, %or3A : vector<16xi1>
          %select_n3A_123 = arith.select %and3A_122, %broadcast_in_dim3A_3, %broadcast_in_dim3A_5 : vector<16xi1>, vector<16xi32>
          %add3A_124 = arith.addi %while3A_105, %select_n3A_123 : vector<16xi32>
          scf.yield %add3A_124 : vector<16xi32>
        }
        %while3A_93 = arith.constant 1 : i32
        %while3A_94 = scf.for %while3A_104 = %while3A_90 to %while3A_86 step %while3A_93 iter_args(%while3A_105 = %while3A_92) -> (vector<16xi32>)  : i32 {
          %mul3A_106 = arith.constant 16 : i32
          %mul3A_107 = arith.muli %while3A_104, %mul3A_106 : i32
          %add3A_108 = vector.broadcast %mul3A_107 : i32 to vector<16xi32>
          %add3A_109 = arith.addi %iota3A, %add3A_108 : vector<16xi32>
          %add3A_110 = vector.broadcast %squeeze3A : i32 to vector<16xi32>
          %add3A_111 = arith.addi %add3A_110, %add3A_109 : vector<16xi32>
          %mul3A_112 = arith.constant 4 : i32
          %mul3A_113 = vector.broadcast %mul3A_112 : i32 to vector<16xi32>
          %mul3A_114 = arith.muli %add3A_111, %mul3A_113 : vector<16xi32>
          %add3A_115 = arith.constant 3 : i32
          %add3A_116 = vector.broadcast %add3A_115 : i32 to vector<16xi32>
          %add3A_117 = arith.addi %mul3A_114, %add3A_116 : vector<16xi32>
          %gather3A = tpu.vector_load_idx %arg6[%add3A_117] : memref<40960xf32, #tpu.memory_space<vmem>>[vector<16xi32>], vector<16xf32>,
          %gt3A = arith.cmpf ogt, %gather3A, %broadcast_in_dim3A_82 : vector<16xf32>
          %eq3A = arith.cmpf oeq, %gather3A, %broadcast_in_dim3A_82 : vector<16xf32>
          %lt3A_118 = arith.cmpi slt, %add3A_109, %broadcast_in_dim3A_83 : vector<16xi32>
          %and3A_119 = arith.andi %eq3A, %lt3A_118 : vector<16xi1>
          %or3A = arith.ori %gt3A, %and3A_119 : vector<16xi1>
          %lt3A_120 = vector.broadcast %squeeze3A_38 : i32 to vector<16xi32>
          %lt3A_121 = arith.cmpi slt, %add3A_109, %lt3A_120 : vector<16xi32>
          %and3A_122 = arith.andi %lt3A_121, %or3A : vector<16xi1>
          %select_n3A_123 = arith.select %and3A_122, %broadcast_in_dim3A_3, %broadcast_in_dim3A_5 : vector<16xi1>, vector<16xi32>
          %add3A_124 = arith.addi %while3A_105, %select_n3A_123 : vector<16xi32>
          scf.yield %add3A_124 : vector<16xi32>
        }
        %reduce_sum3A = arith.constant true
        %reduce_sum3A_95 = vector.broadcast %reduce_sum3A : i1 to vector<16xi1>
        %reduce_sum3A_96 = tpu.scan <sum>, %while3A_94 masked %reduce_sum3A_95 : vector<16xi32>, vector<16xi1> -> vector<16xi32>
        %reduce_sum3A_97 = vector.extract %reduce_sum3A_96[15] : i32 from vector<16xi32>
        %lt3A_98 = arith.constant 12 : i32
        %lt3A_99 = arith.cmpi slt, %reduce_sum3A_97, %lt3A_98 : i32
        %convert_element_type3A_100 = arith.extui %lt3A_99 : i1 to i32
        %cond3A_101 = arith.constant 0 : i32
        %cond3A_102 = arith.cmpi ne, %convert_element_type3A_100, %cond3A_101 : i32
        scf.if %cond3A_102 {
          %mul3A_104 = arith.constant 4 : i32
          %mul3A_105 = arith.muli %reduce_sum3A_97, %mul3A_104 : i32
          %add3A_106 = vector.broadcast %mul3A_105 : i32 to vector<16xi32>
          %add3A_107 = arith.addi %add3A_106, %iota3A : vector<16xi32>
          tpu.vector_store_idx %arg9[%add3A_107], %get3A_79 masked %lt3A_7 : memref<48xf32, #tpu.memory_space<vmem>>[vector<16xi32>], vector<16xf32>, vector<16xi1>
        } else {
        }
        %while3A_103 = arith.constant 0 : i32
        scf.yield %while3A_103 : i32
      }
      %while3A_71 = arith.constant 1 : i32
      %while3A_72 = scf.for %while3A_73 = %while3A_68 to %while3A_64 step %while3A_71 iter_args(%while3A_74 = %while3A_70) -> (i32)  : i32 {
        %add3A_75 = arith.addi %squeeze3A, %while3A_73 : i32
        %mul3A_76 = arith.constant 4 : i32
        %mul3A_77 = arith.muli %add3A_75, %mul3A_76 : i32
        %get3A_78 = arith.index_cast %mul3A_77 : i32 to index
        %get3A_79 = tpu.vector_load %arg6[%get3A_78] {strides = array<i32>} : memref<40960xf32, #tpu.memory_space<vmem>>, vector<16xf32>,
        %slice3A_80 = vector.extract_strided_slice %get3A_79 {offsets = [3], sizes = [1], strides = [1]} : vector<16xf32> to vector<1xf32>
        %squeeze3A_81 = vector.extract %slice3A_80[0] : f32 from vector<1xf32>
        %broadcast_in_dim3A_82 = vector.broadcast %squeeze3A_81 : f32 to vector<16xf32>
        %broadcast_in_dim3A_83 = vector.broadcast %while3A_73 : i32 to vector<16xi32>
        %while3A_84 = arith.constant 0 : i32
        %while3A_85 = arith.subi %select_n3A, %while3A_84 : i32
        %while3A_86 = arith.addi %while3A_84, %while3A_85 : i32
        %while3A_87 = arith.constant 1 : i32
        %while3A_88 = arith.divsi %while3A_85, %while3A_87 : i32
        %while3A_89 = arith.muli %while3A_88, %while3A_87 : i32
        %while3A_90 = arith.addi %while3A_84, %while3A_89 : i32
        %while3A_91 = arith.constant 1 : i32
        %while3A_92 = scf.for %while3A_104 = %while3A_84 to %while3A_90 step %while3A_91 iter_args(%while3A_105 = %broadcast_in_dim3A_5) -> (vector<16xi32>)  : i32 {
          %mul3A_106 = arith.constant 16 : i32
          %mul3A_107 = arith.muli %while3A_104, %mul3A_106 : i32
          %add3A_108 = vector.broadcast %mul3A_107 : i32 to vector<16xi32>
          %add3A_109 = arith.addi %iota3A, %add3A_108 : vector<16xi32>
          %add3A_110 = vector.broadcast %squeeze3A : i32 to vector<16xi32>
          %add3A_111 = arith.addi %add3A_110, %add3A_109 : vector<16xi32>
          %mul3A_112 = arith.constant 4 : i32
          %mul3A_113 = vector.broadcast %mul3A_112 : i32 to vector<16xi32>
          %mul3A_114 = arith.muli %add3A_111, %mul3A_113 : vector<16xi32>
          %add3A_115 = arith.constant 3 : i32
          %add3A_116 = vector.broadcast %add3A_115 : i32 to vector<16xi32>
          %add3A_117 = arith.addi %mul3A_114, %add3A_116 : vector<16xi32>
          %gather3A = tpu.vector_load_idx %arg6[%add3A_117] : memref<40960xf32, #tpu.memory_space<vmem>>[vector<16xi32>], vector<16xf32>,
          %gt3A = arith.cmpf ogt, %gather3A, %broadcast_in_dim3A_82 : vector<16xf32>
          %eq3A = arith.cmpf oeq, %gather3A, %broadcast_in_dim3A_82 : vector<16xf32>
          %lt3A_118 = arith.cmpi slt, %add3A_109, %broadcast_in_dim3A_83 : vector<16xi32>
          %and3A_119 = arith.andi %eq3A, %lt3A_118 : vector<16xi1>
          %or3A = arith.ori %gt3A, %and3A_119 : vector<16xi1>
          %lt3A_120 = vector.broadcast %squeeze3A_38 : i32 to vector<16xi32>
          %lt3A_121 = arith.cmpi slt, %add3A_109, %lt3A_120 : vector<16xi32>
          %and3A_122 = arith.andi %lt3A_121, %or3A : vector<16xi1>
          %select_n3A_123 = arith.select %and3A_122, %broadcast_in_dim3A_3, %broadcast_in_dim3A_5 : vector<16xi1>, vector<16xi32>
          %add3A_124 = arith.addi %while3A_105, %select_n3A_123 : vector<16xi32>
          scf.yield %add3A_124 : vector<16xi32>
        }
        %while3A_93 = arith.constant 1 : i32
        %while3A_94 = scf.for %while3A_104 = %while3A_90 to %while3A_86 step %while3A_93 iter_args(%while3A_105 = %while3A_92) -> (vector<16xi32>)  : i32 {
          %mul3A_106 = arith.constant 16 : i32
          %mul3A_107 = arith.muli %while3A_104, %mul3A_106 : i32
          %add3A_108 = vector.broadcast %mul3A_107 : i32 to vector<16xi32>
          %add3A_109 = arith.addi %iota3A, %add3A_108 : vector<16xi32>
          %add3A_110 = vector.broadcast %squeeze3A : i32 to vector<16xi32>
          %add3A_111 = arith.addi %add3A_110, %add3A_109 : vector<16xi32>
          %mul3A_112 = arith.constant 4 : i32
          %mul3A_113 = vector.broadcast %mul3A_112 : i32 to vector<16xi32>
          %mul3A_114 = arith.muli %add3A_111, %mul3A_113 : vector<16xi32>
          %add3A_115 = arith.constant 3 : i32
          %add3A_116 = vector.broadcast %add3A_115 : i32 to vector<16xi32>
          %add3A_117 = arith.addi %mul3A_114, %add3A_116 : vector<16xi32>
          %gather3A = tpu.vector_load_idx %arg6[%add3A_117] : memref<40960xf32, #tpu.memory_space<vmem>>[vector<16xi32>], vector<16xf32>,
          %gt3A = arith.cmpf ogt, %gather3A, %broadcast_in_dim3A_82 : vector<16xf32>
          %eq3A = arith.cmpf oeq, %gather3A, %broadcast_in_dim3A_82 : vector<16xf32>
          %lt3A_118 = arith.cmpi slt, %add3A_109, %broadcast_in_dim3A_83 : vector<16xi32>
          %and3A_119 = arith.andi %eq3A, %lt3A_118 : vector<16xi1>
          %or3A = arith.ori %gt3A, %and3A_119 : vector<16xi1>
          %lt3A_120 = vector.broadcast %squeeze3A_38 : i32 to vector<16xi32>
          %lt3A_121 = arith.cmpi slt, %add3A_109, %lt3A_120 : vector<16xi32>
          %and3A_122 = arith.andi %lt3A_121, %or3A : vector<16xi1>
          %select_n3A_123 = arith.select %and3A_122, %broadcast_in_dim3A_3, %broadcast_in_dim3A_5 : vector<16xi1>, vector<16xi32>
          %add3A_124 = arith.addi %while3A_105, %select_n3A_123 : vector<16xi32>
          scf.yield %add3A_124 : vector<16xi32>
        }
        %reduce_sum3A = arith.constant true
        %reduce_sum3A_95 = vector.broadcast %reduce_sum3A : i1 to vector<16xi1>
        %reduce_sum3A_96 = tpu.scan <sum>, %while3A_94 masked %reduce_sum3A_95 : vector<16xi32>, vector<16xi1> -> vector<16xi32>
        %reduce_sum3A_97 = vector.extract %reduce_sum3A_96[15] : i32 from vector<16xi32>
        %lt3A_98 = arith.constant 12 : i32
        %lt3A_99 = arith.cmpi slt, %reduce_sum3A_97, %lt3A_98 : i32
        %convert_element_type3A_100 = arith.extui %lt3A_99 : i1 to i32
        %cond3A_101 = arith.constant 0 : i32
        %cond3A_102 = arith.cmpi ne, %convert_element_type3A_100, %cond3A_101 : i32
        scf.if %cond3A_102 {
          %mul3A_104 = arith.constant 4 : i32
          %mul3A_105 = arith.muli %reduce_sum3A_97, %mul3A_104 : i32
          %add3A_106 = vector.broadcast %mul3A_105 : i32 to vector<16xi32>
          %add3A_107 = arith.addi %add3A_106, %iota3A : vector<16xi32>
          tpu.vector_store_idx %arg9[%add3A_107], %get3A_79 masked %lt3A_7 : memref<48xf32, #tpu.memory_space<vmem>>[vector<16xi32>], vector<16xf32>, vector<16xi1>
        } else {
        }
        %while3A_103 = arith.constant 0 : i32
        scf.yield %while3A_103 : i32
      }
      "tpu.region"() ({
        %run_scoped3A = tpu.sem_alloc : memref<!tpu.dma_semaphore, #tpu.memory_space<semaphore_mem>>
        %dma_start3A = arith.constant 0 : i32
        %dma_start3A_73 = tpu.memref_slice %arg5[%add3A_28, %dma_start3A] : memref<100x48xf32, #tpu.memory_space<hbm>> -> memref<1x48xf32, #tpu.memory_space<hbm>>
        %dma_start3A_74 = tpu.memref_squeeze %dma_start3A_73 : memref<1x48xf32, #tpu.memory_space<hbm>> -> memref<48xf32, #tpu.memory_space<hbm>>
        %dma_start3A_75 = arith.constant 0 : i32
        %dma_start3A_76 = tpu.memref_slice %arg5[%add3A_28, %dma_start3A_75] : memref<100x48xf32, #tpu.memory_space<hbm>> -> memref<1x48xf32, #tpu.memory_space<hbm>>
        %dma_start3A_77 = tpu.memref_squeeze %dma_start3A_76 : memref<1x48xf32, #tpu.memory_space<hbm>> -> memref<48xf32, #tpu.memory_space<hbm>>
        tpu.enqueue_dma source(%arg9 : memref<48xf32, #tpu.memory_space<vmem>>) target(%dma_start3A_77 : memref<48xf32, #tpu.memory_space<hbm>>) target_semaphore(%run_scoped3A : memref<!tpu.dma_semaphore, #tpu.memory_space<semaphore_mem>>)
        %dma_wait3A = arith.constant 0 : i32
        %dma_wait3A_78 = tpu.memref_slice %arg5[%add3A_28, %dma_wait3A] : memref<100x48xf32, #tpu.memory_space<hbm>> -> memref<1x48xf32, #tpu.memory_space<hbm>>
        %dma_wait3A_79 = tpu.memref_squeeze %dma_wait3A_78 : memref<1x48xf32, #tpu.memory_space<hbm>> -> memref<48xf32, #tpu.memory_space<hbm>>
        %dma_wait3A_80 = arith.constant 0 : i32
        %dma_wait3A_81 = tpu.memref_slice %arg5[%add3A_28, %dma_wait3A_80] : memref<100x48xf32, #tpu.memory_space<hbm>> -> memref<1x48xf32, #tpu.memory_space<hbm>>
        %dma_wait3A_82 = tpu.memref_squeeze %dma_wait3A_81 : memref<1x48xf32, #tpu.memory_space<hbm>> -> memref<48xf32, #tpu.memory_space<hbm>>
        tpu.wait_dma2 semaphore(%run_scoped3A : memref<!tpu.dma_semaphore, #tpu.memory_space<semaphore_mem>>) src(%arg9 : memref<48xf32, #tpu.memory_space<vmem>>) dst(%dma_wait3A_82 : memref<48xf32, #tpu.memory_space<hbm>>)
        tpu.yield
      }) : () -> ()
    } else {
    }
    return
  }
}

module attributes {stable_mosaic.version = 14 : i64} {
  func.func @_tc_misc_body(%arg0: memref<1x10240xf32, #tpu.memory_space<vmem>>, %arg1: memref<1x10240xi32, #tpu.memory_space<vmem>>, %arg2: memref<1x10240xf32, #tpu.memory_space<vmem>>, %arg3: memref<100x1xi32, #tpu.memory_space<vmem>>, %arg4: memref<100x1xi32, #tpu.memory_space<vmem>>) attributes {dimension_semantics = [], scalar_prefetch = 0 : i64, scratch_operands = 0 : i64, tpu.core_type = #tpu.core_type<tc>} {
    %get3A = arith.constant 0 : index
    %get3A_0 = arith.constant 0 : index
    %get3A_1 = vector.load %arg0[%get3A, %get3A_0] : memref<1x10240xf32, #tpu.memory_space<vmem>>, vector<1x10240xf32>
    %gt3A = arith.constant 0.000000e+00 : f32
    %gt3A_2 = vector.broadcast %gt3A : f32 to vector<1x10240xf32>
    %gt3A_3 = arith.cmpf ogt, %get3A_1, %gt3A_2 : vector<1x10240xf32>
    %sqrt3A = math.sqrt %get3A_1 : vector<1x10240xf32>
    %div3A = arith.constant 1.000000e+00 : f32
    %div3A_4 = vector.broadcast %div3A : f32 to vector<1x10240xf32>
    %div3A_5 = arith.divf %div3A_4, %sqrt3A : vector<1x10240xf32>
    %jit3A = arith.constant 0.000000e+00 : f32
    %broadcast_in_dim3A = vector.broadcast %jit3A : f32 to vector<1x10240xf32>
    %select_n3A = arith.select %gt3A_3, %div3A_5, %broadcast_in_dim3A : vector<1x10240xi1>, vector<1x10240xf32>
    %swap3A = arith.constant 0 : index
    %swap3A_6 = arith.constant 0 : index
    %swap3A_7 = vector.load %arg2[%swap3A, %swap3A_6] : memref<1x10240xf32, #tpu.memory_space<vmem>>, vector<1x10240xf32>
    tpu.vector_store %arg2[%swap3A, %swap3A_6], %select_n3A {strides = array<i32>} : memref<1x10240xf32, #tpu.memory_space<vmem>>, vector<1x10240xf32>,
    %get3A_8 = arith.constant 0 : index
    %get3A_9 = arith.constant 0 : index
    %get3A_10 = vector.load %arg1[%get3A_8, %get3A_9] : memref<1x10240xi32, #tpu.memory_space<vmem>>, vector<1x10240xi32>
    %iota3A = tpu.iota {dimensions = array<i32: 0>} : vector<100x10240xi32>
    %eq3A = vector.broadcast %get3A_10 : vector<1x10240xi32> to vector<100x10240xi32>
    %eq3A_11 = arith.cmpi eq, %eq3A, %iota3A : vector<100x10240xi32>
    %jit3A_12 = arith.constant 1.000000e+00 : f32
    %jit3A_13 = arith.constant 0.000000e+00 : f32
    %broadcast_in_dim3A_14 = vector.broadcast %jit3A_12 : f32 to vector<100x10240xf32>
    %broadcast_in_dim3A_15 = vector.broadcast %jit3A_13 : f32 to vector<100x10240xf32>
    %select_n3A_16 = arith.select %eq3A_11, %broadcast_in_dim3A_14, %broadcast_in_dim3A_15 : vector<100x10240xi1>, vector<100x10240xf32>
    %reduce_sum3A = arith.constant dense<0.000000e+00> : vector<100xf32>
    %reduce_sum3A_17 = vector.multi_reduction <add>, %select_n3A_16, %reduce_sum3A [1] : vector<100x10240xf32> to vector<100xf32>
    %broadcast_in_dim3A_18 = vector.shape_cast %reduce_sum3A_17 : vector<100xf32> to vector<100x1xf32>
    %iota3A_19 = tpu.iota {dimensions = array<i32: 0>} : vector<100x100xi32>
    %iota3A_20 = tpu.iota {dimensions = array<i32: 1>} : vector<100x100xi32>
    %gt3A_21 = arith.cmpi sgt, %iota3A_19, %iota3A_20 : vector<100x100xi32>
    %convert_element_type3A = arith.extui %gt3A_21 : vector<100x100xi1> to vector<100x100xi32>
    %convert_element_type3A_22 = arith.sitofp %convert_element_type3A : vector<100x100xi32> to vector<100x100xf32>
    %dot_general3A = arith.constant dense<0.000000e+00> : vector<100x1xf32>
    %dot_general3A_23 = tpu.matmul %convert_element_type3A_22, %broadcast_in_dim3A_18, %dot_general3A {dimension_numbers = #tpu.dot_dimension_numbers<[1], [0], [0], [1], [0, 0, 1, 1], [], []>, transpose_lhs_hint = false} : vector<100x100xf32>, vector<100x1xf32>, vector<100x1xf32> -> vector<100x1xf32>
    %convert_element_type3A_24 = arith.fptosi %broadcast_in_dim3A_18 : vector<100x1xf32> to vector<100x1xi32>
    %swap3A_25 = arith.constant 0 : index
    %swap3A_26 = arith.constant 0 : index
    %swap3A_27 = vector.load %arg3[%swap3A_25, %swap3A_26] : memref<100x1xi32, #tpu.memory_space<vmem>>, vector<100x1xi32>
    tpu.vector_store %arg3[%swap3A_25, %swap3A_26], %convert_element_type3A_24 {strides = array<i32>} : memref<100x1xi32, #tpu.memory_space<vmem>>, vector<100x1xi32>,
    %convert_element_type3A_28 = arith.fptosi %dot_general3A_23 : vector<100x1xf32> to vector<100x1xi32>
    %swap3A_29 = arith.constant 0 : index
    %swap3A_30 = arith.constant 0 : index
    %swap3A_31 = vector.load %arg4[%swap3A_29, %swap3A_30] : memref<100x1xi32, #tpu.memory_space<vmem>>, vector<100x1xi32>
    tpu.vector_store %arg4[%swap3A_29, %swap3A_30], %convert_element_type3A_28 {strides = array<i32>} : memref<100x1xi32, #tpu.memory_space<vmem>>, vector<100x1xi32>,
    return
  }
}

module attributes {stable_mosaic.version = 14 : i64} {
  func.func @_tc_proj_body(%arg0: memref<10240x128xf32, #tpu.memory_space<vmem>>, %arg1: memref<10240x128xf32, #tpu.memory_space<vmem>>, %arg2: memref<10240x128xf32, #tpu.memory_space<vmem>>, %arg3: memref<10240x128xf32, #tpu.memory_space<vmem>>, %arg4: memref<128x4xf32, #tpu.memory_space<vmem>>, %arg5: memref<128x4xf32, #tpu.memory_space<vmem>>, %arg6: memref<128x4xf32, #tpu.memory_space<vmem>>, %arg7: memref<128x4xf32, #tpu.memory_space<vmem>>, %arg8: memref<1x4xf32, #tpu.memory_space<vmem>>, %arg9: memref<10240x4xf32, #tpu.memory_space<vmem>>) attributes {dimension_semantics = [], scalar_prefetch = 0 : i64, scratch_operands = 0 : i64, tpu.core_type = #tpu.core_type<tc>} {
    %get3A = arith.constant 0 : index
    %get3A_0 = arith.constant 0 : index
    %get3A_1 = vector.load %arg0[%get3A, %get3A_0] : memref<10240x128xf32, #tpu.memory_space<vmem>>, vector<10240x128xf32>
    %get3A_2 = arith.constant 0 : index
    %get3A_3 = arith.constant 0 : index
    %get3A_4 = vector.load %arg4[%get3A_2, %get3A_3] : memref<128x4xf32, #tpu.memory_space<vmem>>, vector<128x4xf32>
    %dot_general3A = arith.constant dense<0.000000e+00> : vector<10240x4xf32>
    %dot_general3A_5 = tpu.matmul %get3A_1, %get3A_4, %dot_general3A {dimension_numbers = #tpu.dot_dimension_numbers<[1], [0], [0], [1], [0, 0, 1, 1], [], []>, transpose_lhs_hint = false} : vector<10240x128xf32>, vector<128x4xf32>, vector<10240x4xf32> -> vector<10240x4xf32>
    %get3A_6 = arith.constant 0 : index
    %get3A_7 = arith.constant 0 : index
    %get3A_8 = vector.load %arg1[%get3A_6, %get3A_7] : memref<10240x128xf32, #tpu.memory_space<vmem>>, vector<10240x128xf32>
    %get3A_9 = arith.constant 0 : index
    %get3A_10 = arith.constant 0 : index
    %get3A_11 = vector.load %arg5[%get3A_9, %get3A_10] : memref<128x4xf32, #tpu.memory_space<vmem>>, vector<128x4xf32>
    %dot_general3A_12 = arith.constant dense<0.000000e+00> : vector<10240x4xf32>
    %dot_general3A_13 = tpu.matmul %get3A_8, %get3A_11, %dot_general3A_12 {dimension_numbers = #tpu.dot_dimension_numbers<[1], [0], [0], [1], [0, 0, 1, 1], [], []>, transpose_lhs_hint = false} : vector<10240x128xf32>, vector<128x4xf32>, vector<10240x4xf32> -> vector<10240x4xf32>
    %add3A = arith.addf %dot_general3A_5, %dot_general3A_13 : vector<10240x4xf32>
    %get3A_14 = arith.constant 0 : index
    %get3A_15 = arith.constant 0 : index
    %get3A_16 = vector.load %arg2[%get3A_14, %get3A_15] : memref<10240x128xf32, #tpu.memory_space<vmem>>, vector<10240x128xf32>
    %get3A_17 = arith.constant 0 : index
    %get3A_18 = arith.constant 0 : index
    %get3A_19 = vector.load %arg6[%get3A_17, %get3A_18] : memref<128x4xf32, #tpu.memory_space<vmem>>, vector<128x4xf32>
    %dot_general3A_20 = arith.constant dense<0.000000e+00> : vector<10240x4xf32>
    %dot_general3A_21 = tpu.matmul %get3A_16, %get3A_19, %dot_general3A_20 {dimension_numbers = #tpu.dot_dimension_numbers<[1], [0], [0], [1], [0, 0, 1, 1], [], []>, transpose_lhs_hint = false} : vector<10240x128xf32>, vector<128x4xf32>, vector<10240x4xf32> -> vector<10240x4xf32>
    %add3A_22 = arith.addf %add3A, %dot_general3A_21 : vector<10240x4xf32>
    %get3A_23 = arith.constant 0 : index
    %get3A_24 = arith.constant 0 : index
    %get3A_25 = vector.load %arg3[%get3A_23, %get3A_24] : memref<10240x128xf32, #tpu.memory_space<vmem>>, vector<10240x128xf32>
    %get3A_26 = arith.constant 0 : index
    %get3A_27 = arith.constant 0 : index
    %get3A_28 = vector.load %arg7[%get3A_26, %get3A_27] : memref<128x4xf32, #tpu.memory_space<vmem>>, vector<128x4xf32>
    %dot_general3A_29 = arith.constant dense<0.000000e+00> : vector<10240x4xf32>
    %dot_general3A_30 = tpu.matmul %get3A_25, %get3A_28, %dot_general3A_29 {dimension_numbers = #tpu.dot_dimension_numbers<[1], [0], [0], [1], [0, 0, 1, 1], [], []>, transpose_lhs_hint = false} : vector<10240x128xf32>, vector<128x4xf32>, vector<10240x4xf32> -> vector<10240x4xf32>
    %add3A_31 = arith.addf %add3A_22, %dot_general3A_30 : vector<10240x4xf32>
    %get3A_32 = arith.constant 0 : index
    %get3A_33 = arith.constant 0 : index
    %get3A_34 = vector.load %arg8[%get3A_32, %get3A_33] : memref<1x4xf32, #tpu.memory_space<vmem>>, vector<1x4xf32>
    %add3A_35 = vector.broadcast %get3A_34 : vector<1x4xf32> to vector<10240x4xf32>
    %add3A_36 = arith.addf %add3A_31, %add3A_35 : vector<10240x4xf32>
    %max3A = arith.constant 0.000000e+00 : f32
    %max3A_37 = vector.broadcast %max3A : f32 to vector<10240x4xf32>
    %max3A_38 = arith.maximumf %add3A_36, %max3A_37 : vector<10240x4xf32>
    %swap3A = arith.constant 0 : index
    %swap3A_39 = arith.constant 0 : index
    %swap3A_40 = vector.load %arg9[%swap3A, %swap3A_39] : memref<10240x4xf32, #tpu.memory_space<vmem>>, vector<10240x4xf32>
    tpu.vector_store %arg9[%swap3A, %swap3A_39], %max3A_38 {strides = array<i32>} : memref<10240x4xf32, #tpu.memory_space<vmem>>, vector<10240x4xf32>,
    return
  }
}

module attributes {stable_mosaic.version = 14 : i64} {
  func.func @_tc_proj_body(%arg0: memref<10240x4xf32, #tpu.memory_space<vmem>>, %arg1: memref<10240x4xf32, #tpu.memory_space<vmem>>, %arg2: memref<10240x4xf32, #tpu.memory_space<vmem>>, %arg3: memref<10240x4xf32, #tpu.memory_space<vmem>>, %arg4: memref<4x4xf32, #tpu.memory_space<vmem>>, %arg5: memref<4x4xf32, #tpu.memory_space<vmem>>, %arg6: memref<4x4xf32, #tpu.memory_space<vmem>>, %arg7: memref<4x4xf32, #tpu.memory_space<vmem>>, %arg8: memref<1x4xf32, #tpu.memory_space<vmem>>, %arg9: memref<10240x4xf32, #tpu.memory_space<vmem>>) attributes {dimension_semantics = [], scalar_prefetch = 0 : i64, scratch_operands = 0 : i64, tpu.core_type = #tpu.core_type<tc>} {
    %get3A = arith.constant 0 : index
    %get3A_0 = arith.constant 0 : index
    %get3A_1 = vector.load %arg0[%get3A, %get3A_0] : memref<10240x4xf32, #tpu.memory_space<vmem>>, vector<10240x4xf32>
    %get3A_2 = arith.constant 0 : index
    %get3A_3 = arith.constant 0 : index
    %get3A_4 = vector.load %arg4[%get3A_2, %get3A_3] : memref<4x4xf32, #tpu.memory_space<vmem>>, vector<4x4xf32>
    %dot_general3A = arith.constant dense<0.000000e+00> : vector<10240x4xf32>
    %dot_general3A_5 = tpu.matmul %get3A_1, %get3A_4, %dot_general3A {dimension_numbers = #tpu.dot_dimension_numbers<[1], [0], [0], [1], [0, 0, 1, 1], [], []>, transpose_lhs_hint = false} : vector<10240x4xf32>, vector<4x4xf32>, vector<10240x4xf32> -> vector<10240x4xf32>
    %get3A_6 = arith.constant 0 : index
    %get3A_7 = arith.constant 0 : index
    %get3A_8 = vector.load %arg1[%get3A_6, %get3A_7] : memref<10240x4xf32, #tpu.memory_space<vmem>>, vector<10240x4xf32>
    %get3A_9 = arith.constant 0 : index
    %get3A_10 = arith.constant 0 : index
    %get3A_11 = vector.load %arg5[%get3A_9, %get3A_10] : memref<4x4xf32, #tpu.memory_space<vmem>>, vector<4x4xf32>
    %dot_general3A_12 = arith.constant dense<0.000000e+00> : vector<10240x4xf32>
    %dot_general3A_13 = tpu.matmul %get3A_8, %get3A_11, %dot_general3A_12 {dimension_numbers = #tpu.dot_dimension_numbers<[1], [0], [0], [1], [0, 0, 1, 1], [], []>, transpose_lhs_hint = false} : vector<10240x4xf32>, vector<4x4xf32>, vector<10240x4xf32> -> vector<10240x4xf32>
    %add3A = arith.addf %dot_general3A_5, %dot_general3A_13 : vector<10240x4xf32>
    %get3A_14 = arith.constant 0 : index
    %get3A_15 = arith.constant 0 : index
    %get3A_16 = vector.load %arg2[%get3A_14, %get3A_15] : memref<10240x4xf32, #tpu.memory_space<vmem>>, vector<10240x4xf32>
    %get3A_17 = arith.constant 0 : index
    %get3A_18 = arith.constant 0 : index
    %get3A_19 = vector.load %arg6[%get3A_17, %get3A_18] : memref<4x4xf32, #tpu.memory_space<vmem>>, vector<4x4xf32>
    %dot_general3A_20 = arith.constant dense<0.000000e+00> : vector<10240x4xf32>
    %dot_general3A_21 = tpu.matmul %get3A_16, %get3A_19, %dot_general3A_20 {dimension_numbers = #tpu.dot_dimension_numbers<[1], [0], [0], [1], [0, 0, 1, 1], [], []>, transpose_lhs_hint = false} : vector<10240x4xf32>, vector<4x4xf32>, vector<10240x4xf32> -> vector<10240x4xf32>
    %add3A_22 = arith.addf %add3A, %dot_general3A_21 : vector<10240x4xf32>
    %get3A_23 = arith.constant 0 : index
    %get3A_24 = arith.constant 0 : index
    %get3A_25 = vector.load %arg3[%get3A_23, %get3A_24] : memref<10240x4xf32, #tpu.memory_space<vmem>>, vector<10240x4xf32>
    %get3A_26 = arith.constant 0 : index
    %get3A_27 = arith.constant 0 : index
    %get3A_28 = vector.load %arg7[%get3A_26, %get3A_27] : memref<4x4xf32, #tpu.memory_space<vmem>>, vector<4x4xf32>
    %dot_general3A_29 = arith.constant dense<0.000000e+00> : vector<10240x4xf32>
    %dot_general3A_30 = tpu.matmul %get3A_25, %get3A_28, %dot_general3A_29 {dimension_numbers = #tpu.dot_dimension_numbers<[1], [0], [0], [1], [0, 0, 1, 1], [], []>, transpose_lhs_hint = false} : vector<10240x4xf32>, vector<4x4xf32>, vector<10240x4xf32> -> vector<10240x4xf32>
    %add3A_31 = arith.addf %add3A_22, %dot_general3A_30 : vector<10240x4xf32>
    %get3A_32 = arith.constant 0 : index
    %get3A_33 = arith.constant 0 : index
    %get3A_34 = vector.load %arg8[%get3A_32, %get3A_33] : memref<1x4xf32, #tpu.memory_space<vmem>>, vector<1x4xf32>
    %add3A_35 = vector.broadcast %get3A_34 : vector<1x4xf32> to vector<10240x4xf32>
    %add3A_36 = arith.addf %add3A_31, %add3A_35 : vector<10240x4xf32>
    %max3A = arith.constant 0.000000e+00 : f32
    %max3A_37 = vector.broadcast %max3A : f32 to vector<10240x4xf32>
    %max3A_38 = arith.maximumf %add3A_36, %max3A_37 : vector<10240x4xf32>
    %swap3A = arith.constant 0 : index
    %swap3A_39 = arith.constant 0 : index
    %swap3A_40 = vector.load %arg9[%swap3A, %swap3A_39] : memref<10240x4xf32, #tpu.memory_space<vmem>>, vector<10240x4xf32>
    tpu.vector_store %arg9[%swap3A, %swap3A_39], %max3A_38 {strides = array<i32>} : memref<10240x4xf32, #tpu.memory_space<vmem>>, vector<10240x4xf32>,
    return
  }
}

module attributes {stable_mosaic.version = 14 : i64} {
  func.func @_tc_head_body(%arg0: memref<100x48xf32, #tpu.memory_space<vmem>>, %arg1: memref<48x4xf32, #tpu.memory_space<vmem>>, %arg2: memref<1x4xf32, #tpu.memory_space<vmem>>, %arg3: memref<4x2xf32, #tpu.memory_space<vmem>>, %arg4: memref<1x2xf32, #tpu.memory_space<vmem>>, %arg5: memref<100x2xf32, #tpu.memory_space<vmem>>) attributes {dimension_semantics = [], scalar_prefetch = 0 : i64, scratch_operands = 0 : i64, tpu.core_type = #tpu.core_type<tc>} {
    %get3A = arith.constant 0 : index
    %get3A_0 = arith.constant 0 : index
    %get3A_1 = vector.load %arg0[%get3A, %get3A_0] : memref<100x48xf32, #tpu.memory_space<vmem>>, vector<100x48xf32>
    %get3A_2 = arith.constant 0 : index
    %get3A_3 = arith.constant 0 : index
    %get3A_4 = vector.load %arg1[%get3A_2, %get3A_3] : memref<48x4xf32, #tpu.memory_space<vmem>>, vector<48x4xf32>
    %dot_general3A = arith.constant dense<0.000000e+00> : vector<100x4xf32>
    %dot_general3A_5 = tpu.matmul %get3A_1, %get3A_4, %dot_general3A {dimension_numbers = #tpu.dot_dimension_numbers<[1], [0], [0], [1], [0, 0, 1, 1], [], []>, transpose_lhs_hint = false} : vector<100x48xf32>, vector<48x4xf32>, vector<100x4xf32> -> vector<100x4xf32>
    %get3A_6 = arith.constant 0 : index
    %get3A_7 = arith.constant 0 : index
    %get3A_8 = vector.load %arg2[%get3A_6, %get3A_7] : memref<1x4xf32, #tpu.memory_space<vmem>>, vector<1x4xf32>
    %add3A = vector.broadcast %get3A_8 : vector<1x4xf32> to vector<100x4xf32>
    %add3A_9 = arith.addf %dot_general3A_5, %add3A : vector<100x4xf32>
    %max3A = arith.constant 0.000000e+00 : f32
    %max3A_10 = vector.broadcast %max3A : f32 to vector<100x4xf32>
    %max3A_11 = arith.maximumf %add3A_9, %max3A_10 : vector<100x4xf32>
    %get3A_12 = arith.constant 0 : index
    %get3A_13 = arith.constant 0 : index
    %get3A_14 = vector.load %arg3[%get3A_12, %get3A_13] : memref<4x2xf32, #tpu.memory_space<vmem>>, vector<4x2xf32>
    %dot_general3A_15 = arith.constant dense<0.000000e+00> : vector<100x2xf32>
    %dot_general3A_16 = tpu.matmul %max3A_11, %get3A_14, %dot_general3A_15 {dimension_numbers = #tpu.dot_dimension_numbers<[1], [0], [0], [1], [0, 0, 1, 1], [], []>, transpose_lhs_hint = false} : vector<100x4xf32>, vector<4x2xf32>, vector<100x2xf32> -> vector<100x2xf32>
    %get3A_17 = arith.constant 0 : index
    %get3A_18 = arith.constant 0 : index
    %get3A_19 = vector.load %arg4[%get3A_17, %get3A_18] : memref<1x2xf32, #tpu.memory_space<vmem>>, vector<1x2xf32>
    %add3A_20 = vector.broadcast %get3A_19 : vector<1x2xf32> to vector<100x2xf32>
    %add3A_21 = arith.addf %dot_general3A_16, %add3A_20 : vector<100x2xf32>
    %swap3A = arith.constant 0 : index
    %swap3A_22 = arith.constant 0 : index
    %swap3A_23 = vector.load %arg5[%swap3A, %swap3A_22] : memref<100x2xf32, #tpu.memory_space<vmem>>, vector<100x2xf32>
    tpu.vector_store %arg5[%swap3A, %swap3A_22], %add3A_21 {strides = array<i32>} : memref<100x2xf32, #tpu.memory_space<vmem>>, vector<100x2xf32>,
    return
  }
}

</mosaic_0001>

<sc_bundles>
// kernel: kernel.15.cloned.1.call-start
scs
__scs_entry_jumppad:
0x0: {  	(pc) =	sbr.rel $0x88, $3  }
0x1: {  	(tag) =	ssettag $0x0;
	lr =	simm.s32 $0x1  }
0x2: {  	[smem:$0x3F95] =	sst lr;
	_ =	strace $0xD0000000  }
0x3: {  	_ = 	snop  }
0x4: {  	_ = 	snop  }
0x5: {  	_ = 	snop  }
0x6: {  	_ = 	snop  }
0x7: {  	_ = 	snop  }
__scs_overlays_trampoline_lowered:
0x8: {  	[smem:$0x3FA4] =	sst s0  }
0x9: {  	[smem:$0x3FA5] =	sst s1  }
0xa: {  	[smem:$0x3FA6] =	sst s2  }
0xb: {  	[smem:$0x3FA7] =	sst s3  }
0xc: {  	[smem:$0x3FA8] =	sst s4  }
0xd: {  	[smem:$0x3FA9] =	sst s5  }
0xe: {  	[smem:$0x3FAA] =	sst s6  }
0xf: {  	[smem:$0x3FAB] =	sst s7  }
0x10: {  	[smem:$0x3FAC] =	sst s8  }
0x11: {  	[smem:$0x3FAD] =	sst s9;
	s0 =	simm.s32 @!p0 $0x0  }
0x12: {  	s1 =	sld [smem:$0x3F93];
	s0 =	simm.s32 @p0 $0x1  }
0x13: {  	[smem:$0x3FAE] =	sst s0;
	s0 =	simm.s32 @!p1 $0x0  }
0x14: {  	s2 =	sld [smem:$0x3F92];
	s0 =	simm.s32 @p1 $0x1  }
0x15: {  	[smem:$0x3FAF] =	sst s0;
	s0 =	simm.s32 @!p2 $0x0  }
0x16: {  	s3 =	sld [smem:$0x3FDB];
	s0 =	simm.s32 @p2 $0x1  }
0x17: {  	s4 =	simm.s32 $0x1BF5;
	[smem:$0x3FB1] =	sst s0  }
0x18: {  	s0 =	sld [smem:$0x3F94];
	_ =	swait.ge [sflag:s4], $0x0  }
0x19: {  	s7 =	sld [smem:$0x3F95]  }
0x1a: {  	s8 =	sadd.s32 $0xFFFFE003, lr  }
0x1b: {  	s9 =	sadd.s32 $0xFFFFFEF7, lr;
	s5 =	simm.s32 $0xFFFFFFFF;
	p2 =	slt.u32 s8, $0xFFFFF086  }
0x1c: {  	p1 =	slt.u32 s9, $0xF7A;
	s5 =	simm.s32 @!p2 $0x0  }
0x1d: {  	s5 =	simm.s32 @p1 $0x1;
	p0 =	seq.s32 s7, s2  }
0x1e: {  	s7 =	smul.u32 @!p0 $0xF7A, s2;
	p2 =	seq.s32 @!p0 s5, $0x0  }
0x1f: {  	s9 =	smul.u32 $0xF7A, s1;
	s8 =	simm.s32 @!p0 $0x1BF5;
	p2 =	por !p2, p0  }
0x20: {  	[sflag:s8] =	ssyncset.s32 @!p0 $0xFFFFF086;
	s6 =	sadd.s32 @!p0 s3, s7;
	s7 =	simm.s32 @!p0 $0x108  }
0x21: {  	s3 =	sadd.s32 s3, s9;
	s6 =	sadd.s32 @!p0 $0x88, s6;
	s7 =	simm.s32 @p2 $0x1082  }
0x22: {  	[simem:s7], [sflag:s8] =	dma.local @!p0 [hbm:s6], $0xF7A  }
0x23: {  	s9 =	sor.u32 $0xD0000000, s2;
	s6 =	simm.s32 $0x108;
	_ =	swait.ge @!p0 [sflag:s8], $0x0  }
0x24: {  	s3 =	sadd.s32 $0x88, s3;
	s6 =	simm.s32 @!p1 $0x1082;
	[sflag:s4] =	ssyncset.s32 $0xFFFFF086  }
0x25: {  	[simem:s6], [sflag:s4] =	dma.local [hbm:s3], $0xF7A  }
0x26: {  	[smem:$0x3F95] =	sst s1;
	(tag) =	ssettag s2;
	_ =	strace s9  }
0x27: {  	s1 =	sld [smem:$0x3FA5]  }
0x28: {  	s2 =	sld [smem:$0x3FA6]  }
0x29: {  	s4 =	sld [smem:$0x3FA8]  }
0x2a: {  	p0 =	seq.s32 s5, $0x0;
	s5 =	sld [smem:$0x3FA9]  }
0x2b: {  	s6 =	sld [smem:$0x3FAA]  }
0x2c: {  	s7 =	sld [smem:$0x3FAB]  }
0x2d: {  	s3 =	simm.s32 $0x108;
	s8 =	sld [smem:$0x3FAC]  }
0x2e: {  	s3 =	simm.s32 @!p0 $0x1082;
	s9 =	sld [smem:$0x3FAD]  }
0x2f: {  	lr =	sadd.s32 s0, s3;
	s0 =	sld [smem:$0x3FA4]  }
0x30: {  	s3 =	sld [smem:$0x3FA7]  }
0x31: {  	[smem:$0x3FB0] =	sst s10  }
0x32: {  	s10 =	sld [smem:$0x3FAE];
	_ =	sdelay $0x3  }
0x33: {  	p0 =	seq.s32 s10, $0x1;
	s10 =	sld [smem:$0x3FB0];
	_ =	sdelay $0x3  }
0x34: {  	[smem:$0x3FB0] =	sst s10  }
0x35: {  	s10 =	sld [smem:$0x3FAF];
	_ =	sdelay $0x3  }
0x36: {  	p1 =	seq.s32 s10, $0x1;
	s10 =	sld [smem:$0x3FB0];
	_ =	sdelay $0x3  }
0x37: {  	[smem:$0x3FB0] =	sst s10  }
0x38: {  	s10 =	sld [smem:$0x3FB1]  }
0x39: {  	_ = 	snop;
	(pc) =	sbr.ind lr, $3  }
0x3a: {  	_ = 	snop  }
0x3b: {  	_ = 	snop  }
0x3c: {  	p2 =	seq.s32 s10, $0x1;
	s10 =	sld [smem:$0x3FB0]  }
0x3d: {  	_ =	shalt  }
0x3e: {  	_ =	shalt  }
0x3f: {  	_ =	shalt  }
0x40: {  	_ =	shalt  }
0x41: {  	_ =	shalt  }
0x42: {  	_ =	shalt  }
0x43: {  	_ =	shalt  }
0x44: {  	_ =	shalt  }
0x45: {  	_ =	shalt  }
0x46: {  	_ =	shalt  }
0x47: {  	_ =	shalt  }
0x48: {  	_ =	shalt  }
0x49: {  	_ =	shalt  }
0x4a: {  	_ =	shalt  }
0x4b: {  	_ =	shalt  }
0x4c: {  	_ =	shalt  }
0x4d: {  	_ =	shalt  }
0x4e: {  	_ =	shalt  }
0x4f: {  	_ =	shalt  }
0x50: {  	_ =	shalt  }
0x51: {  	_ =	shalt  }
0x52: {  	_ =	shalt  }
0x53: {  	_ =	shalt  }
0x54: {  	_ =	shalt  }
0x55: {  	_ =	shalt  }
0x56: {  	_ =	shalt  }
0x57: {  	_ =	shalt  }
0x58: {  	_ =	shalt  }
0x59: {  	_ =	shalt  }
0x5a: {  	_ =	shalt  }
0x5b: {  	_ =	shalt  }
0x5c: {  	_ =	shalt  }
0x5d: {  	_ =	shalt  }
0x5e: {  	_ =	shalt  }
0x5f: {  	_ =	shalt  }
0x60: {  	_ =	shalt  }
0x61: {  	_ =	shalt  }
0x62: {  	_ =	shalt  }
0x63: {  	_ =	shalt  }
0x64: {  	_ =	shalt  }
0x65: {  	_ =	shalt  }
0x66: {  	_ =	shalt  }
0x67: {  	_ =	shalt  }
0x68: {  	_ =	shalt  }
0x69: {  	_ =	shalt  }
0x6a: {  	_ =	shalt  }
0x6b: {  	_ =	shalt  }
0x6c: {  	_ =	shalt  }
0x6d: {  	_ =	shalt  }
0x6e: {  	_ =	shalt  }
0x6f: {  	_ =	shalt  }
0x70: {  	_ =	shalt  }
0x71: {  	_ =	shalt  }
0x72: {  	_ =	shalt  }
0x73: {  	_ =	shalt  }
0x74: {  	_ =	shalt  }
0x75: {  	_ =	shalt  }
0x76: {  	_ =	shalt  }
0x77: {  	_ =	shalt  }
0x78: {  	_ =	shalt  }
0x79: {  	_ =	shalt  }
0x7a: {  	_ =	shalt  }
0x7b: {  	_ =	shalt  }
0x7c: {  	_ =	shalt  }
0x7d: {  	_ =	shalt  }
0x7e: {  	_ =	shalt  }
0x7f: {  	_ =	shalt  }
0x80: {  	_ =	shalt  }
0x81: {  	_ =	shalt  }
0x82: {  	_ =	shalt  }
0x83: {  	_ =	shalt  }
0x84: {  	_ =	shalt  }
0x85: {  	_ =	shalt  }
0x86: {  	_ =	shalt  }
0x87: {  	_ =	shalt  }
.Lfunc_end0:
.L_simem_size_0:
called_computation_lowered:
.L_overlay_start_0:
0x88: {  	s2 =	sld [smem:$0x3FD9]  }
0x89: {  	s3 =	sld [smem:$0x3FFE];
	_ =	sdelay $0x1  }
0x8a: {  	s1 =	srdreg.scid  }
0x8b: {  	s0 =	sand.u32 $0x1, s1  }
0x8c: {  	s17 =	sshll.u32 s0, $0xA;
	s2 =	sadd.s32 s3, s2  }
0x8d: {  	s2 =	sadd.s32 s2, s17  }
0x8e: {  	[smem:$0x3FBC] =	sst s2  }
0x8f: {  	_ = 	snop  }
0x90: {  	s2 =	sld [smem:$0x3FC6];
	(tm) =	ssettm $0x1  }
0x91: {  	s18 =	sld [smem:$0x3FFB];
	_ =	sdelay $0x3  }
0x92: {  	_ =	strace s18  }
0x93: {  	s3 =	sld [smem:$0x3FFC];
	_ =	sdelay $0x3  }
0x94: {  	_ =	strace s3  }
0x95: {  	s3 =	sld [smem:$0x3FFD];
	_ =	sdelay $0x3  }
0x96: {  	_ =	strace s3  }
0x97: {  	_ =	strace $0x8FFFFFFF  }
0x98: {  	s19 =	sld [smem:$0x3FDB];
	_ =	sdelay $0x1  }
0x99: {  	s4 =	simm.s32 $_scs_section_size  }
0x9a: {  	s5 =	simm.s32 $_size__tile_overlayer_lowered;
	s6 =	simm.s32 $_tile_overlayer_lowered  }
0x9b: {  	s22 =	simm.s32 $0x1BFF;
	s21 =	sshll.u32 s6, $0x1;
	s3 =	sadd.s32 s4, s19  }
0x9c: {  	s7 =	simm.s32 $0x0;
	s20 =	sshll.u32 s5, $0x1;
	s5 =	sadd.s32 s21, s3  }
0x9d: {  	[timem:s7], [sflag:s22] =	dma.local [hbm:s5], s20  }
0x9e: {  	_ =	swait.ge [sflag:s22], s20  }
0x9f: {  	s4 =	ssub.s32 $0x0, s20;
	[sflag:s22] =	ssyncset.done $0x0  }
0xa0: {  	[sflag:s22] =	ssyncadd.s32 s4;
	_ =	sdelay $0x1  }
0xa1: {  	s23 =	simm.s32 $0x1B8B  }
0xa2: {  	_ =	swait.ge [sflag:s23], $0x1  }
0xa3: {  	[sflag:s23] =	ssyncset.done $0x0  }
0xa4: {  	s25 =	simm.s32 $0x1B8E;
	s24 =	sld [smem:$0x3FFE];
	[sflag:s23] =	ssyncadd.s32 $0xFFFFFFFF  }
0xa5: {  	s26 =	simm.s32 $execute0_lowered;
	[smem:$0x3FD2] =	sst s25  }
0xa6: {  	s5 =	sshll.u32 s26, $0x1;
	_ =	strace $0x80000046;
	[dreg:$0x1] =	wrdreg $0xFFFFFFFF  }
0xa7: {  	s28 =	simm.s32 $_size_execute0_lowered;
	s3 =	sadd.s32 s3, s5;
	[dreg:$0x0] =	wrdreg $0x0  }
0xa8: {  	s5 =	sshll.u32 s28, $0x1;
	[dreg:$0x2] =	wrdreg s3  }
0xa9: {  	[dreg:$0x3] =	wrdreg s5  }
0xaa: {  	[dreg:$0x4] =	wrdreg $0xC0  }
0xab: {  	_ =	task [dreg:s7], $0x5FFFF  }
0xac: {  	[dreg:$0x1] =	wrdreg $0xFFFFFFFF  }
0xad: {  	[dreg:$0x0] =	wrdreg $0x60  }
0xae: {  	[dreg:$0x2] =	wrdreg s24  }
0xaf: {  	[dreg:$0x3] =	wrdreg s2  }
0xb0: {  	[dreg:$0x4] =	wrdreg $0x9  }
0xb1: {  	_ =	task.clear_ibuf [dreg:s7], $0x5FFFF;
	_ =	strace $0x90000046  }
0xb2: {  	s29 =	simm.s32 $0x9;
	_ =	strace $0x80000048  }
0xb3: {  	_ =	swait.ge [sflag:s29], $0x1  }
0xb4: {  	[sflag:s29] =	ssyncadd.s32 $0xFFFFFFFF  }
0xb5: {  	_ =	strace $0x90000048  }
0xb6: {  	_ =	sfence  }
0xb7: {  	s30 =	sld [smem:$0x0];
	_ =	sdelay $0x2  }
0xb8: {  	s31 =	sshll.u32 s1, $0xD;
	s1 =	sshrl.u32 s1, $0x2  }
0xb9: {  	s3 =	sand.u32 $0x4000, s31;
	s1 =	sadd.s32 s1, s30  }
0xba: {  	s0 =	sor.u32 s3, s0;
	s1 =	sshll.u32 s1, $0x11  }
0xbb: {  	s0 =	sor.u32 s1, s0  }
0xbc: {  	s0 =	sadd.s32 $0x8F2B, s0  }
0xbd: {  	[sflag:s0] =	ssyncadd.remote.s32 $0x1  }
0xbe: {  	_ =	sfence.sel $0xFFFF  }
0xbf: {  	[dreg:$0x0] =	wrdreg $0xFFFFFFFF;
	(pc) =	sbr.abs _section_cstart, $3  }
0xc0: {  	[dreg:$0x1] =	wrdreg $0xFFFFFFFF  }
0xc1: {  	_ =	task.clear_ibuf [dreg:s7], $0x2FFFF;
	_ =	strace $0x9FFFFFFF  }
0xc2: {  	(tm) =	ssettm $0x7FFFFFFF  }
0xc3: {  	_ =	shalt  }
tec
execute0_lowered:
.L_overlay_start_1:
0x0: {  	(tag) =	ssettag $0x1  }
0x1: {  	s6 =	rddreg [dreg:$0x0];
	s1 =	srdreg.scid  }
0x2: {  	s0 =	stileid.u32;
	s2 =	rddreg [dreg:$0x1]  }
0x3: {  	s3 =	simm.s32 $0x0;
	s11 =	simm.s32 $0x2800;
	s12 =	simm.s32 $0x1  }
0x4: {  	s14 =	simm.s32 $0x3800;
	s15 =	simm.s32 $0x6800;
	s16 =	simm.s32 $0x9800  }
0x5: {  	s17 =	simm.s32 $0xC800;
	s7 =	sand.u32 $0x1, s1;
	s4 =	sshll.u32 s0, $0x1  }
0x6: {  	s18 =	simm.s32 $0x0;
	s1 =	rddreg [dreg:$0x2];
	s4 =	sor.u32 s7, s4  }
0x7: {  	[smem:$0x7FF] =	sst s3;
	s7 =	ssub.s32 $0x2, s7;
	s8 =	smul.u32 $0x600, s4  }
0x8: {  	s5 =	sadd.s32 $0x5C00, s6;
	s13 =	smul.u32 $0x140, s4;
	s10 =	sshrl.u32 s7, $0x1  }
0x9: {  	_ =	strace $0x80000047;
	s4 =	sadd.s32 $0xFA00, s6;
	s10 =	ssub.s32 s7, s10  }
0xa: {  	s8 =	sadd.s32 s8, s6;
	s9 =	sshrl.u32 s13, $0x3;
	s10 =	smax.u32 s10, $0x1  }
0xb: {  	v0 =	vmov s13;
	s13 =	simm.s32 $0x1400;
	s9 =	sadd.s32 s9, s6;
	s6 =	sadd.s32 $0x25E00, s8  }
0xc: {  	v1 =	vimm.f32 $0.0e+00;
	v2 =	vimm.s32 $0x0;
	v3 =	vlaneseq.u32;
	s7 =	sadd.s32 $0x31E00, s8;
	s8 =	sadd.s32 $0x19E00, s8;
	s9 =	sadd.s32 $0x19800, s9  }
.LBB2_1:
0xd: {  	[tilespmem:s11], [sflag:$0x1] =	stream.linear.gather [hbm4b:s2+s3], $0x1000, $0x38;
	[tilespmem:$0xC980] =	vst v63  }
0xe: {  	_ =	swait.ge [sflag:s12], $0x1000  }
0xf: {  	[sflag:s12] =	ssyncset.done $0x0  }
0x10: {  	[sflag:s12] =	ssyncadd.s32 $0xFFFFF000  }
0x11: {  	[tilespmem:$0xC800] =	vst v1  }
0x12: {  	[tilespmem:$0xC810] =	vst v1  }
0x13: {  	[tilespmem:$0xC820] =	vst v1  }
0x14: {  	[tilespmem:$0xC830] =	vst v1  }
0x15: {  	[tilespmem:$0xC840] =	vst v1  }
0x16: {  	[tilespmem:$0xC850] =	vst v1  }
0x17: {  	[tilespmem:$0xC860] =	vst v1  }
0x18: {  	[tilespmem:$0xC870] =	vst v1  }
0x19: {  	[tilespmem:$0xC880] =	vst v1  }
0x1a: {  	[tilespmem:$0xC890] =	vst v1  }
0x1b: {  	[tilespmem:$0xC8A0] =	vst v1  }
0x1c: {  	[tilespmem:$0xC8B0] =	vst v1  }
0x1d: {  	[tilespmem:$0xC8C0] =	vst v1  }
0x1e: {  	[tilespmem:$0xC8D0] =	vst v1  }
0x1f: {  	[tilespmem:$0xC8E0] =	vst v1  }
0x20: {  	[tilespmem:$0xC8F0] =	vst v1  }
0x21: {  	[tilespmem:$0xC900] =	vst v1  }
0x22: {  	[tilespmem:$0xC910] =	vst v1  }
0x23: {  	[tilespmem:$0xC920] =	vst v1  }
0x24: {  	s19 =	simm.s32 $0x40;
	s20 =	simm.s32 $0x0;
	[tilespmem:$0xC930] =	vst v1  }
.LBB2_2:
0x25: {  	p0 =	sne.s32 s19, $0xBFC0;
	[tilespmem:s20+$0x9800] =	vst v1;
	s20 =	smov.u32 s19;
	s19 =	sadd.s32 $0x40, s19  }
.Ltmp0:
0x26: {  	(pc) =	sbr.rel @p0 .LBB2_2-.Ltmp0, $2  }
0x27: {  	_ =	sdelay $0x2  }
0x28: {  	s20 =	sshra.s32 s20, $0x2  }
0x29: {  	[tilespmem:s20+$0x9800] =	vst v1;
	s19 =	simm.s32 $0x0;
	s20 =	simm.s32 $0x40;
	s21 =	simm.s32 $0x0  }
.LBB2_4:
0x2a: {  	p0 =	sne.s32 s20, $0xBFC0;
	[tilespmem:s21+$0x3800] =	vst v2;
	s22 =	smov.u32 s20;
	s20 =	sadd.s32 $0x40, s20  }
.Ltmp1:
0x2b: {  	[tilespmem:s21+$0x6800] =	vst v2;
	(pc) =	sbr.rel @p0 .LBB2_4-.Ltmp1, $2  }
0x2c: {  	_ =	sdelay $0x2  }
0x2d: {  	s21 =	sshra.s32 s22, $0x2  }
0x2e: {  	[tilespmem:s21+$0x3800] =	vst v2  }
0x2f: {  	[tilespmem:s21+$0x6800] =	vst v2;
	s21 =	simm.s32 $0x0;
	s20 =	simm.s32 $0x0  }
.LBB2_6:
0x30: {  	s22 =	smul.u32 $0x13B0, s20;
	_ =	sdelay $0x1  }
0x31: {  	s22 =	sshrl.u32 s22, $0x3  }
0x32: {  	s24 =	simm.s32 $0x0;
	s23 =	sadd.s32 s4, s22  }
0x33: {  	[tilespmem:s24], [sflag:$0x1] =	stream.linear.gather [hbm4b:s23+s24], $0x13B0, $0x38;
	[tilespmem:$0xC980] =	vst v63  }
0x34: {  	_ =	swait.ge [sflag:s12], $0x13B0  }
0x35: {  	[sflag:s12] =	ssyncset.done $0x0  }
0x36: {  	s22 =	sadd.s32 s5, s22;
	[sflag:s12] =	ssyncadd.s32 $0xFFFFEC50  }
0x37: {  	[tilespmem:s13], [sflag:$0x1] =	stream.linear.gather [hbm4b:s22+s24], $0x13B0, $0x38;
	[tilespmem:$0xC980] =	vst v63  }
0x38: {  	_ =	swait.ge [sflag:s12], $0x13B0  }
0x39: {  	[sflag:s12] =	ssyncset.done $0x0  }
0x3a: {  	v4 =	vmov s19;
	s30 =	simm.s32 $0x0;
	[sflag:s12] =	ssyncadd.s32 $0xFFFFEC50  }
0x3b: {  	v4 =	vshrl.u32 v4, $0x6;
	v5 =	vld [tilespmem:s30+$0x1400]  }
0x3c: {  	v4 =	vmulhi.u32 $0x4104105, v4;
	_ =	sdelay $0x1  }
0x3d: {  	v4 =	vmul.u32 $0xFC0, v4  }
0x3e: {  	v6 =	vor.u32 s19, v3  }
0x3f: {  	v4 =	vsub.s32 v6, v4;
	v6 =	vsub.s32 v5, v0  }
0x40: {  	vm0 =	vlt.u32 v6, $0x140  }
0x41: {  	p0 =	sgt.s32 s21, $0x2FF0;
	v7 =	vmpcnt.ones.xlane vm0  }
0x42: {  	vm0 =	vgt.s32 @!p0 v6, $0x0  }
0x43: {  	vm1 =	vlt.u32 @!p0 v6, $0x140;
	v6 =	vnsel @!p0 vm0, $0x0, v6;
	(v2sf) =	vpush v7, $0x0  }
0x44: {  	s22 =	simm.s32 @!p0 $0x0;
	v4 =	vld.idx.msk [tilespmem:v4+s11+$0x0], $0xffff;
	v6 =	vmin.u32 @!p0 v6, $0x13F  }
0x45: {  	v7 =	vld @!p0 [tilespmem:s22+$0x0];
	_ =	sdelay $0x2  }
0x46: {  	s22 =	simm.s32 @!p0 $0xC800  }
0x47: {  	[tilespmem:v6+s22+$0x0] =	vst.idx.add.f32.msk @!p0 vm1, v4  }
0x48: {  	s22 =	sadd.s32 $0x10, s19;
	[tilespmem:s21+$0x3800] =	vst.msk @!p0 vm1, v7  }
0x49: {  	[tilespmem:s21+$0x6800] =	vst.msk @!p0 vm1, v5;
	v5 =	vmov s22  }
0x4a: {  	s31 =	simm.s32 $0x10;
	[tilespmem:s21+$0x9800] =	vst.msk @!p0 vm1, v4;
	v5 =	vshrl.u32 v5, $0x6  }
0x4b: {  	v4 =	vld [tilespmem:s31+$0x1400];
	v5 =	vmulhi.u32 $0x4104105, v5;
	_ =	sdelay $0x1  }
0x4c: {  	v5 =	vmul.u32 $0xFC0, v5  }
0x4d: {  	v6 =	vor.u32 s22, v3  }
0x4e: {  	v5 =	vsub.s32 v6, v5  }
0x4f: {  	s23 =	simm.s32 $0x40;
	s24 =	simm.s32 $0x80;
	v6 =	vsub.s32 v4, v0;
	s25 =	spop (v2sf)  }
.LBB2_7:
0x50: {  	vm0 =	vlt.u32 v6, $0x140;
	s21 =	sadd.s32 s21, s25;
	s25 =	smov.u32 s24;
	s24 =	sadd.s32 $0x40, s24  }
0x51: {  	p0 =	sne.s32 s24, $0x4EC0;
	v7 =	vmpcnt.ones.xlane vm0;
	p1 =	sgt.s32 s21, $0x2FF0  }
0x52: {  	vm0 =	vgt.s32 @!p1 v6, $0x0;
	s26 =	sshra.s32 @!p1 s23, $0x2;
	s23 =	smov.u32 s25  }
0x53: {  	vm1 =	vlt.u32 @!p1 v6, $0x140;
	v5 =	vld.idx.msk [tilespmem:v5+s11+$0x0], $0xffff;
	v6 =	vnsel @!p1 vm0, $0x0, v6;
	(v2sf) =	vpush v7, $0x0  }
0x54: {  	v6 =	vmin.u32 @!p1 v6, $0x13F  }
0x55: {  	v7 =	vld @!p1 [tilespmem:s26+$0x0];
	_ =	sdelay $0x2  }
0x56: {  	s25 =	simm.s32 @!p1 $0xC800  }
0x57: {  	[tilespmem:v6+s25+$0x0] =	vst.idx.add.f32.msk @!p1 vm1, v5  }
0x58: {  	s22 =	sadd.s32 $0x10, s22;
	[tilespmem:s21+$0x3800] =	vst.msk @!p1 vm1, v7  }
0x59: {  	v6 =	vmov s22;
	[tilespmem:s21+$0x6800] =	vst.msk @!p1 vm1, v4  }
0x5a: {  	s25 =	sshra.s32 s23, $0x2;
	v6 =	vshrl.u32 v6, $0x6;
	[tilespmem:s21+$0x9800] =	vst.msk @!p1 vm1, v5  }
0x5b: {  	v5 =	vmulhi.u32 $0x4104105, v6;
	v4 =	vld [tilespmem:s25+$0x1400]  }
.Ltmp2:
0x5c: {  	(pc) =	sbr.rel @p0 .LBB2_7-.Ltmp2, $4  }
0x5d: {  	v5 =	vmul.u32 $0xFC0, v5  }
0x5e: {  	v6 =	vor.u32 s22, v3  }
0x5f: {  	v5 =	vsub.s32 v6, v5  }
0x60: {  	v6 =	vsub.s32 v4, v0;
	s25 =	spop (v2sf)  }
0x61: {  	vm0 =	vlt.u32 v6, $0x140  }
0x62: {  	v7 =	vmpcnt.ones.xlane vm0;
	_ =	sdelay $0x1  }
0x63: {  	(v2sf) =	vpush v7, $0x0;
	_ =	sdelay $0x3  }
0x64: {  	s21 =	sadd.s32 s21, s25  }
0x65: {  	p0 =	sgt.s32 s21, $0x2FF0  }
0x66: {  	vm0 =	vgt.s32 @!p0 v6, $0x0  }
0x67: {  	vm1 =	vlt.u32 @!p0 v6, $0x140;
	v6 =	vnsel @!p0 vm0, $0x0, v6  }
0x68: {  	v5 =	vld.idx.msk [tilespmem:v5+s11+$0x0], $0xffff;
	s22 =	sshra.s32 @!p0 s23, $0x2;
	v6 =	vmin.u32 @!p0 v6, $0x13F  }
0x69: {  	v7 =	vld @!p0 [tilespmem:s22+$0x0]  }
0x6a: {  	s20 =	sadd.s32 $0x1, s20  }
0x6b: {  	p1 =	sne.s32 s20, $0x40  }
.Ltmp3:
0x6c: {  	s22 =	simm.s32 @!p0 $0xC800;
	(pc) =	sbr.rel @p1 .LBB2_6-.Ltmp3, $4  }
0x6d: {  	[tilespmem:v6+s22+$0x0] =	vst.idx.add.f32.msk @!p0 vm1, v5  }
0x6e: {  	[tilespmem:s21+$0x3800] =	vst.msk @!p0 vm1, v7  }
0x6f: {  	[tilespmem:s21+$0x6800] =	vst.msk @!p0 vm1, v4;
	s31 =	spop (v2sf)  }
0x70: {  	s19 =	sadd.s32 $0x13B0, s19;
	[tilespmem:s21+$0x9800] =	vst.msk @!p0 vm1, v5;
	s21 =	sadd.s32 s21, s31  }
0x71: {  	[hbm4b:s6+s3] =	stream.linear.scatter [tilespmem:s14], [sflag:$0x1], $0x3000, $0x38;
	[tilespmem:$0xC980] =	vst v63  }
0x72: {  	_ =	swait.ge [sflag:s12], $0x3000  }
0x73: {  	[sflag:s12] =	ssyncset.done $0x0  }
0x74: {  	[sflag:s12] =	ssyncadd.s32 $0xFFFFD000  }
0x75: {  	[hbm4b:s7+s3] =	stream.linear.scatter [tilespmem:s15], [sflag:$0x1], $0x3000, $0x38;
	[tilespmem:$0xC980] =	vst v63  }
0x76: {  	_ =	swait.ge [sflag:s12], $0x3000  }
0x77: {  	[sflag:s12] =	ssyncset.done $0x0  }
0x78: {  	[sflag:s12] =	ssyncadd.s32 $0xFFFFD000  }
0x79: {  	[hbm4b:s8+s3] =	stream.linear.scatter [tilespmem:s16], [sflag:$0x1], $0x3000, $0x38;
	[tilespmem:$0xC980] =	vst v63  }
0x7a: {  	s18 =	sadd.s32 $0x1, s18;
	_ =	swait.ge [sflag:s12], $0x3000  }
0x7b: {  	p0 =	sne.s32 s18, s10;
	[sflag:s12] =	ssyncset.done $0x0  }
.Ltmp4:
0x7c: {  	[sflag:s12] =	ssyncadd.s32 $0xFFFFD000;
	(pc) =	sbr.rel @p0 .LBB2_1-.Ltmp4, $4  }
0x7d: {  	[hbm4b:s9+s3] =	stream.linear.scatter [tilespmem:s17], [sflag:$0x1], $0x140, $0x38;
	[tilespmem:$0xC980] =	vst v63  }
0x7e: {  	_ =	swait.ge [sflag:s12], $0x140  }
0x7f: {  	[sflag:s12] =	ssyncset.done $0x0  }
0x80: {  	[sflag:s12] =	ssyncadd.s32 $0xFFFFFEC0  }
0x81: {  	_ =	sfence.sel $0x180000  }
0x82: {  	[bflag:$0x0] =	sbarrier.arrive $0xFFFF  }
0x83: {  	p0 =	sne.s32 s0, $0x0;
	_ =	strace $0x90000047  }
0x84: {  	s0 =	sadd.s32 @!p0 $0x100000, s1;
	[bflag:$0x2] =	sbarrier.arrive $0xFFFF  }
0x85: {  	[sflag:s0] =	ssyncadd.tile.s32 @!p0 $0x1;
	_ =	shalt  }
.Lfunc_end2:
_tile_overlayer_lowered:
.L_overlay_start_2:
0x86: {  	(tag) =	ssettag $0x2  }
0x87: {  	s0 =	rddreg [dreg:$0x0];
	s2 =	stileid.u32  }
0x88: {  	s1 =	rddreg [dreg:$0x1];
	p0 =	sne.s32 s2, $0x0  }
0x89: {  	s3 =	rddreg [dreg:$0x2];
	[bflag:$0x3] =	sbarrier.arrive $0xFFFF;
	s2 =	simm.s32 @!p0 $0x1C01  }
0x8a: {  	[timem:s3], [sflag:s2] =	dma.local @!p0 [hbm:s0], s1  }
0x8b: {  	s0 =	simm.s32 @!p0 $0x1  }
0x8c: {  	_ =	swait.ge @!p0 [sflag:s0], s1  }
0x8d: {  	s1 =	ssub.s32 @!p0 $0x0, s1;
	[sflag:s0] =	ssyncset.done @!p0 $0x0  }
0x8e: {  	[sflag:s0] =	ssyncadd.s32 @!p0 s1  }
0x8f: {  	[bflag:$0x3] =	sbarrier.arrive $0xFFFF  }
0x90: {  	_ =	shalt  }

// kernel: kernel.18.cloned.1.call-start
scs
__scs_entry_jumppad:
0x0: {  	(pc) =	sbr.rel $0x88, $3  }
0x1: {  	(tag) =	ssettag $0x0;
	lr =	simm.s32 $0x1  }
0x2: {  	[smem:$0x3F95] =	sst lr;
	_ =	strace $0xD0000000  }
0x3: {  	_ = 	snop  }
0x4: {  	_ = 	snop  }
0x5: {  	_ = 	snop  }
0x6: {  	_ = 	snop  }
0x7: {  	_ = 	snop  }
__scs_overlays_trampoline_lowered:
0x8: {  	[smem:$0x3FA4] =	sst s0  }
0x9: {  	[smem:$0x3FA5] =	sst s1  }
0xa: {  	[smem:$0x3FA6] =	sst s2  }
0xb: {  	[smem:$0x3FA7] =	sst s3  }
0xc: {  	[smem:$0x3FA8] =	sst s4  }
0xd: {  	[smem:$0x3FA9] =	sst s5  }
0xe: {  	[smem:$0x3FAA] =	sst s6  }
0xf: {  	[smem:$0x3FAB] =	sst s7  }
0x10: {  	[smem:$0x3FAC] =	sst s8  }
0x11: {  	[smem:$0x3FAD] =	sst s9;
	s0 =	simm.s32 @!p0 $0x0  }
0x12: {  	s1 =	sld [smem:$0x3F93];
	s0 =	simm.s32 @p0 $0x1  }
0x13: {  	[smem:$0x3FAE] =	sst s0;
	s0 =	simm.s32 @!p1 $0x0  }
0x14: {  	s2 =	sld [smem:$0x3F92];
	s0 =	simm.s32 @p1 $0x1  }
0x15: {  	[smem:$0x3FAF] =	sst s0;
	s0 =	simm.s32 @!p2 $0x0  }
0x16: {  	s3 =	sld [smem:$0x3FDB];
	s0 =	simm.s32 @p2 $0x1  }
0x17: {  	s4 =	simm.s32 $0x1BF5;
	[smem:$0x3FB1] =	sst s0  }
0x18: {  	s0 =	sld [smem:$0x3F94];
	_ =	swait.ge [sflag:s4], $0x0  }
0x19: {  	s7 =	sld [smem:$0x3F95]  }
0x1a: {  	s8 =	sadd.s32 $0xFFFFE003, lr  }
0x1b: {  	s9 =	sadd.s32 $0xFFFFFEF7, lr;
	s5 =	simm.s32 $0xFFFFFFFF;
	p2 =	slt.u32 s8, $0xFFFFF086  }
0x1c: {  	p1 =	slt.u32 s9, $0xF7A;
	s5 =	simm.s32 @!p2 $0x0  }
0x1d: {  	s5 =	simm.s32 @p1 $0x1;
	p0 =	seq.s32 s7, s2  }
0x1e: {  	s7 =	smul.u32 @!p0 $0xF7A, s2;
	p2 =	seq.s32 @!p0 s5, $0x0  }
0x1f: {  	s9 =	smul.u32 $0xF7A, s1;
	s8 =	simm.s32 @!p0 $0x1BF5;
	p2 =	por !p2, p0  }
0x20: {  	[sflag:s8] =	ssyncset.s32 @!p0 $0xFFFFF086;
	s6 =	sadd.s32 @!p0 s3, s7;
	s7 =	simm.s32 @!p0 $0x108  }
0x21: {  	s3 =	sadd.s32 s3, s9;
	s6 =	sadd.s32 @!p0 $0x88, s6;
	s7 =	simm.s32 @p2 $0x1082  }
0x22: {  	[simem:s7], [sflag:s8] =	dma.local @!p0 [hbm:s6], $0xF7A  }
0x23: {  	s9 =	sor.u32 $0xD0000000, s2;
	s6 =	simm.s32 $0x108;
	_ =	swait.ge @!p0 [sflag:s8], $0x0  }
0x24: {  	s3 =	sadd.s32 $0x88, s3;
	s6 =	simm.s32 @!p1 $0x1082;
	[sflag:s4] =	ssyncset.s32 $0xFFFFF086  }
0x25: {  	[simem:s6], [sflag:s4] =	dma.local [hbm:s3], $0xF7A  }
0x26: {  	[smem:$0x3F95] =	sst s1;
	(tag) =	ssettag s2;
	_ =	strace s9  }
0x27: {  	s1 =	sld [smem:$0x3FA5]  }
0x28: {  	s2 =	sld [smem:$0x3FA6]  }
0x29: {  	s4 =	sld [smem:$0x3FA8]  }
0x2a: {  	p0 =	seq.s32 s5, $0x0;
	s5 =	sld [smem:$0x3FA9]  }
0x2b: {  	s6 =	sld [smem:$0x3FAA]  }
0x2c: {  	s7 =	sld [smem:$0x3FAB]  }
0x2d: {  	s3 =	simm.s32 $0x108;
	s8 =	sld [smem:$0x3FAC]  }
0x2e: {  	s3 =	simm.s32 @!p0 $0x1082;
	s9 =	sld [smem:$0x3FAD]  }
0x2f: {  	lr =	sadd.s32 s0, s3;
	s0 =	sld [smem:$0x3FA4]  }
0x30: {  	s3 =	sld [smem:$0x3FA7]  }
0x31: {  	[smem:$0x3FB0] =	sst s10  }
0x32: {  	s10 =	sld [smem:$0x3FAE];
	_ =	sdelay $0x3  }
0x33: {  	p0 =	seq.s32 s10, $0x1;
	s10 =	sld [smem:$0x3FB0];
	_ =	sdelay $0x3  }
0x34: {  	[smem:$0x3FB0] =	sst s10  }
0x35: {  	s10 =	sld [smem:$0x3FAF];
	_ =	sdelay $0x3  }
0x36: {  	p1 =	seq.s32 s10, $0x1;
	s10 =	sld [smem:$0x3FB0];
	_ =	sdelay $0x3  }
0x37: {  	[smem:$0x3FB0] =	sst s10  }
0x38: {  	s10 =	sld [smem:$0x3FB1]  }
0x39: {  	_ = 	snop;
	(pc) =	sbr.ind lr, $3  }
0x3a: {  	_ = 	snop  }
0x3b: {  	_ = 	snop  }
0x3c: {  	p2 =	seq.s32 s10, $0x1;
	s10 =	sld [smem:$0x3FB0]  }
0x3d: {  	_ =	shalt  }
0x3e: {  	_ =	shalt  }
0x3f: {  	_ =	shalt  }
0x40: {  	_ =	shalt  }
0x41: {  	_ =	shalt  }
0x42: {  	_ =	shalt  }
0x43: {  	_ =	shalt  }
0x44: {  	_ =	shalt  }
0x45: {  	_ =	shalt  }
0x46: {  	_ =	shalt  }
0x47: {  	_ =	shalt  }
0x48: {  	_ =	shalt  }
0x49: {  	_ =	shalt  }
0x4a: {  	_ =	shalt  }
0x4b: {  	_ =	shalt  }
0x4c: {  	_ =	shalt  }
0x4d: {  	_ =	shalt  }
0x4e: {  	_ =	shalt  }
0x4f: {  	_ =	shalt  }
0x50: {  	_ =	shalt  }
0x51: {  	_ =	shalt  }
0x52: {  	_ =	shalt  }
0x53: {  	_ =	shalt  }
0x54: {  	_ =	shalt  }
0x55: {  	_ =	shalt  }
0x56: {  	_ =	shalt  }
0x57: {  	_ =	shalt  }
0x58: {  	_ =	shalt  }
0x59: {  	_ =	shalt  }
0x5a: {  	_ =	shalt  }
0x5b: {  	_ =	shalt  }
0x5c: {  	_ =	shalt  }
0x5d: {  	_ =	shalt  }
0x5e: {  	_ =	shalt  }
0x5f: {  	_ =	shalt  }
0x60: {  	_ =	shalt  }
0x61: {  	_ =	shalt  }
0x62: {  	_ =	shalt  }
0x63: {  	_ =	shalt  }
0x64: {  	_ =	shalt  }
0x65: {  	_ =	shalt  }
0x66: {  	_ =	shalt  }
0x67: {  	_ =	shalt  }
0x68: {  	_ =	shalt  }
0x69: {  	_ =	shalt  }
0x6a: {  	_ =	shalt  }
0x6b: {  	_ =	shalt  }
0x6c: {  	_ =	shalt  }
0x6d: {  	_ =	shalt  }
0x6e: {  	_ =	shalt  }
0x6f: {  	_ =	shalt  }
0x70: {  	_ =	shalt  }
0x71: {  	_ =	shalt  }
0x72: {  	_ =	shalt  }
0x73: {  	_ =	shalt  }
0x74: {  	_ =	shalt  }
0x75: {  	_ =	shalt  }
0x76: {  	_ =	shalt  }
0x77: {  	_ =	shalt  }
0x78: {  	_ =	shalt  }
0x79: {  	_ =	shalt  }
0x7a: {  	_ =	shalt  }
0x7b: {  	_ =	shalt  }
0x7c: {  	_ =	shalt  }
0x7d: {  	_ =	shalt  }
0x7e: {  	_ =	shalt  }
0x7f: {  	_ =	shalt  }
0x80: {  	_ =	shalt  }
0x81: {  	_ =	shalt  }
0x82: {  	_ =	shalt  }
0x83: {  	_ =	shalt  }
0x84: {  	_ =	shalt  }
0x85: {  	_ =	shalt  }
0x86: {  	_ =	shalt  }
0x87: {  	_ =	shalt  }
.Lfunc_end0:
.L_simem_size_0:
called_computation.1_lowered:
.L_overlay_start_0:
0x88: {  	s2 =	sld [smem:$0x3FD9]  }
0x89: {  	s3 =	sld [smem:$0x3FFE];
	_ =	sdelay $0x1  }
0x8a: {  	s1 =	srdreg.scid  }
0x8b: {  	s0 =	sand.u32 $0x1, s1  }
0x8c: {  	s16 =	sshll.u32 s0, $0xA;
	s2 =	sadd.s32 s3, s2  }
0x8d: {  	s2 =	sadd.s32 s2, s16  }
0x8e: {  	[smem:$0x3FBC] =	sst s2  }
0x8f: {  	_ = 	snop  }
0x90: {  	(tm) =	ssettm $0x1  }
0x91: {  	s17 =	sld [smem:$0x3FFB];
	_ =	sdelay $0x3  }
0x92: {  	_ =	strace s17  }
0x93: {  	s2 =	sld [smem:$0x3FFC];
	_ =	sdelay $0x3  }
0x94: {  	_ =	strace s2  }
0x95: {  	s2 =	sld [smem:$0x3FFD];
	_ =	sdelay $0x3  }
0x96: {  	_ =	strace s2  }
0x97: {  	_ =	strace $0x8FFFFFFF  }
0x98: {  	s18 =	sld [smem:$0x3FDB];
	_ =	sdelay $0x1  }
0x99: {  	s19 =	simm.s32 $_scs_section_size  }
0x9a: {  	s4 =	simm.s32 $_size__tile_overlayer_lowered;
	s5 =	simm.s32 $_tile_overlayer_lowered  }
0x9b: {  	s22 =	simm.s32 $0x1BFF;
	s21 =	sshll.u32 s5, $0x1;
	s2 =	sadd.s32 s19, s18  }
0x9c: {  	s6 =	simm.s32 $0x0;
	s20 =	sshll.u32 s4, $0x1;
	s4 =	sadd.s32 s21, s2  }
0x9d: {  	[timem:s6], [sflag:s22] =	dma.local [hbm:s4], s20  }
0x9e: {  	_ =	swait.ge [sflag:s22], s20  }
0x9f: {  	s3 =	ssub.s32 $0x0, s20;
	[sflag:s22] =	ssyncset.done $0x0  }
0xa0: {  	[sflag:s22] =	ssyncadd.s32 s3;
	_ =	sdelay $0x1  }
0xa1: {  	s23 =	simm.s32 $0x1B8B  }
0xa2: {  	_ =	swait.ge [sflag:s23], $0x1  }
0xa3: {  	[sflag:s23] =	ssyncset.done $0x0  }
0xa4: {  	s25 =	simm.s32 $0x1B8E;
	s24 =	sld [smem:$0x3FFE];
	[sflag:s23] =	ssyncadd.s32 $0xFFFFFFFF  }
0xa5: {  	s26 =	simm.s32 $execute0_lowered;
	[smem:$0x3FD2] =	sst s25  }
0xa6: {  	s4 =	sshll.u32 s26, $0x1;
	_ =	strace $0x80000049;
	[dreg:$0x1] =	wrdreg $0xFFFFFFFF  }
0xa7: {  	s28 =	simm.s32 $_size_execute0_lowered;
	s2 =	sadd.s32 s2, s4;
	[dreg:$0x0] =	wrdreg $0x0  }
0xa8: {  	s4 =	sshll.u32 s28, $0x1;
	[dreg:$0x2] =	wrdreg s2  }
0xa9: {  	[dreg:$0x3] =	wrdreg s4  }
0xaa: {  	[dreg:$0x4] =	wrdreg $0xC0  }
0xab: {  	_ =	task [dreg:s6], $0x5FFFF  }
0xac: {  	[dreg:$0x1] =	wrdreg $0xFFFFFFFF  }
0xad: {  	[dreg:$0x0] =	wrdreg $0x60  }
0xae: {  	[dreg:$0x2] =	wrdreg s24  }
0xaf: {  	[dreg:$0x3] =	wrdreg $0x9  }
0xb0: {  	_ =	task.clear_ibuf [dreg:s6], $0x4FFFF;
	_ =	strace $0x90000049  }
0xb1: {  	s29 =	simm.s32 $0x9;
	_ =	strace $0x8000004B  }
0xb2: {  	_ =	swait.ge [sflag:s29], $0x1  }
0xb3: {  	[sflag:s29] =	ssyncadd.s32 $0xFFFFFFFF  }
0xb4: {  	_ =	strace $0x9000004B  }
0xb5: {  	_ =	sfence  }
0xb6: {  	s30 =	sld [smem:$0x0];
	_ =	sdelay $0x2  }
0xb7: {  	s31 =	sshll.u32 s1, $0xD;
	s1 =	sshrl.u32 s1, $0x2  }
0xb8: {  	s3 =	sand.u32 $0x4000, s31;
	s1 =	sadd.s32 s1, s30  }
0xb9: {  	s0 =	sor.u32 s3, s0;
	s1 =	sshll.u32 s1, $0x11  }
0xba: {  	s0 =	sor.u32 s1, s0  }
0xbb: {  	s0 =	sadd.s32 $0x8F2B, s0  }
0xbc: {  	[sflag:s0] =	ssyncadd.remote.s32 $0x1  }
0xbd: {  	_ =	sfence.sel $0xFFFF  }
0xbe: {  	[dreg:$0x0] =	wrdreg $0xFFFFFFFF;
	(pc) =	sbr.abs _section_cstart, $3  }
0xbf: {  	[dreg:$0x1] =	wrdreg $0xFFFFFFFF  }
0xc0: {  	_ =	task.clear_ibuf [dreg:s6], $0x2FFFF;
	_ =	strace $0x9FFFFFFF  }
0xc1: {  	(tm) =	ssettm $0x7FFFFFFF  }
tec
execute0_lowered:
.L_overlay_start_1:
0x0: {  	(tag) =	ssettag $0x1  }
0x1: {  	s1 =	srdreg.scid  }
0x2: {  	s0 =	stileid.u32;
	s4 =	rddreg [dreg:$0x0]  }
0x3: {  	s2 =	simm.s32 $0x0;
	s9 =	simm.s32 $0x1;
	s10 =	simm.s32 $0x2800  }
0x4: {  	s11 =	simm.s32 $0x5800;
	s3 =	sand.u32 $0x1, s1;
	s5 =	sshll.u32 s0, $0x1  }
0x5: {  	s12 =	simm.s32 $0x8800;
	s13 =	simm.s32 $0xB800;
	s5 =	sor.u32 s3, s5  }
0x6: {  	s1 =	rddreg [dreg:$0x1];
	s6 =	ssub.s32 $0x2, s3;
	s5 =	smul.u32 $0x600, s5  }
0x7: {  	s14 =	simm.s32 $0x0;
	[smem:$0x7FF] =	sst s2;
	s31 =	sshrl.u32 s6, $0x1  }
0x8: {  	_ =	strace $0x8000004A;
	s8 =	ssub.s32 s6, s31;
	s7 =	sadd.s32 s5, s4  }
0x9: {  	s3 =	sadd.s32 $0x5C00, s4;
	s8 =	smax.u32 s8, $0x1;
	s4 =	sadd.s32 $0x25E00, s7  }
0xa: {  	s5 =	sadd.s32 $0x31E00, s7;
	s6 =	sadd.s32 $0x19E00, s7;
	s7 =	sadd.s32 $0x6200, s7  }
.LBB2_1:
0xb: {  	[tilespmem:s2], [sflag:$0x1] =	stream.linear.gather [hbm4b:s3+s2], $0x2800, $0x38;
	[tilespmem:$0xE800] =	vst v63  }
0xc: {  	_ =	swait.ge [sflag:s9], $0x2800  }
0xd: {  	[sflag:s9] =	ssyncset.done $0x0  }
0xe: {  	[sflag:s9] =	ssyncadd.s32 $0xFFFFD800  }
0xf: {  	[tilespmem:s10], [sflag:$0x1] =	stream.linear.gather [hbm4b:s4+s2], $0x3000, $0x38;
	[tilespmem:$0xE800] =	vst v63  }
0x10: {  	_ =	swait.ge [sflag:s9], $0x3000  }
0x11: {  	[sflag:s9] =	ssyncset.done $0x0  }
0x12: {  	[sflag:s9] =	ssyncadd.s32 $0xFFFFD000  }
0x13: {  	[tilespmem:s11], [sflag:$0x1] =	stream.linear.gather [hbm4b:s5+s2], $0x3000, $0x38;
	[tilespmem:$0xE800] =	vst v63  }
0x14: {  	_ =	swait.ge [sflag:s9], $0x3000  }
0x15: {  	[sflag:s9] =	ssyncset.done $0x0  }
0x16: {  	[sflag:s9] =	ssyncadd.s32 $0xFFFFD000  }
0x17: {  	[tilespmem:s12], [sflag:$0x1] =	stream.linear.gather [hbm4b:s6+s2], $0x3000, $0x38;
	[tilespmem:$0xE800] =	vst v63  }
0x18: {  	_ =	swait.ge [sflag:s9], $0x3000  }
0x19: {  	[sflag:s9] =	ssyncset.done $0x0  }
0x1a: {  	s15 =	simm.s32 $0x0;
	[sflag:s9] =	ssyncadd.s32 $0xFFFFD000  }
0x1b: {  	v0 =	vld [tilespmem:s15+$0x2800]  }
0x1c: {  	v2 =	vld [tilespmem:s15+$0x5800];
	_ =	sdelay $0x5  }
0x1d: {  	v1 =	vld [tilespmem:s15+$0x8800]  }
0x1e: {  	v0 =	vld.idx.msk [tilespmem:v0+s2+$0x0], $0xffff  }
0x1f: {  	s16 =	simm.s32 $0x10;
	s17 =	simm.s32 $0x80;
	v2 =	vld.idx.msk [tilespmem:v2+s2+$0x0], $0xffff  }
.LBB2_2:
0x20: {  	p0 =	sne.s32 s17, $0xBFC0;
	v3 =	vld [tilespmem:s16+$0x2800];
	_ =	sdelay $0x1  }
0x21: {  	v4 =	vld [tilespmem:s16+$0x5800]  }
0x22: {  	v0 =	vmul.f32 v1, v0;
	_ =	sdelay $0x1  }
0x23: {  	v0 =	vmul.f32 v0, v2  }
.Ltmp0:
0x24: {  	(pc) =	sbr.rel @p0 .LBB2_2-.Ltmp0, $4  }
0x25: {  	[tilespmem:s15+$0xB800] =	vst v0;
	s15 =	smov.u32 s16  }
0x26: {  	v0 =	vld.idx.msk [tilespmem:v3+s2+$0x0], $0xffff  }
0x27: {  	v1 =	vld [tilespmem:s15+$0x8800]  }
0x28: {  	s16 =	sshra.s32 s17, $0x2;
	s17 =	sadd.s32 $0x40, s17;
	v2 =	vld.idx.msk [tilespmem:v4+s2+$0x0], $0xffff  }
0x29: {  	v3 =	vld [tilespmem:s16+$0x2800];
	_ =	sdelay $0x2  }
0x2a: {  	v4 =	vld [tilespmem:s16+$0x5800];
	v0 =	vmul.f32 v1, v0;
	_ =	sdelay $0x1  }
0x2b: {  	v0 =	vmul.f32 v0, v2;
	_ =	sdelay $0x1  }
0x2c: {  	[tilespmem:s15+$0xB800] =	vst v0  }
0x2d: {  	v0 =	vld.idx.msk [tilespmem:v3+s2+$0x0], $0xffff  }
0x2e: {  	v62 =	vld [tilespmem:s16+$0x8800];
	_ =	sdelay $0x1  }
0x2f: {  	v63 =	vld.idx.msk [tilespmem:v4+s2+$0x0], $0xffff;
	_ =	sdelay $0x2  }
0x30: {  	v0 =	vmul.f32 v62, v0;
	_ =	sdelay $0x1  }
0x31: {  	s14 =	sadd.s32 $0x1, s14;
	v0 =	vmul.f32 v0, v63  }
0x32: {  	p0 =	sne.s32 s14, s8  }
.Ltmp1:
0x33: {  	[tilespmem:s16+$0xB800] =	vst v0;
	(pc) =	sbr.rel @p0 .LBB2_1-.Ltmp1, $4  }
0x34: {  	[hbm4b:s7+s2] =	stream.linear.scatter [tilespmem:s13], [sflag:$0x1], $0x3000, $0x38;
	[tilespmem:$0xE800] =	vst v63  }
0x35: {  	_ =	swait.ge [sflag:s9], $0x3000  }
0x36: {  	[sflag:s9] =	ssyncset.done $0x0  }
0x37: {  	[sflag:s9] =	ssyncadd.s32 $0xFFFFD000  }
0x38: {  	_ =	sfence.sel $0x180000  }
0x39: {  	[bflag:$0x0] =	sbarrier.arrive $0xFFFF  }
0x3a: {  	p0 =	sne.s32 s0, $0x0;
	_ =	strace $0x9000004A  }
0x3b: {  	s0 =	sadd.s32 @!p0 $0x100000, s1;
	[bflag:$0x2] =	sbarrier.arrive $0xFFFF  }
0x3c: {  	[sflag:s0] =	ssyncadd.tile.s32 @!p0 $0x1;
	_ =	shalt  }
.Lfunc_end2:
_tile_overlayer_lowered:
.L_overlay_start_2:
0x3d: {  	(tag) =	ssettag $0x2  }
0x3e: {  	s0 =	rddreg [dreg:$0x0];
	s2 =	stileid.u32  }
0x3f: {  	s1 =	rddreg [dreg:$0x1];
	p0 =	sne.s32 s2, $0x0  }
0x40: {  	s3 =	rddreg [dreg:$0x2];
	[bflag:$0x3] =	sbarrier.arrive $0xFFFF;
	s2 =	simm.s32 @!p0 $0x1C01  }
0x41: {  	[timem:s3], [sflag:s2] =	dma.local @!p0 [hbm:s0], s1  }
0x42: {  	s0 =	simm.s32 @!p0 $0x1  }
0x43: {  	_ =	swait.ge @!p0 [sflag:s0], s1  }
0x44: {  	s1 =	ssub.s32 @!p0 $0x0, s1;
	[sflag:s0] =	ssyncset.done @!p0 $0x0  }
0x45: {  	[sflag:s0] =	ssyncadd.s32 @!p0 s1  }
0x46: {  	[bflag:$0x3] =	sbarrier.arrive $0xFFFF  }
0x47: {  	_ =	shalt  }

// kernel: kernel.21.cloned.1.call-start
scs
__scs_entry_jumppad:
0x0: {  	(pc) =	sbr.rel $0x88, $3  }
0x1: {  	(tag) =	ssettag $0x0;
	lr =	simm.s32 $0x1  }
0x2: {  	[smem:$0x3F95] =	sst lr;
	_ =	strace $0xD0000000  }
0x3: {  	_ = 	snop  }
0x4: {  	_ = 	snop  }
0x5: {  	_ = 	snop  }
0x6: {  	_ = 	snop  }
0x7: {  	_ = 	snop  }
__scs_overlays_trampoline_lowered:
0x8: {  	[smem:$0x3FA4] =	sst s0  }
0x9: {  	[smem:$0x3FA5] =	sst s1  }
0xa: {  	[smem:$0x3FA6] =	sst s2  }
0xb: {  	[smem:$0x3FA7] =	sst s3  }
0xc: {  	[smem:$0x3FA8] =	sst s4  }
0xd: {  	[smem:$0x3FA9] =	sst s5  }
0xe: {  	[smem:$0x3FAA] =	sst s6  }
0xf: {  	[smem:$0x3FAB] =	sst s7  }
0x10: {  	[smem:$0x3FAC] =	sst s8  }
0x11: {  	[smem:$0x3FAD] =	sst s9;
	s0 =	simm.s32 @!p0 $0x0  }
0x12: {  	s1 =	sld [smem:$0x3F93];
	s0 =	simm.s32 @p0 $0x1  }
0x13: {  	[smem:$0x3FAE] =	sst s0;
	s0 =	simm.s32 @!p1 $0x0  }
0x14: {  	s2 =	sld [smem:$0x3F92];
	s0 =	simm.s32 @p1 $0x1  }
0x15: {  	[smem:$0x3FAF] =	sst s0;
	s0 =	simm.s32 @!p2 $0x0  }
0x16: {  	s3 =	sld [smem:$0x3FDB];
	s0 =	simm.s32 @p2 $0x1  }
0x17: {  	s4 =	simm.s32 $0x1BF5;
	[smem:$0x3FB1] =	sst s0  }
0x18: {  	s0 =	sld [smem:$0x3F94];
	_ =	swait.ge [sflag:s4], $0x0  }
0x19: {  	s7 =	sld [smem:$0x3F95]  }
0x1a: {  	s8 =	sadd.s32 $0xFFFFE003, lr  }
0x1b: {  	s9 =	sadd.s32 $0xFFFFFEF7, lr;
	s5 =	simm.s32 $0xFFFFFFFF;
	p2 =	slt.u32 s8, $0xFFFFF086  }
0x1c: {  	p1 =	slt.u32 s9, $0xF7A;
	s5 =	simm.s32 @!p2 $0x0  }
0x1d: {  	s5 =	simm.s32 @p1 $0x1;
	p0 =	seq.s32 s7, s2  }
0x1e: {  	s7 =	smul.u32 @!p0 $0xF7A, s2;
	p2 =	seq.s32 @!p0 s5, $0x0  }
0x1f: {  	s9 =	smul.u32 $0xF7A, s1;
	s8 =	simm.s32 @!p0 $0x1BF5;
	p2 =	por !p2, p0  }
0x20: {  	[sflag:s8] =	ssyncset.s32 @!p0 $0xFFFFF086;
	s6 =	sadd.s32 @!p0 s3, s7;
	s7 =	simm.s32 @!p0 $0x108  }
0x21: {  	s3 =	sadd.s32 s3, s9;
	s6 =	sadd.s32 @!p0 $0x88, s6;
	s7 =	simm.s32 @p2 $0x1082  }
0x22: {  	[simem:s7], [sflag:s8] =	dma.local @!p0 [hbm:s6], $0xF7A  }
0x23: {  	s9 =	sor.u32 $0xD0000000, s2;
	s6 =	simm.s32 $0x108;
	_ =	swait.ge @!p0 [sflag:s8], $0x0  }
0x24: {  	s3 =	sadd.s32 $0x88, s3;
	s6 =	simm.s32 @!p1 $0x1082;
	[sflag:s4] =	ssyncset.s32 $0xFFFFF086  }
0x25: {  	[simem:s6], [sflag:s4] =	dma.local [hbm:s3], $0xF7A  }
0x26: {  	[smem:$0x3F95] =	sst s1;
	(tag) =	ssettag s2;
	_ =	strace s9  }
0x27: {  	s1 =	sld [smem:$0x3FA5]  }
0x28: {  	s2 =	sld [smem:$0x3FA6]  }
0x29: {  	s4 =	sld [smem:$0x3FA8]  }
0x2a: {  	p0 =	seq.s32 s5, $0x0;
	s5 =	sld [smem:$0x3FA9]  }
0x2b: {  	s6 =	sld [smem:$0x3FAA]  }
0x2c: {  	s7 =	sld [smem:$0x3FAB]  }
0x2d: {  	s3 =	simm.s32 $0x108;
	s8 =	sld [smem:$0x3FAC]  }
0x2e: {  	s3 =	simm.s32 @!p0 $0x1082;
	s9 =	sld [smem:$0x3FAD]  }
0x2f: {  	lr =	sadd.s32 s0, s3;
	s0 =	sld [smem:$0x3FA4]  }
0x30: {  	s3 =	sld [smem:$0x3FA7]  }
0x31: {  	[smem:$0x3FB0] =	sst s10  }
0x32: {  	s10 =	sld [smem:$0x3FAE];
	_ =	sdelay $0x3  }
0x33: {  	p0 =	seq.s32 s10, $0x1;
	s10 =	sld [smem:$0x3FB0];
	_ =	sdelay $0x3  }
0x34: {  	[smem:$0x3FB0] =	sst s10  }
0x35: {  	s10 =	sld [smem:$0x3FAF];
	_ =	sdelay $0x3  }
0x36: {  	p1 =	seq.s32 s10, $0x1;
	s10 =	sld [smem:$0x3FB0];
	_ =	sdelay $0x3  }
0x37: {  	[smem:$0x3FB0] =	sst s10  }
0x38: {  	s10 =	sld [smem:$0x3FB1]  }
0x39: {  	_ = 	snop;
	(pc) =	sbr.ind lr, $3  }
0x3a: {  	_ = 	snop  }
0x3b: {  	_ = 	snop  }
0x3c: {  	p2 =	seq.s32 s10, $0x1;
	s10 =	sld [smem:$0x3FB0]  }
0x3d: {  	_ =	shalt  }
0x3e: {  	_ =	shalt  }
0x3f: {  	_ =	shalt  }
0x40: {  	_ =	shalt  }
0x41: {  	_ =	shalt  }
0x42: {  	_ =	shalt  }
0x43: {  	_ =	shalt  }
0x44: {  	_ =	shalt  }
0x45: {  	_ =	shalt  }
0x46: {  	_ =	shalt  }
0x47: {  	_ =	shalt  }
0x48: {  	_ =	shalt  }
0x49: {  	_ =	shalt  }
0x4a: {  	_ =	shalt  }
0x4b: {  	_ =	shalt  }
0x4c: {  	_ =	shalt  }
0x4d: {  	_ =	shalt  }
0x4e: {  	_ =	shalt  }
0x4f: {  	_ =	shalt  }
0x50: {  	_ =	shalt  }
0x51: {  	_ =	shalt  }
0x52: {  	_ =	shalt  }
0x53: {  	_ =	shalt  }
0x54: {  	_ =	shalt  }
0x55: {  	_ =	shalt  }
0x56: {  	_ =	shalt  }
0x57: {  	_ =	shalt  }
0x58: {  	_ =	shalt  }
0x59: {  	_ =	shalt  }
0x5a: {  	_ =	shalt  }
0x5b: {  	_ =	shalt  }
0x5c: {  	_ =	shalt  }
0x5d: {  	_ =	shalt  }
0x5e: {  	_ =	shalt  }
0x5f: {  	_ =	shalt  }
0x60: {  	_ =	shalt  }
0x61: {  	_ =	shalt  }
0x62: {  	_ =	shalt  }
0x63: {  	_ =	shalt  }
0x64: {  	_ =	shalt  }
0x65: {  	_ =	shalt  }
0x66: {  	_ =	shalt  }
0x67: {  	_ =	shalt  }
0x68: {  	_ =	shalt  }
0x69: {  	_ =	shalt  }
0x6a: {  	_ =	shalt  }
0x6b: {  	_ =	shalt  }
0x6c: {  	_ =	shalt  }
0x6d: {  	_ =	shalt  }
0x6e: {  	_ =	shalt  }
0x6f: {  	_ =	shalt  }
0x70: {  	_ =	shalt  }
0x71: {  	_ =	shalt  }
0x72: {  	_ =	shalt  }
0x73: {  	_ =	shalt  }
0x74: {  	_ =	shalt  }
0x75: {  	_ =	shalt  }
0x76: {  	_ =	shalt  }
0x77: {  	_ =	shalt  }
0x78: {  	_ =	shalt  }
0x79: {  	_ =	shalt  }
0x7a: {  	_ =	shalt  }
0x7b: {  	_ =	shalt  }
0x7c: {  	_ =	shalt  }
0x7d: {  	_ =	shalt  }
0x7e: {  	_ =	shalt  }
0x7f: {  	_ =	shalt  }
0x80: {  	_ =	shalt  }
0x81: {  	_ =	shalt  }
0x82: {  	_ =	shalt  }
0x83: {  	_ =	shalt  }
0x84: {  	_ =	shalt  }
0x85: {  	_ =	shalt  }
0x86: {  	_ =	shalt  }
0x87: {  	_ =	shalt  }
.Lfunc_end0:
.L_simem_size_0:
called_computation.2_lowered:
.L_overlay_start_0:
0x88: {  	s2 =	sld [smem:$0x3FD9]  }
0x89: {  	s3 =	sld [smem:$0x3FFE];
	_ =	sdelay $0x1  }
0x8a: {  	s1 =	srdreg.scid  }
0x8b: {  	s0 =	sand.u32 $0x1, s1  }
0x8c: {  	s16 =	sshll.u32 s0, $0xA;
	s2 =	sadd.s32 s3, s2  }
0x8d: {  	s2 =	sadd.s32 s2, s16  }
0x8e: {  	[smem:$0x3FBC] =	sst s2  }
0x8f: {  	_ = 	snop  }
0x90: {  	(tm) =	ssettm $0x1  }
0x91: {  	s17 =	sld [smem:$0x3FFB];
	_ =	sdelay $0x3  }
0x92: {  	_ =	strace s17  }
0x93: {  	s2 =	sld [smem:$0x3FFC];
	_ =	sdelay $0x3  }
0x94: {  	_ =	strace s2  }
0x95: {  	s2 =	sld [smem:$0x3FFD];
	_ =	sdelay $0x3  }
0x96: {  	_ =	strace s2  }
0x97: {  	_ =	strace $0x8FFFFFFF  }
0x98: {  	s18 =	sld [smem:$0x3FDB];
	_ =	sdelay $0x1  }
0x99: {  	s19 =	simm.s32 $_scs_section_size  }
0x9a: {  	s4 =	simm.s32 $_size__tile_overlayer_lowered;
	s5 =	simm.s32 $_tile_overlayer_lowered  }
0x9b: {  	s22 =	simm.s32 $0x1BFF;
	s21 =	sshll.u32 s5, $0x1;
	s2 =	sadd.s32 s19, s18  }
0x9c: {  	s6 =	simm.s32 $0x0;
	s20 =	sshll.u32 s4, $0x1;
	s4 =	sadd.s32 s21, s2  }
0x9d: {  	[timem:s6], [sflag:s22] =	dma.local [hbm:s4], s20  }
0x9e: {  	_ =	swait.ge [sflag:s22], s20  }
0x9f: {  	s3 =	ssub.s32 $0x0, s20;
	[sflag:s22] =	ssyncset.done $0x0  }
0xa0: {  	[sflag:s22] =	ssyncadd.s32 s3;
	_ =	sdelay $0x1  }
0xa1: {  	s23 =	simm.s32 $0x1B8B  }
0xa2: {  	_ =	swait.ge [sflag:s23], $0x1  }
0xa3: {  	[sflag:s23] =	ssyncset.done $0x0  }
0xa4: {  	s25 =	simm.s32 $0x1B8E;
	s24 =	sld [smem:$0x3FFE];
	[sflag:s23] =	ssyncadd.s32 $0xFFFFFFFF  }
0xa5: {  	s26 =	simm.s32 $execute0_lowered;
	[smem:$0x3FD2] =	sst s25  }
0xa6: {  	s4 =	sshll.u32 s26, $0x1;
	_ =	strace $0x8000004C;
	[dreg:$0x1] =	wrdreg $0xFFFFFFFF  }
0xa7: {  	s28 =	simm.s32 $_size_execute0_lowered;
	s2 =	sadd.s32 s2, s4;
	[dreg:$0x0] =	wrdreg $0x0  }
0xa8: {  	s4 =	sshll.u32 s28, $0x1;
	[dreg:$0x2] =	wrdreg s2  }
0xa9: {  	[dreg:$0x3] =	wrdreg s4  }
0xaa: {  	[dreg:$0x4] =	wrdreg $0xC0  }
0xab: {  	_ =	task [dreg:s6], $0x5FFFF  }
0xac: {  	[dreg:$0x1] =	wrdreg $0xFFFFFFFF  }
0xad: {  	[dreg:$0x0] =	wrdreg $0x60  }
0xae: {  	[dreg:$0x2] =	wrdreg s24  }
0xaf: {  	[dreg:$0x3] =	wrdreg $0x9  }
0xb0: {  	_ =	task.clear_ibuf [dreg:s6], $0x4FFFF;
	_ =	strace $0x9000004C  }
0xb1: {  	s29 =	simm.s32 $0x9;
	_ =	strace $0x8000004E  }
0xb2: {  	_ =	swait.ge [sflag:s29], $0x1  }
0xb3: {  	[sflag:s29] =	ssyncadd.s32 $0xFFFFFFFF  }
0xb4: {  	_ =	strace $0x9000004E  }
0xb5: {  	_ =	sfence  }
0xb6: {  	s30 =	sld [smem:$0x0];
	_ =	sdelay $0x2  }
0xb7: {  	s31 =	sshll.u32 s1, $0xD;
	s1 =	sshrl.u32 s1, $0x2  }
0xb8: {  	s3 =	sand.u32 $0x4000, s31;
	s1 =	sadd.s32 s1, s30  }
0xb9: {  	s0 =	sor.u32 s3, s0;
	s1 =	sshll.u32 s1, $0x11  }
0xba: {  	s0 =	sor.u32 s1, s0  }
0xbb: {  	s0 =	sadd.s32 $0x8F2B, s0  }
0xbc: {  	[sflag:s0] =	ssyncadd.remote.s32 $0x1  }
0xbd: {  	_ =	sfence.sel $0xFFFF  }
0xbe: {  	[dreg:$0x0] =	wrdreg $0xFFFFFFFF;
	(pc) =	sbr.abs _section_cstart, $3  }
0xbf: {  	[dreg:$0x1] =	wrdreg $0xFFFFFFFF  }
0xc0: {  	_ =	task.clear_ibuf [dreg:s6], $0x2FFFF;
	_ =	strace $0x9FFFFFFF  }
0xc1: {  	(tm) =	ssettm $0x7FFFFFFF  }
tec
execute0_lowered:
.L_overlay_start_1:
0x0: {  	(tag) =	ssettag $0x1  }
0x1: {  	s1 =	srdreg.scid  }
0x2: {  	s0 =	stileid.u32;
	s4 =	rddreg [dreg:$0x0]  }
0x3: {  	s2 =	simm.s32 $0x0;
	s12 =	simm.s32 $0x15000;
	s13 =	simm.s32 $0x18000  }
0x4: {  	s14 =	simm.s32 $0x80;
	s15 =	simm.s32 $0xA000;
	s16 =	simm.s32 $0xE000  }
0x5: {  	s17 =	simm.s32 $0x1;
	s3 =	sand.u32 $0x1, s1;
	s31 =	sshll.u32 s0, $0x1  }
0x6: {  	s18 =	simm.s32 $0x0;
	s1 =	rddreg [dreg:$0x1];
	s5 =	sor.u32 s3, s31  }
0x7: {  	[smem:$0x7FF] =	sst s2;
	s8 =	ssub.s32 $0x2, s3;
	s6 =	smul.u32 $0x600, s5  }
0x8: {  	_ =	strace $0x8000004D;
	s7 =	smul.u32 $0x1400, s5;
	s9 =	sshrl.u32 s8, $0x1  }
0x9: {  	s3 =	sadd.s32 $0x3DE00, s4;
	s9 =	ssub.s32 s8, s9;
	s10 =	sadd.s32 s6, s4  }
0xa: {  	s11 =	sadd.s32 s7, s4;
	s4 =	smul.u32 $0xFFFFFEC0, s5;
	s9 =	smax.u32 s9, $0x1  }
0xb: {  	s5 =	sadd.s32 $0x25E00, s10;
	s6 =	sadd.s32 $0x31E00, s10;
	s7 =	sadd.s32 $0x6200, s10  }
0xc: {  	v0 =	vimm.f32 $0.0e+00;
	s8 =	sadd.s32 $0x65E00, s11;
	s10 =	simm.s32 $0x12000;
	s11 =	simm.s32 $0x2  }
.LBB2_1:
0xd: {  	[tilespmem:s10], [sflag:$0x2] =	stream.linear.gather [hbm4b:s5+s2], $0x3000, $0x38;
	[tilespmem:$0x1B000] =	vst v63  }
0xe: {  	_ =	swait.ge [sflag:s11], $0x3000  }
0xf: {  	[sflag:s11] =	ssyncset.done $0x0  }
0x10: {  	[sflag:s11] =	ssyncadd.s32 $0xFFFFD000  }
0x11: {  	[tilespmem:s12], [sflag:$0x2] =	stream.linear.gather [hbm4b:s6+s2], $0x3000, $0x38;
	[tilespmem:$0x1B000] =	vst v63  }
0x12: {  	_ =	swait.ge [sflag:s11], $0x3000  }
0x13: {  	[sflag:s11] =	ssyncset.done $0x0  }
0x14: {  	[sflag:s11] =	ssyncadd.s32 $0xFFFFD000  }
0x15: {  	[tilespmem:s13], [sflag:$0x2] =	stream.linear.gather [hbm4b:s7+s2], $0x3000, $0x38;
	[tilespmem:$0x1B000] =	vst v63  }
0x16: {  	_ =	swait.ge [sflag:s11], $0x3000  }
0x17: {  	[sflag:s11] =	ssyncset.done $0x0  }
0x18: {  	s19 =	simm.s32 $0x0;
	s20 =	simm.s32 $0x200;
	[sflag:s11] =	ssyncadd.s32 $0xFFFFD000  }
.LBB2_2:
0x19: {  	p0 =	sne.s32 s20, $0x27E00;
	[tilespmem:s19+$0x70] =	vst v0  }
0x1a: {  	[tilespmem:s19+$0x0] =	vst v0  }
0x1b: {  	[tilespmem:s19+$0x10] =	vst v0  }
.Ltmp0:
0x1c: {  	[tilespmem:s19+$0x20] =	vst v0;
	(pc) =	sbr.rel @p0 .LBB2_2-.Ltmp0, $4  }
0x1d: {  	[tilespmem:s19+$0x30] =	vst v0  }
0x1e: {  	[tilespmem:s19+$0x40] =	vst v0  }
0x1f: {  	[tilespmem:s19+$0x50] =	vst v0  }
0x20: {  	[tilespmem:s19+$0x60] =	vst v0;
	s19 =	sshra.s32 s20, $0x2;
	s20 =	sadd.s32 $0x200, s20  }
0x21: {  	[tilespmem:s19+$0x70] =	vst v0  }
0x22: {  	[tilespmem:s19+$0x0] =	vst v0  }
0x23: {  	[tilespmem:s19+$0x10] =	vst v0  }
0x24: {  	[tilespmem:s19+$0x20] =	vst v0  }
0x25: {  	[tilespmem:s19+$0x30] =	vst v0  }
0x26: {  	[tilespmem:s19+$0x40] =	vst v0  }
0x27: {  	[tilespmem:s19+$0x50] =	vst v0  }
0x28: {  	[tilespmem:s19+$0x60] =	vst v0;
	s19 =	simm.s32 $0x0;
	s20 =	simm.s32 $0x18000;
	s21 =	simm.s32 $0x15000  }
.LBB2_4:
0x29: {  	s22 =	sshll.u32 s19, $0x8  }
0x2a: {  	s23 =	sadd.s32 $0x12000, s22  }
0x2b: {  	[tilespmem:s15], [sflag:$0x1] =	stream.indirect.gather [hbm4b:s3+s14], $0x80, s23, s14, $0xb8;
	[tilespmem:$0x1B000] =	vst v63  }
0x2c: {  	s22 =	sadd.s32 $0x12080, s22  }
0x2d: {  	[tilespmem:s16], [sflag:$0x1] =	stream.indirect.gather [hbm4b:s3+s14], $0x80, s22, s14, $0xb8;
	[tilespmem:$0x1B000] =	vst v63  }
0x2e: {  	_ =	swait.ge [sflag:s17], $0x4000  }
0x2f: {  	v1 =	vmov s21;
	[sflag:s17] =	ssyncset.done $0x0  }
0x30: {  	[sflag:s17] =	ssyncadd.s32 $0xFFFFC000  }
0x31: {  	_ =	swait.ge [sflag:s17], $0x4000  }
0x32: {  	[sflag:s17] =	ssyncset.done $0x0  }
0x33: {  	s30 =	simm.s32 $0x0;
	[sflag:s17] =	ssyncadd.s32 $0xFFFFC000  }
0x34: {  	v2 =	vld.idx.msk [tilespmem:v1+s30+$0x0 ss:$0x1], $0xffff;
	_ =	sdelay $0x4  }
0x35: {  	(v2sf) =	vpush v2, $0x0;
	_ =	sdelay $0xe  }
0x36: {  	s31 =	spop (v2sf)  }
0x37: {  	s23 =	sadd.s32 s4, s31  }
0x38: {  	s22 =	simm.s32 $0xA040;
	p0 =	sgt.s32 s23, $0x0  }
0x39: {  	s24 =	sadd.s32 $0x0, s20;
	v3 =	vld [tilespmem:s22+$0xFFFFFFC0];
	s23 =	simm.s32 @!p0 $0x0  }
0x3a: {  	v2 =	vld.msk [tilespmem:s24+$0x0 ss:$0x0], $0xffff;
	s23 =	smin.u32 s23, $0x13F  }
0x3b: {  	s24 =	sshll.u32 s23, $0x7  }
0x3c: {  	v4 =	vld [tilespmem:s24+$0x0];
	_ =	sdelay $0x2  }
0x3d: {  	v3 =	vmul.f32 v3, v2;
	_ =	sdelay $0x1  }
0x3e: {  	v3 =	vadd.f32 v3, v4;
	_ =	sdelay $0x1  }
0x3f: {  	[tilespmem:s24+$0x0] =	vst v3  }
0x40: {  	v3 =	vld [tilespmem:s22+$0xFFFFFFD0];
	_ =	sdelay $0x1  }
0x41: {  	v57 =	vld [tilespmem:s24+$0x10];
	_ =	sdelay $0x2  }
0x42: {  	v3 =	vmul.f32 v3, v2;
	_ =	sdelay $0x1  }
0x43: {  	v3 =	vadd.f32 v3, v57;
	_ =	sdelay $0x1  }
0x44: {  	[tilespmem:s24+$0x10] =	vst v3  }
0x45: {  	v3 =	vld [tilespmem:s22+$0xFFFFFFE0];
	_ =	sdelay $0x1  }
0x46: {  	v58 =	vld [tilespmem:s24+$0x20];
	_ =	sdelay $0x2  }
0x47: {  	v3 =	vmul.f32 v3, v2;
	_ =	sdelay $0x1  }
0x48: {  	v3 =	vadd.f32 v3, v58;
	_ =	sdelay $0x1  }
0x49: {  	[tilespmem:s24+$0x20] =	vst v3  }
0x4a: {  	v3 =	vld [tilespmem:s22+$0xFFFFFFF0];
	_ =	sdelay $0x1  }
0x4b: {  	v59 =	vld [tilespmem:s24+$0x30];
	_ =	sdelay $0x2  }
0x4c: {  	v3 =	vmul.f32 v3, v2;
	_ =	sdelay $0x1  }
0x4d: {  	v3 =	vadd.f32 v3, v59;
	_ =	sdelay $0x1  }
0x4e: {  	[tilespmem:s24+$0x30] =	vst v3  }
0x4f: {  	v3 =	vld [tilespmem:s22+$0x0];
	_ =	sdelay $0x1  }
0x50: {  	v60 =	vld [tilespmem:s24+$0x40];
	_ =	sdelay $0x2  }
0x51: {  	v3 =	vmul.f32 v3, v2;
	_ =	sdelay $0x1  }
0x52: {  	v3 =	vadd.f32 v3, v60;
	_ =	sdelay $0x1  }
0x53: {  	[tilespmem:s24+$0x40] =	vst v3  }
0x54: {  	v3 =	vld [tilespmem:s22+$0x10];
	_ =	sdelay $0x1  }
0x55: {  	v61 =	vld [tilespmem:s24+$0x50];
	_ =	sdelay $0x2  }
0x56: {  	v3 =	vmul.f32 v3, v2;
	_ =	sdelay $0x1  }
0x57: {  	v3 =	vadd.f32 v3, v61;
	_ =	sdelay $0x1  }
0x58: {  	[tilespmem:s24+$0x50] =	vst v3  }
0x59: {  	v3 =	vld [tilespmem:s22+$0x20];
	_ =	sdelay $0x1  }
0x5a: {  	v62 =	vld [tilespmem:s24+$0x60];
	_ =	sdelay $0x2  }
0x5b: {  	v3 =	vmul.f32 v3, v2;
	_ =	sdelay $0x1  }
0x5c: {  	v3 =	vadd.f32 v3, v62;
	_ =	sdelay $0x1  }
0x5d: {  	[tilespmem:s24+$0x60] =	vst v3  }
0x5e: {  	v3 =	vld [tilespmem:s22+$0x30];
	_ =	sdelay $0x1  }
0x5f: {  	v63 =	vld [tilespmem:s24+$0x70];
	_ =	sdelay $0x2  }
0x60: {  	v2 =	vmul.f32 v3, v2;
	_ =	sdelay $0x1  }
0x61: {  	s26 =	simm.s32 $0x8;
	s23 =	simm.s32 $0x4;
	v2 =	vadd.f32 v2, v63  }
.LBB2_5:
0x62: {  	s28 =	sshra.s32 s23, $0x2  }
0x63: {  	s22 =	sadd.s32 $0x80, s22;
	s23 =	smov.u32 s26;
	s25 =	sadd.s32 $0x4, s26;
	[tilespmem:s24+$0x70] =	vst v2  }
0x64: {  	p0 =	sne.s32 s26, $0x3FC;
	s24 =	sadd.s32 s28, s20;
	v2 =	vld.idx.msk [tilespmem:v1+s28+$0x0 ss:$0x1], $0xffff;
	_ =	sdelay $0x5  }
0x65: {  	(v2sf) =	vpush v2, $0x0;
	_ =	sdelay $0xe  }
0x66: {  	s26 =	spop (v2sf)  }
0x67: {  	s26 =	sadd.s32 s4, s26  }
0x68: {  	p1 =	sgt.s32 s26, $0x0  }
0x69: {  	s26 =	simm.s32 @!p1 $0x0;
	v2 =	vld.msk [tilespmem:s24+$0x0 ss:$0x0], $0xffff  }
0x6a: {  	s24 =	smin.u32 s26, $0x13F;
	v3 =	vld [tilespmem:s22+$0xFFFFFFC0]  }
0x6b: {  	s24 =	sshll.u32 s24, $0x7  }
0x6c: {  	v4 =	vld [tilespmem:s24+$0x0];
	_ =	sdelay $0x2  }
0x6d: {  	v3 =	vmul.f32 v3, v2;
	_ =	sdelay $0x1  }
0x6e: {  	v3 =	vadd.f32 v3, v4;
	_ =	sdelay $0x1  }
0x6f: {  	[tilespmem:s24+$0x0] =	vst v3  }
0x70: {  	v3 =	vld [tilespmem:s22+$0xFFFFFFD0];
	_ =	sdelay $0x1  }
0x71: {  	v4 =	vld [tilespmem:s24+$0x10];
	_ =	sdelay $0x2  }
0x72: {  	v3 =	vmul.f32 v3, v2;
	_ =	sdelay $0x1  }
0x73: {  	v3 =	vadd.f32 v3, v4;
	_ =	sdelay $0x1  }
0x74: {  	[tilespmem:s24+$0x10] =	vst v3  }
0x75: {  	v3 =	vld [tilespmem:s22+$0xFFFFFFE0];
	_ =	sdelay $0x1  }
0x76: {  	v4 =	vld [tilespmem:s24+$0x20];
	_ =	sdelay $0x2  }
0x77: {  	v3 =	vmul.f32 v3, v2;
	_ =	sdelay $0x1  }
0x78: {  	v3 =	vadd.f32 v3, v4;
	_ =	sdelay $0x1  }
0x79: {  	[tilespmem:s24+$0x20] =	vst v3  }
0x7a: {  	v3 =	vld [tilespmem:s22+$0xFFFFFFF0];
	_ =	sdelay $0x1  }
0x7b: {  	v4 =	vld [tilespmem:s24+$0x30];
	_ =	sdelay $0x2  }
0x7c: {  	v3 =	vmul.f32 v3, v2;
	_ =	sdelay $0x1  }
0x7d: {  	v3 =	vadd.f32 v3, v4;
	_ =	sdelay $0x1  }
0x7e: {  	[tilespmem:s24+$0x30] =	vst v3  }
0x7f: {  	v3 =	vld [tilespmem:s22+$0x0];
	_ =	sdelay $0x1  }
0x80: {  	v4 =	vld [tilespmem:s24+$0x40];
	_ =	sdelay $0x2  }
0x81: {  	v3 =	vmul.f32 v3, v2;
	_ =	sdelay $0x1  }
0x82: {  	v3 =	vadd.f32 v3, v4;
	_ =	sdelay $0x1  }
0x83: {  	[tilespmem:s24+$0x40] =	vst v3  }
0x84: {  	v3 =	vld [tilespmem:s22+$0x10];
	_ =	sdelay $0x1  }
0x85: {  	v4 =	vld [tilespmem:s24+$0x50];
	_ =	sdelay $0x2  }
0x86: {  	v3 =	vmul.f32 v3, v2;
	_ =	sdelay $0x1  }
0x87: {  	v3 =	vadd.f32 v3, v4;
	_ =	sdelay $0x1  }
0x88: {  	[tilespmem:s24+$0x50] =	vst v3  }
0x89: {  	v3 =	vld [tilespmem:s22+$0x20];
	_ =	sdelay $0x1  }
0x8a: {  	v4 =	vld [tilespmem:s24+$0x60];
	_ =	sdelay $0x2  }
0x8b: {  	v3 =	vmul.f32 v3, v2;
	_ =	sdelay $0x1  }
0x8c: {  	v3 =	vadd.f32 v3, v4;
	_ =	sdelay $0x1  }
0x8d: {  	[tilespmem:s24+$0x60] =	vst v3  }
0x8e: {  	v3 =	vld [tilespmem:s22+$0x30];
	_ =	sdelay $0x1  }
0x8f: {  	v4 =	vld [tilespmem:s24+$0x70]  }
.Ltmp1:
0x90: {  	(pc) =	sbr.rel @p0 .LBB2_5-.Ltmp1, $3  }
0x91: {  	_ = 	snop  }
0x92: {  	v2 =	vmul.f32 v3, v2;
	_ =	sdelay $0x1  }
0x93: {  	s26 =	smov.u32 s25;
	v2 =	vadd.f32 v2, v4  }
0x94: {  	_ =	sdelay $0x2  }
0x95: {  	s23 =	sshra.s32 s23, $0x2;
	[tilespmem:s24+$0x70] =	vst v2  }
0x96: {  	v1 =	vld.idx.msk [tilespmem:v1+s23+$0x0 ss:$0x1], $0xffff;
	_ =	sdelay $0x4  }
0x97: {  	(v2sf) =	vpush v1, $0x0;
	_ =	sdelay $0xe  }
0x98: {  	s30 =	spop (v2sf)  }
0x99: {  	s24 =	sadd.s32 s4, s30  }
0x9a: {  	s22 =	sadd.s32 $0x80, s22;
	p0 =	sgt.s32 s24, $0x0  }
0x9b: {  	s23 =	sadd.s32 s23, s20;
	v2 =	vld [tilespmem:s22+$0xFFFFFFC0];
	s24 =	simm.s32 @!p0 $0x0  }
0x9c: {  	v1 =	vld.msk [tilespmem:s23+$0x0 ss:$0x0], $0xffff;
	s31 =	smin.u32 s24, $0x13F  }
0x9d: {  	s23 =	sshll.u32 s31, $0x7  }
0x9e: {  	v3 =	vld [tilespmem:s23+$0x0];
	_ =	sdelay $0x2  }
0x9f: {  	v2 =	vmul.f32 v2, v1;
	_ =	sdelay $0x1  }
0xa0: {  	v2 =	vadd.f32 v2, v3;
	_ =	sdelay $0x1  }
0xa1: {  	[tilespmem:s23+$0x0] =	vst v2  }
0xa2: {  	v2 =	vld [tilespmem:s22+$0xFFFFFFD0];
	_ =	sdelay $0x1  }
0xa3: {  	v3 =	vld [tilespmem:s23+$0x10];
	_ =	sdelay $0x2  }
0xa4: {  	v2 =	vmul.f32 v2, v1;
	_ =	sdelay $0x1  }
0xa5: {  	v2 =	vadd.f32 v2, v3;
	_ =	sdelay $0x1  }
0xa6: {  	[tilespmem:s23+$0x10] =	vst v2  }
0xa7: {  	v2 =	vld [tilespmem:s22+$0xFFFFFFE0];
	_ =	sdelay $0x1  }
0xa8: {  	v3 =	vld [tilespmem:s23+$0x20];
	_ =	sdelay $0x2  }
0xa9: {  	v2 =	vmul.f32 v2, v1;
	_ =	sdelay $0x1  }
0xaa: {  	v2 =	vadd.f32 v2, v3;
	_ =	sdelay $0x1  }
0xab: {  	[tilespmem:s23+$0x20] =	vst v2  }
0xac: {  	v2 =	vld [tilespmem:s22+$0xFFFFFFF0];
	_ =	sdelay $0x1  }
0xad: {  	v3 =	vld [tilespmem:s23+$0x30];
	_ =	sdelay $0x2  }
0xae: {  	v2 =	vmul.f32 v2, v1;
	_ =	sdelay $0x1  }
0xaf: {  	v2 =	vadd.f32 v2, v3;
	_ =	sdelay $0x1  }
0xb0: {  	[tilespmem:s23+$0x30] =	vst v2  }
0xb1: {  	v2 =	vld [tilespmem:s22+$0x0];
	_ =	sdelay $0x1  }
0xb2: {  	v3 =	vld [tilespmem:s23+$0x40];
	_ =	sdelay $0x2  }
0xb3: {  	v2 =	vmul.f32 v2, v1;
	_ =	sdelay $0x1  }
0xb4: {  	v2 =	vadd.f32 v2, v3;
	_ =	sdelay $0x1  }
0xb5: {  	[tilespmem:s23+$0x40] =	vst v2  }
0xb6: {  	v2 =	vld [tilespmem:s22+$0x10];
	_ =	sdelay $0x1  }
0xb7: {  	v3 =	vld [tilespmem:s23+$0x50];
	_ =	sdelay $0x2  }
0xb8: {  	v2 =	vmul.f32 v2, v1;
	_ =	sdelay $0x1  }
0xb9: {  	v2 =	vadd.f32 v2, v3;
	_ =	sdelay $0x1  }
0xba: {  	[tilespmem:s23+$0x50] =	vst v2  }
0xbb: {  	v2 =	vld [tilespmem:s22+$0x20];
	_ =	sdelay $0x1  }
0xbc: {  	v3 =	vld [tilespmem:s23+$0x60];
	_ =	sdelay $0x2  }
0xbd: {  	v2 =	vmul.f32 v2, v1;
	_ =	sdelay $0x1  }
0xbe: {  	v2 =	vadd.f32 v2, v3;
	_ =	sdelay $0x1  }
0xbf: {  	[tilespmem:s23+$0x60] =	vst v2  }
0xc0: {  	v2 =	vld [tilespmem:s22+$0x30];
	_ =	sdelay $0x1  }
0xc1: {  	v3 =	vld [tilespmem:s23+$0x70]  }
0xc2: {  	s19 =	sadd.s32 $0x1, s19  }
0xc3: {  	p0 =	sne.s32 s19, $0x30  }
.Ltmp2:
0xc4: {  	v1 =	vmul.f32 v2, v1;
	(pc) =	sbr.rel @p0 .LBB2_4-.Ltmp2, $3  }
0xc5: {  	_ = 	snop  }
0xc6: {  	v1 =	vadd.f32 v1, v3;
	_ =	sdelay $0x1  }
0xc7: {  	s21 =	sadd.s32 $0x100, s21;
	s20 =	sadd.s32 $0x100, s20;
	[tilespmem:s23+$0x70] =	vst v1  }
0xc8: {  	s18 =	sadd.s32 $0x1, s18  }
0xc9: {  	p0 =	sne.s32 s18, s9  }
.Ltmp3:
0xca: {  	_ = 	snop;
	(pc) =	sbr.rel @p0 .LBB2_1-.Ltmp3, $4  }
0xcb: {  	[hbm4b:s8+s2] =	stream.linear.scatter [tilespmem:s2], [sflag:$0x2], $0xA000, $0x38;
	[tilespmem:$0x1B000] =	vst v63  }
0xcc: {  	_ =	swait.ge [sflag:s11], $0xA000  }
0xcd: {  	[sflag:s11] =	ssyncset.done $0x0  }
0xce: {  	[sflag:s11] =	ssyncadd.s32 $0xFFFF6000  }
0xcf: {  	_ =	sfence.sel $0x180000  }
0xd0: {  	[bflag:$0x0] =	sbarrier.arrive $0xFFFF  }
0xd1: {  	p0 =	sne.s32 s0, $0x0;
	_ =	strace $0x9000004D  }
0xd2: {  	s0 =	sadd.s32 @!p0 $0x100000, s1;
	[bflag:$0x2] =	sbarrier.arrive $0xFFFF  }
0xd3: {  	[sflag:s0] =	ssyncadd.tile.s32 @!p0 $0x1;
	_ =	shalt  }
.Lfunc_end2:
_tile_overlayer_lowered:
.L_overlay_start_2:
0xd4: {  	(tag) =	ssettag $0x2  }
0xd5: {  	s0 =	rddreg [dreg:$0x0];
	s2 =	stileid.u32  }
0xd6: {  	s1 =	rddreg [dreg:$0x1];
	p0 =	sne.s32 s2, $0x0  }
0xd7: {  	s3 =	rddreg [dreg:$0x2];
	[bflag:$0x3] =	sbarrier.arrive $0xFFFF;
	s2 =	simm.s32 @!p0 $0x1C02  }
0xd8: {  	[timem:s3], [sflag:s2] =	dma.local @!p0 [hbm:s0], s1  }
0xd9: {  	s0 =	simm.s32 @!p0 $0x2  }
0xda: {  	_ =	swait.ge @!p0 [sflag:s0], s1  }
0xdb: {  	s1 =	ssub.s32 @!p0 $0x0, s1;
	[sflag:s0] =	ssyncset.done @!p0 $0x0  }
0xdc: {  	[sflag:s0] =	ssyncadd.s32 @!p0 s1  }
0xdd: {  	[bflag:$0x3] =	sbarrier.arrive $0xFFFF  }
0xde: {  	_ =	shalt  }

// kernel: kernel.24.cloned.1.call-start
scs
__scs_entry_jumppad:
0x0: {  	(pc) =	sbr.rel $0x88, $3  }
0x1: {  	(tag) =	ssettag $0x0;
	lr =	simm.s32 $0x1  }
0x2: {  	[smem:$0x3F95] =	sst lr;
	_ =	strace $0xD0000000  }
0x3: {  	_ = 	snop  }
0x4: {  	_ = 	snop  }
0x5: {  	_ = 	snop  }
0x6: {  	_ = 	snop  }
0x7: {  	_ = 	snop  }
__scs_overlays_trampoline_lowered:
0x8: {  	[smem:$0x3FA4] =	sst s0  }
0x9: {  	[smem:$0x3FA5] =	sst s1  }
0xa: {  	[smem:$0x3FA6] =	sst s2  }
0xb: {  	[smem:$0x3FA7] =	sst s3  }
0xc: {  	[smem:$0x3FA8] =	sst s4  }
0xd: {  	[smem:$0x3FA9] =	sst s5  }
0xe: {  	[smem:$0x3FAA] =	sst s6  }
0xf: {  	[smem:$0x3FAB] =	sst s7  }
0x10: {  	[smem:$0x3FAC] =	sst s8  }
0x11: {  	[smem:$0x3FAD] =	sst s9;
	s0 =	simm.s32 @!p0 $0x0  }
0x12: {  	s1 =	sld [smem:$0x3F93];
	s0 =	simm.s32 @p0 $0x1  }
0x13: {  	[smem:$0x3FAE] =	sst s0;
	s0 =	simm.s32 @!p1 $0x0  }
0x14: {  	s2 =	sld [smem:$0x3F92];
	s0 =	simm.s32 @p1 $0x1  }
0x15: {  	[smem:$0x3FAF] =	sst s0;
	s0 =	simm.s32 @!p2 $0x0  }
0x16: {  	s3 =	sld [smem:$0x3FDB];
	s0 =	simm.s32 @p2 $0x1  }
0x17: {  	s4 =	simm.s32 $0x1BF5;
	[smem:$0x3FB1] =	sst s0  }
0x18: {  	s0 =	sld [smem:$0x3F94];
	_ =	swait.ge [sflag:s4], $0x0  }
0x19: {  	s7 =	sld [smem:$0x3F95]  }
0x1a: {  	s8 =	sadd.s32 $0xFFFFE003, lr  }
0x1b: {  	s9 =	sadd.s32 $0xFFFFFEF7, lr;
	s5 =	simm.s32 $0xFFFFFFFF;
	p2 =	slt.u32 s8, $0xFFFFF086  }
0x1c: {  	p1 =	slt.u32 s9, $0xF7A;
	s5 =	simm.s32 @!p2 $0x0  }
0x1d: {  	s5 =	simm.s32 @p1 $0x1;
	p0 =	seq.s32 s7, s2  }
0x1e: {  	s7 =	smul.u32 @!p0 $0xF7A, s2;
	p2 =	seq.s32 @!p0 s5, $0x0  }
0x1f: {  	s9 =	smul.u32 $0xF7A, s1;
	s8 =	simm.s32 @!p0 $0x1BF5;
	p2 =	por !p2, p0  }
0x20: {  	[sflag:s8] =	ssyncset.s32 @!p0 $0xFFFFF086;
	s6 =	sadd.s32 @!p0 s3, s7;
	s7 =	simm.s32 @!p0 $0x108  }
0x21: {  	s3 =	sadd.s32 s3, s9;
	s6 =	sadd.s32 @!p0 $0x88, s6;
	s7 =	simm.s32 @p2 $0x1082  }
0x22: {  	[simem:s7], [sflag:s8] =	dma.local @!p0 [hbm:s6], $0xF7A  }
0x23: {  	s9 =	sor.u32 $0xD0000000, s2;
	s6 =	simm.s32 $0x108;
	_ =	swait.ge @!p0 [sflag:s8], $0x0  }
0x24: {  	s3 =	sadd.s32 $0x88, s3;
	s6 =	simm.s32 @!p1 $0x1082;
	[sflag:s4] =	ssyncset.s32 $0xFFFFF086  }
0x25: {  	[simem:s6], [sflag:s4] =	dma.local [hbm:s3], $0xF7A  }
0x26: {  	[smem:$0x3F95] =	sst s1;
	(tag) =	ssettag s2;
	_ =	strace s9  }
0x27: {  	s1 =	sld [smem:$0x3FA5]  }
0x28: {  	s2 =	sld [smem:$0x3FA6]  }
0x29: {  	s4 =	sld [smem:$0x3FA8]  }
0x2a: {  	p0 =	seq.s32 s5, $0x0;
	s5 =	sld [smem:$0x3FA9]  }
0x2b: {  	s6 =	sld [smem:$0x3FAA]  }
0x2c: {  	s7 =	sld [smem:$0x3FAB]  }
0x2d: {  	s3 =	simm.s32 $0x108;
	s8 =	sld [smem:$0x3FAC]  }
0x2e: {  	s3 =	simm.s32 @!p0 $0x1082;
	s9 =	sld [smem:$0x3FAD]  }
0x2f: {  	lr =	sadd.s32 s0, s3;
	s0 =	sld [smem:$0x3FA4]  }
0x30: {  	s3 =	sld [smem:$0x3FA7]  }
0x31: {  	[smem:$0x3FB0] =	sst s10  }
0x32: {  	s10 =	sld [smem:$0x3FAE];
	_ =	sdelay $0x3  }
0x33: {  	p0 =	seq.s32 s10, $0x1;
	s10 =	sld [smem:$0x3FB0];
	_ =	sdelay $0x3  }
0x34: {  	[smem:$0x3FB0] =	sst s10  }
0x35: {  	s10 =	sld [smem:$0x3FAF];
	_ =	sdelay $0x3  }
0x36: {  	p1 =	seq.s32 s10, $0x1;
	s10 =	sld [smem:$0x3FB0];
	_ =	sdelay $0x3  }
0x37: {  	[smem:$0x3FB0] =	sst s10  }
0x38: {  	s10 =	sld [smem:$0x3FB1]  }
0x39: {  	_ = 	snop;
	(pc) =	sbr.ind lr, $3  }
0x3a: {  	_ = 	snop  }
0x3b: {  	_ = 	snop  }
0x3c: {  	p2 =	seq.s32 s10, $0x1;
	s10 =	sld [smem:$0x3FB0]  }
0x3d: {  	_ =	shalt  }
0x3e: {  	_ =	shalt  }
0x3f: {  	_ =	shalt  }
0x40: {  	_ =	shalt  }
0x41: {  	_ =	shalt  }
0x42: {  	_ =	shalt  }
0x43: {  	_ =	shalt  }
0x44: {  	_ =	shalt  }
0x45: {  	_ =	shalt  }
0x46: {  	_ =	shalt  }
0x47: {  	_ =	shalt  }
0x48: {  	_ =	shalt  }
0x49: {  	_ =	shalt  }
0x4a: {  	_ =	shalt  }
0x4b: {  	_ =	shalt  }
0x4c: {  	_ =	shalt  }
0x4d: {  	_ =	shalt  }
0x4e: {  	_ =	shalt  }
0x4f: {  	_ =	shalt  }
0x50: {  	_ =	shalt  }
0x51: {  	_ =	shalt  }
0x52: {  	_ =	shalt  }
0x53: {  	_ =	shalt  }
0x54: {  	_ =	shalt  }
0x55: {  	_ =	shalt  }
0x56: {  	_ =	shalt  }
0x57: {  	_ =	shalt  }
0x58: {  	_ =	shalt  }
0x59: {  	_ =	shalt  }
0x5a: {  	_ =	shalt  }
0x5b: {  	_ =	shalt  }
0x5c: {  	_ =	shalt  }
0x5d: {  	_ =	shalt  }
0x5e: {  	_ =	shalt  }
0x5f: {  	_ =	shalt  }
0x60: {  	_ =	shalt  }
0x61: {  	_ =	shalt  }
0x62: {  	_ =	shalt  }
0x63: {  	_ =	shalt  }
0x64: {  	_ =	shalt  }
0x65: {  	_ =	shalt  }
0x66: {  	_ =	shalt  }
0x67: {  	_ =	shalt  }
0x68: {  	_ =	shalt  }
0x69: {  	_ =	shalt  }
0x6a: {  	_ =	shalt  }
0x6b: {  	_ =	shalt  }
0x6c: {  	_ =	shalt  }
0x6d: {  	_ =	shalt  }
0x6e: {  	_ =	shalt  }
0x6f: {  	_ =	shalt  }
0x70: {  	_ =	shalt  }
0x71: {  	_ =	shalt  }
0x72: {  	_ =	shalt  }
0x73: {  	_ =	shalt  }
0x74: {  	_ =	shalt  }
0x75: {  	_ =	shalt  }
0x76: {  	_ =	shalt  }
0x77: {  	_ =	shalt  }
0x78: {  	_ =	shalt  }
0x79: {  	_ =	shalt  }
0x7a: {  	_ =	shalt  }
0x7b: {  	_ =	shalt  }
0x7c: {  	_ =	shalt  }
0x7d: {  	_ =	shalt  }
0x7e: {  	_ =	shalt  }
0x7f: {  	_ =	shalt  }
0x80: {  	_ =	shalt  }
0x81: {  	_ =	shalt  }
0x82: {  	_ =	shalt  }
0x83: {  	_ =	shalt  }
0x84: {  	_ =	shalt  }
0x85: {  	_ =	shalt  }
0x86: {  	_ =	shalt  }
0x87: {  	_ =	shalt  }
.Lfunc_end0:
.L_simem_size_0:
called_computation.3_lowered:
.L_overlay_start_0:
0x88: {  	s2 =	sld [smem:$0x3FD9]  }
0x89: {  	s3 =	sld [smem:$0x3FFE];
	_ =	sdelay $0x1  }
0x8a: {  	s1 =	srdreg.scid  }
0x8b: {  	s0 =	sand.u32 $0x1, s1  }
0x8c: {  	s16 =	sshll.u32 s0, $0xA;
	s2 =	sadd.s32 s3, s2  }
0x8d: {  	s2 =	sadd.s32 s2, s16  }
0x8e: {  	[smem:$0x3FBC] =	sst s2  }
0x8f: {  	_ = 	snop  }
0x90: {  	(tm) =	ssettm $0x1  }
0x91: {  	s17 =	sld [smem:$0x3FFB];
	_ =	sdelay $0x3  }
0x92: {  	_ =	strace s17  }
0x93: {  	s2 =	sld [smem:$0x3FFC];
	_ =	sdelay $0x3  }
0x94: {  	_ =	strace s2  }
0x95: {  	s2 =	sld [smem:$0x3FFD];
	_ =	sdelay $0x3  }
0x96: {  	_ =	strace s2  }
0x97: {  	_ =	strace $0x8FFFFFFF  }
0x98: {  	s18 =	sld [smem:$0x3FDB];
	_ =	sdelay $0x1  }
0x99: {  	s19 =	simm.s32 $_scs_section_size  }
0x9a: {  	s4 =	simm.s32 $_size__tile_overlayer_lowered;
	s5 =	simm.s32 $_tile_overlayer_lowered  }
0x9b: {  	s22 =	simm.s32 $0x1BFF;
	s21 =	sshll.u32 s5, $0x1;
	s2 =	sadd.s32 s19, s18  }
0x9c: {  	s6 =	simm.s32 $0x0;
	s20 =	sshll.u32 s4, $0x1;
	s4 =	sadd.s32 s21, s2  }
0x9d: {  	[timem:s6], [sflag:s22] =	dma.local [hbm:s4], s20  }
0x9e: {  	_ =	swait.ge [sflag:s22], s20  }
0x9f: {  	s3 =	ssub.s32 $0x0, s20;
	[sflag:s22] =	ssyncset.done $0x0  }
0xa0: {  	[sflag:s22] =	ssyncadd.s32 s3;
	_ =	sdelay $0x1  }
0xa1: {  	s23 =	simm.s32 $0x1B8B  }
0xa2: {  	_ =	swait.ge [sflag:s23], $0x1  }
0xa3: {  	[sflag:s23] =	ssyncset.done $0x0  }
0xa4: {  	s25 =	simm.s32 $0x1B8E;
	s24 =	sld [smem:$0x3FFE];
	[sflag:s23] =	ssyncadd.s32 $0xFFFFFFFF  }
0xa5: {  	s26 =	simm.s32 $execute0_lowered;
	[smem:$0x3FD2] =	sst s25  }
0xa6: {  	s4 =	sshll.u32 s26, $0x1;
	_ =	strace $0x8000004F;
	[dreg:$0x1] =	wrdreg $0xFFFFFFFF  }
0xa7: {  	s28 =	simm.s32 $_size_execute0_lowered;
	s2 =	sadd.s32 s2, s4;
	[dreg:$0x0] =	wrdreg $0x0  }
0xa8: {  	s4 =	sshll.u32 s28, $0x1;
	[dreg:$0x2] =	wrdreg s2  }
0xa9: {  	[dreg:$0x3] =	wrdreg s4  }
0xaa: {  	[dreg:$0x4] =	wrdreg $0xC0  }
0xab: {  	_ =	task [dreg:s6], $0x5FFFF  }
0xac: {  	[dreg:$0x1] =	wrdreg $0xFFFFFFFF  }
0xad: {  	[dreg:$0x0] =	wrdreg $0x60  }
0xae: {  	[dreg:$0x2] =	wrdreg s24  }
0xaf: {  	[dreg:$0x3] =	wrdreg $0x9  }
0xb0: {  	_ =	task.clear_ibuf [dreg:s6], $0x4FFFF;
	_ =	strace $0x9000004F  }
0xb1: {  	s29 =	simm.s32 $0x9;
	_ =	strace $0x80000051  }
0xb2: {  	_ =	swait.ge [sflag:s29], $0x1  }
0xb3: {  	[sflag:s29] =	ssyncadd.s32 $0xFFFFFFFF  }
0xb4: {  	_ =	strace $0x90000051  }
0xb5: {  	_ =	sfence  }
0xb6: {  	s30 =	sld [smem:$0x0];
	_ =	sdelay $0x2  }
0xb7: {  	s31 =	sshll.u32 s1, $0xD;
	s1 =	sshrl.u32 s1, $0x2  }
0xb8: {  	s3 =	sand.u32 $0x4000, s31;
	s1 =	sadd.s32 s1, s30  }
0xb9: {  	s0 =	sor.u32 s3, s0;
	s1 =	sshll.u32 s1, $0x11  }
0xba: {  	s0 =	sor.u32 s1, s0  }
0xbb: {  	s0 =	sadd.s32 $0x8F2B, s0  }
0xbc: {  	[sflag:s0] =	ssyncadd.remote.s32 $0x1  }
0xbd: {  	_ =	sfence.sel $0xFFFF  }
0xbe: {  	[dreg:$0x0] =	wrdreg $0xFFFFFFFF;
	(pc) =	sbr.abs _section_cstart, $3  }
0xbf: {  	[dreg:$0x1] =	wrdreg $0xFFFFFFFF  }
0xc0: {  	_ =	task.clear_ibuf [dreg:s6], $0x2FFFF;
	_ =	strace $0x9FFFFFFF  }
0xc1: {  	(tm) =	ssettm $0x7FFFFFFF  }
tec
execute0_lowered:
.L_overlay_start_1:
0x0: {  	(tag) =	ssettag $0x1  }
0x1: {  	s1 =	srdreg.scid  }
0x2: {  	s0 =	stileid.u32;
	s4 =	rddreg [dreg:$0x0]  }
0x3: {  	s2 =	simm.s32 $0x0;
	s12 =	simm.s32 $0x15000;
	s13 =	simm.s32 $0x18000  }
0x4: {  	s14 =	simm.s32 $0x80;
	s15 =	simm.s32 $0xA000;
	s16 =	simm.s32 $0xE000  }
0x5: {  	s17 =	simm.s32 $0x1;
	s3 =	sand.u32 $0x1, s1;
	s31 =	sshll.u32 s0, $0x1  }
0x6: {  	s18 =	simm.s32 $0x0;
	s1 =	rddreg [dreg:$0x1];
	s5 =	sor.u32 s3, s31  }
0x7: {  	[smem:$0x7FF] =	sst s2;
	s8 =	ssub.s32 $0x2, s3;
	s6 =	smul.u32 $0x600, s5  }
0x8: {  	_ =	strace $0x80000050;
	s7 =	smul.u32 $0x1400, s5;
	s9 =	sshrl.u32 s8, $0x1  }
0x9: {  	s3 =	sadd.s32 $0x65E00, s4;
	s9 =	ssub.s32 s8, s9;
	s10 =	sadd.s32 s6, s4  }
0xa: {  	s11 =	sadd.s32 s7, s4;
	s4 =	smul.u32 $0xFFFFFEC0, s5;
	s9 =	smax.u32 s9, $0x1  }
0xb: {  	s5 =	sadd.s32 $0x25E00, s10;
	s6 =	sadd.s32 $0x31E00, s10;
	s7 =	sadd.s32 $0x6200, s10  }
0xc: {  	v0 =	vimm.f32 $0.0e+00;
	s8 =	sadd.s32 $0x8DE00, s11;
	s10 =	simm.s32 $0x12000;
	s11 =	simm.s32 $0x2  }
.LBB2_1:
0xd: {  	[tilespmem:s10], [sflag:$0x2] =	stream.linear.gather [hbm4b:s5+s2], $0x3000, $0x38;
	[tilespmem:$0x1B000] =	vst v63  }
0xe: {  	_ =	swait.ge [sflag:s11], $0x3000  }
0xf: {  	[sflag:s11] =	ssyncset.done $0x0  }
0x10: {  	[sflag:s11] =	ssyncadd.s32 $0xFFFFD000  }
0x11: {  	[tilespmem:s12], [sflag:$0x2] =	stream.linear.gather [hbm4b:s6+s2], $0x3000, $0x38;
	[tilespmem:$0x1B000] =	vst v63  }
0x12: {  	_ =	swait.ge [sflag:s11], $0x3000  }
0x13: {  	[sflag:s11] =	ssyncset.done $0x0  }
0x14: {  	[sflag:s11] =	ssyncadd.s32 $0xFFFFD000  }
0x15: {  	[tilespmem:s13], [sflag:$0x2] =	stream.linear.gather [hbm4b:s7+s2], $0x3000, $0x38;
	[tilespmem:$0x1B000] =	vst v63  }
0x16: {  	_ =	swait.ge [sflag:s11], $0x3000  }
0x17: {  	[sflag:s11] =	ssyncset.done $0x0  }
0x18: {  	s19 =	simm.s32 $0x0;
	s20 =	simm.s32 $0x200;
	[sflag:s11] =	ssyncadd.s32 $0xFFFFD000  }
.LBB2_2:
0x19: {  	p0 =	sne.s32 s20, $0x27E00;
	[tilespmem:s19+$0x70] =	vst v0  }
0x1a: {  	[tilespmem:s19+$0x0] =	vst v0  }
0x1b: {  	[tilespmem:s19+$0x10] =	vst v0  }
.Ltmp0:
0x1c: {  	[tilespmem:s19+$0x20] =	vst v0;
	(pc) =	sbr.rel @p0 .LBB2_2-.Ltmp0, $4  }
0x1d: {  	[tilespmem:s19+$0x30] =	vst v0  }
0x1e: {  	[tilespmem:s19+$0x40] =	vst v0  }
0x1f: {  	[tilespmem:s19+$0x50] =	vst v0  }
0x20: {  	[tilespmem:s19+$0x60] =	vst v0;
	s19 =	sshra.s32 s20, $0x2;
	s20 =	sadd.s32 $0x200, s20  }
0x21: {  	[tilespmem:s19+$0x70] =	vst v0  }
0x22: {  	[tilespmem:s19+$0x0] =	vst v0  }
0x23: {  	[tilespmem:s19+$0x10] =	vst v0  }
0x24: {  	[tilespmem:s19+$0x20] =	vst v0  }
0x25: {  	[tilespmem:s19+$0x30] =	vst v0  }
0x26: {  	[tilespmem:s19+$0x40] =	vst v0  }
0x27: {  	[tilespmem:s19+$0x50] =	vst v0  }
0x28: {  	[tilespmem:s19+$0x60] =	vst v0;
	s19 =	simm.s32 $0x0;
	s20 =	simm.s32 $0x18000;
	s21 =	simm.s32 $0x15000  }
.LBB2_4:
0x29: {  	s22 =	sshll.u32 s19, $0x8  }
0x2a: {  	s23 =	sadd.s32 $0x12000, s22  }
0x2b: {  	[tilespmem:s15], [sflag:$0x1] =	stream.indirect.gather [hbm4b:s3+s14], $0x80, s23, s14, $0xb8;
	[tilespmem:$0x1B000] =	vst v63  }
0x2c: {  	s22 =	sadd.s32 $0x12080, s22  }
0x2d: {  	[tilespmem:s16], [sflag:$0x1] =	stream.indirect.gather [hbm4b:s3+s14], $0x80, s22, s14, $0xb8;
	[tilespmem:$0x1B000] =	vst v63  }
0x2e: {  	_ =	swait.ge [sflag:s17], $0x4000  }
0x2f: {  	v1 =	vmov s21;
	[sflag:s17] =	ssyncset.done $0x0  }
0x30: {  	[sflag:s17] =	ssyncadd.s32 $0xFFFFC000  }
0x31: {  	_ =	swait.ge [sflag:s17], $0x4000  }
0x32: {  	[sflag:s17] =	ssyncset.done $0x0  }
0x33: {  	s30 =	simm.s32 $0x0;
	[sflag:s17] =	ssyncadd.s32 $0xFFFFC000  }
0x34: {  	v2 =	vld.idx.msk [tilespmem:v1+s30+$0x0 ss:$0x1], $0xffff;
	_ =	sdelay $0x4  }
0x35: {  	(v2sf) =	vpush v2, $0x0;
	_ =	sdelay $0xe  }
0x36: {  	s31 =	spop (v2sf)  }
0x37: {  	s23 =	sadd.s32 s4, s31  }
0x38: {  	s22 =	simm.s32 $0xA040;
	p0 =	sgt.s32 s23, $0x0  }
0x39: {  	s24 =	sadd.s32 $0x0, s20;
	v3 =	vld [tilespmem:s22+$0xFFFFFFC0];
	s23 =	simm.s32 @!p0 $0x0  }
0x3a: {  	v2 =	vld.msk [tilespmem:s24+$0x0 ss:$0x0], $0xffff;
	s23 =	smin.u32 s23, $0x13F  }
0x3b: {  	s24 =	sshll.u32 s23, $0x7  }
0x3c: {  	v4 =	vld [tilespmem:s24+$0x0];
	_ =	sdelay $0x2  }
0x3d: {  	v3 =	vmul.f32 v3, v2;
	_ =	sdelay $0x1  }
0x3e: {  	v3 =	vadd.f32 v3, v4;
	_ =	sdelay $0x1  }
0x3f: {  	[tilespmem:s24+$0x0] =	vst v3  }
0x40: {  	v3 =	vld [tilespmem:s22+$0xFFFFFFD0];
	_ =	sdelay $0x1  }
0x41: {  	v57 =	vld [tilespmem:s24+$0x10];
	_ =	sdelay $0x2  }
0x42: {  	v3 =	vmul.f32 v3, v2;
	_ =	sdelay $0x1  }
0x43: {  	v3 =	vadd.f32 v3, v57;
	_ =	sdelay $0x1  }
0x44: {  	[tilespmem:s24+$0x10] =	vst v3  }
0x45: {  	v3 =	vld [tilespmem:s22+$0xFFFFFFE0];
	_ =	sdelay $0x1  }
0x46: {  	v58 =	vld [tilespmem:s24+$0x20];
	_ =	sdelay $0x2  }
0x47: {  	v3 =	vmul.f32 v3, v2;
	_ =	sdelay $0x1  }
0x48: {  	v3 =	vadd.f32 v3, v58;
	_ =	sdelay $0x1  }
0x49: {  	[tilespmem:s24+$0x20] =	vst v3  }
0x4a: {  	v3 =	vld [tilespmem:s22+$0xFFFFFFF0];
	_ =	sdelay $0x1  }
0x4b: {  	v59 =	vld [tilespmem:s24+$0x30];
	_ =	sdelay $0x2  }
0x4c: {  	v3 =	vmul.f32 v3, v2;
	_ =	sdelay $0x1  }
0x4d: {  	v3 =	vadd.f32 v3, v59;
	_ =	sdelay $0x1  }
0x4e: {  	[tilespmem:s24+$0x30] =	vst v3  }
0x4f: {  	v3 =	vld [tilespmem:s22+$0x0];
	_ =	sdelay $0x1  }
0x50: {  	v60 =	vld [tilespmem:s24+$0x40];
	_ =	sdelay $0x2  }
0x51: {  	v3 =	vmul.f32 v3, v2;
	_ =	sdelay $0x1  }
0x52: {  	v3 =	vadd.f32 v3, v60;
	_ =	sdelay $0x1  }
0x53: {  	[tilespmem:s24+$0x40] =	vst v3  }
0x54: {  	v3 =	vld [tilespmem:s22+$0x10];
	_ =	sdelay $0x1  }
0x55: {  	v61 =	vld [tilespmem:s24+$0x50];
	_ =	sdelay $0x2  }
0x56: {  	v3 =	vmul.f32 v3, v2;
	_ =	sdelay $0x1  }
0x57: {  	v3 =	vadd.f32 v3, v61;
	_ =	sdelay $0x1  }
0x58: {  	[tilespmem:s24+$0x50] =	vst v3  }
0x59: {  	v3 =	vld [tilespmem:s22+$0x20];
	_ =	sdelay $0x1  }
0x5a: {  	v62 =	vld [tilespmem:s24+$0x60];
	_ =	sdelay $0x2  }
0x5b: {  	v3 =	vmul.f32 v3, v2;
	_ =	sdelay $0x1  }
0x5c: {  	v3 =	vadd.f32 v3, v62;
	_ =	sdelay $0x1  }
0x5d: {  	[tilespmem:s24+$0x60] =	vst v3  }
0x5e: {  	v3 =	vld [tilespmem:s22+$0x30];
	_ =	sdelay $0x1  }
0x5f: {  	v63 =	vld [tilespmem:s24+$0x70];
	_ =	sdelay $0x2  }
0x60: {  	v2 =	vmul.f32 v3, v2;
	_ =	sdelay $0x1  }
0x61: {  	s26 =	simm.s32 $0x8;
	s23 =	simm.s32 $0x4;
	v2 =	vadd.f32 v2, v63  }
.LBB2_5:
0x62: {  	s28 =	sshra.s32 s23, $0x2  }
0x63: {  	s22 =	sadd.s32 $0x80, s22;
	s23 =	smov.u32 s26;
	s25 =	sadd.s32 $0x4, s26;
	[tilespmem:s24+$0x70] =	vst v2  }
0x64: {  	p0 =	sne.s32 s26, $0x3FC;
	s24 =	sadd.s32 s28, s20;
	v2 =	vld.idx.msk [tilespmem:v1+s28+$0x0 ss:$0x1], $0xffff;
	_ =	sdelay $0x5  }
0x65: {  	(v2sf) =	vpush v2, $0x0;
	_ =	sdelay $0xe  }
0x66: {  	s26 =	spop (v2sf)  }
0x67: {  	s26 =	sadd.s32 s4, s26  }
0x68: {  	p1 =	sgt.s32 s26, $0x0  }
0x69: {  	s26 =	simm.s32 @!p1 $0x0;
	v2 =	vld.msk [tilespmem:s24+$0x0 ss:$0x0], $0xffff  }
0x6a: {  	s24 =	smin.u32 s26, $0x13F;
	v3 =	vld [tilespmem:s22+$0xFFFFFFC0]  }
0x6b: {  	s24 =	sshll.u32 s24, $0x7  }
0x6c: {  	v4 =	vld [tilespmem:s24+$0x0];
	_ =	sdelay $0x2  }
0x6d: {  	v3 =	vmul.f32 v3, v2;
	_ =	sdelay $0x1  }
0x6e: {  	v3 =	vadd.f32 v3, v4;
	_ =	sdelay $0x1  }
0x6f: {  	[tilespmem:s24+$0x0] =	vst v3  }
0x70: {  	v3 =	vld [tilespmem:s22+$0xFFFFFFD0];
	_ =	sdelay $0x1  }
0x71: {  	v4 =	vld [tilespmem:s24+$0x10];
	_ =	sdelay $0x2  }
0x72: {  	v3 =	vmul.f32 v3, v2;
	_ =	sdelay $0x1  }
0x73: {  	v3 =	vadd.f32 v3, v4;
	_ =	sdelay $0x1  }
0x74: {  	[tilespmem:s24+$0x10] =	vst v3  }
0x75: {  	v3 =	vld [tilespmem:s22+$0xFFFFFFE0];
	_ =	sdelay $0x1  }
0x76: {  	v4 =	vld [tilespmem:s24+$0x20];
	_ =	sdelay $0x2  }
0x77: {  	v3 =	vmul.f32 v3, v2;
	_ =	sdelay $0x1  }
0x78: {  	v3 =	vadd.f32 v3, v4;
	_ =	sdelay $0x1  }
0x79: {  	[tilespmem:s24+$0x20] =	vst v3  }
0x7a: {  	v3 =	vld [tilespmem:s22+$0xFFFFFFF0];
	_ =	sdelay $0x1  }
0x7b: {  	v4 =	vld [tilespmem:s24+$0x30];
	_ =	sdelay $0x2  }
0x7c: {  	v3 =	vmul.f32 v3, v2;
	_ =	sdelay $0x1  }
0x7d: {  	v3 =	vadd.f32 v3, v4;
	_ =	sdelay $0x1  }
0x7e: {  	[tilespmem:s24+$0x30] =	vst v3  }
0x7f: {  	v3 =	vld [tilespmem:s22+$0x0];
	_ =	sdelay $0x1  }
0x80: {  	v4 =	vld [tilespmem:s24+$0x40];
	_ =	sdelay $0x2  }
0x81: {  	v3 =	vmul.f32 v3, v2;
	_ =	sdelay $0x1  }
0x82: {  	v3 =	vadd.f32 v3, v4;
	_ =	sdelay $0x1  }
0x83: {  	[tilespmem:s24+$0x40] =	vst v3  }
0x84: {  	v3 =	vld [tilespmem:s22+$0x10];
	_ =	sdelay $0x1  }
0x85: {  	v4 =	vld [tilespmem:s24+$0x50];
	_ =	sdelay $0x2  }
0x86: {  	v3 =	vmul.f32 v3, v2;
	_ =	sdelay $0x1  }
0x87: {  	v3 =	vadd.f32 v3, v4;
	_ =	sdelay $0x1  }
0x88: {  	[tilespmem:s24+$0x50] =	vst v3  }
0x89: {  	v3 =	vld [tilespmem:s22+$0x20];
	_ =	sdelay $0x1  }
0x8a: {  	v4 =	vld [tilespmem:s24+$0x60];
	_ =	sdelay $0x2  }
0x8b: {  	v3 =	vmul.f32 v3, v2;
	_ =	sdelay $0x1  }
0x8c: {  	v3 =	vadd.f32 v3, v4;
	_ =	sdelay $0x1  }
0x8d: {  	[tilespmem:s24+$0x60] =	vst v3  }
0x8e: {  	v3 =	vld [tilespmem:s22+$0x30];
	_ =	sdelay $0x1  }
0x8f: {  	v4 =	vld [tilespmem:s24+$0x70]  }
.Ltmp1:
0x90: {  	(pc) =	sbr.rel @p0 .LBB2_5-.Ltmp1, $3  }
0x91: {  	_ = 	snop  }
0x92: {  	v2 =	vmul.f32 v3, v2;
	_ =	sdelay $0x1  }
0x93: {  	s26 =	smov.u32 s25;
	v2 =	vadd.f32 v2, v4  }
0x94: {  	_ =	sdelay $0x2  }
0x95: {  	s23 =	sshra.s32 s23, $0x2;
	[tilespmem:s24+$0x70] =	vst v2  }
0x96: {  	v1 =	vld.idx.msk [tilespmem:v1+s23+$0x0 ss:$0x1], $0xffff;
	_ =	sdelay $0x4  }
0x97: {  	(v2sf) =	vpush v1, $0x0;
	_ =	sdelay $0xe  }
0x98: {  	s30 =	spop (v2sf)  }
0x99: {  	s24 =	sadd.s32 s4, s30  }
0x9a: {  	s22 =	sadd.s32 $0x80, s22;
	p0 =	sgt.s32 s24, $0x0  }
0x9b: {  	s23 =	sadd.s32 s23, s20;
	v2 =	vld [tilespmem:s22+$0xFFFFFFC0];
	s24 =	simm.s32 @!p0 $0x0  }
0x9c: {  	v1 =	vld.msk [tilespmem:s23+$0x0 ss:$0x0], $0xffff;
	s31 =	smin.u32 s24, $0x13F  }
0x9d: {  	s23 =	sshll.u32 s31, $0x7  }
0x9e: {  	v3 =	vld [tilespmem:s23+$0x0];
	_ =	sdelay $0x2  }
0x9f: {  	v2 =	vmul.f32 v2, v1;
	_ =	sdelay $0x1  }
0xa0: {  	v2 =	vadd.f32 v2, v3;
	_ =	sdelay $0x1  }
0xa1: {  	[tilespmem:s23+$0x0] =	vst v2  }
0xa2: {  	v2 =	vld [tilespmem:s22+$0xFFFFFFD0];
	_ =	sdelay $0x1  }
0xa3: {  	v3 =	vld [tilespmem:s23+$0x10];
	_ =	sdelay $0x2  }
0xa4: {  	v2 =	vmul.f32 v2, v1;
	_ =	sdelay $0x1  }
0xa5: {  	v2 =	vadd.f32 v2, v3;
	_ =	sdelay $0x1  }
0xa6: {  	[tilespmem:s23+$0x10] =	vst v2  }
0xa7: {  	v2 =	vld [tilespmem:s22+$0xFFFFFFE0];
	_ =	sdelay $0x1  }
0xa8: {  	v3 =	vld [tilespmem:s23+$0x20];
	_ =	sdelay $0x2  }
0xa9: {  	v2 =	vmul.f32 v2, v1;
	_ =	sdelay $0x1  }
0xaa: {  	v2 =	vadd.f32 v2, v3;
	_ =	sdelay $0x1  }
0xab: {  	[tilespmem:s23+$0x20] =	vst v2  }
0xac: {  	v2 =	vld [tilespmem:s22+$0xFFFFFFF0];
	_ =	sdelay $0x1  }
0xad: {  	v3 =	vld [tilespmem:s23+$0x30];
	_ =	sdelay $0x2  }
0xae: {  	v2 =	vmul.f32 v2, v1;
	_ =	sdelay $0x1  }
0xaf: {  	v2 =	vadd.f32 v2, v3;
	_ =	sdelay $0x1  }
0xb0: {  	[tilespmem:s23+$0x30] =	vst v2  }
0xb1: {  	v2 =	vld [tilespmem:s22+$0x0];
	_ =	sdelay $0x1  }
0xb2: {  	v3 =	vld [tilespmem:s23+$0x40];
	_ =	sdelay $0x2  }
0xb3: {  	v2 =	vmul.f32 v2, v1;
	_ =	sdelay $0x1  }
0xb4: {  	v2 =	vadd.f32 v2, v3;
	_ =	sdelay $0x1  }
0xb5: {  	[tilespmem:s23+$0x40] =	vst v2  }
0xb6: {  	v2 =	vld [tilespmem:s22+$0x10];
	_ =	sdelay $0x1  }
0xb7: {  	v3 =	vld [tilespmem:s23+$0x50];
	_ =	sdelay $0x2  }
0xb8: {  	v2 =	vmul.f32 v2, v1;
	_ =	sdelay $0x1  }
0xb9: {  	v2 =	vadd.f32 v2, v3;
	_ =	sdelay $0x1  }
0xba: {  	[tilespmem:s23+$0x50] =	vst v2  }
0xbb: {  	v2 =	vld [tilespmem:s22+$0x20];
	_ =	sdelay $0x1  }
0xbc: {  	v3 =	vld [tilespmem:s23+$0x60];
	_ =	sdelay $0x2  }
0xbd: {  	v2 =	vmul.f32 v2, v1;
	_ =	sdelay $0x1  }
0xbe: {  	v2 =	vadd.f32 v2, v3;
	_ =	sdelay $0x1  }
0xbf: {  	[tilespmem:s23+$0x60] =	vst v2  }
0xc0: {  	v2 =	vld [tilespmem:s22+$0x30];
	_ =	sdelay $0x1  }
0xc1: {  	v3 =	vld [tilespmem:s23+$0x70]  }
0xc2: {  	s19 =	sadd.s32 $0x1, s19  }
0xc3: {  	p0 =	sne.s32 s19, $0x30  }
.Ltmp2:
0xc4: {  	v1 =	vmul.f32 v2, v1;
	(pc) =	sbr.rel @p0 .LBB2_4-.Ltmp2, $3  }
0xc5: {  	_ = 	snop  }
0xc6: {  	v1 =	vadd.f32 v1, v3;
	_ =	sdelay $0x1  }
0xc7: {  	s21 =	sadd.s32 $0x100, s21;
	s20 =	sadd.s32 $0x100, s20;
	[tilespmem:s23+$0x70] =	vst v1  }
0xc8: {  	s18 =	sadd.s32 $0x1, s18  }
0xc9: {  	p0 =	sne.s32 s18, s9  }
.Ltmp3:
0xca: {  	_ = 	snop;
	(pc) =	sbr.rel @p0 .LBB2_1-.Ltmp3, $4  }
0xcb: {  	[hbm4b:s8+s2] =	stream.linear.scatter [tilespmem:s2], [sflag:$0x2], $0xA000, $0x38;
	[tilespmem:$0x1B000] =	vst v63  }
0xcc: {  	_ =	swait.ge [sflag:s11], $0xA000  }
0xcd: {  	[sflag:s11] =	ssyncset.done $0x0  }
0xce: {  	[sflag:s11] =	ssyncadd.s32 $0xFFFF6000  }
0xcf: {  	_ =	sfence.sel $0x180000  }
0xd0: {  	[bflag:$0x0] =	sbarrier.arrive $0xFFFF  }
0xd1: {  	p0 =	sne.s32 s0, $0x0;
	_ =	strace $0x90000050  }
0xd2: {  	s0 =	sadd.s32 @!p0 $0x100000, s1;
	[bflag:$0x2] =	sbarrier.arrive $0xFFFF  }
0xd3: {  	[sflag:s0] =	ssyncadd.tile.s32 @!p0 $0x1;
	_ =	shalt  }
.Lfunc_end2:
_tile_overlayer_lowered:
.L_overlay_start_2:
0xd4: {  	(tag) =	ssettag $0x2  }
0xd5: {  	s0 =	rddreg [dreg:$0x0];
	s2 =	stileid.u32  }
0xd6: {  	s1 =	rddreg [dreg:$0x1];
	p0 =	sne.s32 s2, $0x0  }
0xd7: {  	s3 =	rddreg [dreg:$0x2];
	[bflag:$0x3] =	sbarrier.arrive $0xFFFF;
	s2 =	simm.s32 @!p0 $0x1C02  }
0xd8: {  	[timem:s3], [sflag:s2] =	dma.local @!p0 [hbm:s0], s1  }
0xd9: {  	s0 =	simm.s32 @!p0 $0x2  }
0xda: {  	_ =	swait.ge @!p0 [sflag:s0], s1  }
0xdb: {  	s1 =	ssub.s32 @!p0 $0x0, s1;
	[sflag:s0] =	ssyncset.done @!p0 $0x0  }
0xdc: {  	[sflag:s0] =	ssyncadd.s32 @!p0 s1  }
0xdd: {  	[bflag:$0x3] =	sbarrier.arrive $0xFFFF  }
0xde: {  	_ =	shalt  }

// kernel: kernel.27.cloned.1.call-start
scs
__scs_entry_jumppad:
0x0: {  	(pc) =	sbr.rel $0x88, $3  }
0x1: {  	(tag) =	ssettag $0x0;
	lr =	simm.s32 $0x1  }
0x2: {  	[smem:$0x3F95] =	sst lr;
	_ =	strace $0xD0000000  }
0x3: {  	_ = 	snop  }
0x4: {  	_ = 	snop  }
0x5: {  	_ = 	snop  }
0x6: {  	_ = 	snop  }
0x7: {  	_ = 	snop  }
__scs_overlays_trampoline_lowered:
0x8: {  	[smem:$0x3FA4] =	sst s0  }
0x9: {  	[smem:$0x3FA5] =	sst s1  }
0xa: {  	[smem:$0x3FA6] =	sst s2  }
0xb: {  	[smem:$0x3FA7] =	sst s3  }
0xc: {  	[smem:$0x3FA8] =	sst s4  }
0xd: {  	[smem:$0x3FA9] =	sst s5  }
0xe: {  	[smem:$0x3FAA] =	sst s6  }
0xf: {  	[smem:$0x3FAB] =	sst s7  }
0x10: {  	[smem:$0x3FAC] =	sst s8  }
0x11: {  	[smem:$0x3FAD] =	sst s9;
	s0 =	simm.s32 @!p0 $0x0  }
0x12: {  	s1 =	sld [smem:$0x3F93];
	s0 =	simm.s32 @p0 $0x1  }
0x13: {  	[smem:$0x3FAE] =	sst s0;
	s0 =	simm.s32 @!p1 $0x0  }
0x14: {  	s2 =	sld [smem:$0x3F92];
	s0 =	simm.s32 @p1 $0x1  }
0x15: {  	[smem:$0x3FAF] =	sst s0;
	s0 =	simm.s32 @!p2 $0x0  }
0x16: {  	s3 =	sld [smem:$0x3FDB];
	s0 =	simm.s32 @p2 $0x1  }
0x17: {  	s4 =	simm.s32 $0x1BF5;
	[smem:$0x3FB1] =	sst s0  }
0x18: {  	s0 =	sld [smem:$0x3F94];
	_ =	swait.ge [sflag:s4], $0x0  }
0x19: {  	s7 =	sld [smem:$0x3F95]  }
0x1a: {  	s8 =	sadd.s32 $0xFFFFE003, lr  }
0x1b: {  	s9 =	sadd.s32 $0xFFFFFEF7, lr;
	s5 =	simm.s32 $0xFFFFFFFF;
	p2 =	slt.u32 s8, $0xFFFFF086  }
0x1c: {  	p1 =	slt.u32 s9, $0xF7A;
	s5 =	simm.s32 @!p2 $0x0  }
0x1d: {  	s5 =	simm.s32 @p1 $0x1;
	p0 =	seq.s32 s7, s2  }
0x1e: {  	s7 =	smul.u32 @!p0 $0xF7A, s2;
	p2 =	seq.s32 @!p0 s5, $0x0  }
0x1f: {  	s9 =	smul.u32 $0xF7A, s1;
	s8 =	simm.s32 @!p0 $0x1BF5;
	p2 =	por !p2, p0  }
0x20: {  	[sflag:s8] =	ssyncset.s32 @!p0 $0xFFFFF086;
	s6 =	sadd.s32 @!p0 s3, s7;
	s7 =	simm.s32 @!p0 $0x108  }
0x21: {  	s3 =	sadd.s32 s3, s9;
	s6 =	sadd.s32 @!p0 $0x88, s6;
	s7 =	simm.s32 @p2 $0x1082  }
0x22: {  	[simem:s7], [sflag:s8] =	dma.local @!p0 [hbm:s6], $0xF7A  }
0x23: {  	s9 =	sor.u32 $0xD0000000, s2;
	s6 =	simm.s32 $0x108;
	_ =	swait.ge @!p0 [sflag:s8], $0x0  }
0x24: {  	s3 =	sadd.s32 $0x88, s3;
	s6 =	simm.s32 @!p1 $0x1082;
	[sflag:s4] =	ssyncset.s32 $0xFFFFF086  }
0x25: {  	[simem:s6], [sflag:s4] =	dma.local [hbm:s3], $0xF7A  }
0x26: {  	[smem:$0x3F95] =	sst s1;
	(tag) =	ssettag s2;
	_ =	strace s9  }
0x27: {  	s1 =	sld [smem:$0x3FA5]  }
0x28: {  	s2 =	sld [smem:$0x3FA6]  }
0x29: {  	s4 =	sld [smem:$0x3FA8]  }
0x2a: {  	p0 =	seq.s32 s5, $0x0;
	s5 =	sld [smem:$0x3FA9]  }
0x2b: {  	s6 =	sld [smem:$0x3FAA]  }
0x2c: {  	s7 =	sld [smem:$0x3FAB]  }
0x2d: {  	s3 =	simm.s32 $0x108;
	s8 =	sld [smem:$0x3FAC]  }
0x2e: {  	s3 =	simm.s32 @!p0 $0x1082;
	s9 =	sld [smem:$0x3FAD]  }
0x2f: {  	lr =	sadd.s32 s0, s3;
	s0 =	sld [smem:$0x3FA4]  }
0x30: {  	s3 =	sld [smem:$0x3FA7]  }
0x31: {  	[smem:$0x3FB0] =	sst s10  }
0x32: {  	s10 =	sld [smem:$0x3FAE];
	_ =	sdelay $0x3  }
0x33: {  	p0 =	seq.s32 s10, $0x1;
	s10 =	sld [smem:$0x3FB0];
	_ =	sdelay $0x3  }
0x34: {  	[smem:$0x3FB0] =	sst s10  }
0x35: {  	s10 =	sld [smem:$0x3FAF];
	_ =	sdelay $0x3  }
0x36: {  	p1 =	seq.s32 s10, $0x1;
	s10 =	sld [smem:$0x3FB0];
	_ =	sdelay $0x3  }
0x37: {  	[smem:$0x3FB0] =	sst s10  }
0x38: {  	s10 =	sld [smem:$0x3FB1]  }
0x39: {  	_ = 	snop;
	(pc) =	sbr.ind lr, $3  }
0x3a: {  	_ = 	snop  }
0x3b: {  	_ = 	snop  }
0x3c: {  	p2 =	seq.s32 s10, $0x1;
	s10 =	sld [smem:$0x3FB0]  }
0x3d: {  	_ =	shalt  }
0x3e: {  	_ =	shalt  }
0x3f: {  	_ =	shalt  }
0x40: {  	_ =	shalt  }
0x41: {  	_ =	shalt  }
0x42: {  	_ =	shalt  }
0x43: {  	_ =	shalt  }
0x44: {  	_ =	shalt  }
0x45: {  	_ =	shalt  }
0x46: {  	_ =	shalt  }
0x47: {  	_ =	shalt  }
0x48: {  	_ =	shalt  }
0x49: {  	_ =	shalt  }
0x4a: {  	_ =	shalt  }
0x4b: {  	_ =	shalt  }
0x4c: {  	_ =	shalt  }
0x4d: {  	_ =	shalt  }
0x4e: {  	_ =	shalt  }
0x4f: {  	_ =	shalt  }
0x50: {  	_ =	shalt  }
0x51: {  	_ =	shalt  }
0x52: {  	_ =	shalt  }
0x53: {  	_ =	shalt  }
0x54: {  	_ =	shalt  }
0x55: {  	_ =	shalt  }
0x56: {  	_ =	shalt  }
0x57: {  	_ =	shalt  }
0x58: {  	_ =	shalt  }
0x59: {  	_ =	shalt  }
0x5a: {  	_ =	shalt  }
0x5b: {  	_ =	shalt  }
0x5c: {  	_ =	shalt  }
0x5d: {  	_ =	shalt  }
0x5e: {  	_ =	shalt  }
0x5f: {  	_ =	shalt  }
0x60: {  	_ =	shalt  }
0x61: {  	_ =	shalt  }
0x62: {  	_ =	shalt  }
0x63: {  	_ =	shalt  }
0x64: {  	_ =	shalt  }
0x65: {  	_ =	shalt  }
0x66: {  	_ =	shalt  }
0x67: {  	_ =	shalt  }
0x68: {  	_ =	shalt  }
0x69: {  	_ =	shalt  }
0x6a: {  	_ =	shalt  }
0x6b: {  	_ =	shalt  }
0x6c: {  	_ =	shalt  }
0x6d: {  	_ =	shalt  }
0x6e: {  	_ =	shalt  }
0x6f: {  	_ =	shalt  }
0x70: {  	_ =	shalt  }
0x71: {  	_ =	shalt  }
0x72: {  	_ =	shalt  }
0x73: {  	_ =	shalt  }
0x74: {  	_ =	shalt  }
0x75: {  	_ =	shalt  }
0x76: {  	_ =	shalt  }
0x77: {  	_ =	shalt  }
0x78: {  	_ =	shalt  }
0x79: {  	_ =	shalt  }
0x7a: {  	_ =	shalt  }
0x7b: {  	_ =	shalt  }
0x7c: {  	_ =	shalt  }
0x7d: {  	_ =	shalt  }
0x7e: {  	_ =	shalt  }
0x7f: {  	_ =	shalt  }
0x80: {  	_ =	shalt  }
0x81: {  	_ =	shalt  }
0x82: {  	_ =	shalt  }
0x83: {  	_ =	shalt  }
0x84: {  	_ =	shalt  }
0x85: {  	_ =	shalt  }
0x86: {  	_ =	shalt  }
0x87: {  	_ =	shalt  }
.Lfunc_end0:
.L_simem_size_0:
called_computation.4_lowered:
.L_overlay_start_0:
0x88: {  	s2 =	sld [smem:$0x3FD9]  }
0x89: {  	s3 =	sld [smem:$0x3FFE];
	_ =	sdelay $0x1  }
0x8a: {  	s1 =	srdreg.scid  }
0x8b: {  	s0 =	sand.u32 $0x1, s1  }
0x8c: {  	s16 =	sshll.u32 s0, $0xA;
	s2 =	sadd.s32 s3, s2  }
0x8d: {  	s2 =	sadd.s32 s2, s16  }
0x8e: {  	[smem:$0x3FBC] =	sst s2  }
0x8f: {  	_ = 	snop  }
0x90: {  	(tm) =	ssettm $0x1  }
0x91: {  	s17 =	sld [smem:$0x3FFB];
	_ =	sdelay $0x3  }
0x92: {  	_ =	strace s17  }
0x93: {  	s2 =	sld [smem:$0x3FFC];
	_ =	sdelay $0x3  }
0x94: {  	_ =	strace s2  }
0x95: {  	s2 =	sld [smem:$0x3FFD];
	_ =	sdelay $0x3  }
0x96: {  	_ =	strace s2  }
0x97: {  	_ =	strace $0x8FFFFFFF  }
0x98: {  	s18 =	sld [smem:$0x3FDB];
	_ =	sdelay $0x1  }
0x99: {  	s19 =	simm.s32 $_scs_section_size  }
0x9a: {  	s4 =	simm.s32 $_size__tile_overlayer_lowered;
	s5 =	simm.s32 $_tile_overlayer_lowered  }
0x9b: {  	s22 =	simm.s32 $0x1BFF;
	s21 =	sshll.u32 s5, $0x1;
	s2 =	sadd.s32 s19, s18  }
0x9c: {  	s6 =	simm.s32 $0x0;
	s20 =	sshll.u32 s4, $0x1;
	s4 =	sadd.s32 s21, s2  }
0x9d: {  	[timem:s6], [sflag:s22] =	dma.local [hbm:s4], s20  }
0x9e: {  	_ =	swait.ge [sflag:s22], s20  }
0x9f: {  	s3 =	ssub.s32 $0x0, s20;
	[sflag:s22] =	ssyncset.done $0x0  }
0xa0: {  	[sflag:s22] =	ssyncadd.s32 s3;
	_ =	sdelay $0x1  }
0xa1: {  	s23 =	simm.s32 $0x1B8B  }
0xa2: {  	_ =	swait.ge [sflag:s23], $0x1  }
0xa3: {  	[sflag:s23] =	ssyncset.done $0x0  }
0xa4: {  	s25 =	simm.s32 $0x1B8E;
	s24 =	sld [smem:$0x3FFE];
	[sflag:s23] =	ssyncadd.s32 $0xFFFFFFFF  }
0xa5: {  	s26 =	simm.s32 $execute0_lowered;
	[smem:$0x3FD2] =	sst s25  }
0xa6: {  	s4 =	sshll.u32 s26, $0x1;
	_ =	strace $0x80000052;
	[dreg:$0x1] =	wrdreg $0xFFFFFFFF  }
0xa7: {  	s28 =	simm.s32 $_size_execute0_lowered;
	s2 =	sadd.s32 s2, s4;
	[dreg:$0x0] =	wrdreg $0x0  }
0xa8: {  	s4 =	sshll.u32 s28, $0x1;
	[dreg:$0x2] =	wrdreg s2  }
0xa9: {  	[dreg:$0x3] =	wrdreg s4  }
0xaa: {  	[dreg:$0x4] =	wrdreg $0xC0  }
0xab: {  	_ =	task [dreg:s6], $0x5FFFF  }
0xac: {  	[dreg:$0x1] =	wrdreg $0xFFFFFFFF  }
0xad: {  	[dreg:$0x0] =	wrdreg $0x60  }
0xae: {  	[dreg:$0x2] =	wrdreg s24  }
0xaf: {  	[dreg:$0x3] =	wrdreg $0x9  }
0xb0: {  	_ =	task.clear_ibuf [dreg:s6], $0x4FFFF;
	_ =	strace $0x90000052  }
0xb1: {  	s29 =	simm.s32 $0x9;
	_ =	strace $0x80000054  }
0xb2: {  	_ =	swait.ge [sflag:s29], $0x1  }
0xb3: {  	[sflag:s29] =	ssyncadd.s32 $0xFFFFFFFF  }
0xb4: {  	_ =	strace $0x90000054  }
0xb5: {  	_ =	sfence  }
0xb6: {  	s30 =	sld [smem:$0x0];
	_ =	sdelay $0x2  }
0xb7: {  	s31 =	sshll.u32 s1, $0xD;
	s1 =	sshrl.u32 s1, $0x2  }
0xb8: {  	s3 =	sand.u32 $0x4000, s31;
	s1 =	sadd.s32 s1, s30  }
0xb9: {  	s0 =	sor.u32 s3, s0;
	s1 =	sshll.u32 s1, $0x11  }
0xba: {  	s0 =	sor.u32 s1, s0  }
0xbb: {  	s0 =	sadd.s32 $0x8F2B, s0  }
0xbc: {  	[sflag:s0] =	ssyncadd.remote.s32 $0x1  }
0xbd: {  	_ =	sfence.sel $0xFFFF  }
0xbe: {  	[dreg:$0x0] =	wrdreg $0xFFFFFFFF;
	(pc) =	sbr.abs _section_cstart, $3  }
0xbf: {  	[dreg:$0x1] =	wrdreg $0xFFFFFFFF  }
0xc0: {  	_ =	task.clear_ibuf [dreg:s6], $0x2FFFF;
	_ =	strace $0x9FFFFFFF  }
0xc1: {  	(tm) =	ssettm $0x7FFFFFFF  }
tec
execute0_lowered:
.L_overlay_start_1:
0x0: {  	(tag) =	ssettag $0x1  }
0x1: {  	s1 =	srdreg.scid  }
0x2: {  	s0 =	stileid.u32;
	s4 =	rddreg [dreg:$0x0]  }
0x3: {  	s2 =	simm.s32 $0x0;
	s12 =	simm.s32 $0x15000;
	s13 =	simm.s32 $0x18000  }
0x4: {  	s14 =	simm.s32 $0x80;
	s15 =	simm.s32 $0xA000;
	s16 =	simm.s32 $0xE000  }
0x5: {  	s17 =	simm.s32 $0x1;
	s3 =	sand.u32 $0x1, s1;
	s31 =	sshll.u32 s0, $0x1  }
0x6: {  	s18 =	simm.s32 $0x0;
	s1 =	rddreg [dreg:$0x1];
	s5 =	sor.u32 s3, s31  }
0x7: {  	[smem:$0x7FF] =	sst s2;
	s8 =	ssub.s32 $0x2, s3;
	s6 =	smul.u32 $0x600, s5  }
0x8: {  	_ =	strace $0x80000053;
	s7 =	smul.u32 $0x1400, s5;
	s9 =	sshrl.u32 s8, $0x1  }
0x9: {  	s3 =	sadd.s32 $0x8DE00, s4;
	s9 =	ssub.s32 s8, s9;
	s10 =	sadd.s32 s6, s4  }
0xa: {  	s11 =	sadd.s32 s7, s4;
	s4 =	smul.u32 $0xFFFFFEC0, s5;
	s9 =	smax.u32 s9, $0x1  }
0xb: {  	s5 =	sadd.s32 $0x25E00, s10;
	s6 =	sadd.s32 $0x31E00, s10;
	s7 =	sadd.s32 $0x6200, s10  }
0xc: {  	v0 =	vimm.f32 $0.0e+00;
	s8 =	sadd.s32 $0xB5E00, s11;
	s10 =	simm.s32 $0x12000;
	s11 =	simm.s32 $0x2  }
.LBB2_1:
0xd: {  	[tilespmem:s10], [sflag:$0x2] =	stream.linear.gather [hbm4b:s5+s2], $0x3000, $0x38;
	[tilespmem:$0x1B000] =	vst v63  }
0xe: {  	_ =	swait.ge [sflag:s11], $0x3000  }
0xf: {  	[sflag:s11] =	ssyncset.done $0x0  }
0x10: {  	[sflag:s11] =	ssyncadd.s32 $0xFFFFD000  }
0x11: {  	[tilespmem:s12], [sflag:$0x2] =	stream.linear.gather [hbm4b:s6+s2], $0x3000, $0x38;
	[tilespmem:$0x1B000] =	vst v63  }
0x12: {  	_ =	swait.ge [sflag:s11], $0x3000  }
0x13: {  	[sflag:s11] =	ssyncset.done $0x0  }
0x14: {  	[sflag:s11] =	ssyncadd.s32 $0xFFFFD000  }
0x15: {  	[tilespmem:s13], [sflag:$0x2] =	stream.linear.gather [hbm4b:s7+s2], $0x3000, $0x38;
	[tilespmem:$0x1B000] =	vst v63  }
0x16: {  	_ =	swait.ge [sflag:s11], $0x3000  }
0x17: {  	[sflag:s11] =	ssyncset.done $0x0  }
0x18: {  	s19 =	simm.s32 $0x0;
	s20 =	simm.s32 $0x200;
	[sflag:s11] =	ssyncadd.s32 $0xFFFFD000  }
.LBB2_2:
0x19: {  	p0 =	sne.s32 s20, $0x27E00;
	[tilespmem:s19+$0x70] =	vst v0  }
0x1a: {  	[tilespmem:s19+$0x0] =	vst v0  }
0x1b: {  	[tilespmem:s19+$0x10] =	vst v0  }
.Ltmp0:
0x1c: {  	[tilespmem:s19+$0x20] =	vst v0;
	(pc) =	sbr.rel @p0 .LBB2_2-.Ltmp0, $4  }
0x1d: {  	[tilespmem:s19+$0x30] =	vst v0  }
0x1e: {  	[tilespmem:s19+$0x40] =	vst v0  }
0x1f: {  	[tilespmem:s19+$0x50] =	vst v0  }
0x20: {  	[tilespmem:s19+$0x60] =	vst v0;
	s19 =	sshra.s32 s20, $0x2;
	s20 =	sadd.s32 $0x200, s20  }
0x21: {  	[tilespmem:s19+$0x70] =	vst v0  }
0x22: {  	[tilespmem:s19+$0x0] =	vst v0  }
0x23: {  	[tilespmem:s19+$0x10] =	vst v0  }
0x24: {  	[tilespmem:s19+$0x20] =	vst v0  }
0x25: {  	[tilespmem:s19+$0x30] =	vst v0  }
0x26: {  	[tilespmem:s19+$0x40] =	vst v0  }
0x27: {  	[tilespmem:s19+$0x50] =	vst v0  }
0x28: {  	[tilespmem:s19+$0x60] =	vst v0;
	s19 =	simm.s32 $0x0;
	s20 =	simm.s32 $0x18000;
	s21 =	simm.s32 $0x15000  }
.LBB2_4:
0x29: {  	s22 =	sshll.u32 s19, $0x8  }
0x2a: {  	s23 =	sadd.s32 $0x12000, s22  }
0x2b: {  	[tilespmem:s15], [sflag:$0x1] =	stream.indirect.gather [hbm4b:s3+s14], $0x80, s23, s14, $0xb8;
	[tilespmem:$0x1B000] =	vst v63  }
0x2c: {  	s22 =	sadd.s32 $0x12080, s22  }
0x2d: {  	[tilespmem:s16], [sflag:$0x1] =	stream.indirect.gather [hbm4b:s3+s14], $0x80, s22, s14, $0xb8;
	[tilespmem:$0x1B000] =	vst v63  }
0x2e: {  	_ =	swait.ge [sflag:s17], $0x4000  }
0x2f: {  	v1 =	vmov s21;
	[sflag:s17] =	ssyncset.done $0x0  }
0x30: {  	[sflag:s17] =	ssyncadd.s32 $0xFFFFC000  }
0x31: {  	_ =	swait.ge [sflag:s17], $0x4000  }
0x32: {  	[sflag:s17] =	ssyncset.done $0x0  }
0x33: {  	s30 =	simm.s32 $0x0;
	[sflag:s17] =	ssyncadd.s32 $0xFFFFC000  }
0x34: {  	v2 =	vld.idx.msk [tilespmem:v1+s30+$0x0 ss:$0x1], $0xffff;
	_ =	sdelay $0x4  }
0x35: {  	(v2sf) =	vpush v2, $0x0;
	_ =	sdelay $0xe  }
0x36: {  	s31 =	spop (v2sf)  }
0x37: {  	s23 =	sadd.s32 s4, s31  }
0x38: {  	s22 =	simm.s32 $0xA040;
	p0 =	sgt.s32 s23, $0x0  }
0x39: {  	s24 =	sadd.s32 $0x0, s20;
	v3 =	vld [tilespmem:s22+$0xFFFFFFC0];
	s23 =	simm.s32 @!p0 $0x0  }
0x3a: {  	v2 =	vld.msk [tilespmem:s24+$0x0 ss:$0x0], $0xffff;
	s23 =	smin.u32 s23, $0x13F  }
0x3b: {  	s24 =	sshll.u32 s23, $0x7  }
0x3c: {  	v4 =	vld [tilespmem:s24+$0x0];
	_ =	sdelay $0x2  }
0x3d: {  	v3 =	vmul.f32 v3, v2;
	_ =	sdelay $0x1  }
0x3e: {  	v3 =	vadd.f32 v3, v4;
	_ =	sdelay $0x1  }
0x3f: {  	[tilespmem:s24+$0x0] =	vst v3  }
0x40: {  	v3 =	vld [tilespmem:s22+$0xFFFFFFD0];
	_ =	sdelay $0x1  }
0x41: {  	v57 =	vld [tilespmem:s24+$0x10];
	_ =	sdelay $0x2  }
0x42: {  	v3 =	vmul.f32 v3, v2;
	_ =	sdelay $0x1  }
0x43: {  	v3 =	vadd.f32 v3, v57;
	_ =	sdelay $0x1  }
0x44: {  	[tilespmem:s24+$0x10] =	vst v3  }
0x45: {  	v3 =	vld [tilespmem:s22+$0xFFFFFFE0];
	_ =	sdelay $0x1  }
0x46: {  	v58 =	vld [tilespmem:s24+$0x20];
	_ =	sdelay $0x2  }
0x47: {  	v3 =	vmul.f32 v3, v2;
	_ =	sdelay $0x1  }
0x48: {  	v3 =	vadd.f32 v3, v58;
	_ =	sdelay $0x1  }
0x49: {  	[tilespmem:s24+$0x20] =	vst v3  }
0x4a: {  	v3 =	vld [tilespmem:s22+$0xFFFFFFF0];
	_ =	sdelay $0x1  }
0x4b: {  	v59 =	vld [tilespmem:s24+$0x30];
	_ =	sdelay $0x2  }
0x4c: {  	v3 =	vmul.f32 v3, v2;
	_ =	sdelay $0x1  }
0x4d: {  	v3 =	vadd.f32 v3, v59;
	_ =	sdelay $0x1  }
0x4e: {  	[tilespmem:s24+$0x30] =	vst v3  }
0x4f: {  	v3 =	vld [tilespmem:s22+$0x0];
	_ =	sdelay $0x1  }
0x50: {  	v60 =	vld [tilespmem:s24+$0x40];
	_ =	sdelay $0x2  }
0x51: {  	v3 =	vmul.f32 v3, v2;
	_ =	sdelay $0x1  }
0x52: {  	v3 =	vadd.f32 v3, v60;
	_ =	sdelay $0x1  }
0x53: {  	[tilespmem:s24+$0x40] =	vst v3  }
0x54: {  	v3 =	vld [tilespmem:s22+$0x10];
	_ =	sdelay $0x1  }
0x55: {  	v61 =	vld [tilespmem:s24+$0x50];
	_ =	sdelay $0x2  }
0x56: {  	v3 =	vmul.f32 v3, v2;
	_ =	sdelay $0x1  }
0x57: {  	v3 =	vadd.f32 v3, v61;
	_ =	sdelay $0x1  }
0x58: {  	[tilespmem:s24+$0x50] =	vst v3  }
0x59: {  	v3 =	vld [tilespmem:s22+$0x20];
	_ =	sdelay $0x1  }
0x5a: {  	v62 =	vld [tilespmem:s24+$0x60];
	_ =	sdelay $0x2  }
0x5b: {  	v3 =	vmul.f32 v3, v2;
	_ =	sdelay $0x1  }
0x5c: {  	v3 =	vadd.f32 v3, v62;
	_ =	sdelay $0x1  }
0x5d: {  	[tilespmem:s24+$0x60] =	vst v3  }
0x5e: {  	v3 =	vld [tilespmem:s22+$0x30];
	_ =	sdelay $0x1  }
0x5f: {  	v63 =	vld [tilespmem:s24+$0x70];
	_ =	sdelay $0x2  }
0x60: {  	v2 =	vmul.f32 v3, v2;
	_ =	sdelay $0x1  }
0x61: {  	s26 =	simm.s32 $0x8;
	s23 =	simm.s32 $0x4;
	v2 =	vadd.f32 v2, v63  }
.LBB2_5:
0x62: {  	s28 =	sshra.s32 s23, $0x2  }
0x63: {  	s22 =	sadd.s32 $0x80, s22;
	s23 =	smov.u32 s26;
	s25 =	sadd.s32 $0x4, s26;
	[tilespmem:s24+$0x70] =	vst v2  }
0x64: {  	p0 =	sne.s32 s26, $0x3FC;
	s24 =	sadd.s32 s28, s20;
	v2 =	vld.idx.msk [tilespmem:v1+s28+$0x0 ss:$0x1], $0xffff;
	_ =	sdelay $0x5  }
0x65: {  	(v2sf) =	vpush v2, $0x0;
	_ =	sdelay $0xe  }
0x66: {  	s26 =	spop (v2sf)  }
0x67: {  	s26 =	sadd.s32 s4, s26  }
0x68: {  	p1 =	sgt.s32 s26, $0x0  }
0x69: {  	s26 =	simm.s32 @!p1 $0x0;
	v2 =	vld.msk [tilespmem:s24+$0x0 ss:$0x0], $0xffff  }
0x6a: {  	s24 =	smin.u32 s26, $0x13F;
	v3 =	vld [tilespmem:s22+$0xFFFFFFC0]  }
0x6b: {  	s24 =	sshll.u32 s24, $0x7  }
0x6c: {  	v4 =	vld [tilespmem:s24+$0x0];
	_ =	sdelay $0x2  }
0x6d: {  	v3 =	vmul.f32 v3, v2;
	_ =	sdelay $0x1  }
0x6e: {  	v3 =	vadd.f32 v3, v4;
	_ =	sdelay $0x1  }
0x6f: {  	[tilespmem:s24+$0x0] =	vst v3  }
0x70: {  	v3 =	vld [tilespmem:s22+$0xFFFFFFD0];
	_ =	sdelay $0x1  }
0x71: {  	v4 =	vld [tilespmem:s24+$0x10];
	_ =	sdelay $0x2  }
0x72: {  	v3 =	vmul.f32 v3, v2;
	_ =	sdelay $0x1  }
0x73: {  	v3 =	vadd.f32 v3, v4;
	_ =	sdelay $0x1  }
0x74: {  	[tilespmem:s24+$0x10] =	vst v3  }
0x75: {  	v3 =	vld [tilespmem:s22+$0xFFFFFFE0];
	_ =	sdelay $0x1  }
0x76: {  	v4 =	vld [tilespmem:s24+$0x20];
	_ =	sdelay $0x2  }
0x77: {  	v3 =	vmul.f32 v3, v2;
	_ =	sdelay $0x1  }
0x78: {  	v3 =	vadd.f32 v3, v4;
	_ =	sdelay $0x1  }
0x79: {  	[tilespmem:s24+$0x20] =	vst v3  }
0x7a: {  	v3 =	vld [tilespmem:s22+$0xFFFFFFF0];
	_ =	sdelay $0x1  }
0x7b: {  	v4 =	vld [tilespmem:s24+$0x30];
	_ =	sdelay $0x2  }
0x7c: {  	v3 =	vmul.f32 v3, v2;
	_ =	sdelay $0x1  }
0x7d: {  	v3 =	vadd.f32 v3, v4;
	_ =	sdelay $0x1  }
0x7e: {  	[tilespmem:s24+$0x30] =	vst v3  }
0x7f: {  	v3 =	vld [tilespmem:s22+$0x0];
	_ =	sdelay $0x1  }
0x80: {  	v4 =	vld [tilespmem:s24+$0x40];
	_ =	sdelay $0x2  }
0x81: {  	v3 =	vmul.f32 v3, v2;
	_ =	sdelay $0x1  }
0x82: {  	v3 =	vadd.f32 v3, v4;
	_ =	sdelay $0x1  }
0x83: {  	[tilespmem:s24+$0x40] =	vst v3  }
0x84: {  	v3 =	vld [tilespmem:s22+$0x10];
	_ =	sdelay $0x1  }
0x85: {  	v4 =	vld [tilespmem:s24+$0x50];
	_ =	sdelay $0x2  }
0x86: {  	v3 =	vmul.f32 v3, v2;
	_ =	sdelay $0x1  }
0x87: {  	v3 =	vadd.f32 v3, v4;
	_ =	sdelay $0x1  }
0x88: {  	[tilespmem:s24+$0x50] =	vst v3  }
0x89: {  	v3 =	vld [tilespmem:s22+$0x20];
	_ =	sdelay $0x1  }
0x8a: {  	v4 =	vld [tilespmem:s24+$0x60];
	_ =	sdelay $0x2  }
0x8b: {  	v3 =	vmul.f32 v3, v2;
	_ =	sdelay $0x1  }
0x8c: {  	v3 =	vadd.f32 v3, v4;
	_ =	sdelay $0x1  }
0x8d: {  	[tilespmem:s24+$0x60] =	vst v3  }
0x8e: {  	v3 =	vld [tilespmem:s22+$0x30];
	_ =	sdelay $0x1  }
0x8f: {  	v4 =	vld [tilespmem:s24+$0x70]  }
.Ltmp1:
0x90: {  	(pc) =	sbr.rel @p0 .LBB2_5-.Ltmp1, $3  }
0x91: {  	_ = 	snop  }
0x92: {  	v2 =	vmul.f32 v3, v2;
	_ =	sdelay $0x1  }
0x93: {  	s26 =	smov.u32 s25;
	v2 =	vadd.f32 v2, v4  }
0x94: {  	_ =	sdelay $0x2  }
0x95: {  	s23 =	sshra.s32 s23, $0x2;
	[tilespmem:s24+$0x70] =	vst v2  }
0x96: {  	v1 =	vld.idx.msk [tilespmem:v1+s23+$0x0 ss:$0x1], $0xffff;
	_ =	sdelay $0x4  }
0x97: {  	(v2sf) =	vpush v1, $0x0;
	_ =	sdelay $0xe  }
0x98: {  	s30 =	spop (v2sf)  }
0x99: {  	s24 =	sadd.s32 s4, s30  }
0x9a: {  	s22 =	sadd.s32 $0x80, s22;
	p0 =	sgt.s32 s24, $0x0  }
0x9b: {  	s23 =	sadd.s32 s23, s20;
	v2 =	vld [tilespmem:s22+$0xFFFFFFC0];
	s24 =	simm.s32 @!p0 $0x0  }
0x9c: {  	v1 =	vld.msk [tilespmem:s23+$0x0 ss:$0x0], $0xffff;
	s31 =	smin.u32 s24, $0x13F  }
0x9d: {  	s23 =	sshll.u32 s31, $0x7  }
0x9e: {  	v3 =	vld [tilespmem:s23+$0x0];
	_ =	sdelay $0x2  }
0x9f: {  	v2 =	vmul.f32 v2, v1;
	_ =	sdelay $0x1  }
0xa0: {  	v2 =	vadd.f32 v2, v3;
	_ =	sdelay $0x1  }
0xa1: {  	[tilespmem:s23+$0x0] =	vst v2  }
0xa2: {  	v2 =	vld [tilespmem:s22+$0xFFFFFFD0];
	_ =	sdelay $0x1  }
0xa3: {  	v3 =	vld [tilespmem:s23+$0x10];
	_ =	sdelay $0x2  }
0xa4: {  	v2 =	vmul.f32 v2, v1;
	_ =	sdelay $0x1  }
0xa5: {  	v2 =	vadd.f32 v2, v3;
	_ =	sdelay $0x1  }
0xa6: {  	[tilespmem:s23+$0x10] =	vst v2  }
0xa7: {  	v2 =	vld [tilespmem:s22+$0xFFFFFFE0];
	_ =	sdelay $0x1  }
0xa8: {  	v3 =	vld [tilespmem:s23+$0x20];
	_ =	sdelay $0x2  }
0xa9: {  	v2 =	vmul.f32 v2, v1;
	_ =	sdelay $0x1  }
0xaa: {  	v2 =	vadd.f32 v2, v3;
	_ =	sdelay $0x1  }
0xab: {  	[tilespmem:s23+$0x20] =	vst v2  }
0xac: {  	v2 =	vld [tilespmem:s22+$0xFFFFFFF0];
	_ =	sdelay $0x1  }
0xad: {  	v3 =	vld [tilespmem:s23+$0x30];
	_ =	sdelay $0x2  }
0xae: {  	v2 =	vmul.f32 v2, v1;
	_ =	sdelay $0x1  }
0xaf: {  	v2 =	vadd.f32 v2, v3;
	_ =	sdelay $0x1  }
0xb0: {  	[tilespmem:s23+$0x30] =	vst v2  }
0xb1: {  	v2 =	vld [tilespmem:s22+$0x0];
	_ =	sdelay $0x1  }
0xb2: {  	v3 =	vld [tilespmem:s23+$0x40];
	_ =	sdelay $0x2  }
0xb3: {  	v2 =	vmul.f32 v2, v1;
	_ =	sdelay $0x1  }
0xb4: {  	v2 =	vadd.f32 v2, v3;
	_ =	sdelay $0x1  }
0xb5: {  	[tilespmem:s23+$0x40] =	vst v2  }
0xb6: {  	v2 =	vld [tilespmem:s22+$0x10];
	_ =	sdelay $0x1  }
0xb7: {  	v3 =	vld [tilespmem:s23+$0x50];
	_ =	sdelay $0x2  }
0xb8: {  	v2 =	vmul.f32 v2, v1;
	_ =	sdelay $0x1  }
0xb9: {  	v2 =	vadd.f32 v2, v3;
	_ =	sdelay $0x1  }
0xba: {  	[tilespmem:s23+$0x50] =	vst v2  }
0xbb: {  	v2 =	vld [tilespmem:s22+$0x20];
	_ =	sdelay $0x1  }
0xbc: {  	v3 =	vld [tilespmem:s23+$0x60];
	_ =	sdelay $0x2  }
0xbd: {  	v2 =	vmul.f32 v2, v1;
	_ =	sdelay $0x1  }
0xbe: {  	v2 =	vadd.f32 v2, v3;
	_ =	sdelay $0x1  }
0xbf: {  	[tilespmem:s23+$0x60] =	vst v2  }
0xc0: {  	v2 =	vld [tilespmem:s22+$0x30];
	_ =	sdelay $0x1  }
0xc1: {  	v3 =	vld [tilespmem:s23+$0x70]  }
0xc2: {  	s19 =	sadd.s32 $0x1, s19  }
0xc3: {  	p0 =	sne.s32 s19, $0x30  }
.Ltmp2:
0xc4: {  	v1 =	vmul.f32 v2, v1;
	(pc) =	sbr.rel @p0 .LBB2_4-.Ltmp2, $3  }
0xc5: {  	_ = 	snop  }
0xc6: {  	v1 =	vadd.f32 v1, v3;
	_ =	sdelay $0x1  }
0xc7: {  	s21 =	sadd.s32 $0x100, s21;
	s20 =	sadd.s32 $0x100, s20;
	[tilespmem:s23+$0x70] =	vst v1  }
0xc8: {  	s18 =	sadd.s32 $0x1, s18  }
0xc9: {  	p0 =	sne.s32 s18, s9  }
.Ltmp3:
0xca: {  	_ = 	snop;
	(pc) =	sbr.rel @p0 .LBB2_1-.Ltmp3, $4  }
0xcb: {  	[hbm4b:s8+s2] =	stream.linear.scatter [tilespmem:s2], [sflag:$0x2], $0xA000, $0x38;
	[tilespmem:$0x1B000] =	vst v63  }
0xcc: {  	_ =	swait.ge [sflag:s11], $0xA000  }
0xcd: {  	[sflag:s11] =	ssyncset.done $0x0  }
0xce: {  	[sflag:s11] =	ssyncadd.s32 $0xFFFF6000  }
0xcf: {  	_ =	sfence.sel $0x180000  }
0xd0: {  	[bflag:$0x0] =	sbarrier.arrive $0xFFFF  }
0xd1: {  	p0 =	sne.s32 s0, $0x0;
	_ =	strace $0x90000053  }
0xd2: {  	s0 =	sadd.s32 @!p0 $0x100000, s1;
	[bflag:$0x2] =	sbarrier.arrive $0xFFFF  }
0xd3: {  	[sflag:s0] =	ssyncadd.tile.s32 @!p0 $0x1;
	_ =	shalt  }
.Lfunc_end2:
_tile_overlayer_lowered:
.L_overlay_start_2:
0xd4: {  	(tag) =	ssettag $0x2  }
0xd5: {  	s0 =	rddreg [dreg:$0x0];
	s2 =	stileid.u32  }
0xd6: {  	s1 =	rddreg [dreg:$0x1];
	p0 =	sne.s32 s2, $0x0  }
0xd7: {  	s3 =	rddreg [dreg:$0x2];
	[bflag:$0x3] =	sbarrier.arrive $0xFFFF;
	s2 =	simm.s32 @!p0 $0x1C02  }
0xd8: {  	[timem:s3], [sflag:s2] =	dma.local @!p0 [hbm:s0], s1  }
0xd9: {  	s0 =	simm.s32 @!p0 $0x2  }
0xda: {  	_ =	swait.ge @!p0 [sflag:s0], s1  }
0xdb: {  	s1 =	ssub.s32 @!p0 $0x0, s1;
	[sflag:s0] =	ssyncset.done @!p0 $0x0  }
0xdc: {  	[sflag:s0] =	ssyncadd.s32 @!p0 s1  }
0xdd: {  	[bflag:$0x3] =	sbarrier.arrive $0xFFFF  }
0xde: {  	_ =	shalt  }

// kernel: kernel.30.cloned.1.call-start
scs
__scs_entry_jumppad:
0x0: {  	(pc) =	sbr.rel $0x88, $3  }
0x1: {  	(tag) =	ssettag $0x0;
	lr =	simm.s32 $0x1  }
0x2: {  	[smem:$0x3F95] =	sst lr;
	_ =	strace $0xD0000000  }
0x3: {  	_ = 	snop  }
0x4: {  	_ = 	snop  }
0x5: {  	_ = 	snop  }
0x6: {  	_ = 	snop  }
0x7: {  	_ = 	snop  }
__scs_overlays_trampoline_lowered:
0x8: {  	[smem:$0x3FA4] =	sst s0  }
0x9: {  	[smem:$0x3FA5] =	sst s1  }
0xa: {  	[smem:$0x3FA6] =	sst s2  }
0xb: {  	[smem:$0x3FA7] =	sst s3  }
0xc: {  	[smem:$0x3FA8] =	sst s4  }
0xd: {  	[smem:$0x3FA9] =	sst s5  }
0xe: {  	[smem:$0x3FAA] =	sst s6  }
0xf: {  	[smem:$0x3FAB] =	sst s7  }
0x10: {  	[smem:$0x3FAC] =	sst s8  }
0x11: {  	[smem:$0x3FAD] =	sst s9;
	s0 =	simm.s32 @!p0 $0x0  }
0x12: {  	s1 =	sld [smem:$0x3F93];
	s0 =	simm.s32 @p0 $0x1  }
0x13: {  	[smem:$0x3FAE] =	sst s0;
	s0 =	simm.s32 @!p1 $0x0  }
0x14: {  	s2 =	sld [smem:$0x3F92];
	s0 =	simm.s32 @p1 $0x1  }
0x15: {  	[smem:$0x3FAF] =	sst s0;
	s0 =	simm.s32 @!p2 $0x0  }
0x16: {  	s3 =	sld [smem:$0x3FDB];
	s0 =	simm.s32 @p2 $0x1  }
0x17: {  	s4 =	simm.s32 $0x1BF5;
	[smem:$0x3FB1] =	sst s0  }
0x18: {  	s0 =	sld [smem:$0x3F94];
	_ =	swait.ge [sflag:s4], $0x0  }
0x19: {  	s7 =	sld [smem:$0x3F95]  }
0x1a: {  	s8 =	sadd.s32 $0xFFFFE003, lr  }
0x1b: {  	s9 =	sadd.s32 $0xFFFFFEF7, lr;
	s5 =	simm.s32 $0xFFFFFFFF;
	p2 =	slt.u32 s8, $0xFFFFF086  }
0x1c: {  	p1 =	slt.u32 s9, $0xF7A;
	s5 =	simm.s32 @!p2 $0x0  }
0x1d: {  	s5 =	simm.s32 @p1 $0x1;
	p0 =	seq.s32 s7, s2  }
0x1e: {  	s7 =	smul.u32 @!p0 $0xF7A, s2;
	p2 =	seq.s32 @!p0 s5, $0x0  }
0x1f: {  	s9 =	smul.u32 $0xF7A, s1;
	s8 =	simm.s32 @!p0 $0x1BF5;
	p2 =	por !p2, p0  }
0x20: {  	[sflag:s8] =	ssyncset.s32 @!p0 $0xFFFFF086;
	s6 =	sadd.s32 @!p0 s3, s7;
	s7 =	simm.s32 @!p0 $0x108  }
0x21: {  	s3 =	sadd.s32 s3, s9;
	s6 =	sadd.s32 @!p0 $0x88, s6;
	s7 =	simm.s32 @p2 $0x1082  }
0x22: {  	[simem:s7], [sflag:s8] =	dma.local @!p0 [hbm:s6], $0xF7A  }
0x23: {  	s9 =	sor.u32 $0xD0000000, s2;
	s6 =	simm.s32 $0x108;
	_ =	swait.ge @!p0 [sflag:s8], $0x0  }
0x24: {  	s3 =	sadd.s32 $0x88, s3;
	s6 =	simm.s32 @!p1 $0x1082;
	[sflag:s4] =	ssyncset.s32 $0xFFFFF086  }
0x25: {  	[simem:s6], [sflag:s4] =	dma.local [hbm:s3], $0xF7A  }
0x26: {  	[smem:$0x3F95] =	sst s1;
	(tag) =	ssettag s2;
	_ =	strace s9  }
0x27: {  	s1 =	sld [smem:$0x3FA5]  }
0x28: {  	s2 =	sld [smem:$0x3FA6]  }
0x29: {  	s4 =	sld [smem:$0x3FA8]  }
0x2a: {  	p0 =	seq.s32 s5, $0x0;
	s5 =	sld [smem:$0x3FA9]  }
0x2b: {  	s6 =	sld [smem:$0x3FAA]  }
0x2c: {  	s7 =	sld [smem:$0x3FAB]  }
0x2d: {  	s3 =	simm.s32 $0x108;
	s8 =	sld [smem:$0x3FAC]  }
0x2e: {  	s3 =	simm.s32 @!p0 $0x1082;
	s9 =	sld [smem:$0x3FAD]  }
0x2f: {  	lr =	sadd.s32 s0, s3;
	s0 =	sld [smem:$0x3FA4]  }
0x30: {  	s3 =	sld [smem:$0x3FA7]  }
0x31: {  	[smem:$0x3FB0] =	sst s10  }
0x32: {  	s10 =	sld [smem:$0x3FAE];
	_ =	sdelay $0x3  }
0x33: {  	p0 =	seq.s32 s10, $0x1;
	s10 =	sld [smem:$0x3FB0];
	_ =	sdelay $0x3  }
0x34: {  	[smem:$0x3FB0] =	sst s10  }
0x35: {  	s10 =	sld [smem:$0x3FAF];
	_ =	sdelay $0x3  }
0x36: {  	p1 =	seq.s32 s10, $0x1;
	s10 =	sld [smem:$0x3FB0];
	_ =	sdelay $0x3  }
0x37: {  	[smem:$0x3FB0] =	sst s10  }
0x38: {  	s10 =	sld [smem:$0x3FB1]  }
0x39: {  	_ = 	snop;
	(pc) =	sbr.ind lr, $3  }
0x3a: {  	_ = 	snop  }
0x3b: {  	_ = 	snop  }
0x3c: {  	p2 =	seq.s32 s10, $0x1;
	s10 =	sld [smem:$0x3FB0]  }
0x3d: {  	_ =	shalt  }
0x3e: {  	_ =	shalt  }
0x3f: {  	_ =	shalt  }
0x40: {  	_ =	shalt  }
0x41: {  	_ =	shalt  }
0x42: {  	_ =	shalt  }
0x43: {  	_ =	shalt  }
0x44: {  	_ =	shalt  }
0x45: {  	_ =	shalt  }
0x46: {  	_ =	shalt  }
0x47: {  	_ =	shalt  }
0x48: {  	_ =	shalt  }
0x49: {  	_ =	shalt  }
0x4a: {  	_ =	shalt  }
0x4b: {  	_ =	shalt  }
0x4c: {  	_ =	shalt  }
0x4d: {  	_ =	shalt  }
0x4e: {  	_ =	shalt  }
0x4f: {  	_ =	shalt  }
0x50: {  	_ =	shalt  }
0x51: {  	_ =	shalt  }
0x52: {  	_ =	shalt  }
0x53: {  	_ =	shalt  }
0x54: {  	_ =	shalt  }
0x55: {  	_ =	shalt  }
0x56: {  	_ =	shalt  }
0x57: {  	_ =	shalt  }
0x58: {  	_ =	shalt  }
0x59: {  	_ =	shalt  }
0x5a: {  	_ =	shalt  }
0x5b: {  	_ =	shalt  }
0x5c: {  	_ =	shalt  }
0x5d: {  	_ =	shalt  }
0x5e: {  	_ =	shalt  }
0x5f: {  	_ =	shalt  }
0x60: {  	_ =	shalt  }
0x61: {  	_ =	shalt  }
0x62: {  	_ =	shalt  }
0x63: {  	_ =	shalt  }
0x64: {  	_ =	shalt  }
0x65: {  	_ =	shalt  }
0x66: {  	_ =	shalt  }
0x67: {  	_ =	shalt  }
0x68: {  	_ =	shalt  }
0x69: {  	_ =	shalt  }
0x6a: {  	_ =	shalt  }
0x6b: {  	_ =	shalt  }
0x6c: {  	_ =	shalt  }
0x6d: {  	_ =	shalt  }
0x6e: {  	_ =	shalt  }
0x6f: {  	_ =	shalt  }
0x70: {  	_ =	shalt  }
0x71: {  	_ =	shalt  }
0x72: {  	_ =	shalt  }
0x73: {  	_ =	shalt  }
0x74: {  	_ =	shalt  }
0x75: {  	_ =	shalt  }
0x76: {  	_ =	shalt  }
0x77: {  	_ =	shalt  }
0x78: {  	_ =	shalt  }
0x79: {  	_ =	shalt  }
0x7a: {  	_ =	shalt  }
0x7b: {  	_ =	shalt  }
0x7c: {  	_ =	shalt  }
0x7d: {  	_ =	shalt  }
0x7e: {  	_ =	shalt  }
0x7f: {  	_ =	shalt  }
0x80: {  	_ =	shalt  }
0x81: {  	_ =	shalt  }
0x82: {  	_ =	shalt  }
0x83: {  	_ =	shalt  }
0x84: {  	_ =	shalt  }
0x85: {  	_ =	shalt  }
0x86: {  	_ =	shalt  }
0x87: {  	_ =	shalt  }
.Lfunc_end0:
.L_simem_size_0:
called_computation.5_lowered:
.L_overlay_start_0:
0x88: {  	s2 =	sld [smem:$0x3FD9]  }
0x89: {  	s3 =	sld [smem:$0x3FFE];
	_ =	sdelay $0x1  }
0x8a: {  	s1 =	srdreg.scid  }
0x8b: {  	s0 =	sand.u32 $0x1, s1  }
0x8c: {  	s16 =	sshll.u32 s0, $0xA;
	s2 =	sadd.s32 s3, s2  }
0x8d: {  	s2 =	sadd.s32 s2, s16  }
0x8e: {  	[smem:$0x3FBC] =	sst s2  }
0x8f: {  	_ = 	snop  }
0x90: {  	(tm) =	ssettm $0x1  }
0x91: {  	s17 =	sld [smem:$0x3FFB];
	_ =	sdelay $0x3  }
0x92: {  	_ =	strace s17  }
0x93: {  	s2 =	sld [smem:$0x3FFC];
	_ =	sdelay $0x3  }
0x94: {  	_ =	strace s2  }
0x95: {  	s2 =	sld [smem:$0x3FFD];
	_ =	sdelay $0x3  }
0x96: {  	_ =	strace s2  }
0x97: {  	_ =	strace $0x8FFFFFFF  }
0x98: {  	s18 =	sld [smem:$0x3FDB];
	_ =	sdelay $0x1  }
0x99: {  	s19 =	simm.s32 $_scs_section_size  }
0x9a: {  	s4 =	simm.s32 $_size__tile_overlayer_lowered;
	s5 =	simm.s32 $_tile_overlayer_lowered  }
0x9b: {  	s22 =	simm.s32 $0x1BFF;
	s21 =	sshll.u32 s5, $0x1;
	s2 =	sadd.s32 s19, s18  }
0x9c: {  	s6 =	simm.s32 $0x0;
	s20 =	sshll.u32 s4, $0x1;
	s4 =	sadd.s32 s21, s2  }
0x9d: {  	[timem:s6], [sflag:s22] =	dma.local [hbm:s4], s20  }
0x9e: {  	_ =	swait.ge [sflag:s22], s20  }
0x9f: {  	s3 =	ssub.s32 $0x0, s20;
	[sflag:s22] =	ssyncset.done $0x0  }
0xa0: {  	[sflag:s22] =	ssyncadd.s32 s3;
	_ =	sdelay $0x1  }
0xa1: {  	s23 =	simm.s32 $0x1B8B  }
0xa2: {  	_ =	swait.ge [sflag:s23], $0x1  }
0xa3: {  	[sflag:s23] =	ssyncset.done $0x0  }
0xa4: {  	s25 =	simm.s32 $0x1B8E;
	s24 =	sld [smem:$0x3FFE];
	[sflag:s23] =	ssyncadd.s32 $0xFFFFFFFF  }
0xa5: {  	s26 =	simm.s32 $execute0_lowered;
	[smem:$0x3FD2] =	sst s25  }
0xa6: {  	s4 =	sshll.u32 s26, $0x1;
	_ =	strace $0x80000055;
	[dreg:$0x1] =	wrdreg $0xFFFFFFFF  }
0xa7: {  	s28 =	simm.s32 $_size_execute0_lowered;
	s2 =	sadd.s32 s2, s4;
	[dreg:$0x0] =	wrdreg $0x0  }
0xa8: {  	s4 =	sshll.u32 s28, $0x1;
	[dreg:$0x2] =	wrdreg s2  }
0xa9: {  	[dreg:$0x3] =	wrdreg s4  }
0xaa: {  	[dreg:$0x4] =	wrdreg $0xC0  }
0xab: {  	_ =	task [dreg:s6], $0x5FFFF  }
0xac: {  	[dreg:$0x1] =	wrdreg $0xFFFFFFFF  }
0xad: {  	[dreg:$0x0] =	wrdreg $0x60  }
0xae: {  	[dreg:$0x2] =	wrdreg s24  }
0xaf: {  	[dreg:$0x3] =	wrdreg $0x9  }
0xb0: {  	_ =	task.clear_ibuf [dreg:s6], $0x4FFFF;
	_ =	strace $0x90000055  }
0xb1: {  	s29 =	simm.s32 $0x9;
	_ =	strace $0x80000057  }
0xb2: {  	_ =	swait.ge [sflag:s29], $0x1  }
0xb3: {  	[sflag:s29] =	ssyncadd.s32 $0xFFFFFFFF  }
0xb4: {  	_ =	strace $0x90000057  }
0xb5: {  	_ =	sfence  }
0xb6: {  	s30 =	sld [smem:$0x0];
	_ =	sdelay $0x2  }
0xb7: {  	s31 =	sshll.u32 s1, $0xD;
	s1 =	sshrl.u32 s1, $0x2  }
0xb8: {  	s3 =	sand.u32 $0x4000, s31;
	s1 =	sadd.s32 s1, s30  }
0xb9: {  	s0 =	sor.u32 s3, s0;
	s1 =	sshll.u32 s1, $0x11  }
0xba: {  	s0 =	sor.u32 s1, s0  }
0xbb: {  	s0 =	sadd.s32 $0x8F2B, s0  }
0xbc: {  	[sflag:s0] =	ssyncadd.remote.s32 $0x1  }
0xbd: {  	_ =	sfence.sel $0xFFFF  }
0xbe: {  	[dreg:$0x0] =	wrdreg $0xFFFFFFFF;
	(pc) =	sbr.abs _section_cstart, $3  }
0xbf: {  	[dreg:$0x1] =	wrdreg $0xFFFFFFFF  }
0xc0: {  	_ =	task.clear_ibuf [dreg:s6], $0x2FFFF;
	_ =	strace $0x9FFFFFFF  }
0xc1: {  	(tm) =	ssettm $0x7FFFFFFF  }
tec
execute0_lowered:
.L_overlay_start_1:
0x0: {  	(tag) =	ssettag $0x1  }
0x1: {  	s1 =	srdreg.scid  }
0x2: {  	s0 =	stileid.u32;
	s4 =	rddreg [dreg:$0x0]  }
0x3: {  	s2 =	simm.s32 $0x0;
	s10 =	simm.s32 $0xA500;
	s11 =	simm.s32 $0xD500  }
0x4: {  	s13 =	simm.s32 $0xA000;
	s3 =	sand.u32 $0x1, s1;
	s31 =	sshll.u32 s0, $0x1  }
0x5: {  	s14 =	simm.s32 $0x0;
	s1 =	rddreg [dreg:$0x1];
	s5 =	sor.u32 s3, s31  }
0x6: {  	[smem:$0x7FF] =	sst s2;
	s8 =	ssub.s32 $0x2, s3;
	s6 =	smul.u32 $0x600, s5  }
0x7: {  	_ =	strace $0x80000056;
	s7 =	smul.u32 $0xA0, s5;
	s9 =	sshrl.u32 s8, $0x1  }
0x8: {  	s3 =	sadd.s32 $0x12200, s4;
	s12 =	smul.u32 $0xFFFFFEC0, s5;
	s8 =	ssub.s32 s8, s9  }
0x9: {  	s9 =	simm.s32 $0x1;
	s6 =	sadd.s32 s6, s4;
	s7 =	sadd.s32 s7, s4  }
0xa: {  	s8 =	smax.u32 s8, $0x1;
	v0 =	vmov s12;
	s12 =	simm.s32 $0x10500;
	s4 =	sadd.s32 $0x25E00, s6  }
0xb: {  	v1 =	vimm.f32 $0.0e+00;
	s5 =	sadd.s32 $0x31E00, s6;
	s6 =	sadd.s32 $0x6200, s6;
	s7 =	sadd.s32 $0x13600, s7  }
.LBB2_1:
0xc: {  	[tilespmem:s2], [sflag:$0x1] =	stream.linear.gather [hbm4b:s3+s2], $0xA000, $0x38;
	[tilespmem:$0x13500] =	vst v63  }
0xd: {  	_ =	swait.ge [sflag:s9], $0xA000  }
0xe: {  	[sflag:s9] =	ssyncset.done $0x0  }
0xf: {  	[sflag:s9] =	ssyncadd.s32 $0xFFFF6000  }
0x10: {  	[tilespmem:s10], [sflag:$0x1] =	stream.linear.gather [hbm4b:s4+s2], $0x3000, $0x38;
	[tilespmem:$0x13500] =	vst v63  }
0x11: {  	_ =	swait.ge [sflag:s9], $0x3000  }
0x12: {  	[sflag:s9] =	ssyncset.done $0x0  }
0x13: {  	[sflag:s9] =	ssyncadd.s32 $0xFFFFD000  }
0x14: {  	[tilespmem:s11], [sflag:$0x1] =	stream.linear.gather [hbm4b:s5+s2], $0x3000, $0x38;
	[tilespmem:$0x13500] =	vst v63  }
0x15: {  	_ =	swait.ge [sflag:s9], $0x3000  }
0x16: {  	[sflag:s9] =	ssyncset.done $0x0  }
0x17: {  	[sflag:s9] =	ssyncadd.s32 $0xFFFFD000  }
0x18: {  	[tilespmem:s12], [sflag:$0x1] =	stream.linear.gather [hbm4b:s6+s2], $0x3000, $0x38;
	[tilespmem:$0x13500] =	vst v63  }
0x19: {  	_ =	swait.ge [sflag:s9], $0x3000  }
0x1a: {  	[sflag:s9] =	ssyncset.done $0x0  }
0x1b: {  	s15 =	simm.s32 $0x0;
	[sflag:s9] =	ssyncadd.s32 $0xFFFFD000  }
.LBB2_2:
0x1c: {  	p0 =	sne.s32 s15, $0x13C0  }
.Ltmp0:
0x1d: {  	_ = 	snop;
	(pc) =	sbr.rel @p0 .LBB2_2-.Ltmp0, $3  }
0x1e: {  	_ =	sdelay $0x1  }
0x1f: {  	s16 =	sshra.s32 s15, $0x2  }
0x20: {  	s15 =	sadd.s32 $0x40, s15;
	[tilespmem:s16+$0xA000] =	vst v1  }
0x21: {  	s16 =	simm.s32 $0x0;
	s15 =	simm.s32 $0x40  }
.LBB2_4:
0x22: {  	p0 =	sne.s32 s15, $0xBFC0;
	v2 =	vld [tilespmem:s16+$0xA500]  }
0x23: {  	v3 =	vld [tilespmem:s16+$0xD500]  }
0x24: {  	v4 =	vld [tilespmem:s16+$0x10500];
	_ =	sdelay $0x2  }
0x25: {  	v2 =	vshll.u32 v2, $0x2;
	_ =	sdelay $0x3  }
0x26: {  	v3 =	vadd.s32 v0, v3  }
0x27: {  	vm0 =	vgt.s32 v3, $0x0;
	v5 =	vld.idx.msk [tilespmem:v2+s2+$0x0], $0xffff  }
0x28: {  	v3 =	vnsel vm0, $0x0, v3  }
0x29: {  	v3 =	vmin.u32 v3, $0x13F  }
0x2a: {  	v3 =	vshll.u32 v3, $0x2  }
0x2b: {  	v6 =	vor.u32 $0x1, v2;
	_ =	sdelay $0x1  }
0x2c: {  	v5 =	vmul.f32 v5, v4;
	_ =	sdelay $0x1  }
0x2d: {  	[tilespmem:v3+s13+$0x0] =	vst.idx.add.f32.msk $0xffff, v5  }
0x2e: {  	v5 =	vld.idx.msk [tilespmem:v6+s2+$0x0], $0xffff;
	_ =	sdelay $0x2  }
0x2f: {  	v6 =	vor.u32 $0x1, v3  }
0x30: {  	v7 =	vor.u32 $0x2, v2;
	_ =	sdelay $0x1  }
0x31: {  	v5 =	vmul.f32 v5, v4;
	_ =	sdelay $0x1  }
0x32: {  	[tilespmem:v6+s13+$0x0] =	vst.idx.add.f32.msk $0xffff, v5  }
0x33: {  	v5 =	vld.idx.msk [tilespmem:v7+s2+$0x0], $0xffff;
	_ =	sdelay $0x2  }
0x34: {  	v6 =	vor.u32 $0x2, v3  }
0x35: {  	v2 =	vor.u32 $0x3, v2;
	_ =	sdelay $0x1  }
0x36: {  	v5 =	vmul.f32 v5, v4;
	_ =	sdelay $0x1  }
0x37: {  	[tilespmem:v6+s13+$0x0] =	vst.idx.add.f32.msk $0xffff, v5  }
0x38: {  	v2 =	vld.idx.msk [tilespmem:v2+s2+$0x0], $0xffff;
	_ =	sdelay $0x2  }
0x39: {  	v3 =	vor.u32 $0x3, v3  }
.Ltmp1:
0x3a: {  	(pc) =	sbr.rel @p0 .LBB2_4-.Ltmp1, $3  }
0x3b: {  	_ = 	snop  }
0x3c: {  	v2 =	vmul.f32 v2, v4;
	_ =	sdelay $0x1  }
0x3d: {  	s16 =	sshra.s32 s15, $0x2;
	s15 =	sadd.s32 $0x40, s15;
	[tilespmem:v3+s13+$0x0] =	vst.idx.add.f32.msk $0xffff, v2  }
0x3e: {  	v2 =	vld [tilespmem:s16+$0xA500];
	_ =	sdelay $0x2  }
0x3f: {  	v3 =	vld [tilespmem:s16+$0xD500];
	_ =	sdelay $0x1  }
0x40: {  	v2 =	vshll.u32 v2, $0x2;
	_ =	sdelay $0x2  }
0x41: {  	v3 =	vadd.s32 v0, v3  }
0x42: {  	v4 =	vld [tilespmem:s16+$0x10500];
	vm0 =	vgt.s32 v3, $0x0  }
0x43: {  	v3 =	vnsel vm0, $0x0, v3;
	v5 =	vld.idx.msk [tilespmem:v2+s2+$0x0], $0xffff  }
0x44: {  	v3 =	vmin.u32 v3, $0x13F  }
0x45: {  	v3 =	vshll.u32 v3, $0x2  }
0x46: {  	v6 =	vor.u32 $0x1, v2;
	_ =	sdelay $0x1  }
0x47: {  	v5 =	vmul.f32 v5, v4;
	_ =	sdelay $0x1  }
0x48: {  	[tilespmem:v3+s13+$0x0] =	vst.idx.add.f32.msk $0xffff, v5  }
0x49: {  	v5 =	vld.idx.msk [tilespmem:v6+s2+$0x0], $0xffff;
	_ =	sdelay $0x1  }
0x4a: {  	v62 =	vor.u32 $0x1, v3  }
0x4b: {  	v7 =	vor.u32 $0x2, v2;
	_ =	sdelay $0x1  }
0x4c: {  	v5 =	vmul.f32 v5, v4;
	_ =	sdelay $0x1  }
0x4d: {  	[tilespmem:v62+s13+$0x0] =	vst.idx.add.f32.msk $0xffff, v5  }
0x4e: {  	v5 =	vld.idx.msk [tilespmem:v7+s2+$0x0], $0xffff;
	_ =	sdelay $0x1  }
0x4f: {  	v63 =	vor.u32 $0x2, v3  }
0x50: {  	v2 =	vor.u32 $0x3, v2;
	_ =	sdelay $0x1  }
0x51: {  	v5 =	vmul.f32 v5, v4;
	_ =	sdelay $0x1  }
0x52: {  	[tilespmem:v63+s13+$0x0] =	vst.idx.add.f32.msk $0xffff, v5  }
0x53: {  	v2 =	vld.idx.msk [tilespmem:v2+s2+$0x0], $0xffff;
	_ =	sdelay $0x1  }
0x54: {  	v3 =	vor.u32 $0x3, v3;
	_ =	sdelay $0x2  }
0x55: {  	s14 =	sadd.s32 $0x1, s14;
	v2 =	vmul.f32 v2, v4  }
0x56: {  	p0 =	sne.s32 s14, s8  }
.Ltmp2:
0x57: {  	[tilespmem:v3+s13+$0x0] =	vst.idx.add.f32.msk $0xffff, v2;
	(pc) =	sbr.rel @p0 .LBB2_1-.Ltmp2, $4  }
0x58: {  	[hbm4b:s7+s2] =	stream.linear.scatter [tilespmem:s13], [sflag:$0x1], $0x500, $0x38;
	[tilespmem:$0x13500] =	vst v63  }
0x59: {  	_ =	swait.ge [sflag:s9], $0x500  }
0x5a: {  	[sflag:s9] =	ssyncset.done $0x0  }
0x5b: {  	[sflag:s9] =	ssyncadd.s32 $0xFFFFFB00  }
0x5c: {  	_ =	sfence.sel $0x180000  }
0x5d: {  	[bflag:$0x0] =	sbarrier.arrive $0xFFFF  }
0x5e: {  	p0 =	sne.s32 s0, $0x0;
	_ =	strace $0x90000056  }
0x5f: {  	s0 =	sadd.s32 @!p0 $0x100000, s1;
	[bflag:$0x2] =	sbarrier.arrive $0xFFFF  }
0x60: {  	[sflag:s0] =	ssyncadd.tile.s32 @!p0 $0x1;
	_ =	shalt  }
.Lfunc_end2:
_tile_overlayer_lowered:
.L_overlay_start_2:
0x61: {  	(tag) =	ssettag $0x2  }
0x62: {  	s0 =	rddreg [dreg:$0x0];
	s2 =	stileid.u32  }
0x63: {  	s1 =	rddreg [dreg:$0x1];
	p0 =	sne.s32 s2, $0x0  }
0x64: {  	s3 =	rddreg [dreg:$0x2];
	[bflag:$0x3] =	sbarrier.arrive $0xFFFF;
	s2 =	simm.s32 @!p0 $0x1C01  }
0x65: {  	[timem:s3], [sflag:s2] =	dma.local @!p0 [hbm:s0], s1  }
0x66: {  	s0 =	simm.s32 @!p0 $0x1  }
0x67: {  	_ =	swait.ge @!p0 [sflag:s0], s1  }
0x68: {  	s1 =	ssub.s32 @!p0 $0x0, s1;
	[sflag:s0] =	ssyncset.done @!p0 $0x0  }
0x69: {  	[sflag:s0] =	ssyncadd.s32 @!p0 s1  }
0x6a: {  	[bflag:$0x3] =	sbarrier.arrive $0xFFFF  }
0x6b: {  	_ =	shalt  }

// kernel: kernel.33.cloned.1.call-start
scs
__scs_entry_jumppad:
0x0: {  	(pc) =	sbr.rel $0x88, $3  }
0x1: {  	(tag) =	ssettag $0x0;
	lr =	simm.s32 $0x1  }
0x2: {  	[smem:$0x3F95] =	sst lr;
	_ =	strace $0xD0000000  }
0x3: {  	_ = 	snop  }
0x4: {  	_ = 	snop  }
0x5: {  	_ = 	snop  }
0x6: {  	_ = 	snop  }
0x7: {  	_ = 	snop  }
__scs_overlays_trampoline_lowered:
0x8: {  	[smem:$0x3FA4] =	sst s0  }
0x9: {  	[smem:$0x3FA5] =	sst s1  }
0xa: {  	[smem:$0x3FA6] =	sst s2  }
0xb: {  	[smem:$0x3FA7] =	sst s3  }
0xc: {  	[smem:$0x3FA8] =	sst s4  }
0xd: {  	[smem:$0x3FA9] =	sst s5  }
0xe: {  	[smem:$0x3FAA] =	sst s6  }
0xf: {  	[smem:$0x3FAB] =	sst s7  }
0x10: {  	[smem:$0x3FAC] =	sst s8  }
0x11: {  	[smem:$0x3FAD] =	sst s9;
	s0 =	simm.s32 @!p0 $0x0  }
0x12: {  	s1 =	sld [smem:$0x3F93];
	s0 =	simm.s32 @p0 $0x1  }
0x13: {  	[smem:$0x3FAE] =	sst s0;
	s0 =	simm.s32 @!p1 $0x0  }
0x14: {  	s2 =	sld [smem:$0x3F92];
	s0 =	simm.s32 @p1 $0x1  }
0x15: {  	[smem:$0x3FAF] =	sst s0;
	s0 =	simm.s32 @!p2 $0x0  }
0x16: {  	s3 =	sld [smem:$0x3FDB];
	s0 =	simm.s32 @p2 $0x1  }
0x17: {  	s4 =	simm.s32 $0x1BF5;
	[smem:$0x3FB1] =	sst s0  }
0x18: {  	s0 =	sld [smem:$0x3F94];
	_ =	swait.ge [sflag:s4], $0x0  }
0x19: {  	s7 =	sld [smem:$0x3F95]  }
0x1a: {  	s8 =	sadd.s32 $0xFFFFE003, lr  }
0x1b: {  	s9 =	sadd.s32 $0xFFFFFEF7, lr;
	s5 =	simm.s32 $0xFFFFFFFF;
	p2 =	slt.u32 s8, $0xFFFFF086  }
0x1c: {  	p1 =	slt.u32 s9, $0xF7A;
	s5 =	simm.s32 @!p2 $0x0  }
0x1d: {  	s5 =	simm.s32 @p1 $0x1;
	p0 =	seq.s32 s7, s2  }
0x1e: {  	s7 =	smul.u32 @!p0 $0xF7A, s2;
	p2 =	seq.s32 @!p0 s5, $0x0  }
0x1f: {  	s9 =	smul.u32 $0xF7A, s1;
	s8 =	simm.s32 @!p0 $0x1BF5;
	p2 =	por !p2, p0  }
0x20: {  	[sflag:s8] =	ssyncset.s32 @!p0 $0xFFFFF086;
	s6 =	sadd.s32 @!p0 s3, s7;
	s7 =	simm.s32 @!p0 $0x108  }
0x21: {  	s3 =	sadd.s32 s3, s9;
	s6 =	sadd.s32 @!p0 $0x88, s6;
	s7 =	simm.s32 @p2 $0x1082  }
0x22: {  	[simem:s7], [sflag:s8] =	dma.local @!p0 [hbm:s6], $0xF7A  }
0x23: {  	s9 =	sor.u32 $0xD0000000, s2;
	s6 =	simm.s32 $0x108;
	_ =	swait.ge @!p0 [sflag:s8], $0x0  }
0x24: {  	s3 =	sadd.s32 $0x88, s3;
	s6 =	simm.s32 @!p1 $0x1082;
	[sflag:s4] =	ssyncset.s32 $0xFFFFF086  }
0x25: {  	[simem:s6], [sflag:s4] =	dma.local [hbm:s3], $0xF7A  }
0x26: {  	[smem:$0x3F95] =	sst s1;
	(tag) =	ssettag s2;
	_ =	strace s9  }
0x27: {  	s1 =	sld [smem:$0x3FA5]  }
0x28: {  	s2 =	sld [smem:$0x3FA6]  }
0x29: {  	s4 =	sld [smem:$0x3FA8]  }
0x2a: {  	p0 =	seq.s32 s5, $0x0;
	s5 =	sld [smem:$0x3FA9]  }
0x2b: {  	s6 =	sld [smem:$0x3FAA]  }
0x2c: {  	s7 =	sld [smem:$0x3FAB]  }
0x2d: {  	s3 =	simm.s32 $0x108;
	s8 =	sld [smem:$0x3FAC]  }
0x2e: {  	s3 =	simm.s32 @!p0 $0x1082;
	s9 =	sld [smem:$0x3FAD]  }
0x2f: {  	lr =	sadd.s32 s0, s3;
	s0 =	sld [smem:$0x3FA4]  }
0x30: {  	s3 =	sld [smem:$0x3FA7]  }
0x31: {  	[smem:$0x3FB0] =	sst s10  }
0x32: {  	s10 =	sld [smem:$0x3FAE];
	_ =	sdelay $0x3  }
0x33: {  	p0 =	seq.s32 s10, $0x1;
	s10 =	sld [smem:$0x3FB0];
	_ =	sdelay $0x3  }
0x34: {  	[smem:$0x3FB0] =	sst s10  }
0x35: {  	s10 =	sld [smem:$0x3FAF];
	_ =	sdelay $0x3  }
0x36: {  	p1 =	seq.s32 s10, $0x1;
	s10 =	sld [smem:$0x3FB0];
	_ =	sdelay $0x3  }
0x37: {  	[smem:$0x3FB0] =	sst s10  }
0x38: {  	s10 =	sld [smem:$0x3FB1]  }
0x39: {  	_ = 	snop;
	(pc) =	sbr.ind lr, $3  }
0x3a: {  	_ = 	snop  }
0x3b: {  	_ = 	snop  }
0x3c: {  	p2 =	seq.s32 s10, $0x1;
	s10 =	sld [smem:$0x3FB0]  }
0x3d: {  	_ =	shalt  }
0x3e: {  	_ =	shalt  }
0x3f: {  	_ =	shalt  }
0x40: {  	_ =	shalt  }
0x41: {  	_ =	shalt  }
0x42: {  	_ =	shalt  }
0x43: {  	_ =	shalt  }
0x44: {  	_ =	shalt  }
0x45: {  	_ =	shalt  }
0x46: {  	_ =	shalt  }
0x47: {  	_ =	shalt  }
0x48: {  	_ =	shalt  }
0x49: {  	_ =	shalt  }
0x4a: {  	_ =	shalt  }
0x4b: {  	_ =	shalt  }
0x4c: {  	_ =	shalt  }
0x4d: {  	_ =	shalt  }
0x4e: {  	_ =	shalt  }
0x4f: {  	_ =	shalt  }
0x50: {  	_ =	shalt  }
0x51: {  	_ =	shalt  }
0x52: {  	_ =	shalt  }
0x53: {  	_ =	shalt  }
0x54: {  	_ =	shalt  }
0x55: {  	_ =	shalt  }
0x56: {  	_ =	shalt  }
0x57: {  	_ =	shalt  }
0x58: {  	_ =	shalt  }
0x59: {  	_ =	shalt  }
0x5a: {  	_ =	shalt  }
0x5b: {  	_ =	shalt  }
0x5c: {  	_ =	shalt  }
0x5d: {  	_ =	shalt  }
0x5e: {  	_ =	shalt  }
0x5f: {  	_ =	shalt  }
0x60: {  	_ =	shalt  }
0x61: {  	_ =	shalt  }
0x62: {  	_ =	shalt  }
0x63: {  	_ =	shalt  }
0x64: {  	_ =	shalt  }
0x65: {  	_ =	shalt  }
0x66: {  	_ =	shalt  }
0x67: {  	_ =	shalt  }
0x68: {  	_ =	shalt  }
0x69: {  	_ =	shalt  }
0x6a: {  	_ =	shalt  }
0x6b: {  	_ =	shalt  }
0x6c: {  	_ =	shalt  }
0x6d: {  	_ =	shalt  }
0x6e: {  	_ =	shalt  }
0x6f: {  	_ =	shalt  }
0x70: {  	_ =	shalt  }
0x71: {  	_ =	shalt  }
0x72: {  	_ =	shalt  }
0x73: {  	_ =	shalt  }
0x74: {  	_ =	shalt  }
0x75: {  	_ =	shalt  }
0x76: {  	_ =	shalt  }
0x77: {  	_ =	shalt  }
0x78: {  	_ =	shalt  }
0x79: {  	_ =	shalt  }
0x7a: {  	_ =	shalt  }
0x7b: {  	_ =	shalt  }
0x7c: {  	_ =	shalt  }
0x7d: {  	_ =	shalt  }
0x7e: {  	_ =	shalt  }
0x7f: {  	_ =	shalt  }
0x80: {  	_ =	shalt  }
0x81: {  	_ =	shalt  }
0x82: {  	_ =	shalt  }
0x83: {  	_ =	shalt  }
0x84: {  	_ =	shalt  }
0x85: {  	_ =	shalt  }
0x86: {  	_ =	shalt  }
0x87: {  	_ =	shalt  }
.Lfunc_end0:
.L_simem_size_0:
called_computation.6_lowered:
.L_overlay_start_0:
0x88: {  	s2 =	sld [smem:$0x3FD9]  }
0x89: {  	s3 =	sld [smem:$0x3FFE];
	_ =	sdelay $0x1  }
0x8a: {  	s1 =	srdreg.scid  }
0x8b: {  	s0 =	sand.u32 $0x1, s1  }
0x8c: {  	s16 =	sshll.u32 s0, $0xA;
	s2 =	sadd.s32 s3, s2  }
0x8d: {  	s2 =	sadd.s32 s2, s16  }
0x8e: {  	[smem:$0x3FBC] =	sst s2  }
0x8f: {  	_ = 	snop  }
0x90: {  	(tm) =	ssettm $0x1  }
0x91: {  	s17 =	sld [smem:$0x3FFB];
	_ =	sdelay $0x3  }
0x92: {  	_ =	strace s17  }
0x93: {  	s2 =	sld [smem:$0x3FFC];
	_ =	sdelay $0x3  }
0x94: {  	_ =	strace s2  }
0x95: {  	s2 =	sld [smem:$0x3FFD];
	_ =	sdelay $0x3  }
0x96: {  	_ =	strace s2  }
0x97: {  	_ =	strace $0x8FFFFFFF  }
0x98: {  	s18 =	sld [smem:$0x3FDB];
	_ =	sdelay $0x1  }
0x99: {  	s19 =	simm.s32 $_scs_section_size  }
0x9a: {  	s4 =	simm.s32 $_size__tile_overlayer_lowered;
	s5 =	simm.s32 $_tile_overlayer_lowered  }
0x9b: {  	s22 =	simm.s32 $0x1BFF;
	s21 =	sshll.u32 s5, $0x1;
	s2 =	sadd.s32 s19, s18  }
0x9c: {  	s6 =	simm.s32 $0x0;
	s20 =	sshll.u32 s4, $0x1;
	s4 =	sadd.s32 s21, s2  }
0x9d: {  	[timem:s6], [sflag:s22] =	dma.local [hbm:s4], s20  }
0x9e: {  	_ =	swait.ge [sflag:s22], s20  }
0x9f: {  	s3 =	ssub.s32 $0x0, s20;
	[sflag:s22] =	ssyncset.done $0x0  }
0xa0: {  	[sflag:s22] =	ssyncadd.s32 s3;
	_ =	sdelay $0x1  }
0xa1: {  	s23 =	simm.s32 $0x1B8B  }
0xa2: {  	_ =	swait.ge [sflag:s23], $0x1  }
0xa3: {  	[sflag:s23] =	ssyncset.done $0x0  }
0xa4: {  	s25 =	simm.s32 $0x1B8E;
	s24 =	sld [smem:$0x3FFE];
	[sflag:s23] =	ssyncadd.s32 $0xFFFFFFFF  }
0xa5: {  	s26 =	simm.s32 $execute0_lowered;
	[smem:$0x3FD2] =	sst s25  }
0xa6: {  	s4 =	sshll.u32 s26, $0x1;
	_ =	strace $0x80000058;
	[dreg:$0x1] =	wrdreg $0xFFFFFFFF  }
0xa7: {  	s28 =	simm.s32 $_size_execute0_lowered;
	s2 =	sadd.s32 s2, s4;
	[dreg:$0x0] =	wrdreg $0x0  }
0xa8: {  	s4 =	sshll.u32 s28, $0x1;
	[dreg:$0x2] =	wrdreg s2  }
0xa9: {  	[dreg:$0x3] =	wrdreg s4  }
0xaa: {  	[dreg:$0x4] =	wrdreg $0xC0  }
0xab: {  	_ =	task [dreg:s6], $0x5FFFF  }
0xac: {  	[dreg:$0x1] =	wrdreg $0xFFFFFFFF  }
0xad: {  	[dreg:$0x0] =	wrdreg $0x60  }
0xae: {  	[dreg:$0x2] =	wrdreg s24  }
0xaf: {  	[dreg:$0x3] =	wrdreg $0x9  }
0xb0: {  	_ =	task.clear_ibuf [dreg:s6], $0x4FFFF;
	_ =	strace $0x90000058  }
0xb1: {  	s29 =	simm.s32 $0x9;
	_ =	strace $0x8000005A  }
0xb2: {  	_ =	swait.ge [sflag:s29], $0x1  }
0xb3: {  	[sflag:s29] =	ssyncadd.s32 $0xFFFFFFFF  }
0xb4: {  	_ =	strace $0x9000005A  }
0xb5: {  	_ =	sfence  }
0xb6: {  	s30 =	sld [smem:$0x0];
	_ =	sdelay $0x2  }
0xb7: {  	s31 =	sshll.u32 s1, $0xD;
	s1 =	sshrl.u32 s1, $0x2  }
0xb8: {  	s3 =	sand.u32 $0x4000, s31;
	s1 =	sadd.s32 s1, s30  }
0xb9: {  	s0 =	sor.u32 s3, s0;
	s1 =	sshll.u32 s1, $0x11  }
0xba: {  	s0 =	sor.u32 s1, s0  }
0xbb: {  	s0 =	sadd.s32 $0x8F2B, s0  }
0xbc: {  	[sflag:s0] =	ssyncadd.remote.s32 $0x1  }
0xbd: {  	_ =	sfence.sel $0xFFFF  }
0xbe: {  	[dreg:$0x0] =	wrdreg $0xFFFFFFFF;
	(pc) =	sbr.abs _section_cstart, $3  }
0xbf: {  	[dreg:$0x1] =	wrdreg $0xFFFFFFFF  }
0xc0: {  	_ =	task.clear_ibuf [dreg:s6], $0x2FFFF;
	_ =	strace $0x9FFFFFFF  }
0xc1: {  	(tm) =	ssettm $0x7FFFFFFF  }
tec
execute0_lowered:
.L_overlay_start_1:
0x0: {  	(tag) =	ssettag $0x1  }
0x1: {  	s1 =	srdreg.scid  }
0x2: {  	s0 =	stileid.u32;
	s4 =	rddreg [dreg:$0x0]  }
0x3: {  	s2 =	simm.s32 $0x0;
	s10 =	simm.s32 $0xA500;
	s11 =	simm.s32 $0xD500  }
0x4: {  	s13 =	simm.s32 $0xA000;
	s3 =	sand.u32 $0x1, s1;
	s31 =	sshll.u32 s0, $0x1  }
0x5: {  	s14 =	simm.s32 $0x0;
	s1 =	rddreg [dreg:$0x1];
	s5 =	sor.u32 s3, s31  }
0x6: {  	[smem:$0x7FF] =	sst s2;
	s8 =	ssub.s32 $0x2, s3;
	s6 =	smul.u32 $0x600, s5  }
0x7: {  	_ =	strace $0x80000059;
	s7 =	smul.u32 $0xA0, s5;
	s9 =	sshrl.u32 s8, $0x1  }
0x8: {  	s3 =	sadd.s32 $0x13600, s4;
	s12 =	smul.u32 $0xFFFFFEC0, s5;
	s8 =	ssub.s32 s8, s9  }
0x9: {  	s9 =	simm.s32 $0x1;
	s6 =	sadd.s32 s6, s4;
	s7 =	sadd.s32 s7, s4  }
0xa: {  	s8 =	smax.u32 s8, $0x1;
	v0 =	vmov s12;
	s12 =	simm.s32 $0x10500;
	s4 =	sadd.s32 $0x25E00, s6  }
0xb: {  	v1 =	vimm.f32 $0.0e+00;
	s5 =	sadd.s32 $0x31E00, s6;
	s6 =	sadd.s32 $0x6200, s6;
	s7 =	sadd.s32 $0x12200, s7  }
.LBB2_1:
0xc: {  	[tilespmem:s2], [sflag:$0x1] =	stream.linear.gather [hbm4b:s3+s2], $0xA000, $0x38;
	[tilespmem:$0x13500] =	vst v63  }
0xd: {  	_ =	swait.ge [sflag:s9], $0xA000  }
0xe: {  	[sflag:s9] =	ssyncset.done $0x0  }
0xf: {  	[sflag:s9] =	ssyncadd.s32 $0xFFFF6000  }
0x10: {  	[tilespmem:s10], [sflag:$0x1] =	stream.linear.gather [hbm4b:s4+s2], $0x3000, $0x38;
	[tilespmem:$0x13500] =	vst v63  }
0x11: {  	_ =	swait.ge [sflag:s9], $0x3000  }
0x12: {  	[sflag:s9] =	ssyncset.done $0x0  }
0x13: {  	[sflag:s9] =	ssyncadd.s32 $0xFFFFD000  }
0x14: {  	[tilespmem:s11], [sflag:$0x1] =	stream.linear.gather [hbm4b:s5+s2], $0x3000, $0x38;
	[tilespmem:$0x13500] =	vst v63  }
0x15: {  	_ =	swait.ge [sflag:s9], $0x3000  }
0x16: {  	[sflag:s9] =	ssyncset.done $0x0  }
0x17: {  	[sflag:s9] =	ssyncadd.s32 $0xFFFFD000  }
0x18: {  	[tilespmem:s12], [sflag:$0x1] =	stream.linear.gather [hbm4b:s6+s2], $0x3000, $0x38;
	[tilespmem:$0x13500] =	vst v63  }
0x19: {  	_ =	swait.ge [sflag:s9], $0x3000  }
0x1a: {  	[sflag:s9] =	ssyncset.done $0x0  }
0x1b: {  	s15 =	simm.s32 $0x0;
	[sflag:s9] =	ssyncadd.s32 $0xFFFFD000  }
.LBB2_2:
0x1c: {  	p0 =	sne.s32 s15, $0x13C0  }
.Ltmp0:
0x1d: {  	_ = 	snop;
	(pc) =	sbr.rel @p0 .LBB2_2-.Ltmp0, $3  }
0x1e: {  	_ =	sdelay $0x1  }
0x1f: {  	s16 =	sshra.s32 s15, $0x2  }
0x20: {  	s15 =	sadd.s32 $0x40, s15;
	[tilespmem:s16+$0xA000] =	vst v1  }
0x21: {  	s16 =	simm.s32 $0x0;
	s15 =	simm.s32 $0x40  }
.LBB2_4:
0x22: {  	p0 =	sne.s32 s15, $0xBFC0;
	v2 =	vld [tilespmem:s16+$0xA500]  }
0x23: {  	v3 =	vld [tilespmem:s16+$0xD500]  }
0x24: {  	v4 =	vld [tilespmem:s16+$0x10500];
	_ =	sdelay $0x2  }
0x25: {  	v2 =	vshll.u32 v2, $0x2;
	_ =	sdelay $0x3  }
0x26: {  	v3 =	vadd.s32 v0, v3  }
0x27: {  	vm0 =	vgt.s32 v3, $0x0;
	v5 =	vld.idx.msk [tilespmem:v2+s2+$0x0], $0xffff  }
0x28: {  	v3 =	vnsel vm0, $0x0, v3  }
0x29: {  	v3 =	vmin.u32 v3, $0x13F  }
0x2a: {  	v3 =	vshll.u32 v3, $0x2  }
0x2b: {  	v6 =	vor.u32 $0x1, v2;
	_ =	sdelay $0x1  }
0x2c: {  	v5 =	vmul.f32 v5, v4;
	_ =	sdelay $0x1  }
0x2d: {  	[tilespmem:v3+s13+$0x0] =	vst.idx.add.f32.msk $0xffff, v5  }
0x2e: {  	v5 =	vld.idx.msk [tilespmem:v6+s2+$0x0], $0xffff;
	_ =	sdelay $0x2  }
0x2f: {  	v6 =	vor.u32 $0x1, v3  }
0x30: {  	v7 =	vor.u32 $0x2, v2;
	_ =	sdelay $0x1  }
0x31: {  	v5 =	vmul.f32 v5, v4;
	_ =	sdelay $0x1  }
0x32: {  	[tilespmem:v6+s13+$0x0] =	vst.idx.add.f32.msk $0xffff, v5  }
0x33: {  	v5 =	vld.idx.msk [tilespmem:v7+s2+$0x0], $0xffff;
	_ =	sdelay $0x2  }
0x34: {  	v6 =	vor.u32 $0x2, v3  }
0x35: {  	v2 =	vor.u32 $0x3, v2;
	_ =	sdelay $0x1  }
0x36: {  	v5 =	vmul.f32 v5, v4;
	_ =	sdelay $0x1  }
0x37: {  	[tilespmem:v6+s13+$0x0] =	vst.idx.add.f32.msk $0xffff, v5  }
0x38: {  	v2 =	vld.idx.msk [tilespmem:v2+s2+$0x0], $0xffff;
	_ =	sdelay $0x2  }
0x39: {  	v3 =	vor.u32 $0x3, v3  }
.Ltmp1:
0x3a: {  	(pc) =	sbr.rel @p0 .LBB2_4-.Ltmp1, $3  }
0x3b: {  	_ = 	snop  }
0x3c: {  	v2 =	vmul.f32 v2, v4;
	_ =	sdelay $0x1  }
0x3d: {  	s16 =	sshra.s32 s15, $0x2;
	s15 =	sadd.s32 $0x40, s15;
	[tilespmem:v3+s13+$0x0] =	vst.idx.add.f32.msk $0xffff, v2  }
0x3e: {  	v2 =	vld [tilespmem:s16+$0xA500];
	_ =	sdelay $0x2  }
0x3f: {  	v3 =	vld [tilespmem:s16+$0xD500];
	_ =	sdelay $0x1  }
0x40: {  	v2 =	vshll.u32 v2, $0x2;
	_ =	sdelay $0x2  }
0x41: {  	v3 =	vadd.s32 v0, v3  }
0x42: {  	v4 =	vld [tilespmem:s16+$0x10500];
	vm0 =	vgt.s32 v3, $0x0  }
0x43: {  	v3 =	vnsel vm0, $0x0, v3;
	v5 =	vld.idx.msk [tilespmem:v2+s2+$0x0], $0xffff  }
0x44: {  	v3 =	vmin.u32 v3, $0x13F  }
0x45: {  	v3 =	vshll.u32 v3, $0x2  }
0x46: {  	v6 =	vor.u32 $0x1, v2;
	_ =	sdelay $0x1  }
0x47: {  	v5 =	vmul.f32 v5, v4;
	_ =	sdelay $0x1  }
0x48: {  	[tilespmem:v3+s13+$0x0] =	vst.idx.add.f32.msk $0xffff, v5  }
0x49: {  	v5 =	vld.idx.msk [tilespmem:v6+s2+$0x0], $0xffff;
	_ =	sdelay $0x1  }
0x4a: {  	v62 =	vor.u32 $0x1, v3  }
0x4b: {  	v7 =	vor.u32 $0x2, v2;
	_ =	sdelay $0x1  }
0x4c: {  	v5 =	vmul.f32 v5, v4;
	_ =	sdelay $0x1  }
0x4d: {  	[tilespmem:v62+s13+$0x0] =	vst.idx.add.f32.msk $0xffff, v5  }
0x4e: {  	v5 =	vld.idx.msk [tilespmem:v7+s2+$0x0], $0xffff;
	_ =	sdelay $0x1  }
0x4f: {  	v63 =	vor.u32 $0x2, v3  }
0x50: {  	v2 =	vor.u32 $0x3, v2;
	_ =	sdelay $0x1  }
0x51: {  	v5 =	vmul.f32 v5, v4;
	_ =	sdelay $0x1  }
0x52: {  	[tilespmem:v63+s13+$0x0] =	vst.idx.add.f32.msk $0xffff, v5  }
0x53: {  	v2 =	vld.idx.msk [tilespmem:v2+s2+$0x0], $0xffff;
	_ =	sdelay $0x1  }
0x54: {  	v3 =	vor.u32 $0x3, v3;
	_ =	sdelay $0x2  }
0x55: {  	s14 =	sadd.s32 $0x1, s14;
	v2 =	vmul.f32 v2, v4  }
0x56: {  	p0 =	sne.s32 s14, s8  }
.Ltmp2:
0x57: {  	[tilespmem:v3+s13+$0x0] =	vst.idx.add.f32.msk $0xffff, v2;
	(pc) =	sbr.rel @p0 .LBB2_1-.Ltmp2, $4  }
0x58: {  	[hbm4b:s7+s2] =	stream.linear.scatter [tilespmem:s13], [sflag:$0x1], $0x500, $0x38;
	[tilespmem:$0x13500] =	vst v63  }
0x59: {  	_ =	swait.ge [sflag:s9], $0x500  }
0x5a: {  	[sflag:s9] =	ssyncset.done $0x0  }
0x5b: {  	[sflag:s9] =	ssyncadd.s32 $0xFFFFFB00  }
0x5c: {  	_ =	sfence.sel $0x180000  }
0x5d: {  	[bflag:$0x0] =	sbarrier.arrive $0xFFFF  }
0x5e: {  	p0 =	sne.s32 s0, $0x0;
	_ =	strace $0x90000059  }
0x5f: {  	s0 =	sadd.s32 @!p0 $0x100000, s1;
	[bflag:$0x2] =	sbarrier.arrive $0xFFFF  }
0x60: {  	[sflag:s0] =	ssyncadd.tile.s32 @!p0 $0x1;
	_ =	shalt  }
.Lfunc_end2:
_tile_overlayer_lowered:
.L_overlay_start_2:
0x61: {  	(tag) =	ssettag $0x2  }
0x62: {  	s0 =	rddreg [dreg:$0x0];
	s2 =	stileid.u32  }
0x63: {  	s1 =	rddreg [dreg:$0x1];
	p0 =	sne.s32 s2, $0x0  }
0x64: {  	s3 =	rddreg [dreg:$0x2];
	[bflag:$0x3] =	sbarrier.arrive $0xFFFF;
	s2 =	simm.s32 @!p0 $0x1C01  }
0x65: {  	[timem:s3], [sflag:s2] =	dma.local @!p0 [hbm:s0], s1  }
0x66: {  	s0 =	simm.s32 @!p0 $0x1  }
0x67: {  	_ =	swait.ge @!p0 [sflag:s0], s1  }
0x68: {  	s1 =	ssub.s32 @!p0 $0x0, s1;
	[sflag:s0] =	ssyncset.done @!p0 $0x0  }
0x69: {  	[sflag:s0] =	ssyncadd.s32 @!p0 s1  }
0x6a: {  	[bflag:$0x3] =	sbarrier.arrive $0xFFFF  }
0x6b: {  	_ =	shalt  }

// kernel: kernel.36.cloned.1.call-start
scs
__scs_entry_jumppad:
0x0: {  	(pc) =	sbr.rel $0x88, $3  }
0x1: {  	(tag) =	ssettag $0x0;
	lr =	simm.s32 $0x1  }
0x2: {  	[smem:$0x3F95] =	sst lr;
	_ =	strace $0xD0000000  }
0x3: {  	_ = 	snop  }
0x4: {  	_ = 	snop  }
0x5: {  	_ = 	snop  }
0x6: {  	_ = 	snop  }
0x7: {  	_ = 	snop  }
__scs_overlays_trampoline_lowered:
0x8: {  	[smem:$0x3FA4] =	sst s0  }
0x9: {  	[smem:$0x3FA5] =	sst s1  }
0xa: {  	[smem:$0x3FA6] =	sst s2  }
0xb: {  	[smem:$0x3FA7] =	sst s3  }
0xc: {  	[smem:$0x3FA8] =	sst s4  }
0xd: {  	[smem:$0x3FA9] =	sst s5  }
0xe: {  	[smem:$0x3FAA] =	sst s6  }
0xf: {  	[smem:$0x3FAB] =	sst s7  }
0x10: {  	[smem:$0x3FAC] =	sst s8  }
0x11: {  	[smem:$0x3FAD] =	sst s9;
	s0 =	simm.s32 @!p0 $0x0  }
0x12: {  	s1 =	sld [smem:$0x3F93];
	s0 =	simm.s32 @p0 $0x1  }
0x13: {  	[smem:$0x3FAE] =	sst s0;
	s0 =	simm.s32 @!p1 $0x0  }
0x14: {  	s2 =	sld [smem:$0x3F92];
	s0 =	simm.s32 @p1 $0x1  }
0x15: {  	[smem:$0x3FAF] =	sst s0;
	s0 =	simm.s32 @!p2 $0x0  }
0x16: {  	s3 =	sld [smem:$0x3FDB];
	s0 =	simm.s32 @p2 $0x1  }
0x17: {  	s4 =	simm.s32 $0x1BF5;
	[smem:$0x3FB1] =	sst s0  }
0x18: {  	s0 =	sld [smem:$0x3F94];
	_ =	swait.ge [sflag:s4], $0x0  }
0x19: {  	s7 =	sld [smem:$0x3F95]  }
0x1a: {  	s8 =	sadd.s32 $0xFFFFE003, lr  }
0x1b: {  	s9 =	sadd.s32 $0xFFFFFEF7, lr;
	s5 =	simm.s32 $0xFFFFFFFF;
	p2 =	slt.u32 s8, $0xFFFFF086  }
0x1c: {  	p1 =	slt.u32 s9, $0xF7A;
	s5 =	simm.s32 @!p2 $0x0  }
0x1d: {  	s5 =	simm.s32 @p1 $0x1;
	p0 =	seq.s32 s7, s2  }
0x1e: {  	s7 =	smul.u32 @!p0 $0xF7A, s2;
	p2 =	seq.s32 @!p0 s5, $0x0  }
0x1f: {  	s9 =	smul.u32 $0xF7A, s1;
	s8 =	simm.s32 @!p0 $0x1BF5;
	p2 =	por !p2, p0  }
0x20: {  	[sflag:s8] =	ssyncset.s32 @!p0 $0xFFFFF086;
	s6 =	sadd.s32 @!p0 s3, s7;
	s7 =	simm.s32 @!p0 $0x108  }
0x21: {  	s3 =	sadd.s32 s3, s9;
	s6 =	sadd.s32 @!p0 $0x88, s6;
	s7 =	simm.s32 @p2 $0x1082  }
0x22: {  	[simem:s7], [sflag:s8] =	dma.local @!p0 [hbm:s6], $0xF7A  }
0x23: {  	s9 =	sor.u32 $0xD0000000, s2;
	s6 =	simm.s32 $0x108;
	_ =	swait.ge @!p0 [sflag:s8], $0x0  }
0x24: {  	s3 =	sadd.s32 $0x88, s3;
	s6 =	simm.s32 @!p1 $0x1082;
	[sflag:s4] =	ssyncset.s32 $0xFFFFF086  }
0x25: {  	[simem:s6], [sflag:s4] =	dma.local [hbm:s3], $0xF7A  }
0x26: {  	[smem:$0x3F95] =	sst s1;
	(tag) =	ssettag s2;
	_ =	strace s9  }
0x27: {  	s1 =	sld [smem:$0x3FA5]  }
0x28: {  	s2 =	sld [smem:$0x3FA6]  }
0x29: {  	s4 =	sld [smem:$0x3FA8]  }
0x2a: {  	p0 =	seq.s32 s5, $0x0;
	s5 =	sld [smem:$0x3FA9]  }
0x2b: {  	s6 =	sld [smem:$0x3FAA]  }
0x2c: {  	s7 =	sld [smem:$0x3FAB]  }
0x2d: {  	s3 =	simm.s32 $0x108;
	s8 =	sld [smem:$0x3FAC]  }
0x2e: {  	s3 =	simm.s32 @!p0 $0x1082;
	s9 =	sld [smem:$0x3FAD]  }
0x2f: {  	lr =	sadd.s32 s0, s3;
	s0 =	sld [smem:$0x3FA4]  }
0x30: {  	s3 =	sld [smem:$0x3FA7]  }
0x31: {  	[smem:$0x3FB0] =	sst s10  }
0x32: {  	s10 =	sld [smem:$0x3FAE];
	_ =	sdelay $0x3  }
0x33: {  	p0 =	seq.s32 s10, $0x1;
	s10 =	sld [smem:$0x3FB0];
	_ =	sdelay $0x3  }
0x34: {  	[smem:$0x3FB0] =	sst s10  }
0x35: {  	s10 =	sld [smem:$0x3FAF];
	_ =	sdelay $0x3  }
0x36: {  	p1 =	seq.s32 s10, $0x1;
	s10 =	sld [smem:$0x3FB0];
	_ =	sdelay $0x3  }
0x37: {  	[smem:$0x3FB0] =	sst s10  }
0x38: {  	s10 =	sld [smem:$0x3FB1]  }
0x39: {  	_ = 	snop;
	(pc) =	sbr.ind lr, $3  }
0x3a: {  	_ = 	snop  }
0x3b: {  	_ = 	snop  }
0x3c: {  	p2 =	seq.s32 s10, $0x1;
	s10 =	sld [smem:$0x3FB0]  }
0x3d: {  	_ =	shalt  }
0x3e: {  	_ =	shalt  }
0x3f: {  	_ =	shalt  }
0x40: {  	_ =	shalt  }
0x41: {  	_ =	shalt  }
0x42: {  	_ =	shalt  }
0x43: {  	_ =	shalt  }
0x44: {  	_ =	shalt  }
0x45: {  	_ =	shalt  }
0x46: {  	_ =	shalt  }
0x47: {  	_ =	shalt  }
0x48: {  	_ =	shalt  }
0x49: {  	_ =	shalt  }
0x4a: {  	_ =	shalt  }
0x4b: {  	_ =	shalt  }
0x4c: {  	_ =	shalt  }
0x4d: {  	_ =	shalt  }
0x4e: {  	_ =	shalt  }
0x4f: {  	_ =	shalt  }
0x50: {  	_ =	shalt  }
0x51: {  	_ =	shalt  }
0x52: {  	_ =	shalt  }
0x53: {  	_ =	shalt  }
0x54: {  	_ =	shalt  }
0x55: {  	_ =	shalt  }
0x56: {  	_ =	shalt  }
0x57: {  	_ =	shalt  }
0x58: {  	_ =	shalt  }
0x59: {  	_ =	shalt  }
0x5a: {  	_ =	shalt  }
0x5b: {  	_ =	shalt  }
0x5c: {  	_ =	shalt  }
0x5d: {  	_ =	shalt  }
0x5e: {  	_ =	shalt  }
0x5f: {  	_ =	shalt  }
0x60: {  	_ =	shalt  }
0x61: {  	_ =	shalt  }
0x62: {  	_ =	shalt  }
0x63: {  	_ =	shalt  }
0x64: {  	_ =	shalt  }
0x65: {  	_ =	shalt  }
0x66: {  	_ =	shalt  }
0x67: {  	_ =	shalt  }
0x68: {  	_ =	shalt  }
0x69: {  	_ =	shalt  }
0x6a: {  	_ =	shalt  }
0x6b: {  	_ =	shalt  }
0x6c: {  	_ =	shalt  }
0x6d: {  	_ =	shalt  }
0x6e: {  	_ =	shalt  }
0x6f: {  	_ =	shalt  }
0x70: {  	_ =	shalt  }
0x71: {  	_ =	shalt  }
0x72: {  	_ =	shalt  }
0x73: {  	_ =	shalt  }
0x74: {  	_ =	shalt  }
0x75: {  	_ =	shalt  }
0x76: {  	_ =	shalt  }
0x77: {  	_ =	shalt  }
0x78: {  	_ =	shalt  }
0x79: {  	_ =	shalt  }
0x7a: {  	_ =	shalt  }
0x7b: {  	_ =	shalt  }
0x7c: {  	_ =	shalt  }
0x7d: {  	_ =	shalt  }
0x7e: {  	_ =	shalt  }
0x7f: {  	_ =	shalt  }
0x80: {  	_ =	shalt  }
0x81: {  	_ =	shalt  }
0x82: {  	_ =	shalt  }
0x83: {  	_ =	shalt  }
0x84: {  	_ =	shalt  }
0x85: {  	_ =	shalt  }
0x86: {  	_ =	shalt  }
0x87: {  	_ =	shalt  }
.Lfunc_end0:
.L_simem_size_0:
called_computation.7_lowered:
.L_overlay_start_0:
0x88: {  	s2 =	sld [smem:$0x3FD9]  }
0x89: {  	s3 =	sld [smem:$0x3FFE];
	_ =	sdelay $0x1  }
0x8a: {  	s1 =	srdreg.scid  }
0x8b: {  	s0 =	sand.u32 $0x1, s1  }
0x8c: {  	s16 =	sshll.u32 s0, $0xA;
	s2 =	sadd.s32 s3, s2  }
0x8d: {  	s2 =	sadd.s32 s2, s16  }
0x8e: {  	[smem:$0x3FBC] =	sst s2  }
0x8f: {  	_ = 	snop  }
0x90: {  	(tm) =	ssettm $0x1  }
0x91: {  	s17 =	sld [smem:$0x3FFB];
	_ =	sdelay $0x3  }
0x92: {  	_ =	strace s17  }
0x93: {  	s2 =	sld [smem:$0x3FFC];
	_ =	sdelay $0x3  }
0x94: {  	_ =	strace s2  }
0x95: {  	s2 =	sld [smem:$0x3FFD];
	_ =	sdelay $0x3  }
0x96: {  	_ =	strace s2  }
0x97: {  	_ =	strace $0x8FFFFFFF  }
0x98: {  	s18 =	sld [smem:$0x3FDB];
	_ =	sdelay $0x1  }
0x99: {  	s19 =	simm.s32 $_scs_section_size  }
0x9a: {  	s4 =	simm.s32 $_size__tile_overlayer_lowered;
	s5 =	simm.s32 $_tile_overlayer_lowered  }
0x9b: {  	s22 =	simm.s32 $0x1BFF;
	s21 =	sshll.u32 s5, $0x1;
	s2 =	sadd.s32 s19, s18  }
0x9c: {  	s6 =	simm.s32 $0x0;
	s20 =	sshll.u32 s4, $0x1;
	s4 =	sadd.s32 s21, s2  }
0x9d: {  	[timem:s6], [sflag:s22] =	dma.local [hbm:s4], s20  }
0x9e: {  	_ =	swait.ge [sflag:s22], s20  }
0x9f: {  	s3 =	ssub.s32 $0x0, s20;
	[sflag:s22] =	ssyncset.done $0x0  }
0xa0: {  	[sflag:s22] =	ssyncadd.s32 s3;
	_ =	sdelay $0x1  }
0xa1: {  	s23 =	simm.s32 $0x1B8B  }
0xa2: {  	_ =	swait.ge [sflag:s23], $0x1  }
0xa3: {  	[sflag:s23] =	ssyncset.done $0x0  }
0xa4: {  	s25 =	simm.s32 $0x1B8E;
	s24 =	sld [smem:$0x3FFE];
	[sflag:s23] =	ssyncadd.s32 $0xFFFFFFFF  }
0xa5: {  	s26 =	simm.s32 $execute0_lowered;
	[smem:$0x3FD2] =	sst s25  }
0xa6: {  	s4 =	sshll.u32 s26, $0x1;
	_ =	strace $0x8000005B;
	[dreg:$0x1] =	wrdreg $0xFFFFFFFF  }
0xa7: {  	s28 =	simm.s32 $_size_execute0_lowered;
	s2 =	sadd.s32 s2, s4;
	[dreg:$0x0] =	wrdreg $0x0  }
0xa8: {  	s4 =	sshll.u32 s28, $0x1;
	[dreg:$0x2] =	wrdreg s2  }
0xa9: {  	[dreg:$0x3] =	wrdreg s4  }
0xaa: {  	[dreg:$0x4] =	wrdreg $0xC0  }
0xab: {  	_ =	task [dreg:s6], $0x5FFFF  }
0xac: {  	[dreg:$0x1] =	wrdreg $0xFFFFFFFF  }
0xad: {  	[dreg:$0x0] =	wrdreg $0x60  }
0xae: {  	[dreg:$0x2] =	wrdreg s24  }
0xaf: {  	[dreg:$0x3] =	wrdreg $0x9  }
0xb0: {  	_ =	task.clear_ibuf [dreg:s6], $0x4FFFF;
	_ =	strace $0x9000005B  }
0xb1: {  	s29 =	simm.s32 $0x9;
	_ =	strace $0x8000005D  }
0xb2: {  	_ =	swait.ge [sflag:s29], $0x1  }
0xb3: {  	[sflag:s29] =	ssyncadd.s32 $0xFFFFFFFF  }
0xb4: {  	_ =	strace $0x9000005D  }
0xb5: {  	_ =	sfence  }
0xb6: {  	s30 =	sld [smem:$0x0];
	_ =	sdelay $0x2  }
0xb7: {  	s31 =	sshll.u32 s1, $0xD;
	s1 =	sshrl.u32 s1, $0x2  }
0xb8: {  	s3 =	sand.u32 $0x4000, s31;
	s1 =	sadd.s32 s1, s30  }
0xb9: {  	s0 =	sor.u32 s3, s0;
	s1 =	sshll.u32 s1, $0x11  }
0xba: {  	s0 =	sor.u32 s1, s0  }
0xbb: {  	s0 =	sadd.s32 $0x8F2B, s0  }
0xbc: {  	[sflag:s0] =	ssyncadd.remote.s32 $0x1  }
0xbd: {  	_ =	sfence.sel $0xFFFF  }
0xbe: {  	[dreg:$0x0] =	wrdreg $0xFFFFFFFF;
	(pc) =	sbr.abs _section_cstart, $3  }
0xbf: {  	[dreg:$0x1] =	wrdreg $0xFFFFFFFF  }
0xc0: {  	_ =	task.clear_ibuf [dreg:s6], $0x2FFFF;
	_ =	strace $0x9FFFFFFF  }
0xc1: {  	(tm) =	ssettm $0x7FFFFFFF  }
tec
execute0_lowered:
.L_overlay_start_1:
0x0: {  	(tag) =	ssettag $0x1  }
0x1: {  	s1 =	srdreg.scid  }
0x2: {  	s0 =	stileid.u32;
	s4 =	rddreg [dreg:$0x0]  }
0x3: {  	s2 =	simm.s32 $0x0;
	s10 =	simm.s32 $0xA500;
	s11 =	simm.s32 $0xD500  }
0x4: {  	s13 =	simm.s32 $0xA000;
	s3 =	sand.u32 $0x1, s1;
	s31 =	sshll.u32 s0, $0x1  }
0x5: {  	s14 =	simm.s32 $0x0;
	s1 =	rddreg [dreg:$0x1];
	s5 =	sor.u32 s3, s31  }
0x6: {  	[smem:$0x7FF] =	sst s2;
	s8 =	ssub.s32 $0x2, s3;
	s6 =	smul.u32 $0x600, s5  }
0x7: {  	_ =	strace $0x8000005C;
	s7 =	smul.u32 $0xA0, s5;
	s9 =	sshrl.u32 s8, $0x1  }
0x8: {  	s3 =	sadd.s32 $0x12200, s4;
	s12 =	smul.u32 $0xFFFFFEC0, s5;
	s8 =	ssub.s32 s8, s9  }
0x9: {  	s9 =	simm.s32 $0x1;
	s6 =	sadd.s32 s6, s4;
	s7 =	sadd.s32 s7, s4  }
0xa: {  	s8 =	smax.u32 s8, $0x1;
	v0 =	vmov s12;
	s12 =	simm.s32 $0x10500;
	s4 =	sadd.s32 $0x25E00, s6  }
0xb: {  	v1 =	vimm.f32 $0.0e+00;
	s5 =	sadd.s32 $0x31E00, s6;
	s6 =	sadd.s32 $0x6200, s6;
	s7 =	sadd.s32 $0x14A00, s7  }
.LBB2_1:
0xc: {  	[tilespmem:s2], [sflag:$0x1] =	stream.linear.gather [hbm4b:s3+s2], $0xA000, $0x38;
	[tilespmem:$0x13500] =	vst v63  }
0xd: {  	_ =	swait.ge [sflag:s9], $0xA000  }
0xe: {  	[sflag:s9] =	ssyncset.done $0x0  }
0xf: {  	[sflag:s9] =	ssyncadd.s32 $0xFFFF6000  }
0x10: {  	[tilespmem:s10], [sflag:$0x1] =	stream.linear.gather [hbm4b:s4+s2], $0x3000, $0x38;
	[tilespmem:$0x13500] =	vst v63  }
0x11: {  	_ =	swait.ge [sflag:s9], $0x3000  }
0x12: {  	[sflag:s9] =	ssyncset.done $0x0  }
0x13: {  	[sflag:s9] =	ssyncadd.s32 $0xFFFFD000  }
0x14: {  	[tilespmem:s11], [sflag:$0x1] =	stream.linear.gather [hbm4b:s5+s2], $0x3000, $0x38;
	[tilespmem:$0x13500] =	vst v63  }
0x15: {  	_ =	swait.ge [sflag:s9], $0x3000  }
0x16: {  	[sflag:s9] =	ssyncset.done $0x0  }
0x17: {  	[sflag:s9] =	ssyncadd.s32 $0xFFFFD000  }
0x18: {  	[tilespmem:s12], [sflag:$0x1] =	stream.linear.gather [hbm4b:s6+s2], $0x3000, $0x38;
	[tilespmem:$0x13500] =	vst v63  }
0x19: {  	_ =	swait.ge [sflag:s9], $0x3000  }
0x1a: {  	[sflag:s9] =	ssyncset.done $0x0  }
0x1b: {  	s15 =	simm.s32 $0x0;
	[sflag:s9] =	ssyncadd.s32 $0xFFFFD000  }
.LBB2_2:
0x1c: {  	p0 =	sne.s32 s15, $0x13C0  }
.Ltmp0:
0x1d: {  	_ = 	snop;
	(pc) =	sbr.rel @p0 .LBB2_2-.Ltmp0, $3  }
0x1e: {  	_ =	sdelay $0x1  }
0x1f: {  	s16 =	sshra.s32 s15, $0x2  }
0x20: {  	s15 =	sadd.s32 $0x40, s15;
	[tilespmem:s16+$0xA000] =	vst v1  }
0x21: {  	s16 =	simm.s32 $0x0;
	s15 =	simm.s32 $0x40  }
.LBB2_4:
0x22: {  	p0 =	sne.s32 s15, $0xBFC0;
	v2 =	vld [tilespmem:s16+$0xA500]  }
0x23: {  	v3 =	vld [tilespmem:s16+$0xD500]  }
0x24: {  	v4 =	vld [tilespmem:s16+$0x10500];
	_ =	sdelay $0x2  }
0x25: {  	v2 =	vshll.u32 v2, $0x2;
	_ =	sdelay $0x3  }
0x26: {  	v3 =	vadd.s32 v0, v3  }
0x27: {  	vm0 =	vgt.s32 v3, $0x0;
	v5 =	vld.idx.msk [tilespmem:v2+s2+$0x0], $0xffff  }
0x28: {  	v3 =	vnsel vm0, $0x0, v3  }
0x29: {  	v3 =	vmin.u32 v3, $0x13F  }
0x2a: {  	v3 =	vshll.u32 v3, $0x2  }
0x2b: {  	v6 =	vor.u32 $0x1, v2;
	_ =	sdelay $0x1  }
0x2c: {  	v5 =	vmul.f32 v5, v4;
	_ =	sdelay $0x1  }
0x2d: {  	[tilespmem:v3+s13+$0x0] =	vst.idx.add.f32.msk $0xffff, v5  }
0x2e: {  	v5 =	vld.idx.msk [tilespmem:v6+s2+$0x0], $0xffff;
	_ =	sdelay $0x2  }
0x2f: {  	v6 =	vor.u32 $0x1, v3  }
0x30: {  	v7 =	vor.u32 $0x2, v2;
	_ =	sdelay $0x1  }
0x31: {  	v5 =	vmul.f32 v5, v4;
	_ =	sdelay $0x1  }
0x32: {  	[tilespmem:v6+s13+$0x0] =	vst.idx.add.f32.msk $0xffff, v5  }
0x33: {  	v5 =	vld.idx.msk [tilespmem:v7+s2+$0x0], $0xffff;
	_ =	sdelay $0x2  }
0x34: {  	v6 =	vor.u32 $0x2, v3  }
0x35: {  	v2 =	vor.u32 $0x3, v2;
	_ =	sdelay $0x1  }
0x36: {  	v5 =	vmul.f32 v5, v4;
	_ =	sdelay $0x1  }
0x37: {  	[tilespmem:v6+s13+$0x0] =	vst.idx.add.f32.msk $0xffff, v5  }
0x38: {  	v2 =	vld.idx.msk [tilespmem:v2+s2+$0x0], $0xffff;
	_ =	sdelay $0x2  }
0x39: {  	v3 =	vor.u32 $0x3, v3  }
.Ltmp1:
0x3a: {  	(pc) =	sbr.rel @p0 .LBB2_4-.Ltmp1, $3  }
0x3b: {  	_ = 	snop  }
0x3c: {  	v2 =	vmul.f32 v2, v4;
	_ =	sdelay $0x1  }
0x3d: {  	s16 =	sshra.s32 s15, $0x2;
	s15 =	sadd.s32 $0x40, s15;
	[tilespmem:v3+s13+$0x0] =	vst.idx.add.f32.msk $0xffff, v2  }
0x3e: {  	v2 =	vld [tilespmem:s16+$0xA500];
	_ =	sdelay $0x2  }
0x3f: {  	v3 =	vld [tilespmem:s16+$0xD500];
	_ =	sdelay $0x1  }
0x40: {  	v2 =	vshll.u32 v2, $0x2;
	_ =	sdelay $0x2  }
0x41: {  	v3 =	vadd.s32 v0, v3  }
0x42: {  	v4 =	vld [tilespmem:s16+$0x10500];
	vm0 =	vgt.s32 v3, $0x0  }
0x43: {  	v3 =	vnsel vm0, $0x0, v3;
	v5 =	vld.idx.msk [tilespmem:v2+s2+$0x0], $0xffff  }
0x44: {  	v3 =	vmin.u32 v3, $0x13F  }
0x45: {  	v3 =	vshll.u32 v3, $0x2  }
0x46: {  	v6 =	vor.u32 $0x1, v2;
	_ =	sdelay $0x1  }
0x47: {  	v5 =	vmul.f32 v5, v4;
	_ =	sdelay $0x1  }
0x48: {  	[tilespmem:v3+s13+$0x0] =	vst.idx.add.f32.msk $0xffff, v5  }
0x49: {  	v5 =	vld.idx.msk [tilespmem:v6+s2+$0x0], $0xffff;
	_ =	sdelay $0x1  }
0x4a: {  	v62 =	vor.u32 $0x1, v3  }
0x4b: {  	v7 =	vor.u32 $0x2, v2;
	_ =	sdelay $0x1  }
0x4c: {  	v5 =	vmul.f32 v5, v4;
	_ =	sdelay $0x1  }
0x4d: {  	[tilespmem:v62+s13+$0x0] =	vst.idx.add.f32.msk $0xffff, v5  }
0x4e: {  	v5 =	vld.idx.msk [tilespmem:v7+s2+$0x0], $0xffff;
	_ =	sdelay $0x1  }
0x4f: {  	v63 =	vor.u32 $0x2, v3  }
0x50: {  	v2 =	vor.u32 $0x3, v2;
	_ =	sdelay $0x1  }
0x51: {  	v5 =	vmul.f32 v5, v4;
	_ =	sdelay $0x1  }
0x52: {  	[tilespmem:v63+s13+$0x0] =	vst.idx.add.f32.msk $0xffff, v5  }
0x53: {  	v2 =	vld.idx.msk [tilespmem:v2+s2+$0x0], $0xffff;
	_ =	sdelay $0x1  }
0x54: {  	v3 =	vor.u32 $0x3, v3;
	_ =	sdelay $0x2  }
0x55: {  	s14 =	sadd.s32 $0x1, s14;
	v2 =	vmul.f32 v2, v4  }
0x56: {  	p0 =	sne.s32 s14, s8  }
.Ltmp2:
0x57: {  	[tilespmem:v3+s13+$0x0] =	vst.idx.add.f32.msk $0xffff, v2;
	(pc) =	sbr.rel @p0 .LBB2_1-.Ltmp2, $4  }
0x58: {  	[hbm4b:s7+s2] =	stream.linear.scatter [tilespmem:s13], [sflag:$0x1], $0x500, $0x38;
	[tilespmem:$0x13500] =	vst v63  }
0x59: {  	_ =	swait.ge [sflag:s9], $0x500  }
0x5a: {  	[sflag:s9] =	ssyncset.done $0x0  }
0x5b: {  	[sflag:s9] =	ssyncadd.s32 $0xFFFFFB00  }
0x5c: {  	_ =	sfence.sel $0x180000  }
0x5d: {  	[bflag:$0x0] =	sbarrier.arrive $0xFFFF  }
0x5e: {  	p0 =	sne.s32 s0, $0x0;
	_ =	strace $0x9000005C  }
0x5f: {  	s0 =	sadd.s32 @!p0 $0x100000, s1;
	[bflag:$0x2] =	sbarrier.arrive $0xFFFF  }
0x60: {  	[sflag:s0] =	ssyncadd.tile.s32 @!p0 $0x1;
	_ =	shalt  }
.Lfunc_end2:
_tile_overlayer_lowered:
.L_overlay_start_2:
0x61: {  	(tag) =	ssettag $0x2  }
0x62: {  	s0 =	rddreg [dreg:$0x0];
	s2 =	stileid.u32  }
0x63: {  	s1 =	rddreg [dreg:$0x1];
	p0 =	sne.s32 s2, $0x0  }
0x64: {  	s3 =	rddreg [dreg:$0x2];
	[bflag:$0x3] =	sbarrier.arrive $0xFFFF;
	s2 =	simm.s32 @!p0 $0x1C01  }
0x65: {  	[timem:s3], [sflag:s2] =	dma.local @!p0 [hbm:s0], s1  }
0x66: {  	s0 =	simm.s32 @!p0 $0x1  }
0x67: {  	_ =	swait.ge @!p0 [sflag:s0], s1  }
0x68: {  	s1 =	ssub.s32 @!p0 $0x0, s1;
	[sflag:s0] =	ssyncset.done @!p0 $0x0  }
0x69: {  	[sflag:s0] =	ssyncadd.s32 @!p0 s1  }
0x6a: {  	[bflag:$0x3] =	sbarrier.arrive $0xFFFF  }
0x6b: {  	_ =	shalt  }

// kernel: kernel.39.cloned.1.call-start
scs
__scs_entry_jumppad:
0x0: {  	(pc) =	sbr.rel $0x88, $3  }
0x1: {  	(tag) =	ssettag $0x0;
	lr =	simm.s32 $0x1  }
0x2: {  	[smem:$0x3F95] =	sst lr;
	_ =	strace $0xD0000000  }
0x3: {  	_ = 	snop  }
0x4: {  	_ = 	snop  }
0x5: {  	_ = 	snop  }
0x6: {  	_ = 	snop  }
0x7: {  	_ = 	snop  }
__scs_overlays_trampoline_lowered:
0x8: {  	[smem:$0x3FA4] =	sst s0  }
0x9: {  	[smem:$0x3FA5] =	sst s1  }
0xa: {  	[smem:$0x3FA6] =	sst s2  }
0xb: {  	[smem:$0x3FA7] =	sst s3  }
0xc: {  	[smem:$0x3FA8] =	sst s4  }
0xd: {  	[smem:$0x3FA9] =	sst s5  }
0xe: {  	[smem:$0x3FAA] =	sst s6  }
0xf: {  	[smem:$0x3FAB] =	sst s7  }
0x10: {  	[smem:$0x3FAC] =	sst s8  }
0x11: {  	[smem:$0x3FAD] =	sst s9;
	s0 =	simm.s32 @!p0 $0x0  }
0x12: {  	s1 =	sld [smem:$0x3F93];
	s0 =	simm.s32 @p0 $0x1  }
0x13: {  	[smem:$0x3FAE] =	sst s0;
	s0 =	simm.s32 @!p1 $0x0  }
0x14: {  	s2 =	sld [smem:$0x3F92];
	s0 =	simm.s32 @p1 $0x1  }
0x15: {  	[smem:$0x3FAF] =	sst s0;
	s0 =	simm.s32 @!p2 $0x0  }
0x16: {  	s3 =	sld [smem:$0x3FDB];
	s0 =	simm.s32 @p2 $0x1  }
0x17: {  	s4 =	simm.s32 $0x1BF5;
	[smem:$0x3FB1] =	sst s0  }
0x18: {  	s0 =	sld [smem:$0x3F94];
	_ =	swait.ge [sflag:s4], $0x0  }
0x19: {  	s7 =	sld [smem:$0x3F95]  }
0x1a: {  	s8 =	sadd.s32 $0xFFFFE003, lr  }
0x1b: {  	s9 =	sadd.s32 $0xFFFFFEF7, lr;
	s5 =	simm.s32 $0xFFFFFFFF;
	p2 =	slt.u32 s8, $0xFFFFF086  }
0x1c: {  	p1 =	slt.u32 s9, $0xF7A;
	s5 =	simm.s32 @!p2 $0x0  }
0x1d: {  	s5 =	simm.s32 @p1 $0x1;
	p0 =	seq.s32 s7, s2  }
0x1e: {  	s7 =	smul.u32 @!p0 $0xF7A, s2;
	p2 =	seq.s32 @!p0 s5, $0x0  }
0x1f: {  	s9 =	smul.u32 $0xF7A, s1;
	s8 =	simm.s32 @!p0 $0x1BF5;
	p2 =	por !p2, p0  }
0x20: {  	[sflag:s8] =	ssyncset.s32 @!p0 $0xFFFFF086;
	s6 =	sadd.s32 @!p0 s3, s7;
	s7 =	simm.s32 @!p0 $0x108  }
0x21: {  	s3 =	sadd.s32 s3, s9;
	s6 =	sadd.s32 @!p0 $0x88, s6;
	s7 =	simm.s32 @p2 $0x1082  }
0x22: {  	[simem:s7], [sflag:s8] =	dma.local @!p0 [hbm:s6], $0xF7A  }
0x23: {  	s9 =	sor.u32 $0xD0000000, s2;
	s6 =	simm.s32 $0x108;
	_ =	swait.ge @!p0 [sflag:s8], $0x0  }
0x24: {  	s3 =	sadd.s32 $0x88, s3;
	s6 =	simm.s32 @!p1 $0x1082;
	[sflag:s4] =	ssyncset.s32 $0xFFFFF086  }
0x25: {  	[simem:s6], [sflag:s4] =	dma.local [hbm:s3], $0xF7A  }
0x26: {  	[smem:$0x3F95] =	sst s1;
	(tag) =	ssettag s2;
	_ =	strace s9  }
0x27: {  	s1 =	sld [smem:$0x3FA5]  }
0x28: {  	s2 =	sld [smem:$0x3FA6]  }
0x29: {  	s4 =	sld [smem:$0x3FA8]  }
0x2a: {  	p0 =	seq.s32 s5, $0x0;
	s5 =	sld [smem:$0x3FA9]  }
0x2b: {  	s6 =	sld [smem:$0x3FAA]  }
0x2c: {  	s7 =	sld [smem:$0x3FAB]  }
0x2d: {  	s3 =	simm.s32 $0x108;
	s8 =	sld [smem:$0x3FAC]  }
0x2e: {  	s3 =	simm.s32 @!p0 $0x1082;
	s9 =	sld [smem:$0x3FAD]  }
0x2f: {  	lr =	sadd.s32 s0, s3;
	s0 =	sld [smem:$0x3FA4]  }
0x30: {  	s3 =	sld [smem:$0x3FA7]  }
0x31: {  	[smem:$0x3FB0] =	sst s10  }
0x32: {  	s10 =	sld [smem:$0x3FAE];
	_ =	sdelay $0x3  }
0x33: {  	p0 =	seq.s32 s10, $0x1;
	s10 =	sld [smem:$0x3FB0];
	_ =	sdelay $0x3  }
0x34: {  	[smem:$0x3FB0] =	sst s10  }
0x35: {  	s10 =	sld [smem:$0x3FAF];
	_ =	sdelay $0x3  }
0x36: {  	p1 =	seq.s32 s10, $0x1;
	s10 =	sld [smem:$0x3FB0];
	_ =	sdelay $0x3  }
0x37: {  	[smem:$0x3FB0] =	sst s10  }
0x38: {  	s10 =	sld [smem:$0x3FB1]  }
0x39: {  	_ = 	snop;
	(pc) =	sbr.ind lr, $3  }
0x3a: {  	_ = 	snop  }
0x3b: {  	_ = 	snop  }
0x3c: {  	p2 =	seq.s32 s10, $0x1;
	s10 =	sld [smem:$0x3FB0]  }
0x3d: {  	_ =	shalt  }
0x3e: {  	_ =	shalt  }
0x3f: {  	_ =	shalt  }
0x40: {  	_ =	shalt  }
0x41: {  	_ =	shalt  }
0x42: {  	_ =	shalt  }
0x43: {  	_ =	shalt  }
0x44: {  	_ =	shalt  }
0x45: {  	_ =	shalt  }
0x46: {  	_ =	shalt  }
0x47: {  	_ =	shalt  }
0x48: {  	_ =	shalt  }
0x49: {  	_ =	shalt  }
0x4a: {  	_ =	shalt  }
0x4b: {  	_ =	shalt  }
0x4c: {  	_ =	shalt  }
0x4d: {  	_ =	shalt  }
0x4e: {  	_ =	shalt  }
0x4f: {  	_ =	shalt  }
0x50: {  	_ =	shalt  }
0x51: {  	_ =	shalt  }
0x52: {  	_ =	shalt  }
0x53: {  	_ =	shalt  }
0x54: {  	_ =	shalt  }
0x55: {  	_ =	shalt  }
0x56: {  	_ =	shalt  }
0x57: {  	_ =	shalt  }
0x58: {  	_ =	shalt  }
0x59: {  	_ =	shalt  }
0x5a: {  	_ =	shalt  }
0x5b: {  	_ =	shalt  }
0x5c: {  	_ =	shalt  }
0x5d: {  	_ =	shalt  }
0x5e: {  	_ =	shalt  }
0x5f: {  	_ =	shalt  }
0x60: {  	_ =	shalt  }
0x61: {  	_ =	shalt  }
0x62: {  	_ =	shalt  }
0x63: {  	_ =	shalt  }
0x64: {  	_ =	shalt  }
0x65: {  	_ =	shalt  }
0x66: {  	_ =	shalt  }
0x67: {  	_ =	shalt  }
0x68: {  	_ =	shalt  }
0x69: {  	_ =	shalt  }
0x6a: {  	_ =	shalt  }
0x6b: {  	_ =	shalt  }
0x6c: {  	_ =	shalt  }
0x6d: {  	_ =	shalt  }
0x6e: {  	_ =	shalt  }
0x6f: {  	_ =	shalt  }
0x70: {  	_ =	shalt  }
0x71: {  	_ =	shalt  }
0x72: {  	_ =	shalt  }
0x73: {  	_ =	shalt  }
0x74: {  	_ =	shalt  }
0x75: {  	_ =	shalt  }
0x76: {  	_ =	shalt  }
0x77: {  	_ =	shalt  }
0x78: {  	_ =	shalt  }
0x79: {  	_ =	shalt  }
0x7a: {  	_ =	shalt  }
0x7b: {  	_ =	shalt  }
0x7c: {  	_ =	shalt  }
0x7d: {  	_ =	shalt  }
0x7e: {  	_ =	shalt  }
0x7f: {  	_ =	shalt  }
0x80: {  	_ =	shalt  }
0x81: {  	_ =	shalt  }
0x82: {  	_ =	shalt  }
0x83: {  	_ =	shalt  }
0x84: {  	_ =	shalt  }
0x85: {  	_ =	shalt  }
0x86: {  	_ =	shalt  }
0x87: {  	_ =	shalt  }
.Lfunc_end0:
.L_simem_size_0:
called_computation.8_lowered:
.L_overlay_start_0:
0x88: {  	s2 =	sld [smem:$0x3FD9]  }
0x89: {  	s3 =	sld [smem:$0x3FFE];
	_ =	sdelay $0x1  }
0x8a: {  	s1 =	srdreg.scid  }
0x8b: {  	s0 =	sand.u32 $0x1, s1  }
0x8c: {  	s17 =	sshll.u32 s0, $0xA;
	s2 =	sadd.s32 s3, s2  }
0x8d: {  	s2 =	sadd.s32 s2, s17  }
0x8e: {  	[smem:$0x3FBC] =	sst s2  }
0x8f: {  	_ = 	snop  }
0x90: {  	s2 =	sld [smem:$0x3FD0];
	(tm) =	ssettm $0x1  }
0x91: {  	s18 =	sld [smem:$0x3FFB];
	_ =	sdelay $0x3  }
0x92: {  	_ =	strace s18  }
0x93: {  	s3 =	sld [smem:$0x3FFC];
	_ =	sdelay $0x3  }
0x94: {  	_ =	strace s3  }
0x95: {  	s3 =	sld [smem:$0x3FFD];
	_ =	sdelay $0x3  }
0x96: {  	_ =	strace s3  }
0x97: {  	_ =	strace $0x8FFFFFFF  }
0x98: {  	s19 =	sld [smem:$0x3FDB];
	_ =	sdelay $0x1  }
0x99: {  	s4 =	simm.s32 $_scs_section_size  }
0x9a: {  	s5 =	simm.s32 $_size__tile_overlayer_lowered;
	s6 =	simm.s32 $_tile_overlayer_lowered  }
0x9b: {  	s22 =	simm.s32 $0x1BFF;
	s21 =	sshll.u32 s6, $0x1;
	s3 =	sadd.s32 s4, s19  }
0x9c: {  	s7 =	simm.s32 $0x0;
	s20 =	sshll.u32 s5, $0x1;
	s5 =	sadd.s32 s21, s3  }
0x9d: {  	[timem:s7], [sflag:s22] =	dma.local [hbm:s5], s20  }
0x9e: {  	_ =	swait.ge [sflag:s22], s20  }
0x9f: {  	s4 =	ssub.s32 $0x0, s20;
	[sflag:s22] =	ssyncset.done $0x0  }
0xa0: {  	[sflag:s22] =	ssyncadd.s32 s4;
	_ =	sdelay $0x1  }
0xa1: {  	s23 =	simm.s32 $0x1B8B  }
0xa2: {  	_ =	swait.ge [sflag:s23], $0x1  }
0xa3: {  	[sflag:s23] =	ssyncset.done $0x0  }
0xa4: {  	s25 =	simm.s32 $0x1B8E;
	s24 =	sld [smem:$0x3FFE];
	[sflag:s23] =	ssyncadd.s32 $0xFFFFFFFF  }
0xa5: {  	s26 =	simm.s32 $execute0_lowered;
	[smem:$0x3FD2] =	sst s25  }
0xa6: {  	s5 =	sshll.u32 s26, $0x1;
	_ =	strace $0x8000005E;
	[dreg:$0x1] =	wrdreg $0xFFFFFFFF  }
0xa7: {  	s28 =	simm.s32 $_size_execute0_lowered;
	s3 =	sadd.s32 s3, s5;
	[dreg:$0x0] =	wrdreg $0x0  }
0xa8: {  	s5 =	sshll.u32 s28, $0x1;
	[dreg:$0x2] =	wrdreg s3  }
0xa9: {  	[dreg:$0x3] =	wrdreg s5  }
0xaa: {  	[dreg:$0x4] =	wrdreg $0xC0  }
0xab: {  	_ =	task [dreg:s7], $0x5FFFF  }
0xac: {  	[dreg:$0x1] =	wrdreg $0xFFFFFFFF  }
0xad: {  	[dreg:$0x0] =	wrdreg $0x60  }
0xae: {  	[dreg:$0x2] =	wrdreg s24  }
0xaf: {  	[dreg:$0x3] =	wrdreg s2  }
0xb0: {  	[dreg:$0x4] =	wrdreg $0x9  }
0xb1: {  	_ =	task.clear_ibuf [dreg:s7], $0x5FFFF;
	_ =	strace $0x9000005E  }
0xb2: {  	s29 =	simm.s32 $0x9;
	_ =	strace $0x80000060  }
0xb3: {  	_ =	swait.ge [sflag:s29], $0x1  }
0xb4: {  	[sflag:s29] =	ssyncadd.s32 $0xFFFFFFFF  }
0xb5: {  	_ =	strace $0x90000060  }
0xb6: {  	_ =	sfence  }
0xb7: {  	s30 =	sld [smem:$0x0];
	_ =	sdelay $0x2  }
0xb8: {  	s31 =	sshll.u32 s1, $0xD;
	s1 =	sshrl.u32 s1, $0x2  }
0xb9: {  	s3 =	sand.u32 $0x4000, s31;
	s1 =	sadd.s32 s1, s30  }
0xba: {  	s0 =	sor.u32 s3, s0;
	s1 =	sshll.u32 s1, $0x11  }
0xbb: {  	s0 =	sor.u32 s1, s0  }
0xbc: {  	s0 =	sadd.s32 $0x8F2B, s0  }
0xbd: {  	[sflag:s0] =	ssyncadd.remote.s32 $0x1  }
0xbe: {  	_ =	sfence.sel $0xFFFF  }
0xbf: {  	[dreg:$0x0] =	wrdreg $0xFFFFFFFF;
	(pc) =	sbr.abs _section_cstart, $3  }
0xc0: {  	[dreg:$0x1] =	wrdreg $0xFFFFFFFF  }
0xc1: {  	_ =	task.clear_ibuf [dreg:s7], $0x2FFFF;
	_ =	strace $0x9FFFFFFF  }
0xc2: {  	(tm) =	ssettm $0x7FFFFFFF  }
0xc3: {  	_ =	shalt  }
tec
execute0_lowered:
.L_overlay_start_1:
0x0: {  	(tag) =	ssettag $0x1  }
0x1: {  	s6 =	rddreg [dreg:$0x0]  }
0x2: {  	s1 =	rddreg [dreg:$0x1]  }
0x3: {  	s0 =	rddreg [dreg:$0x2];
	s2 =	simm.s32 $0x0  }
0x4: {  	s7 =	srdreg.scid;
	s3 =	stileid.u32;
	s16 =	simm.s32 $0xA000  }
0x5: {  	s17 =	simm.s32 $0xA080;
	s18 =	simm.s32 $0xA100;
	s19 =	simm.s32 $0x0  }
0x6: {  	[smem:$0x7FF] =	sst s2;
	s4 =	sadd.s32 $0x5E00, s6;
	s5 =	sadd.s32 $0x5C00, s6  }
0x7: {  	s7 =	sand.u32 $0x1, s7;
	s8 =	sshll.u32 s3, $0x1;
	s11 =	sadd.s32 $0x7200, s6  }
0x8: {  	p0 =	sgt.u32 s3, $0x1;
	s9 =	ssub.s32 $0x2, s7;
	s6 =	sor.u32 s7, s8  }
0x9: {  	_ =	strace $0x8000005F;
	s10 =	sshrl.u32 s9, $0x1;
	s7 =	sor.u32 $0x20, s6  }
0xa: {  	s8 =	sor.u32 $0x40, s6;
	s12 =	sshll.u32 s6, $0x7;
	s31 =	sshll.u32 s6, $0x4  }
0xb: {  	s13 =	sshll.u32 s7, $0x7;
	s14 =	sshll.u32 s8, $0x7;
	s12 =	sand.u32 $0x380, s12  }
.Ltmp0:
0xc: {  	s13 =	sand.u32 $0x1C00, s13;
	s14 =	sand.u32 $0x2C00, s14;
	(pc) =	sbr.rel .LBB2_1-.Ltmp0, $4  }
0xd: {  	s15 =	ssub.s32 s9, s10;
	s29 =	sor.u32 s12, s13;
	s30 =	sor.u32 s12, s14  }
0xe: {  	s9 =	sadd.s32 s11, s31;
	s13 =	sshrl.u32 s29, $0x3;
	s14 =	sshrl.u32 s30, $0x3  }
0xf: {  	s12 =	sor.u32 $0x60, s6;
	s10 =	sadd.s32 s11, s13;
	s11 =	sadd.s32 s11, s14  }
0x10: {  	v0 =	vimm.f32 $0.0e+00;
	v1 =	vlaneseq.u32;
	v2 =	vimm.s32 $0x0;
	s13 =	sadd.s32 $0x600, s9;
	s14 =	smax.u32 s15, $0x1;
	s15 =	simm.s32 $0x1  }
.LBB2_54:
0x11: {  	[hbm4b:s13+s2] =	stream.linear.scatter [tilespmem:s18], [sflag:$0x1], $0x80, $0x38;
	[tilespmem:$0xA180] =	vst v63  }
0x12: {  	_ =	swait.ge [sflag:s15], $0x80  }
0x13: {  	[sflag:s15] =	ssyncset.done $0x0  }
0x14: {  	[sflag:s15] =	ssyncadd.s32 $0xFFFFFF80  }
.LBB2_55:
0x15: {  	s19 =	sadd.s32 $0x1, s19  }
0x16: {  	p1 =	sne.s32 s19, s14  }
.Ltmp1:
0x17: {  	_ = 	snop;
	(pc) =	sbr.rel @!p1 .LBB2_56-.Ltmp1, $1  }
0x18: {  	_ =	sdelay $0x3  }
.LBB2_1:
0x19: {  	[tilespmem:s2], [sflag:$0x1] =	stream.linear.gather [hbm4b:s4+s2], $0xA000, $0x38;
	[tilespmem:$0xA180] =	vst v63  }
0x1a: {  	_ =	swait.ge [sflag:s15], $0xA000  }
0x1b: {  	[sflag:s15] =	ssyncset.done $0x0  }
0x1c: {  	[sflag:s15] =	ssyncadd.s32 $0xFFFF6000  }
0x1d: {  	[tilespmem:s16], [sflag:$0x1] =	stream.linear.gather [hbm4b:s1+s2], $0x64, $0x38;
	[tilespmem:$0xA180] =	vst v63  }
0x1e: {  	_ =	swait.ge [sflag:s15], $0x64  }
0x1f: {  	[sflag:s15] =	ssyncset.done $0x0  }
0x20: {  	[sflag:s15] =	ssyncadd.s32 $0xFFFFFF9C  }
0x21: {  	[tilespmem:s17], [sflag:$0x1] =	stream.linear.gather [hbm4b:s5+s2], $0x64, $0x38;
	[tilespmem:$0xA180] =	vst v63  }
0x22: {  	_ =	swait.ge [sflag:s15], $0x64  }
0x23: {  	[sflag:s15] =	ssyncset.done $0x0  }
0x24: {  	[sflag:s15] =	ssyncadd.s32 $0xFFFFFF9C  }
0x25: {  	v3 =	vld [tilespmem:s6+$0xA000]  }
0x26: {  	v4 =	vld [tilespmem:s6+$0xA080];
	_ =	sdelay $0x3  }
0x27: {  	(v2sf) =	vpush v3, $0x0  }
0x28: {  	(v2sf) =	vpush v4, $0x0;
	_ =	sdelay $0xd  }
0x29: {  	s20 =	spop (v2sf)  }
0x2a: {  	s21 =	spop (v2sf)  }
0x2b: {  	p1 =	slt.s32 s21, $0x1  }
.Ltmp2:
0x2c: {  	_ = 	snop;
	(pc) =	sbr.rel @p1 .LBB2_14-.Ltmp2, $4  }
0x2d: {  	_ = 	snop  }
0x2e: {  	[tilespmem:$0xA100] =	vst v0  }
0x2f: {  	[tilespmem:$0xA110] =	vst v0  }
0x30: {  	[tilespmem:$0xA120] =	vst v0  }
0x31: {  	s22 =	sadd.s32 $0xF, s21  }
0x32: {  	s23 =	sand.u32 $0xF, s22  }
0x33: {  	s24 =	sshra.s32 s22, $0x1F;
	p1 =	slt.s32 s22, $0x1;
	p2 =	sne.s32 s23, $0x0  }
.Ltmp3:
0x34: {  	s31 =	sshrl.u32 s24, $0x1C;
	p1 =	por !p1, !p2;
	(pc) =	sbr.rel .LBB2_3-.Ltmp3, $4  }
0x35: {  	s23 =	simm.s32 $0x1;
	s22 =	sadd.s32 s31, s22;
	p1 =	por !p1, !p1  }
0x36: {  	s22 =	sshra.s32 s22, $0x4;
	s23 =	simm.s32 @!p1 $0x0  }
0x37: {  	s22 =	ssub.s32 s22, s23  }
0x38: {  	v3 =	vbroadcast v3, $0x0;
	v4 =	vbroadcast v4, $0x0;
	s24 =	simm.s32 $0x0;
	s23 =	simm.s32 $0x0;
	p1 =	slt.s32 s22, $0x1  }
.LBB2_5:
0x39: {  	v12 =	vimm.s32 $0x0  }
.LBB2_12:
0x3a: {  	_ =	sdelay $0x3  }
0x3b: {  	v9 =	vld.idx.msk [tilespmem:v9+s2+$0x0], $0xffff;
	_ =	sdelay $0x1  }
0x3c: {  	vm1 =	veq.f32 @p2 v14, v7;
	vm2 =	vlt.s32 @p2 v15, v8;
	v11 =	vmovc @p2 v14;
	vm12 =	vlt.s32 v10, v8  }
0x3d: {  	vm15 =	vlt.s32 v10, v4;
	vm1 =	vmand @p2 vm2, vm1;
	vm2 =	vgt.f32 @p2 v11, v7  }
0x3e: {  	v11 =	vsel @p3 vm0, $0x1, v2;
	vm0 =	vmor @p2 vm2, vm1;
	vm1 =	vlt.s32 @p2 v15, v4  }
0x3f: {  	v11 =	vadd.s32 @p3 v11, v12;
	vm0 =	vmand @p2 vm1, vm0;
	vm11 =	veq.f32 v9, v7  }
0x40: {  	vm0 =	vmmov @p2 vm0;
	vm13 =	vgt.f32 v9, v7;
	vm1 =	vmand vm12, vm11  }
0x41: {  	v8 =	vpsel p3, v11, v6;
	v7 =	vsel @p2 vm0, $0x1, v2;
	vm14 =	vmor vm13, vm1  }
0x42: {  	v7 =	vadd.s32 @p2 v7, v8;
	vm0 =	vmand vm15, vm14  }
0x43: {  	v6 =	vpsel p2, v7, v6;
	v7 =	vsel vm0, $0x1, v2  }
0x44: {  	v6 =	vadd.s32 v7, v6  }
.LBB2_13:
0x45: {  	(xrf0) =	vadd.scan.msk.s32 $0xffff, v6;
	_ =	sdelay $0x5  }
0x46: {  	v6, _, _ =	vpop (xrf0)  }
0x47: {  	(v2sf) =	vpush v6, $0xF;
	_ =	sdelay $0xe  }
0x48: {  	s25 =	spop (v2sf)  }
0x49: {  	p2 =	sgt.s32 s25, $0xB  }
0x4a: {  	s24 =	sadd.s32 $0x1, s24;
	s25 =	sshll.u32 @!p2 s25, $0x2;
	v6 =	vlaneseq.u32 @!p2  }
0x4b: {  	p3 =	sne.s32 s24, s21;
	v6 =	vadd.s32 @!p2 s25, v6  }
.Ltmp4:
0x4c: {  	_ = 	snop;
	(pc) =	sbr.rel @!p3 .LBB2_14-.Ltmp4, $3  }
0x4d: {  	_ =	sdelay $0x1  }
0x4e: {  	s25 =	simm.s32 @!p2 $0xA100  }
0x4f: {  	[tilespmem:v6+s25+$0x0] =	vst.idx.msk @!p2 $0xf, v5  }
.LBB2_3:
.Ltmp5:
0x50: {  	(pc) =	sbr.rel @p1 .LBB2_13-.Ltmp5, $4  }
0x51: {  	s25 =	sadd.s32 s20, s24  }
0x52: {  	s25 =	sshll.u32 s25, $0x4  }
0x53: {  	s25 =	sshra.s32 s25, $0x2  }
0x54: {  	v6 =	vimm.s32 $0x0;
	v5 =	vld [tilespmem:s25+$0x0]  }
0x55: {  	p4 =	sne.s32 s22, $0x1  }
.Ltmp6:
0x56: {  	_ = 	snop;
	(pc) =	sbr.rel @!p4 .LBB2_5-.Ltmp6, $4  }
0x57: {  	v10 =	vor.u32 s23, v1  }
0x58: {  	v7 =	vadd.s32 v3, v10  }
0x59: {  	s25 =	sadd.s32 $0xFFFFFFFF, s22;
	v9 =	vshll.u32 v7, $0x2  }
0x5a: {  	v8 =	vmov s24;
	s26 =	simm.s32 $0x10;
	p2 =	por $0x0, $0x0;
	p3 =	por $0x0, $0x0;
	v9 =	vor.u32 $0x3, v9;
	v7 =	vbroadcast v5, $0x3  }
0x5b: {  	p4 =	sne.s32 s25, $0x1  }
.Ltmp7:
0x5c: {  	_ = 	snop;
	(pc) =	sbr.rel @!p4 .LBB2_7-.Ltmp7, $4  }
0x5d: {  	v11 =	vor.u32 s26, v1  }
0x5e: {  	v12 =	vadd.s32 v3, v11  }
0x5f: {  	v12 =	vshll.u32 v12, $0x2  }
0x60: {  	v14 =	vld.idx.msk [tilespmem:v9+s2+$0x0], $0xffff;
	s25 =	sadd.s32 $0xFFFFFFFF, s25;
	s26 =	simm.s32 $0x20;
	p2 =	por $0x1, $0x1;
	v9 =	vor.u32 $0x3, v12  }
0x61: {  	_ =	sdelay $0x1  }
0x62: {  	v13 =	vor.u32 s26, v1;
	p4 =	sne.s32 s25, $0x1  }
.Ltmp8:
0x63: {  	v12 =	vadd.s32 v3, v13;
	(pc) =	sbr.rel @!p4 .LBB2_9-.Ltmp8, $4  }
0x64: {  	vm1 =	vlt.s32 v10, v8;
	v12 =	vshll.u32 v12, $0x2;
	vm0 =	veq.f32 v14, v7  }
0x65: {  	vm2 =	vgt.f32 v14, v7;
	v14 =	vld.idx.msk [tilespmem:v9+s2+$0x0], $0xffff;
	v9 =	vor.u32 $0x3, v12;
	vm0 =	vmand vm1, vm0  }
0x66: {  	vm1 =	vlt.s32 v10, v4;
	vm0 =	vmor vm2, vm0  }
0x67: {  	s25 =	sadd.s32 $0xFFFFFFFF, s25;
	s26 =	simm.s32 $0x30;
	p3 =	por $0x1, $0x1;
	v12 =	vimm.s32 $0x0;
	vm0 =	vmand vm1, vm0  }
.LBB2_10:
0x68: {  	v10 =	vor.u32 s26, v1;
	p4 =	sne.s32 s25, $0x1;
	s25 =	sadd.s32 $0xFFFFFFFF, s25;
	v15 =	vsel vm0, $0x1, v2  }
.Ltmp9:
0x69: {  	v17 =	vadd.s32 v3, v10;
	v12 =	vadd.s32 v15, v12;
	(pc) =	sbr.rel @p4 .LBB2_10-.Ltmp9, $4  }
0x6a: {  	vm1 =	vlt.s32 v11, v8;
	vm0 =	veq.f32 v14, v7;
	v16 =	vmovc v14;
	v15 =	vshll.u32 v17, $0x2;
	v14 =	vld.idx.msk [tilespmem:v9+s2+$0x0], $0xffff  }
0x6b: {  	vm2 =	vgt.f32 v16, v7;
	vm0 =	vmand vm1, vm0;
	v9 =	vor.u32 $0x3, v15  }
0x6c: {  	vm1 =	vlt.s32 v11, v4;
	v11 =	vmovc v13;
	v13 =	vmov v10;
	vm0 =	vmor vm2, vm0  }
0x6d: {  	s26 =	sadd.s32 $0x10, s26;
	vm0 =	vmand vm1, vm0  }
.Ltmp10:
0x6e: {  	(pc) =	sbr.rel .LBB2_12-.Ltmp10, $2  }
0x6f: {  	_ =	sdelay $0x2  }
0x70: {  	v15 =	vmov v11;
	v10 =	vmov v13  }
.LBB2_7:
.Ltmp11:
0x71: {  	(pc) =	sbr.rel .LBB2_12-.Ltmp11, $2  }
0x72: {  	_ =	sdelay $0x2  }
0x73: {  	v15 =	vmov v10;
	v12 =	vimm.s32 $0x0;
	v10 =	vmov v11  }
.LBB2_9:
.Ltmp12:
0x74: {  	(pc) =	sbr.rel .LBB2_12-.Ltmp12, $2  }
0x75: {  	_ =	sdelay $0x2  }
0x76: {  	v12 =	vimm.s32 $0x0;
	v15 =	vmov v11;
	v10 =	vmov v13  }
.LBB2_14:
0x77: {  	[hbm4b:s9+s2] =	stream.linear.scatter [tilespmem:s18], [sflag:$0x1], $0x80, $0x38;
	[tilespmem:$0xA180] =	vst v63  }
0x78: {  	_ =	swait.ge [sflag:s15], $0x80  }
0x79: {  	[sflag:s15] =	ssyncset.done $0x0  }
0x7a: {  	[sflag:s15] =	ssyncadd.s32 $0xFFFFFF80  }
0x7b: {  	v3 =	vld [tilespmem:s7+$0xA000]  }
0x7c: {  	v4 =	vld [tilespmem:s7+$0xA080];
	_ =	sdelay $0x3  }
0x7d: {  	(v2sf) =	vpush v3, $0x0  }
0x7e: {  	(v2sf) =	vpush v4, $0x0;
	_ =	sdelay $0xd  }
0x7f: {  	s20 =	spop (v2sf)  }
0x80: {  	s21 =	spop (v2sf)  }
0x81: {  	p1 =	slt.s32 s21, $0x1  }
.Ltmp13:
0x82: {  	_ = 	snop;
	(pc) =	sbr.rel @p1 .LBB2_27-.Ltmp13, $4  }
0x83: {  	_ = 	snop  }
0x84: {  	[tilespmem:$0xA100] =	vst v0  }
0x85: {  	[tilespmem:$0xA110] =	vst v0  }
0x86: {  	[tilespmem:$0xA120] =	vst v0  }
0x87: {  	s22 =	sadd.s32 $0xF, s21  }
0x88: {  	s23 =	sand.u32 $0xF, s22  }
0x89: {  	s24 =	sshra.s32 s22, $0x1F;
	p1 =	slt.s32 s22, $0x1;
	p2 =	sne.s32 s23, $0x0  }
.Ltmp14:
0x8a: {  	s31 =	sshrl.u32 s24, $0x1C;
	p1 =	por !p1, !p2;
	(pc) =	sbr.rel .LBB2_16-.Ltmp14, $4  }
0x8b: {  	s23 =	simm.s32 $0x1;
	s22 =	sadd.s32 s31, s22;
	p1 =	por !p1, !p1  }
0x8c: {  	s22 =	sshra.s32 s22, $0x4;
	s23 =	simm.s32 @!p1 $0x0  }
0x8d: {  	s22 =	ssub.s32 s22, s23  }
0x8e: {  	v3 =	vbroadcast v3, $0x0;
	v4 =	vbroadcast v4, $0x0;
	s24 =	simm.s32 $0x0;
	s23 =	simm.s32 $0x0;
	p1 =	slt.s32 s22, $0x1  }
.LBB2_18:
0x8f: {  	v12 =	vimm.s32 $0x0  }
.LBB2_25:
0x90: {  	_ =	sdelay $0x3  }
0x91: {  	v9 =	vld.idx.msk [tilespmem:v9+s2+$0x0], $0xffff;
	_ =	sdelay $0x1  }
0x92: {  	vm1 =	veq.f32 @p2 v14, v7;
	vm2 =	vlt.s32 @p2 v15, v8;
	v11 =	vmovc @p2 v14;
	vm12 =	vlt.s32 v10, v8  }
0x93: {  	vm15 =	vlt.s32 v10, v4;
	vm1 =	vmand @p2 vm2, vm1;
	vm2 =	vgt.f32 @p2 v11, v7  }
0x94: {  	v11 =	vsel @p3 vm0, $0x1, v2;
	vm0 =	vmor @p2 vm2, vm1;
	vm1 =	vlt.s32 @p2 v15, v4  }
0x95: {  	v11 =	vadd.s32 @p3 v11, v12;
	vm0 =	vmand @p2 vm1, vm0;
	vm11 =	veq.f32 v9, v7  }
0x96: {  	vm0 =	vmmov @p2 vm0;
	vm13 =	vgt.f32 v9, v7;
	vm1 =	vmand vm12, vm11  }
0x97: {  	v8 =	vpsel p3, v11, v6;
	v7 =	vsel @p2 vm0, $0x1, v2;
	vm14 =	vmor vm13, vm1  }
0x98: {  	v7 =	vadd.s32 @p2 v7, v8;
	vm0 =	vmand vm15, vm14  }
0x99: {  	v6 =	vpsel p2, v7, v6;
	v7 =	vsel vm0, $0x1, v2  }
0x9a: {  	v6 =	vadd.s32 v7, v6  }
.LBB2_26:
0x9b: {  	(xrf0) =	vadd.scan.msk.s32 $0xffff, v6;
	_ =	sdelay $0x5  }
0x9c: {  	v6, _, _ =	vpop (xrf0)  }
0x9d: {  	(v2sf) =	vpush v6, $0xF;
	_ =	sdelay $0xe  }
0x9e: {  	s25 =	spop (v2sf)  }
0x9f: {  	p2 =	sgt.s32 s25, $0xB  }
0xa0: {  	s24 =	sadd.s32 $0x1, s24;
	s25 =	sshll.u32 @!p2 s25, $0x2;
	v6 =	vlaneseq.u32 @!p2  }
0xa1: {  	p3 =	sne.s32 s24, s21;
	v6 =	vadd.s32 @!p2 s25, v6  }
.Ltmp15:
0xa2: {  	_ = 	snop;
	(pc) =	sbr.rel @!p3 .LBB2_27-.Ltmp15, $3  }
0xa3: {  	_ =	sdelay $0x1  }
0xa4: {  	s25 =	simm.s32 @!p2 $0xA100  }
0xa5: {  	[tilespmem:v6+s25+$0x0] =	vst.idx.msk @!p2 $0xf, v5  }
.LBB2_16:
.Ltmp16:
0xa6: {  	(pc) =	sbr.rel @p1 .LBB2_26-.Ltmp16, $4  }
0xa7: {  	s25 =	sadd.s32 s20, s24  }
0xa8: {  	s25 =	sshll.u32 s25, $0x4  }
0xa9: {  	s25 =	sshra.s32 s25, $0x2  }
0xaa: {  	v6 =	vimm.s32 $0x0;
	v5 =	vld [tilespmem:s25+$0x0]  }
0xab: {  	p4 =	sne.s32 s22, $0x1  }
.Ltmp17:
0xac: {  	_ = 	snop;
	(pc) =	sbr.rel @!p4 .LBB2_18-.Ltmp17, $4  }
0xad: {  	v10 =	vor.u32 s23, v1  }
0xae: {  	v7 =	vadd.s32 v3, v10  }
0xaf: {  	s25 =	sadd.s32 $0xFFFFFFFF, s22;
	v9 =	vshll.u32 v7, $0x2  }
0xb0: {  	v8 =	vmov s24;
	s26 =	simm.s32 $0x10;
	p2 =	por $0x0, $0x0;
	p3 =	por $0x0, $0x0;
	v9 =	vor.u32 $0x3, v9;
	v7 =	vbroadcast v5, $0x3  }
0xb1: {  	p4 =	sne.s32 s25, $0x1  }
.Ltmp18:
0xb2: {  	_ = 	snop;
	(pc) =	sbr.rel @!p4 .LBB2_20-.Ltmp18, $4  }
0xb3: {  	v11 =	vor.u32 s26, v1  }
0xb4: {  	v12 =	vadd.s32 v3, v11  }
0xb5: {  	v12 =	vshll.u32 v12, $0x2  }
0xb6: {  	v14 =	vld.idx.msk [tilespmem:v9+s2+$0x0], $0xffff;
	s25 =	sadd.s32 $0xFFFFFFFF, s25;
	s26 =	simm.s32 $0x20;
	p2 =	por $0x1, $0x1;
	v9 =	vor.u32 $0x3, v12  }
0xb7: {  	_ =	sdelay $0x1  }
0xb8: {  	v13 =	vor.u32 s26, v1;
	p4 =	sne.s32 s25, $0x1  }
.Ltmp19:
0xb9: {  	v12 =	vadd.s32 v3, v13;
	(pc) =	sbr.rel @!p4 .LBB2_22-.Ltmp19, $4  }
0xba: {  	vm1 =	vlt.s32 v10, v8;
	v12 =	vshll.u32 v12, $0x2;
	vm0 =	veq.f32 v14, v7  }
0xbb: {  	vm2 =	vgt.f32 v14, v7;
	v14 =	vld.idx.msk [tilespmem:v9+s2+$0x0], $0xffff;
	v9 =	vor.u32 $0x3, v12;
	vm0 =	vmand vm1, vm0  }
0xbc: {  	vm1 =	vlt.s32 v10, v4;
	vm0 =	vmor vm2, vm0  }
0xbd: {  	s25 =	sadd.s32 $0xFFFFFFFF, s25;
	s26 =	simm.s32 $0x30;
	p3 =	por $0x1, $0x1;
	v12 =	vimm.s32 $0x0;
	vm0 =	vmand vm1, vm0  }
.LBB2_23:
0xbe: {  	v10 =	vor.u32 s26, v1;
	p4 =	sne.s32 s25, $0x1;
	s25 =	sadd.s32 $0xFFFFFFFF, s25;
	v15 =	vsel vm0, $0x1, v2  }
.Ltmp20:
0xbf: {  	v17 =	vadd.s32 v3, v10;
	v12 =	vadd.s32 v15, v12;
	(pc) =	sbr.rel @p4 .LBB2_23-.Ltmp20, $4  }
0xc0: {  	vm1 =	vlt.s32 v11, v8;
	vm0 =	veq.f32 v14, v7;
	v16 =	vmovc v14;
	v15 =	vshll.u32 v17, $0x2;
	v14 =	vld.idx.msk [tilespmem:v9+s2+$0x0], $0xffff  }
0xc1: {  	vm2 =	vgt.f32 v16, v7;
	vm0 =	vmand vm1, vm0;
	v9 =	vor.u32 $0x3, v15  }
0xc2: {  	vm1 =	vlt.s32 v11, v4;
	v11 =	vmovc v13;
	v13 =	vmov v10;
	vm0 =	vmor vm2, vm0  }
0xc3: {  	s26 =	sadd.s32 $0x10, s26;
	vm0 =	vmand vm1, vm0  }
.Ltmp21:
0xc4: {  	(pc) =	sbr.rel .LBB2_25-.Ltmp21, $2  }
0xc5: {  	_ =	sdelay $0x2  }
0xc6: {  	v15 =	vmov v11;
	v10 =	vmov v13  }
.LBB2_20:
.Ltmp22:
0xc7: {  	(pc) =	sbr.rel .LBB2_25-.Ltmp22, $2  }
0xc8: {  	_ =	sdelay $0x2  }
0xc9: {  	v15 =	vmov v10;
	v12 =	vimm.s32 $0x0;
	v10 =	vmov v11  }
.LBB2_22:
.Ltmp23:
0xca: {  	(pc) =	sbr.rel .LBB2_25-.Ltmp23, $2  }
0xcb: {  	_ =	sdelay $0x2  }
0xcc: {  	v12 =	vimm.s32 $0x0;
	v15 =	vmov v11;
	v10 =	vmov v13  }
.LBB2_27:
0xcd: {  	[hbm4b:s10+s2] =	stream.linear.scatter [tilespmem:s18], [sflag:$0x1], $0x80, $0x38;
	[tilespmem:$0xA180] =	vst v63  }
0xce: {  	_ =	swait.ge [sflag:s15], $0x80  }
0xcf: {  	[sflag:s15] =	ssyncset.done $0x0  }
0xd0: {  	[sflag:s15] =	ssyncadd.s32 $0xFFFFFF80  }
0xd1: {  	v3 =	vld [tilespmem:s8+$0xA000]  }
0xd2: {  	v4 =	vld [tilespmem:s8+$0xA080];
	_ =	sdelay $0x3  }
0xd3: {  	(v2sf) =	vpush v3, $0x0  }
0xd4: {  	(v2sf) =	vpush v4, $0x0;
	_ =	sdelay $0xd  }
0xd5: {  	s20 =	spop (v2sf)  }
0xd6: {  	s21 =	spop (v2sf)  }
0xd7: {  	p1 =	slt.s32 s21, $0x1  }
.Ltmp24:
0xd8: {  	_ = 	snop;
	(pc) =	sbr.rel @p1 .LBB2_40-.Ltmp24, $4  }
0xd9: {  	_ = 	snop  }
0xda: {  	[tilespmem:$0xA100] =	vst v0  }
0xdb: {  	[tilespmem:$0xA110] =	vst v0  }
0xdc: {  	[tilespmem:$0xA120] =	vst v0  }
0xdd: {  	s22 =	sadd.s32 $0xF, s21  }
0xde: {  	s23 =	sand.u32 $0xF, s22  }
0xdf: {  	s24 =	sshra.s32 s22, $0x1F;
	p1 =	slt.s32 s22, $0x1;
	p2 =	sne.s32 s23, $0x0  }
.Ltmp25:
0xe0: {  	s31 =	sshrl.u32 s24, $0x1C;
	p1 =	por !p1, !p2;
	(pc) =	sbr.rel .LBB2_29-.Ltmp25, $4  }
0xe1: {  	s23 =	simm.s32 $0x1;
	s22 =	sadd.s32 s31, s22;
	p1 =	por !p1, !p1  }
0xe2: {  	s22 =	sshra.s32 s22, $0x4;
	s23 =	simm.s32 @!p1 $0x0  }
0xe3: {  	s22 =	ssub.s32 s22, s23  }
0xe4: {  	v3 =	vbroadcast v3, $0x0;
	v4 =	vbroadcast v4, $0x0;
	s24 =	simm.s32 $0x0;
	s23 =	simm.s32 $0x0;
	p1 =	slt.s32 s22, $0x1  }
.LBB2_31:
0xe5: {  	v12 =	vimm.s32 $0x0  }
.LBB2_38:
0xe6: {  	_ =	sdelay $0x3  }
0xe7: {  	v9 =	vld.idx.msk [tilespmem:v9+s2+$0x0], $0xffff;
	_ =	sdelay $0x1  }
0xe8: {  	vm1 =	veq.f32 @p2 v14, v7;
	vm2 =	vlt.s32 @p2 v15, v8;
	v11 =	vmovc @p2 v14;
	vm12 =	vlt.s32 v10, v8  }
0xe9: {  	vm15 =	vlt.s32 v10, v4;
	vm1 =	vmand @p2 vm2, vm1;
	vm2 =	vgt.f32 @p2 v11, v7  }
0xea: {  	v11 =	vsel @p3 vm0, $0x1, v2;
	vm0 =	vmor @p2 vm2, vm1;
	vm1 =	vlt.s32 @p2 v15, v4  }
0xeb: {  	v11 =	vadd.s32 @p3 v11, v12;
	vm0 =	vmand @p2 vm1, vm0;
	vm11 =	veq.f32 v9, v7  }
0xec: {  	vm0 =	vmmov @p2 vm0;
	vm13 =	vgt.f32 v9, v7;
	vm1 =	vmand vm12, vm11  }
0xed: {  	v8 =	vpsel p3, v11, v6;
	v7 =	vsel @p2 vm0, $0x1, v2;
	vm14 =	vmor vm13, vm1  }
0xee: {  	v7 =	vadd.s32 @p2 v7, v8;
	vm0 =	vmand vm15, vm14  }
0xef: {  	v6 =	vpsel p2, v7, v6;
	v7 =	vsel vm0, $0x1, v2  }
0xf0: {  	v6 =	vadd.s32 v7, v6  }
.LBB2_39:
0xf1: {  	(xrf0) =	vadd.scan.msk.s32 $0xffff, v6;
	_ =	sdelay $0x5  }
0xf2: {  	v6, _, _ =	vpop (xrf0)  }
0xf3: {  	(v2sf) =	vpush v6, $0xF;
	_ =	sdelay $0xe  }
0xf4: {  	s25 =	spop (v2sf)  }
0xf5: {  	p2 =	sgt.s32 s25, $0xB  }
0xf6: {  	s24 =	sadd.s32 $0x1, s24;
	s25 =	sshll.u32 @!p2 s25, $0x2;
	v6 =	vlaneseq.u32 @!p2  }
0xf7: {  	p3 =	sne.s32 s24, s21;
	v6 =	vadd.s32 @!p2 s25, v6  }
.Ltmp26:
0xf8: {  	_ = 	snop;
	(pc) =	sbr.rel @!p3 .LBB2_40-.Ltmp26, $3  }
0xf9: {  	_ =	sdelay $0x1  }
0xfa: {  	s25 =	simm.s32 @!p2 $0xA100  }
0xfb: {  	[tilespmem:v6+s25+$0x0] =	vst.idx.msk @!p2 $0xf, v5  }
.LBB2_29:
.Ltmp27:
0xfc: {  	(pc) =	sbr.rel @p1 .LBB2_39-.Ltmp27, $4  }
0xfd: {  	s25 =	sadd.s32 s20, s24  }
0xfe: {  	s25 =	sshll.u32 s25, $0x4  }
0xff: {  	s25 =	sshra.s32 s25, $0x2  }
0x100: {  	v6 =	vimm.s32 $0x0;
	v5 =	vld [tilespmem:s25+$0x0]  }
0x101: {  	p4 =	sne.s32 s22, $0x1  }
.Ltmp28:
0x102: {  	_ = 	snop;
	(pc) =	sbr.rel @!p4 .LBB2_31-.Ltmp28, $4  }
0x103: {  	v10 =	vor.u32 s23, v1  }
0x104: {  	v7 =	vadd.s32 v3, v10  }
0x105: {  	s25 =	sadd.s32 $0xFFFFFFFF, s22;
	v9 =	vshll.u32 v7, $0x2  }
0x106: {  	v8 =	vmov s24;
	s26 =	simm.s32 $0x10;
	p2 =	por $0x0, $0x0;
	p3 =	por $0x0, $0x0;
	v9 =	vor.u32 $0x3, v9;
	v7 =	vbroadcast v5, $0x3  }
0x107: {  	p4 =	sne.s32 s25, $0x1  }
.Ltmp29:
0x108: {  	_ = 	snop;
	(pc) =	sbr.rel @!p4 .LBB2_33-.Ltmp29, $4  }
0x109: {  	v11 =	vor.u32 s26, v1  }
0x10a: {  	v12 =	vadd.s32 v3, v11  }
0x10b: {  	v12 =	vshll.u32 v12, $0x2  }
0x10c: {  	v14 =	vld.idx.msk [tilespmem:v9+s2+$0x0], $0xffff;
	s25 =	sadd.s32 $0xFFFFFFFF, s25;
	s26 =	simm.s32 $0x20;
	p2 =	por $0x1, $0x1;
	v9 =	vor.u32 $0x3, v12  }
0x10d: {  	_ =	sdelay $0x1  }
0x10e: {  	v13 =	vor.u32 s26, v1;
	p4 =	sne.s32 s25, $0x1  }
.Ltmp30:
0x10f: {  	v12 =	vadd.s32 v3, v13;
	(pc) =	sbr.rel @!p4 .LBB2_35-.Ltmp30, $4  }
0x110: {  	vm1 =	vlt.s32 v10, v8;
	v12 =	vshll.u32 v12, $0x2;
	vm0 =	veq.f32 v14, v7  }
0x111: {  	vm2 =	vgt.f32 v14, v7;
	v14 =	vld.idx.msk [tilespmem:v9+s2+$0x0], $0xffff;
	v9 =	vor.u32 $0x3, v12;
	vm0 =	vmand vm1, vm0  }
0x112: {  	vm1 =	vlt.s32 v10, v4;
	vm0 =	vmor vm2, vm0  }
0x113: {  	s25 =	sadd.s32 $0xFFFFFFFF, s25;
	s26 =	simm.s32 $0x30;
	p3 =	por $0x1, $0x1;
	v12 =	vimm.s32 $0x0;
	vm0 =	vmand vm1, vm0  }
.LBB2_36:
0x114: {  	v10 =	vor.u32 s26, v1;
	p4 =	sne.s32 s25, $0x1;
	s25 =	sadd.s32 $0xFFFFFFFF, s25;
	v15 =	vsel vm0, $0x1, v2  }
.Ltmp31:
0x115: {  	v17 =	vadd.s32 v3, v10;
	v12 =	vadd.s32 v15, v12;
	(pc) =	sbr.rel @p4 .LBB2_36-.Ltmp31, $4  }
0x116: {  	vm1 =	vlt.s32 v11, v8;
	vm0 =	veq.f32 v14, v7;
	v16 =	vmovc v14;
	v15 =	vshll.u32 v17, $0x2;
	v14 =	vld.idx.msk [tilespmem:v9+s2+$0x0], $0xffff  }
0x117: {  	vm2 =	vgt.f32 v16, v7;
	vm0 =	vmand vm1, vm0;
	v9 =	vor.u32 $0x3, v15  }
0x118: {  	vm1 =	vlt.s32 v11, v4;
	v11 =	vmovc v13;
	v13 =	vmov v10;
	vm0 =	vmor vm2, vm0  }
0x119: {  	s26 =	sadd.s32 $0x10, s26;
	vm0 =	vmand vm1, vm0  }
.Ltmp32:
0x11a: {  	(pc) =	sbr.rel .LBB2_38-.Ltmp32, $2  }
0x11b: {  	_ =	sdelay $0x2  }
0x11c: {  	v15 =	vmov v11;
	v10 =	vmov v13  }
.LBB2_33:
.Ltmp33:
0x11d: {  	(pc) =	sbr.rel .LBB2_38-.Ltmp33, $2  }
0x11e: {  	_ =	sdelay $0x2  }
0x11f: {  	v15 =	vmov v10;
	v12 =	vimm.s32 $0x0;
	v10 =	vmov v11  }
.LBB2_35:
.Ltmp34:
0x120: {  	(pc) =	sbr.rel .LBB2_38-.Ltmp34, $2  }
0x121: {  	_ =	sdelay $0x2  }
0x122: {  	v12 =	vimm.s32 $0x0;
	v15 =	vmov v11;
	v10 =	vmov v13  }
.LBB2_40:
.Ltmp35:
0x123: {  	(pc) =	sbr.rel @p0 .LBB2_55-.Ltmp35, $4  }
0x124: {  	[hbm4b:s11+s2] =	stream.linear.scatter [tilespmem:s18], [sflag:$0x1], $0x80, $0x38;
	[tilespmem:$0xA180] =	vst v63  }
0x125: {  	_ =	swait.ge [sflag:s15], $0x80  }
0x126: {  	[sflag:s15] =	ssyncset.done $0x0  }
0x127: {  	[sflag:s15] =	ssyncadd.s32 $0xFFFFFF80  }
0x128: {  	v3 =	vld [tilespmem:s12+$0xA000]  }
0x129: {  	v4 =	vld [tilespmem:s12+$0xA080];
	_ =	sdelay $0x3  }
0x12a: {  	(v2sf) =	vpush v3, $0x0  }
0x12b: {  	(v2sf) =	vpush v4, $0x0;
	_ =	sdelay $0xd  }
0x12c: {  	s20 =	spop (v2sf)  }
0x12d: {  	s21 =	spop (v2sf)  }
0x12e: {  	p1 =	slt.s32 s21, $0x1  }
.Ltmp36:
0x12f: {  	_ = 	snop;
	(pc) =	sbr.rel @p1 .LBB2_54-.Ltmp36, $4  }
0x130: {  	_ = 	snop  }
0x131: {  	[tilespmem:$0xA100] =	vst v0  }
0x132: {  	[tilespmem:$0xA110] =	vst v0  }
0x133: {  	[tilespmem:$0xA120] =	vst v0  }
0x134: {  	s22 =	sadd.s32 $0xF, s21  }
0x135: {  	s23 =	sand.u32 $0xF, s22  }
0x136: {  	s24 =	sshra.s32 s22, $0x1F;
	p1 =	slt.s32 s22, $0x1;
	p2 =	sne.s32 s23, $0x0  }
.Ltmp37:
0x137: {  	s31 =	sshrl.u32 s24, $0x1C;
	p1 =	por !p1, !p2;
	(pc) =	sbr.rel .LBB2_43-.Ltmp37, $4  }
0x138: {  	s23 =	simm.s32 $0x1;
	s22 =	sadd.s32 s31, s22;
	p1 =	por !p1, !p1  }
0x139: {  	s22 =	sshra.s32 s22, $0x4;
	s23 =	simm.s32 @!p1 $0x0  }
0x13a: {  	s22 =	ssub.s32 s22, s23  }
0x13b: {  	v3 =	vbroadcast v3, $0x0;
	v4 =	vbroadcast v4, $0x0;
	s24 =	simm.s32 $0x0;
	s23 =	simm.s32 $0x0;
	p1 =	slt.s32 s22, $0x1  }
.LBB2_45:
0x13c: {  	v12 =	vimm.s32 $0x0  }
.LBB2_52:
0x13d: {  	_ =	sdelay $0x3  }
0x13e: {  	v9 =	vld.idx.msk [tilespmem:v9+s2+$0x0], $0xffff;
	_ =	sdelay $0x1  }
0x13f: {  	vm1 =	veq.f32 @p2 v14, v7;
	vm2 =	vlt.s32 @p2 v15, v8;
	v11 =	vmovc @p2 v14;
	vm12 =	vlt.s32 v10, v8  }
0x140: {  	vm15 =	vlt.s32 v10, v4;
	vm1 =	vmand @p2 vm2, vm1;
	vm2 =	vgt.f32 @p2 v11, v7  }
0x141: {  	v11 =	vsel @p3 vm0, $0x1, v2;
	vm0 =	vmor @p2 vm2, vm1;
	vm1 =	vlt.s32 @p2 v15, v4  }
0x142: {  	v11 =	vadd.s32 @p3 v11, v12;
	vm0 =	vmand @p2 vm1, vm0;
	vm11 =	veq.f32 v9, v7  }
0x143: {  	vm0 =	vmmov @p2 vm0;
	vm13 =	vgt.f32 v9, v7;
	vm1 =	vmand vm12, vm11  }
0x144: {  	v8 =	vpsel p3, v11, v6;
	v7 =	vsel @p2 vm0, $0x1, v2;
	vm14 =	vmor vm13, vm1  }
0x145: {  	v7 =	vadd.s32 @p2 v7, v8;
	vm0 =	vmand vm15, vm14  }
0x146: {  	v6 =	vpsel p2, v7, v6;
	v7 =	vsel vm0, $0x1, v2  }
0x147: {  	v6 =	vadd.s32 v7, v6  }
.LBB2_53:
0x148: {  	(xrf0) =	vadd.scan.msk.s32 $0xffff, v6;
	_ =	sdelay $0x5  }
0x149: {  	v6, _, _ =	vpop (xrf0)  }
0x14a: {  	(v2sf) =	vpush v6, $0xF;
	_ =	sdelay $0xe  }
0x14b: {  	s25 =	spop (v2sf)  }
0x14c: {  	p2 =	sgt.s32 s25, $0xB  }
0x14d: {  	s24 =	sadd.s32 $0x1, s24;
	s25 =	sshll.u32 @!p2 s25, $0x2;
	v6 =	vlaneseq.u32 @!p2  }
0x14e: {  	p3 =	sne.s32 s24, s21;
	v6 =	vadd.s32 @!p2 s25, v6  }
.Ltmp38:
0x14f: {  	_ = 	snop;
	(pc) =	sbr.rel @!p3 .LBB2_54-.Ltmp38, $3  }
0x150: {  	_ =	sdelay $0x1  }
0x151: {  	s25 =	simm.s32 @!p2 $0xA100  }
0x152: {  	[tilespmem:v6+s25+$0x0] =	vst.idx.msk @!p2 $0xf, v5  }
.LBB2_43:
.Ltmp39:
0x153: {  	(pc) =	sbr.rel @p1 .LBB2_53-.Ltmp39, $4  }
0x154: {  	s25 =	sadd.s32 s20, s24  }
0x155: {  	s25 =	sshll.u32 s25, $0x4  }
0x156: {  	s25 =	sshra.s32 s25, $0x2  }
0x157: {  	v6 =	vimm.s32 $0x0;
	v5 =	vld [tilespmem:s25+$0x0]  }
0x158: {  	p4 =	sne.s32 s22, $0x1  }
.Ltmp40:
0x159: {  	_ = 	snop;
	(pc) =	sbr.rel @!p4 .LBB2_45-.Ltmp40, $4  }
0x15a: {  	v10 =	vor.u32 s23, v1  }
0x15b: {  	v7 =	vadd.s32 v3, v10  }
0x15c: {  	s25 =	sadd.s32 $0xFFFFFFFF, s22;
	v9 =	vshll.u32 v7, $0x2  }
0x15d: {  	v8 =	vmov s24;
	s26 =	simm.s32 $0x10;
	p2 =	por $0x0, $0x0;
	p3 =	por $0x0, $0x0;
	v9 =	vor.u32 $0x3, v9;
	v7 =	vbroadcast v5, $0x3  }
0x15e: {  	p4 =	sne.s32 s25, $0x1  }
.Ltmp41:
0x15f: {  	_ = 	snop;
	(pc) =	sbr.rel @!p4 .LBB2_47-.Ltmp41, $4  }
0x160: {  	v11 =	vor.u32 s26, v1  }
0x161: {  	v12 =	vadd.s32 v3, v11  }
0x162: {  	v12 =	vshll.u32 v12, $0x2  }
0x163: {  	v14 =	vld.idx.msk [tilespmem:v9+s2+$0x0], $0xffff;
	s25 =	sadd.s32 $0xFFFFFFFF, s25;
	s26 =	simm.s32 $0x20;
	p2 =	por $0x1, $0x1;
	v9 =	vor.u32 $0x3, v12  }
0x164: {  	_ =	sdelay $0x1  }
0x165: {  	v13 =	vor.u32 s26, v1;
	p4 =	sne.s32 s25, $0x1  }
.Ltmp42:
0x166: {  	v12 =	vadd.s32 v3, v13;
	(pc) =	sbr.rel @!p4 .LBB2_49-.Ltmp42, $4  }
0x167: {  	vm1 =	vlt.s32 v10, v8;
	v12 =	vshll.u32 v12, $0x2;
	vm0 =	veq.f32 v14, v7  }
0x168: {  	vm2 =	vgt.f32 v14, v7;
	v14 =	vld.idx.msk [tilespmem:v9+s2+$0x0], $0xffff;
	v9 =	vor.u32 $0x3, v12;
	vm0 =	vmand vm1, vm0  }
0x169: {  	vm1 =	vlt.s32 v10, v4;
	vm0 =	vmor vm2, vm0  }
0x16a: {  	s25 =	sadd.s32 $0xFFFFFFFF, s25;
	s26 =	simm.s32 $0x30;
	p3 =	por $0x1, $0x1;
	v12 =	vimm.s32 $0x0;
	vm0 =	vmand vm1, vm0  }
.LBB2_50:
0x16b: {  	v10 =	vor.u32 s26, v1;
	p4 =	sne.s32 s25, $0x1;
	s25 =	sadd.s32 $0xFFFFFFFF, s25;
	v15 =	vsel vm0, $0x1, v2  }
.Ltmp43:
0x16c: {  	v17 =	vadd.s32 v3, v10;
	v12 =	vadd.s32 v15, v12;
	(pc) =	sbr.rel @p4 .LBB2_50-.Ltmp43, $4  }
0x16d: {  	vm1 =	vlt.s32 v11, v8;
	vm0 =	veq.f32 v14, v7;
	v16 =	vmovc v14;
	v15 =	vshll.u32 v17, $0x2;
	v14 =	vld.idx.msk [tilespmem:v9+s2+$0x0], $0xffff  }
0x16e: {  	vm2 =	vgt.f32 v16, v7;
	vm0 =	vmand vm1, vm0;
	v9 =	vor.u32 $0x3, v15  }
0x16f: {  	vm1 =	vlt.s32 v11, v4;
	v11 =	vmovc v13;
	v13 =	vmov v10;
	vm0 =	vmor vm2, vm0  }
0x170: {  	s26 =	sadd.s32 $0x10, s26;
	vm0 =	vmand vm1, vm0  }
.Ltmp44:
0x171: {  	(pc) =	sbr.rel .LBB2_52-.Ltmp44, $2  }
0x172: {  	_ =	sdelay $0x2  }
0x173: {  	v15 =	vmov v11;
	v10 =	vmov v13  }
.LBB2_47:
.Ltmp45:
0x174: {  	(pc) =	sbr.rel .LBB2_52-.Ltmp45, $2  }
0x175: {  	_ =	sdelay $0x2  }
0x176: {  	v15 =	vmov v10;
	v12 =	vimm.s32 $0x0;
	v10 =	vmov v11  }
.LBB2_49:
.Ltmp46:
0x177: {  	(pc) =	sbr.rel .LBB2_52-.Ltmp46, $2  }
0x178: {  	_ =	sdelay $0x2  }
0x179: {  	v12 =	vimm.s32 $0x0;
	v15 =	vmov v11;
	v10 =	vmov v13  }
.LBB2_56:
0x17a: {  	_ =	sfence.sel $0x180000  }
0x17b: {  	[bflag:$0x0] =	sbarrier.arrive $0xFFFF  }
0x17c: {  	p0 =	sne.s32 s3, $0x0;
	_ =	strace $0x9000005F  }
0x17d: {  	s0 =	sadd.s32 @!p0 $0x100000, s0;
	[bflag:$0x2] =	sbarrier.arrive $0xFFFF  }
0x17e: {  	[sflag:s0] =	ssyncadd.tile.s32 @!p0 $0x1;
	_ =	shalt  }
.Lfunc_end2:
_tile_overlayer_lowered:
.L_overlay_start_2:
0x17f: {  	(tag) =	ssettag $0x2  }
0x180: {  	s0 =	rddreg [dreg:$0x0];
	s2 =	stileid.u32  }
0x181: {  	s1 =	rddreg [dreg:$0x1];
	p0 =	sne.s32 s2, $0x0  }
0x182: {  	s3 =	rddreg [dreg:$0x2];
	[bflag:$0x3] =	sbarrier.arrive $0xFFFF;
	s2 =	simm.s32 @!p0 $0x1C01  }
0x183: {  	[timem:s3], [sflag:s2] =	dma.local @!p0 [hbm:s0], s1  }
0x184: {  	s0 =	simm.s32 @!p0 $0x1  }
0x185: {  	_ =	swait.ge @!p0 [sflag:s0], s1  }
0x186: {  	s1 =	ssub.s32 @!p0 $0x0, s1;
	[sflag:s0] =	ssyncset.done @!p0 $0x0  }
0x187: {  	[sflag:s0] =	ssyncadd.s32 @!p0 s1  }
0x188: {  	[bflag:$0x3] =	sbarrier.arrive $0xFFFF  }
0x189: {  	_ =	shalt  }

</sc_bundles>
